<compile_context>
chip_gen: v7x
topology: tpu7x:2x2x1
jax: 0.10.2.dev20260603
libtpu: 0.0.44.dev20260713+nightly
codegen_flags: <defaults>
</compile_context>

<pallas_src>
import functools

import jax
import jax.numpy as jnp
from jax import lax
from jax.experimental import pallas as pl
from jax.experimental.pallas import tpu as pltpu
from jax.experimental.pallas import tpu_sc as plsc

N = 10000
NP = 10112
NB = NP // 128
E = 320000
NC = 2
NS = 16
NT = NC * NS
CH = 128
KJ = 80
PAIRS = KJ // 2
EP = NT * KJ * CH
TCH = EP // CH
KJ0 = 148
KJ1 = 12
RPT = NP // NS
D = 128
DOUT = 64
NG = 64



def _sc_edge_scatter(xws, srcidx, dstidx, zeros, width):
    mesh = plsc.VectorSubcoreMesh(core_axis_name="c", subcore_axis_name="s")

    @functools.partial(
        pl.kernel,
        out_type=jax.ShapeDtypeStruct((NC, NP, width), jnp.float32),
        mesh=mesh,
        scratch_types=[
            pltpu.VMEM((2, CH), jnp.int32),
            pltpu.VMEM((2, CH), jnp.int32),
            pltpu.VMEM((2, CH), jnp.int32),
            pltpu.VMEM((2, CH), jnp.int32),
            pltpu.VMEM((CH, width), jnp.float32),
            pltpu.VMEM((CH, width), jnp.float32),
            pltpu.VMEM_SHARED((NP, width), jnp.float32),
            pltpu.SemaphoreType.DMA,
            pltpu.SemaphoreType.DMA,
            pltpu.SemaphoreType.DMA,
            pltpu.SemaphoreType.DMA,
            pltpu.SemaphoreType.DMA,
            pltpu.SemaphoreType.DMA,
        ],
    )
    def k(xws_hbm, src_hbm, dst_hbm, zero_hbm, out_hbm,
          sr0, sr1, dr0, dr1, rows0, rows1, acc,
          is0, is1, gs0, gs1, ss0, ss1):
        cid = lax.axis_index("c")
        sid = lax.axis_index("s")
        base = sid * RPT
        start = jnp.where(cid == 0, sid * KJ0, NS * KJ0 + sid * KJ1)
        npairs = jnp.where(cid == 0, KJ0 // 2, KJ1 // 2)

        def fetch_pair(i, sr, dr, sem):
            pltpu.async_copy(src_hbm.at[pl.ds(start + 2 * i, 2)], sr, sem)
            pltpu.async_copy(dst_hbm.at[pl.ds(start + 2 * i, 2)], dr, sem)

        def fetch_wait(sr, dr, sem):
            pltpu.make_async_copy(src_hbm.at[pl.ds(0, 2)], sr, sem).wait()
            pltpu.make_async_copy(dst_hbm.at[pl.ds(0, 2)], dr, sem).wait()

        def gather_start(sr, r, buf, sem):
            pltpu.async_copy(xws_hbm.at[sr.at[r]], buf, sem)

        def gather_wait(sr, buf, sem):
            pltpu.make_async_copy(xws_hbm.at[sr.at[0]], buf, sem).wait()

        def scatter_start(dr, r, buf, sem):
            pltpu.async_copy(buf, acc.at[dr.at[r]], sem, add=True)

        def scatter_wait(dr, buf, sem):
            pltpu.make_async_copy(buf, acc.at[dr.at[0]], sem).wait()

        @pl.when(npairs > 0)
        def _():
            fetch_pair(0, sr0, dr0, is0)

        pltpu.sync_copy(zero_hbm.at[pl.ds(base, RPT)], acc.at[pl.ds(base, RPT)])
        plsc.subcore_barrier()

        @pl.when(npairs > 0)
        def _():
            fetch_wait(sr0, dr0, is0)
            gather_start(sr0, 0, rows0, gs0)

        def pair_body(i, cur, nxt):
            (srX, drX, _), (srY, drY, isY) = cur, nxt
            gather_wait(srX, rows0, gs0)

            @pl.when(i > 0)
            def _():
                scatter_wait(drY, rows1, ss1)

            @pl.when(i + 1 < npairs)
            def _():
                fetch_pair(i + 1, srY, drY, isY)

            gather_start(srX, 1, rows1, gs1)
            scatter_start(drX, 0, rows0, ss0)
            gather_wait(srX, rows1, gs1)
            scatter_wait(drX, rows0, ss0)

            @pl.when(i + 1 < npairs)
            def _():
                fetch_wait(srY, drY, isY)
                gather_start(srY, 0, rows0, gs0)

            scatter_start(drX, 1, rows1, ss1)

        def body(t, carry):
            pair_body(2 * t, (sr0, dr0, is0), (sr1, dr1, is1))
            pair_body(2 * t + 1, (sr1, dr1, is1), (sr0, dr0, is0))
            return carry

        lax.fori_loop(0, npairs // 2, body, 0)

        @pl.when(npairs > 0)
        def _():
            scatter_wait(dr1, rows1, ss1)

        plsc.subcore_barrier()
        pltpu.sync_copy(acc.at[pl.ds(base, RPT)],
                        out_hbm.at[cid].at[pl.ds(base, RPT)])

    return k(xws, srcidx, dstidx, zeros)


def _sc_degree(dstidx, ones_rows, zerosw):
    mesh = plsc.VectorSubcoreMesh(core_axis_name="c", subcore_axis_name="s")

    def scatter_start(acc, dst_v, j, buf, sem):
        pltpu.async_copy(buf, acc.at[dst_v.at[j]], sem, add=True)

    def scatter_wait(acc, dst_v, buf, sem):
        pltpu.make_async_copy(buf, acc.at[dst_v.at[0]], sem).wait()

    @functools.partial(
        pl.kernel,
        out_type=jax.ShapeDtypeStruct((NC, NP, D), jnp.float32),
        mesh=mesh,
        scratch_types=[
            pltpu.VMEM((1, CH), jnp.int32),
            pltpu.VMEM((1, CH), jnp.int32),
            pltpu.VMEM((CH, D), jnp.float32),
            pltpu.VMEM_SHARED((NP, D), jnp.float32),
            pltpu.SemaphoreType.DMA,
            pltpu.SemaphoreType.DMA,
            pltpu.SemaphoreType.DMA,
            pltpu.SemaphoreType.DMA,
        ],
    )
    def k(dst_hbm, ones_hbm, zero_hbm, out_hbm, r0, r1, ones_v, acc,
          is0, is1, ss0, ss1):
        cid = lax.axis_index("c")
        sid = lax.axis_index("s")
        wid = cid * NS + sid
        base = sid * RPT

        def fetch(j, r, sem):
            pltpu.async_copy(dst_hbm.at[pl.ds(wid * KJ + j, 1)], r, sem)

        def fetch_wait(r, sem):
            pltpu.make_async_copy(dst_hbm.at[pl.ds(0, 1)], r, sem).wait()

        def scatter_start(r, sem):
            pltpu.async_copy(ones_v, acc.at[r.at[0]], sem, add=True)

        def scatter_wait(r, sem):
            pltpu.make_async_copy(ones_v, acc.at[r.at[0]], sem).wait()

        fetch(0, r0, is0)
        fetch(1, r1, is1)
        pltpu.sync_copy(ones_hbm, ones_v)
        pltpu.sync_copy(zero_hbm.at[pl.ds(base, RPT)], acc.at[pl.ds(base, RPT)])
        plsc.subcore_barrier()
        fetch_wait(r0, is0)
        scatter_start(r0, ss0)

        def body(t, carry):
            fetch_wait(r1, is1)
            scatter_start(r1, ss1)
            scatter_wait(r0, ss0)
            fetch(2 * t + 2, r0, is0)
            scatter_wait(r1, ss1)
            fetch(2 * t + 3, r1, is1)
            fetch_wait(r0, is0)
            scatter_start(r0, ss0)
            return carry

        lax.fori_loop(0, KJ // 2 - 1, body, 0)
        fetch_wait(r1, is1)
        scatter_start(r1, ss1)
        scatter_wait(r0, ss0)
        scatter_wait(r1, ss1)
        plsc.subcore_barrier()
        pltpu.sync_copy(acc.at[pl.ds(base, RPT)],
                        out_hbm.at[cid].at[pl.ds(base, RPT)])

    return k(dstidx, ones_rows, zerosw)



def _tc_prep(deg, x, W0):

    def body(deg_ref, x_ref, w_ref, dinv_ref, xws_ref):
        d = deg_ref[0] + deg_ref[1]
        dcol = d[:, 0:1] + 1.0
        dinv = lax.rsqrt(dcol)
        dinvb = jnp.broadcast_to(dinv, (128, D))
        xw = jnp.dot(x_ref[...], w_ref[...], preferred_element_type=jnp.float32)
        dinv_ref[...] = dinvb
        xws_ref[...] = xw * dinvb

    return pl.pallas_call(
        body,
        grid=(NB,),
        in_specs=[
            pl.BlockSpec((NC, 128, D), lambda i: (0, i, 0)),
            pl.BlockSpec((128, D), lambda i: (i, 0)),
            pl.BlockSpec((D, D), lambda i: (0, 0)),
        ],
        out_specs=[
            pl.BlockSpec((128, D), lambda i: (i, 0)),
            pl.BlockSpec((128, D), lambda i: (i, 0)),
        ],
        out_shape=[
            jax.ShapeDtypeStruct((NP, D), jnp.float32),
            jax.ShapeDtypeStruct((NP, D), jnp.float32),
        ],
    )(deg, x, W0)


def _tc_post(acc, xws, dinv, b):

    def body(acc_ref, xws_ref, dinv_ref, b_ref, agg_ref, st_ref):
        i = pl.program_id(0)
        s = acc_ref[0] + acc_ref[1] + xws_ref[...]
        agg = dinv_ref[...] * s + b_ref[...]
        agg_ref[...] = agg
        row = i * 128 + lax.broadcasted_iota(jnp.int32, (128, 1), 0)
        aggm = jnp.where(row < N, agg, 0.0)

        @pl.when(i == 0)
        def _():
            st_ref[...] = jnp.zeros_like(st_ref)

        st_ref[0:1, :] += jnp.sum(aggm, axis=0, keepdims=True)
        st_ref[1:2, :] += jnp.sum(aggm * aggm, axis=0, keepdims=True)

    return pl.pallas_call(
        body,
        grid=(NB,),
        in_specs=[
            pl.BlockSpec((NC, 128, D), lambda i: (0, i, 0)),
            pl.BlockSpec((128, D), lambda i: (i, 0)),
            pl.BlockSpec((128, D), lambda i: (i, 0)),
            pl.BlockSpec((1, D), lambda i: (0, 0)),
        ],
        out_specs=[
            pl.BlockSpec((128, D), lambda i: (i, 0)),
            pl.BlockSpec((2, D), lambda i: (0, 0)),
        ],
        out_shape=[
            jax.ShapeDtypeStruct((NP, D), jnp.float32),
            jax.ShapeDtypeStruct((2, D), jnp.float32),
        ],
    )(acc, xws, dinv, b)


def _bn_relu(agg, st, g, be):
    mu = st[0:1, :] * (1.0 / N)
    ex2 = st[1:2, :] * (1.0 / N)
    var = ex2 - mu * mu
    scale = g * lax.rsqrt(var + 1e-5)
    return jnp.maximum((agg - mu) * scale + be, 0.0)


def _tc_mm(agg, stats, g, be, W, dinv):

    def body(agg_ref, st_ref, g_ref, be_ref, w_ref, dinv_ref, xws_ref):
        h = _bn_relu(agg_ref[...], st_ref[...], g_ref[...], be_ref[...])
        xw = jnp.dot(h, w_ref[...], preferred_element_type=jnp.float32)
        xws_ref[...] = xw * dinv_ref[...]

    return pl.pallas_call(
        body,
        grid=(NB,),
        in_specs=[
            pl.BlockSpec((128, D), lambda i: (i, 0)),
            pl.BlockSpec((2, D), lambda i: (0, 0)),
            pl.BlockSpec((1, D), lambda i: (0, 0)),
            pl.BlockSpec((1, D), lambda i: (0, 0)),
            pl.BlockSpec((D, D), lambda i: (0, 0)),
            pl.BlockSpec((128, D), lambda i: (i, 0)),
        ],
        out_specs=pl.BlockSpec((128, D), lambda i: (i, 0)),
        out_shape=jax.ShapeDtypeStruct((NP, D), jnp.float32),
    )(agg, stats, g, be, W, dinv)


def _tc_final(agg, stats, g, be, batchb, linW, linb):

    def body(agg_ref, st_ref, g_ref, be_ref, bb_ref, lw_ref, lb_ref,
             out_ref, sums, cnts):
        i = pl.program_id(0)
        h = _bn_relu(agg_ref[...], st_ref[...], g_ref[...], be_ref[...])
        gid = lax.broadcasted_iota(jnp.int32, (128, 128), 1)
        p = (bb_ref[...] == gid).astype(jnp.float32)
        dn = (((0,), (0,)), ((), ()))
        ps = lax.dot_general(p, h, dn, preferred_element_type=jnp.float32)
        pc = lax.dot_general(p, jnp.ones((128, 1), jnp.float32), dn,
                             preferred_element_type=jnp.float32)

        @pl.when(i == 0)
        def _():
            sums[...] = jnp.zeros_like(sums)
            cnts[...] = jnp.zeros_like(cnts)

        sums[...] += ps
        cnts[...] += pc

        @pl.when(i == NB - 1)
        def _():
            pooled = sums[...] / jnp.maximum(cnts[...], 1.0)
            o = jnp.dot(pooled, lw_ref[...],
                        preferred_element_type=jnp.float32) + lb_ref[...]
            out_ref[...] = o[:NG, :]

    return pl.pallas_call(
        body,
        grid=(NB,),
        in_specs=[
            pl.BlockSpec((128, D), lambda i: (i, 0)),
            pl.BlockSpec((2, D), lambda i: (0, 0)),
            pl.BlockSpec((1, D), lambda i: (0, 0)),
            pl.BlockSpec((1, D), lambda i: (0, 0)),
            pl.BlockSpec((128, 128), lambda i: (i, 0)),
            pl.BlockSpec((D, DOUT), lambda i: (0, 0)),
            pl.BlockSpec((1, DOUT), lambda i: (0, 0)),
        ],
        out_specs=pl.BlockSpec((NG, DOUT), lambda i: (0, 0)),
        out_shape=jax.ShapeDtypeStruct((NG, DOUT), jnp.float32),
        scratch_shapes=[
            pltpu.VMEM((128, 128), jnp.float32),
            pltpu.VMEM((128, 1), jnp.float32),
        ],
    )(agg, stats, g, be, batchb, linW, linb)



def kernel(x, edge_index, batch, W0, b0, g0, be0, W1, b1, g1, be1,
           W2, b2, g2, be2, linW, linb):
    f32 = jnp.float32
    xp = jnp.zeros((NP, D), f32).at[:N].set(x)
    pad = jnp.full((EP - E,), N, jnp.int32)
    srcp = jnp.concatenate([edge_index[0].astype(jnp.int32), pad]
                           ).reshape(TCH, CH)
    dstp = jnp.concatenate([edge_index[1].astype(jnp.int32), pad]
                           ).reshape(TCH, CH)
    batchp = jnp.concatenate([batch.astype(jnp.int32),
                              jnp.full((NP - N,), NG, jnp.int32)])
    batchb = jnp.broadcast_to(batchp[:, None], (NP, 128))
    zerosD = jnp.zeros((NP, D), f32)
    ones128 = jnp.ones((CH, D), f32)

    deg = _sc_degree(dstp, ones128, zerosD)
    dinv, xws = _tc_prep(deg, xp, W0)

    layers = ((b0, g0, be0, W1), (b1, g1, be1, W2), (b2, g2, be2, None))
    agg = stats = None
    for b, g, be, Wnext in layers:
        acc = _sc_edge_scatter(xws, srcp, dstp, zerosD, D)
        agg, stats = _tc_post(acc, xws, dinv, b.reshape(1, D))
        if Wnext is not None:
            xws = _tc_mm(agg, stats, g.reshape(1, D), be.reshape(1, D),
                         Wnext, dinv)

    return _tc_final(agg, stats, g2.reshape(1, D), be2.reshape(1, D),
                     batchb, linW, linb.reshape(1, DOUT))

# --- scband reference (transcript-rebuilt; emitter-appended) ---
"""Pipeline reference for scband-gnn-68298569941747 (READ-ONLY COPY).

The authoritative reference and input builder live on the scoring server;
editing this copy changes nothing except your own understanding.
"""

import jax, jax.numpy as jnp
import numpy as np

N = 10000
E = 320000
D_IN = 128
D_HID = 128
D_OUT = 64
NUM_GRAPHS = 64


def gcn_conv(x, edge_index, W, b):
    n = x.shape[0]
    loops = jnp.arange(n, dtype=edge_index.dtype)
    src = jnp.concatenate([edge_index[0], loops])
    dst = jnp.concatenate([edge_index[1], loops])
    deg = jnp.zeros((n,), dtype=x.dtype).at[dst].add(1.0)
    dinv = jnp.where(deg > 0, 1.0 / jnp.sqrt(deg), 0.0)
    norm = dinv[src] * dinv[dst]
    xw = x @ W
    msg = xw[src] * norm[:, None]
    out = jnp.zeros((n, W.shape[1]), dtype=x.dtype).at[dst].add(msg)
    return out + b


def batch_norm(x, gamma, beta, eps=1e-5):
    mu = jnp.mean(x, axis=0)
    var = jnp.var(x, axis=0)
    return gamma * (x - mu) / jnp.sqrt(var + eps) + beta


def setup_inputs(seed: int = 0):
    key = jax.random.key(seed)
    ks = jax.random.split(key, 20)
    x = jax.random.normal(ks[0], (N, D_IN), dtype=jnp.float32)
    edge_index = jax.random.randint(ks[1], (2, E), 0, N)
    batch = jnp.sort(jax.random.randint(ks[2], (N,), 0, NUM_GRAPHS))
    inp = {"x": x, "edge_index": edge_index, "batch": batch}
    dims = [(D_IN, D_HID), (D_HID, D_HID), (D_HID, D_HID)]
    for i, (di, do) in enumerate(dims):
        inp[f"W{i}"] = jax.random.normal(ks[3 + 4 * i], (di, do), dtype=jnp.float32) * 0.05
        inp[f"b{i}"] = jnp.zeros((do,), dtype=jnp.float32)
        inp[f"g{i}"] = jnp.ones((do,), dtype=jnp.float32)
        inp[f"be{i}"] = jnp.zeros((do,), dtype=jnp.float32)
    inp["linW"] = jax.random.normal(ks[16], (D_HID, D_OUT), dtype=jnp.float32) * 0.05
    inp["linb"] = jnp.zeros((D_OUT,), dtype=jnp.float32)
    return inp


def reference(x, edge_index, batch, W0, b0, g0, be0, W1, b1, g1, be1, W2, b2, g2, be2, linW, linb):
    h = x
    for (W, b, g, be) in ((W0, b0, g0, be0), (W1, b1, g1, be1), (W2, b2, g2, be2)):
        h = gcn_conv(h, edge_index, W, b)
        h = batch_norm(h, g, be)
        h = jax.nn.relu(h)
        # dropout treated as identity (eval mode) for deterministic reference
    ones = jnp.ones((h.shape[0],), dtype=h.dtype)
    counts = jax.ops.segment_sum(ones, batch, num_segments=NUM_GRAPHS)
    sums = jax.ops.segment_sum(h, batch, num_segments=NUM_GRAPHS)
    pooled = sums / jnp.maximum(counts, 1.0)[:, None]
    return pooled @ linW + linb

if __name__ == "__main__":
    import jax
    _d = setup_inputs()
    print(jax.jit(kernel)(*tuple(_d.values())))

</pallas_src>

<mosaic_0001>
#map = affine_map<(d0, d1) -> (0, 0)>
#map1 = affine_map<(d0, d1) -> (0, 0, 0)>
module attributes {stable_mosaic.version = 14 : i64} {
  func.func @k(%arg0: i32, %arg1: i32, %arg2: memref<2560x128xi32, #tpu.memory_space<hbm>>, %arg3: memref<128x128xf32, #tpu.memory_space<hbm>>, %arg4: memref<10112x128xf32, #tpu.memory_space<hbm>>, %arg5: memref<2x10112x128xf32, #tpu.memory_space<hbm>>, %arg6: memref<1x128xi32, #tpu.memory_space<vmem>>, %arg7: memref<1x128xi32, #tpu.memory_space<vmem>>, %arg8: memref<128x128xf32, #tpu.memory_space<vmem>>, %arg9: memref<10112x128xf32, #tpu.memory_space<vmem_shared>>, %arg10: memref<!tpu.dma_semaphore, #tpu.memory_space<semaphore_mem>>, %arg11: memref<!tpu.dma_semaphore, #tpu.memory_space<semaphore_mem>>, %arg12: memref<!tpu.dma_semaphore, #tpu.memory_space<semaphore_mem>>, %arg13: memref<!tpu.dma_semaphore, #tpu.memory_space<semaphore_mem>>) attributes {dimension_semantics = [#tpu.dimension_semantics<core_parallel>, #tpu.dimension_semantics<subcore_parallel>], iteration_bounds = array<i64: 2, 16>, scalar_prefetch = 0 : i64, scratch_operands = 8 : i64, tpu.core_type = #tpu.core_type<sc_vector_subcore>, window_params = [{transform_indices = #map}, {transform_indices = #map}, {transform_indices = #map}, {transform_indices = #map1}]} {
    %mul3A = arith.constant 16 : i32
    %mul3A_0 = arith.muli %arg0, %mul3A : i32
    %add3A = arith.addi %mul3A_0, %arg1 : i32
    %mul3A_1 = arith.constant 632 : i32
    %mul3A_2 = arith.muli %arg1, %mul3A_1 : i32
    %mul3A_3 = arith.constant 80 : i32
    %mul3A_4 = arith.muli %add3A, %mul3A_3 : i32
    %add3A_5 = arith.constant 0 : i32
    %add3A_6 = arith.addi %mul3A_4, %add3A_5 : i32
    %dma_start3A = arith.constant 0 : i32
    %dma_start3A_7 = tpu.memref_slice %arg2[%add3A_6, %dma_start3A] : memref<2560x128xi32, #tpu.memory_space<hbm>> -> memref<1x128xi32, #tpu.memory_space<hbm>>
    %dma_start3A_8 = arith.constant 0 : i32
    %dma_start3A_9 = tpu.memref_slice %arg2[%add3A_6, %dma_start3A_8] : memref<2560x128xi32, #tpu.memory_space<hbm>> -> memref<1x128xi32, #tpu.memory_space<hbm>>
    tpu.enqueue_dma source(%dma_start3A_9 : memref<1x128xi32, #tpu.memory_space<hbm>>) target(%arg6 : memref<1x128xi32, #tpu.memory_space<vmem>>) target_semaphore(%arg10 : memref<!tpu.dma_semaphore, #tpu.memory_space<semaphore_mem>>)
    %mul3A_10 = arith.constant 80 : i32
    %mul3A_11 = arith.muli %add3A, %mul3A_10 : i32
    %add3A_12 = arith.constant 1 : i32
    %add3A_13 = arith.addi %mul3A_11, %add3A_12 : i32
    %dma_start3A_14 = arith.constant 0 : i32
    %dma_start3A_15 = tpu.memref_slice %arg2[%add3A_13, %dma_start3A_14] : memref<2560x128xi32, #tpu.memory_space<hbm>> -> memref<1x128xi32, #tpu.memory_space<hbm>>
    %dma_start3A_16 = arith.constant 0 : i32
    %dma_start3A_17 = tpu.memref_slice %arg2[%add3A_13, %dma_start3A_16] : memref<2560x128xi32, #tpu.memory_space<hbm>> -> memref<1x128xi32, #tpu.memory_space<hbm>>
    tpu.enqueue_dma source(%dma_start3A_17 : memref<1x128xi32, #tpu.memory_space<hbm>>) target(%arg7 : memref<1x128xi32, #tpu.memory_space<vmem>>) target_semaphore(%arg11 : memref<!tpu.dma_semaphore, #tpu.memory_space<semaphore_mem>>)
    "tpu.region"() ({
      %run_scoped3A = tpu.sem_alloc : memref<!tpu.dma_semaphore, #tpu.memory_space<semaphore_mem>>
      tpu.enqueue_dma source(%arg3 : memref<128x128xf32, #tpu.memory_space<hbm>>) target(%arg8 : memref<128x128xf32, #tpu.memory_space<vmem>>) target_semaphore(%run_scoped3A : memref<!tpu.dma_semaphore, #tpu.memory_space<semaphore_mem>>)
      tpu.wait_dma2 semaphore(%run_scoped3A : memref<!tpu.dma_semaphore, #tpu.memory_space<semaphore_mem>>) src(%arg3 : memref<128x128xf32, #tpu.memory_space<hbm>>) dst(%arg8 : memref<128x128xf32, #tpu.memory_space<vmem>>)
      tpu.yield
    }) : () -> ()
    "tpu.region"() ({
      %run_scoped3A = tpu.sem_alloc : memref<!tpu.dma_semaphore, #tpu.memory_space<semaphore_mem>>
      %dma_start3A_63 = arith.constant 0 : i32
      %dma_start3A_64 = tpu.memref_slice %arg9[%mul3A_2, %dma_start3A_63] : memref<10112x128xf32, #tpu.memory_space<vmem_shared>> -> memref<632x128xf32, #tpu.memory_space<vmem_shared>>
      %dma_start3A_65 = arith.constant 0 : i32
      %dma_start3A_66 = tpu.memref_slice %arg4[%mul3A_2, %dma_start3A_65] : memref<10112x128xf32, #tpu.memory_space<hbm>> -> memref<632x128xf32, #tpu.memory_space<hbm>>
      tpu.enqueue_dma source(%dma_start3A_66 : memref<632x128xf32, #tpu.memory_space<hbm>>) target(%dma_start3A_64 : memref<632x128xf32, #tpu.memory_space<vmem_shared>>) target_semaphore(%run_scoped3A : memref<!tpu.dma_semaphore, #tpu.memory_space<semaphore_mem>>)
      %dma_wait3A_67 = arith.constant 0 : i32
      %dma_wait3A_68 = tpu.memref_slice %arg9[%mul3A_2, %dma_wait3A_67] : memref<10112x128xf32, #tpu.memory_space<vmem_shared>> -> memref<632x128xf32, #tpu.memory_space<vmem_shared>>
      %dma_wait3A_69 = arith.constant 0 : i32
      %dma_wait3A_70 = tpu.memref_slice %arg4[%mul3A_2, %dma_wait3A_69] : memref<10112x128xf32, #tpu.memory_space<hbm>> -> memref<632x128xf32, #tpu.memory_space<hbm>>
      tpu.wait_dma2 semaphore(%run_scoped3A : memref<!tpu.dma_semaphore, #tpu.memory_space<semaphore_mem>>) src(%dma_wait3A_70 : memref<632x128xf32, #tpu.memory_space<hbm>>) dst(%dma_wait3A_68 : memref<632x128xf32, #tpu.memory_space<vmem_shared>>)
      tpu.yield
    }) : () -> ()
    %barrier3A = arith.constant 0 : index
    tpu.barrier barrier_id(%barrier3A)
    %dma_wait3A = arith.constant 0 : i32
    %dma_wait3A_18 = arith.constant 0 : i32
    %dma_wait3A_19 = tpu.memref_slice %arg2[%dma_wait3A, %dma_wait3A_18] : memref<2560x128xi32, #tpu.memory_space<hbm>> -> memref<1x128xi32, #tpu.memory_space<hbm>>
    %dma_wait3A_20 = arith.constant 0 : i32
    %dma_wait3A_21 = arith.constant 0 : i32
    %dma_wait3A_22 = tpu.memref_slice %arg2[%dma_wait3A_20, %dma_wait3A_21] : memref<2560x128xi32, #tpu.memory_space<hbm>> -> memref<1x128xi32, #tpu.memory_space<hbm>>
    tpu.wait_dma2 semaphore(%arg10 : memref<!tpu.dma_semaphore, #tpu.memory_space<semaphore_mem>>) src(%dma_wait3A_22 : memref<1x128xi32, #tpu.memory_space<hbm>>) dst(%arg6 : memref<1x128xi32, #tpu.memory_space<vmem>>)
    %dma_start3A_23 = arith.constant 0 : i32
    %dma_start3A_24 = arith.constant 0 : i32
    %dma_start3A_25 = tpu.memref_slice %arg6[%dma_start3A_23, %dma_start3A_24] : memref<1x128xi32, #tpu.memory_space<vmem>> -> memref<1x128xi32, #tpu.memory_space<vmem>>
    %dma_start3A_26 = tpu.memref_squeeze %dma_start3A_25 : memref<1x128xi32, #tpu.memory_space<vmem>> -> memref<128xi32, #tpu.memory_space<vmem>>
    %dma_start3A_27 = arith.constant 0 : i32
    %dma_start3A_28 = arith.constant 0 : i32
    %dma_start3A_29 = tpu.memref_slice %arg9[%dma_start3A_27, %dma_start3A_28] : memref<10112x128xf32, #tpu.memory_space<vmem_shared>> -> memref<10112x128xf32, #tpu.memory_space<vmem_shared>>
    tpu.enqueue_indirect_dma source(%arg8 : memref<128x128xf32, #tpu.memory_space<vmem>>) target(%dma_start3A_29 : memref<10112x128xf32, #tpu.memory_space<vmem_shared>>) offsets(%dma_start3A_26 : memref<128xi32, #tpu.memory_space<vmem>>) semaphore(%arg12 : memref<!tpu.dma_semaphore, #tpu.memory_space<semaphore_mem>>) {add = true}
    %scan3A = arith.constant 0 : i32
    %scan3A_30 = arith.constant 0 : i32
    %scan3A_31 = arith.constant 39 : i32
    %scan3A_32 = arith.addi %scan3A_30, %scan3A_31 : i32
    %scan3A_33 = arith.constant 1 : i32
    scf.for %scan3A_63 = %scan3A_30 to %scan3A_32 step %scan3A_33  : i32 {
      %dma_wait3A_64 = arith.constant 0 : i32
      %dma_wait3A_65 = arith.constant 0 : i32
      %dma_wait3A_66 = tpu.memref_slice %arg2[%dma_wait3A_64, %dma_wait3A_65] : memref<2560x128xi32, #tpu.memory_space<hbm>> -> memref<1x128xi32, #tpu.memory_space<hbm>>
      %dma_wait3A_67 = arith.constant 0 : i32
      %dma_wait3A_68 = arith.constant 0 : i32
      %dma_wait3A_69 = tpu.memref_slice %arg2[%dma_wait3A_67, %dma_wait3A_68] : memref<2560x128xi32, #tpu.memory_space<hbm>> -> memref<1x128xi32, #tpu.memory_space<hbm>>
      tpu.wait_dma2 semaphore(%arg11 : memref<!tpu.dma_semaphore, #tpu.memory_space<semaphore_mem>>) src(%dma_wait3A_69 : memref<1x128xi32, #tpu.memory_space<hbm>>) dst(%arg7 : memref<1x128xi32, #tpu.memory_space<vmem>>)
      %dma_start3A_70 = arith.constant 0 : i32
      %dma_start3A_71 = arith.constant 0 : i32
      %dma_start3A_72 = tpu.memref_slice %arg7[%dma_start3A_70, %dma_start3A_71] : memref<1x128xi32, #tpu.memory_space<vmem>> -> memref<1x128xi32, #tpu.memory_space<vmem>>
      %dma_start3A_73 = tpu.memref_squeeze %dma_start3A_72 : memref<1x128xi32, #tpu.memory_space<vmem>> -> memref<128xi32, #tpu.memory_space<vmem>>
      %dma_start3A_74 = arith.constant 0 : i32
      %dma_start3A_75 = arith.constant 0 : i32
      %dma_start3A_76 = tpu.memref_slice %arg9[%dma_start3A_74, %dma_start3A_75] : memref<10112x128xf32, #tpu.memory_space<vmem_shared>> -> memref<10112x128xf32, #tpu.memory_space<vmem_shared>>
      tpu.enqueue_indirect_dma source(%arg8 : memref<128x128xf32, #tpu.memory_space<vmem>>) target(%dma_start3A_76 : memref<10112x128xf32, #tpu.memory_space<vmem_shared>>) offsets(%dma_start3A_73 : memref<128xi32, #tpu.memory_space<vmem>>) semaphore(%arg13 : memref<!tpu.dma_semaphore, #tpu.memory_space<semaphore_mem>>) {add = true}
      %dma_wait3A_77 = arith.constant 0 : i32
      %dma_wait3A_78 = arith.constant 0 : i32
      %dma_wait3A_79 = tpu.memref_slice %arg6[%dma_wait3A_77, %dma_wait3A_78] : memref<1x128xi32, #tpu.memory_space<vmem>> -> memref<1x128xi32, #tpu.memory_space<vmem>>
      %dma_wait3A_80 = tpu.memref_squeeze %dma_wait3A_79 : memref<1x128xi32, #tpu.memory_space<vmem>> -> memref<128xi32, #tpu.memory_space<vmem>>
      %dma_wait3A_81 = arith.constant 0 : i32
      %dma_wait3A_82 = arith.constant 0 : i32
      %dma_wait3A_83 = tpu.memref_slice %arg9[%dma_wait3A_81, %dma_wait3A_82] : memref<10112x128xf32, #tpu.memory_space<vmem_shared>> -> memref<10112x128xf32, #tpu.memory_space<vmem_shared>>
      tpu.wait_indirect_dma semaphore(%arg12 : memref<!tpu.dma_semaphore, #tpu.memory_space<semaphore_mem>>) src(%arg8 : memref<128x128xf32, #tpu.memory_space<vmem>>) dst(%dma_wait3A_83 : memref<10112x128xf32, #tpu.memory_space<vmem_shared>>)
      %mul3A_84 = arith.constant 2 : i32
      %mul3A_85 = arith.muli %mul3A_84, %scan3A_63 : i32
      %add3A_86 = arith.constant 2 : i32
      %add3A_87 = arith.addi %mul3A_85, %add3A_86 : i32
      %mul3A_88 = arith.constant 80 : i32
      %mul3A_89 = arith.muli %add3A, %mul3A_88 : i32
      %add3A_90 = arith.addi %mul3A_89, %add3A_87 : i32
      %dma_start3A_91 = arith.constant 0 : i32
      %dma_start3A_92 = tpu.memref_slice %arg2[%add3A_90, %dma_start3A_91] : memref<2560x128xi32, #tpu.memory_space<hbm>> -> memref<1x128xi32, #tpu.memory_space<hbm>>
      %dma_start3A_93 = arith.constant 0 : i32
      %dma_start3A_94 = tpu.memref_slice %arg2[%add3A_90, %dma_start3A_93] : memref<2560x128xi32, #tpu.memory_space<hbm>> -> memref<1x128xi32, #tpu.memory_space<hbm>>
      tpu.enqueue_dma source(%dma_start3A_94 : memref<1x128xi32, #tpu.memory_space<hbm>>) target(%arg6 : memref<1x128xi32, #tpu.memory_space<vmem>>) target_semaphore(%arg10 : memref<!tpu.dma_semaphore, #tpu.memory_space<semaphore_mem>>)
      %dma_wait3A_95 = arith.constant 0 : i32
      %dma_wait3A_96 = arith.constant 0 : i32
      %dma_wait3A_97 = tpu.memref_slice %arg7[%dma_wait3A_95, %dma_wait3A_96] : memref<1x128xi32, #tpu.memory_space<vmem>> -> memref<1x128xi32, #tpu.memory_space<vmem>>
      %dma_wait3A_98 = tpu.memref_squeeze %dma_wait3A_97 : memref<1x128xi32, #tpu.memory_space<vmem>> -> memref<128xi32, #tpu.memory_space<vmem>>
      %dma_wait3A_99 = arith.constant 0 : i32
      %dma_wait3A_100 = arith.constant 0 : i32
      %dma_wait3A_101 = tpu.memref_slice %arg9[%dma_wait3A_99, %dma_wait3A_100] : memref<10112x128xf32, #tpu.memory_space<vmem_shared>> -> memref<10112x128xf32, #tpu.memory_space<vmem_shared>>
      tpu.wait_indirect_dma semaphore(%arg13 : memref<!tpu.dma_semaphore, #tpu.memory_space<semaphore_mem>>) src(%arg8 : memref<128x128xf32, #tpu.memory_space<vmem>>) dst(%dma_wait3A_101 : memref<10112x128xf32, #tpu.memory_space<vmem_shared>>)
      %mul3A_102 = arith.constant 2 : i32
      %mul3A_103 = arith.muli %mul3A_102, %scan3A_63 : i32
      %add3A_104 = arith.constant 3 : i32
      %add3A_105 = arith.addi %mul3A_103, %add3A_104 : i32
      %mul3A_106 = arith.constant 80 : i32
      %mul3A_107 = arith.muli %add3A, %mul3A_106 : i32
      %add3A_108 = arith.addi %mul3A_107, %add3A_105 : i32
      %dma_start3A_109 = arith.constant 0 : i32
      %dma_start3A_110 = tpu.memref_slice %arg2[%add3A_108, %dma_start3A_109] : memref<2560x128xi32, #tpu.memory_space<hbm>> -> memref<1x128xi32, #tpu.memory_space<hbm>>
      %dma_start3A_111 = arith.constant 0 : i32
      %dma_start3A_112 = tpu.memref_slice %arg2[%add3A_108, %dma_start3A_111] : memref<2560x128xi32, #tpu.memory_space<hbm>> -> memref<1x128xi32, #tpu.memory_space<hbm>>
      tpu.enqueue_dma source(%dma_start3A_112 : memref<1x128xi32, #tpu.memory_space<hbm>>) target(%arg7 : memref<1x128xi32, #tpu.memory_space<vmem>>) target_semaphore(%arg11 : memref<!tpu.dma_semaphore, #tpu.memory_space<semaphore_mem>>)
      %dma_wait3A_113 = arith.constant 0 : i32
      %dma_wait3A_114 = arith.constant 0 : i32
      %dma_wait3A_115 = tpu.memref_slice %arg2[%dma_wait3A_113, %dma_wait3A_114] : memref<2560x128xi32, #tpu.memory_space<hbm>> -> memref<1x128xi32, #tpu.memory_space<hbm>>
      %dma_wait3A_116 = arith.constant 0 : i32
      %dma_wait3A_117 = arith.constant 0 : i32
      %dma_wait3A_118 = tpu.memref_slice %arg2[%dma_wait3A_116, %dma_wait3A_117] : memref<2560x128xi32, #tpu.memory_space<hbm>> -> memref<1x128xi32, #tpu.memory_space<hbm>>
      tpu.wait_dma2 semaphore(%arg10 : memref<!tpu.dma_semaphore, #tpu.memory_space<semaphore_mem>>) src(%dma_wait3A_118 : memref<1x128xi32, #tpu.memory_space<hbm>>) dst(%arg6 : memref<1x128xi32, #tpu.memory_space<vmem>>)
      %dma_start3A_119 = arith.constant 0 : i32
      %dma_start3A_120 = arith.constant 0 : i32
      %dma_start3A_121 = tpu.memref_slice %arg6[%dma_start3A_119, %dma_start3A_120] : memref<1x128xi32, #tpu.memory_space<vmem>> -> memref<1x128xi32, #tpu.memory_space<vmem>>
      %dma_start3A_122 = tpu.memref_squeeze %dma_start3A_121 : memref<1x128xi32, #tpu.memory_space<vmem>> -> memref<128xi32, #tpu.memory_space<vmem>>
      %dma_start3A_123 = arith.constant 0 : i32
      %dma_start3A_124 = arith.constant 0 : i32
      %dma_start3A_125 = tpu.memref_slice %arg9[%dma_start3A_123, %dma_start3A_124] : memref<10112x128xf32, #tpu.memory_space<vmem_shared>> -> memref<10112x128xf32, #tpu.memory_space<vmem_shared>>
      tpu.enqueue_indirect_dma source(%arg8 : memref<128x128xf32, #tpu.memory_space<vmem>>) target(%dma_start3A_125 : memref<10112x128xf32, #tpu.memory_space<vmem_shared>>) offsets(%dma_start3A_122 : memref<128xi32, #tpu.memory_space<vmem>>) semaphore(%arg12 : memref<!tpu.dma_semaphore, #tpu.memory_space<semaphore_mem>>) {add = true}
    }
    %scan3A_34 = arith.constant 39 : i32
    %dma_wait3A_35 = arith.constant 0 : i32
    %dma_wait3A_36 = arith.constant 0 : i32
    %dma_wait3A_37 = tpu.memref_slice %arg2[%dma_wait3A_35, %dma_wait3A_36] : memref<2560x128xi32, #tpu.memory_space<hbm>> -> memref<1x128xi32, #tpu.memory_space<hbm>>
    %dma_wait3A_38 = arith.constant 0 : i32
    %dma_wait3A_39 = arith.constant 0 : i32
    %dma_wait3A_40 = tpu.memref_slice %arg2[%dma_wait3A_38, %dma_wait3A_39] : memref<2560x128xi32, #tpu.memory_space<hbm>> -> memref<1x128xi32, #tpu.memory_space<hbm>>
    tpu.wait_dma2 semaphore(%arg11 : memref<!tpu.dma_semaphore, #tpu.memory_space<semaphore_mem>>) src(%dma_wait3A_40 : memref<1x128xi32, #tpu.memory_space<hbm>>) dst(%arg7 : memref<1x128xi32, #tpu.memory_space<vmem>>)
    %dma_start3A_41 = arith.constant 0 : i32
    %dma_start3A_42 = arith.constant 0 : i32
    %dma_start3A_43 = tpu.memref_slice %arg7[%dma_start3A_41, %dma_start3A_42] : memref<1x128xi32, #tpu.memory_space<vmem>> -> memref<1x128xi32, #tpu.memory_space<vmem>>
    %dma_start3A_44 = tpu.memref_squeeze %dma_start3A_43 : memref<1x128xi32, #tpu.memory_space<vmem>> -> memref<128xi32, #tpu.memory_space<vmem>>
    %dma_start3A_45 = arith.constant 0 : i32
    %dma_start3A_46 = arith.constant 0 : i32
    %dma_start3A_47 = tpu.memref_slice %arg9[%dma_start3A_45, %dma_start3A_46] : memref<10112x128xf32, #tpu.memory_space<vmem_shared>> -> memref<10112x128xf32, #tpu.memory_space<vmem_shared>>
    tpu.enqueue_indirect_dma source(%arg8 : memref<128x128xf32, #tpu.memory_space<vmem>>) target(%dma_start3A_47 : memref<10112x128xf32, #tpu.memory_space<vmem_shared>>) offsets(%dma_start3A_44 : memref<128xi32, #tpu.memory_space<vmem>>) semaphore(%arg13 : memref<!tpu.dma_semaphore, #tpu.memory_space<semaphore_mem>>) {add = true}
    %dma_wait3A_48 = arith.constant 0 : i32
    %dma_wait3A_49 = arith.constant 0 : i32
    %dma_wait3A_50 = tpu.memref_slice %arg6[%dma_wait3A_48, %dma_wait3A_49] : memref<1x128xi32, #tpu.memory_space<vmem>> -> memref<1x128xi32, #tpu.memory_space<vmem>>
    %dma_wait3A_51 = tpu.memref_squeeze %dma_wait3A_50 : memref<1x128xi32, #tpu.memory_space<vmem>> -> memref<128xi32, #tpu.memory_space<vmem>>
    %dma_wait3A_52 = arith.constant 0 : i32
    %dma_wait3A_53 = arith.constant 0 : i32
    %dma_wait3A_54 = tpu.memref_slice %arg9[%dma_wait3A_52, %dma_wait3A_53] : memref<10112x128xf32, #tpu.memory_space<vmem_shared>> -> memref<10112x128xf32, #tpu.memory_space<vmem_shared>>
    tpu.wait_indirect_dma semaphore(%arg12 : memref<!tpu.dma_semaphore, #tpu.memory_space<semaphore_mem>>) src(%arg8 : memref<128x128xf32, #tpu.memory_space<vmem>>) dst(%dma_wait3A_54 : memref<10112x128xf32, #tpu.memory_space<vmem_shared>>)
    %dma_wait3A_55 = arith.constant 0 : i32
    %dma_wait3A_56 = arith.constant 0 : i32
    %dma_wait3A_57 = tpu.memref_slice %arg7[%dma_wait3A_55, %dma_wait3A_56] : memref<1x128xi32, #tpu.memory_space<vmem>> -> memref<1x128xi32, #tpu.memory_space<vmem>>
    %dma_wait3A_58 = tpu.memref_squeeze %dma_wait3A_57 : memref<1x128xi32, #tpu.memory_space<vmem>> -> memref<128xi32, #tpu.memory_space<vmem>>
    %dma_wait3A_59 = arith.constant 0 : i32
    %dma_wait3A_60 = arith.constant 0 : i32
    %dma_wait3A_61 = tpu.memref_slice %arg9[%dma_wait3A_59, %dma_wait3A_60] : memref<10112x128xf32, #tpu.memory_space<vmem_shared>> -> memref<10112x128xf32, #tpu.memory_space<vmem_shared>>
    tpu.wait_indirect_dma semaphore(%arg13 : memref<!tpu.dma_semaphore, #tpu.memory_space<semaphore_mem>>) src(%arg8 : memref<128x128xf32, #tpu.memory_space<vmem>>) dst(%dma_wait3A_61 : memref<10112x128xf32, #tpu.memory_space<vmem_shared>>)
    %barrier3A_62 = arith.constant 0 : index
    tpu.barrier barrier_id(%barrier3A_62)
    "tpu.region"() ({
      %run_scoped3A = tpu.sem_alloc : memref<!tpu.dma_semaphore, #tpu.memory_space<semaphore_mem>>
      %dma_start3A_63 = arith.constant 0 : i32
      %dma_start3A_64 = arith.constant 0 : i32
      %dma_start3A_65 = tpu.memref_slice %arg5[%arg0, %dma_start3A_63, %dma_start3A_64] : memref<2x10112x128xf32, #tpu.memory_space<hbm>> -> memref<1x10112x128xf32, #tpu.memory_space<hbm>>
      %dma_start3A_66 = tpu.memref_squeeze %dma_start3A_65 : memref<1x10112x128xf32, #tpu.memory_space<hbm>> -> memref<10112x128xf32, #tpu.memory_space<hbm>>
      %dma_start3A_67 = arith.constant 0 : i32
      %dma_start3A_68 = tpu.memref_slice %dma_start3A_66[%mul3A_2, %dma_start3A_67] : memref<10112x128xf32, #tpu.memory_space<hbm>> -> memref<632x128xf32, #tpu.memory_space<hbm>>
      %dma_start3A_69 = arith.constant 0 : i32
      %dma_start3A_70 = tpu.memref_slice %arg9[%mul3A_2, %dma_start3A_69] : memref<10112x128xf32, #tpu.memory_space<vmem_shared>> -> memref<632x128xf32, #tpu.memory_space<vmem_shared>>
      tpu.enqueue_dma source(%dma_start3A_70 : memref<632x128xf32, #tpu.memory_space<vmem_shared>>) target(%dma_start3A_68 : memref<632x128xf32, #tpu.memory_space<hbm>>) target_semaphore(%run_scoped3A : memref<!tpu.dma_semaphore, #tpu.memory_space<semaphore_mem>>)
      %dma_wait3A_71 = arith.constant 0 : i32
      %dma_wait3A_72 = arith.constant 0 : i32
      %dma_wait3A_73 = tpu.memref_slice %arg5[%arg0, %dma_wait3A_71, %dma_wait3A_72] : memref<2x10112x128xf32, #tpu.memory_space<hbm>> -> memref<1x10112x128xf32, #tpu.memory_space<hbm>>
      %dma_wait3A_74 = tpu.memref_squeeze %dma_wait3A_73 : memref<1x10112x128xf32, #tpu.memory_space<hbm>> -> memref<10112x128xf32, #tpu.memory_space<hbm>>
      %dma_wait3A_75 = arith.constant 0 : i32
      %dma_wait3A_76 = tpu.memref_slice %dma_wait3A_74[%mul3A_2, %dma_wait3A_75] : memref<10112x128xf32, #tpu.memory_space<hbm>> -> memref<632x128xf32, #tpu.memory_space<hbm>>
      %dma_wait3A_77 = arith.constant 0 : i32
      %dma_wait3A_78 = tpu.memref_slice %arg9[%mul3A_2, %dma_wait3A_77] : memref<10112x128xf32, #tpu.memory_space<vmem_shared>> -> memref<632x128xf32, #tpu.memory_space<vmem_shared>>
      tpu.wait_dma2 semaphore(%run_scoped3A : memref<!tpu.dma_semaphore, #tpu.memory_space<semaphore_mem>>) src(%dma_wait3A_78 : memref<632x128xf32, #tpu.memory_space<vmem_shared>>) dst(%dma_wait3A_76 : memref<632x128xf32, #tpu.memory_space<hbm>>)
      tpu.yield
    }) : () -> ()
    return
  }
}

#map = affine_map<(d0, d1) -> (0, 0)>
#map1 = affine_map<(d0, d1) -> (0, 0, 0)>
module attributes {stable_mosaic.version = 14 : i64} {
  func.func @k(%arg0: i32, %arg1: i32, %arg2: memref<10112x128xf32, #tpu.memory_space<hbm>>, %arg3: memref<2560x128xi32, #tpu.memory_space<hbm>>, %arg4: memref<2560x128xi32, #tpu.memory_space<hbm>>, %arg5: memref<10112x128xf32, #tpu.memory_space<hbm>>, %arg6: memref<2x10112x128xf32, #tpu.memory_space<hbm>>, %arg7: memref<2x128xi32, #tpu.memory_space<vmem>>, %arg8: memref<2x128xi32, #tpu.memory_space<vmem>>, %arg9: memref<2x128xi32, #tpu.memory_space<vmem>>, %arg10: memref<2x128xi32, #tpu.memory_space<vmem>>, %arg11: memref<128x128xf32, #tpu.memory_space<vmem>>, %arg12: memref<128x128xf32, #tpu.memory_space<vmem>>, %arg13: memref<10112x128xf32, #tpu.memory_space<vmem_shared>>, %arg14: memref<!tpu.dma_semaphore, #tpu.memory_space<semaphore_mem>>, %arg15: memref<!tpu.dma_semaphore, #tpu.memory_space<semaphore_mem>>, %arg16: memref<!tpu.dma_semaphore, #tpu.memory_space<semaphore_mem>>, %arg17: memref<!tpu.dma_semaphore, #tpu.memory_space<semaphore_mem>>, %arg18: memref<!tpu.dma_semaphore, #tpu.memory_space<semaphore_mem>>, %arg19: memref<!tpu.dma_semaphore, #tpu.memory_space<semaphore_mem>>) attributes {dimension_semantics = [#tpu.dimension_semantics<core_parallel>, #tpu.dimension_semantics<subcore_parallel>], iteration_bounds = array<i64: 2, 16>, scalar_prefetch = 0 : i64, scratch_operands = 13 : i64, tpu.core_type = #tpu.core_type<sc_vector_subcore>, window_params = [{transform_indices = #map}, {transform_indices = #map}, {transform_indices = #map}, {transform_indices = #map}, {transform_indices = #map1}]} {
    %mul3A = arith.constant 632 : i32
    %mul3A_0 = arith.muli %arg1, %mul3A : i32
    %eq3A = arith.constant 0 : i32
    %eq3A_1 = arith.cmpi eq, %arg0, %eq3A : i32
    %mul3A_2 = arith.constant 148 : i32
    %mul3A_3 = arith.muli %arg1, %mul3A_2 : i32
    %mul3A_4 = arith.constant 12 : i32
    %mul3A_5 = arith.muli %arg1, %mul3A_4 : i32
    %add3A = arith.constant 2368 : i32
    %add3A_6 = arith.addi %add3A, %mul3A_5 : i32
    %select_n3A = arith.select %eq3A_1, %mul3A_3, %add3A_6 : i32
    %eq3A_7 = arith.constant 0 : i32
    %eq3A_8 = arith.cmpi eq, %arg0, %eq3A_7 : i32
    %jit3A = arith.constant 74 : i32
    %jit3A_9 = arith.constant 6 : i32
    %select_n3A_10 = arith.select %eq3A_8, %jit3A, %jit3A_9 : i32
    %gt3A = arith.constant 0 : i32
    %gt3A_11 = arith.cmpi sgt, %select_n3A_10, %gt3A : i32
    %convert_element_type3A = arith.extui %gt3A_11 : i1 to i32
    %cond3A = arith.constant 0 : i32
    %cond3A_12 = arith.cmpi ne, %convert_element_type3A, %cond3A : i32
    scf.if %cond3A_12 {
      %add3A_51 = arith.constant 0 : i32
      %add3A_52 = arith.addi %select_n3A, %add3A_51 : i32
      %dma_start3A = arith.constant 0 : i32
      %dma_start3A_53 = tpu.memref_slice %arg3[%add3A_52, %dma_start3A] : memref<2560x128xi32, #tpu.memory_space<hbm>> -> memref<2x128xi32, #tpu.memory_space<hbm>>
      %dma_start3A_54 = arith.constant 0 : i32
      %dma_start3A_55 = tpu.memref_slice %arg3[%add3A_52, %dma_start3A_54] : memref<2560x128xi32, #tpu.memory_space<hbm>> -> memref<2x128xi32, #tpu.memory_space<hbm>>
      tpu.enqueue_dma source(%dma_start3A_55 : memref<2x128xi32, #tpu.memory_space<hbm>>) target(%arg7 : memref<2x128xi32, #tpu.memory_space<vmem>>) target_semaphore(%arg14 : memref<!tpu.dma_semaphore, #tpu.memory_space<semaphore_mem>>)
      %add3A_56 = arith.constant 0 : i32
      %add3A_57 = arith.addi %select_n3A, %add3A_56 : i32
      %dma_start3A_58 = arith.constant 0 : i32
      %dma_start3A_59 = tpu.memref_slice %arg4[%add3A_57, %dma_start3A_58] : memref<2560x128xi32, #tpu.memory_space<hbm>> -> memref<2x128xi32, #tpu.memory_space<hbm>>
      %dma_start3A_60 = arith.constant 0 : i32
      %dma_start3A_61 = tpu.memref_slice %arg4[%add3A_57, %dma_start3A_60] : memref<2560x128xi32, #tpu.memory_space<hbm>> -> memref<2x128xi32, #tpu.memory_space<hbm>>
      tpu.enqueue_dma source(%dma_start3A_61 : memref<2x128xi32, #tpu.memory_space<hbm>>) target(%arg9 : memref<2x128xi32, #tpu.memory_space<vmem>>) target_semaphore(%arg14 : memref<!tpu.dma_semaphore, #tpu.memory_space<semaphore_mem>>)
    } else {
    }
    "tpu.region"() ({
      %run_scoped3A = tpu.sem_alloc : memref<!tpu.dma_semaphore, #tpu.memory_space<semaphore_mem>>
      %dma_start3A = arith.constant 0 : i32
      %dma_start3A_51 = tpu.memref_slice %arg13[%mul3A_0, %dma_start3A] : memref<10112x128xf32, #tpu.memory_space<vmem_shared>> -> memref<632x128xf32, #tpu.memory_space<vmem_shared>>
      %dma_start3A_52 = arith.constant 0 : i32
      %dma_start3A_53 = tpu.memref_slice %arg5[%mul3A_0, %dma_start3A_52] : memref<10112x128xf32, #tpu.memory_space<hbm>> -> memref<632x128xf32, #tpu.memory_space<hbm>>
      tpu.enqueue_dma source(%dma_start3A_53 : memref<632x128xf32, #tpu.memory_space<hbm>>) target(%dma_start3A_51 : memref<632x128xf32, #tpu.memory_space<vmem_shared>>) target_semaphore(%run_scoped3A : memref<!tpu.dma_semaphore, #tpu.memory_space<semaphore_mem>>)
      %dma_wait3A = arith.constant 0 : i32
      %dma_wait3A_54 = tpu.memref_slice %arg13[%mul3A_0, %dma_wait3A] : memref<10112x128xf32, #tpu.memory_space<vmem_shared>> -> memref<632x128xf32, #tpu.memory_space<vmem_shared>>
      %dma_wait3A_55 = arith.constant 0 : i32
      %dma_wait3A_56 = tpu.memref_slice %arg5[%mul3A_0, %dma_wait3A_55] : memref<10112x128xf32, #tpu.memory_space<hbm>> -> memref<632x128xf32, #tpu.memory_space<hbm>>
      tpu.wait_dma2 semaphore(%run_scoped3A : memref<!tpu.dma_semaphore, #tpu.memory_space<semaphore_mem>>) src(%dma_wait3A_56 : memref<632x128xf32, #tpu.memory_space<hbm>>) dst(%dma_wait3A_54 : memref<632x128xf32, #tpu.memory_space<vmem_shared>>)
      tpu.yield
    }) : () -> ()
    %barrier3A = arith.constant 0 : index
    tpu.barrier barrier_id(%barrier3A)
    %gt3A_13 = arith.constant 0 : i32
    %gt3A_14 = arith.cmpi sgt, %select_n3A_10, %gt3A_13 : i32
    %convert_element_type3A_15 = arith.extui %gt3A_14 : i1 to i32
    %cond3A_16 = arith.constant 0 : i32
    %cond3A_17 = arith.cmpi ne, %convert_element_type3A_15, %cond3A_16 : i32
    scf.if %cond3A_17 {
      %dma_wait3A = arith.constant 0 : i32
      %dma_wait3A_51 = arith.constant 0 : i32
      %dma_wait3A_52 = tpu.memref_slice %arg3[%dma_wait3A, %dma_wait3A_51] : memref<2560x128xi32, #tpu.memory_space<hbm>> -> memref<2x128xi32, #tpu.memory_space<hbm>>
      %dma_wait3A_53 = arith.constant 0 : i32
      %dma_wait3A_54 = arith.constant 0 : i32
      %dma_wait3A_55 = tpu.memref_slice %arg3[%dma_wait3A_53, %dma_wait3A_54] : memref<2560x128xi32, #tpu.memory_space<hbm>> -> memref<2x128xi32, #tpu.memory_space<hbm>>
      tpu.wait_dma2 semaphore(%arg14 : memref<!tpu.dma_semaphore, #tpu.memory_space<semaphore_mem>>) src(%dma_wait3A_55 : memref<2x128xi32, #tpu.memory_space<hbm>>) dst(%arg7 : memref<2x128xi32, #tpu.memory_space<vmem>>)
      %dma_wait3A_56 = arith.constant 0 : i32
      %dma_wait3A_57 = arith.constant 0 : i32
      %dma_wait3A_58 = tpu.memref_slice %arg4[%dma_wait3A_56, %dma_wait3A_57] : memref<2560x128xi32, #tpu.memory_space<hbm>> -> memref<2x128xi32, #tpu.memory_space<hbm>>
      %dma_wait3A_59 = arith.constant 0 : i32
      %dma_wait3A_60 = arith.constant 0 : i32
      %dma_wait3A_61 = tpu.memref_slice %arg4[%dma_wait3A_59, %dma_wait3A_60] : memref<2560x128xi32, #tpu.memory_space<hbm>> -> memref<2x128xi32, #tpu.memory_space<hbm>>
      tpu.wait_dma2 semaphore(%arg14 : memref<!tpu.dma_semaphore, #tpu.memory_space<semaphore_mem>>) src(%dma_wait3A_61 : memref<2x128xi32, #tpu.memory_space<hbm>>) dst(%arg9 : memref<2x128xi32, #tpu.memory_space<vmem>>)
      %dma_start3A = arith.constant 0 : i32
      %dma_start3A_62 = arith.constant 0 : i32
      %dma_start3A_63 = tpu.memref_slice %arg7[%dma_start3A, %dma_start3A_62] : memref<2x128xi32, #tpu.memory_space<vmem>> -> memref<1x128xi32, #tpu.memory_space<vmem>>
      %dma_start3A_64 = tpu.memref_squeeze %dma_start3A_63 : memref<1x128xi32, #tpu.memory_space<vmem>> -> memref<128xi32, #tpu.memory_space<vmem>>
      %dma_start3A_65 = arith.constant 0 : i32
      %dma_start3A_66 = arith.constant 0 : i32
      %dma_start3A_67 = tpu.memref_slice %arg2[%dma_start3A_65, %dma_start3A_66] : memref<10112x128xf32, #tpu.memory_space<hbm>> -> memref<10112x128xf32, #tpu.memory_space<hbm>>
      tpu.enqueue_indirect_dma source(%dma_start3A_67 : memref<10112x128xf32, #tpu.memory_space<hbm>>) target(%arg11 : memref<128x128xf32, #tpu.memory_space<vmem>>) offsets(%dma_start3A_64 : memref<128xi32, #tpu.memory_space<vmem>>) semaphore(%arg16 : memref<!tpu.dma_semaphore, #tpu.memory_space<semaphore_mem>>)
    } else {
    }
    %jit3A_18 = arith.constant 2 : i32
    %div3A = arith.divsi %select_n3A_10, %jit3A_18 : i32
    %sign3A = arith.constant 0 : i32
    %sign3A_19 = arith.cmpi sgt, %select_n3A_10, %sign3A : i32
    %sign3A_20 = arith.extui %sign3A_19 : i1 to i32
    %sign3A_21 = arith.constant 0 : i32
    %sign3A_22 = arith.cmpi slt, %select_n3A_10, %sign3A_21 : i32
    %sign3A_23 = arith.extui %sign3A_22 : i1 to i32
    %sign3A_24 = arith.subi %sign3A_20, %sign3A_23 : i32
    %sign3A_25 = arith.constant 0 : i32
    %sign3A_26 = arith.cmpi sgt, %jit3A_18, %sign3A_25 : i32
    %sign3A_27 = arith.extui %sign3A_26 : i1 to i32
    %sign3A_28 = arith.constant 0 : i32
    %sign3A_29 = arith.cmpi slt, %jit3A_18, %sign3A_28 : i32
    %sign3A_30 = arith.extui %sign3A_29 : i1 to i32
    %sign3A_31 = arith.subi %sign3A_27, %sign3A_30 : i32
    %ne3A = arith.cmpi ne, %sign3A_24, %sign3A_31 : i32
    %rem3A = arith.remsi %select_n3A_10, %jit3A_18 : i32
    %ne3A_32 = arith.constant 0 : i32
    %ne3A_33 = arith.cmpi ne, %rem3A, %ne3A_32 : i32
    %and3A = arith.andi %ne3A, %ne3A_33 : i1
    %sub3A = arith.constant 1 : i32
    %sub3A_34 = arith.subi %div3A, %sub3A : i32
    %select_n3A_35 = arith.select %and3A, %sub3A_34, %div3A : i32
    %while3A = arith.constant 0 : i32
    %while3A_36 = arith.constant 0 : i32
    %while3A_37 = arith.subi %select_n3A_35, %while3A_36 : i32
    %while3A_38 = arith.addi %while3A_36, %while3A_37 : i32
    %while3A_39 = arith.constant 1 : i32
    %while3A_40 = arith.divsi %while3A_37, %while3A_39 : i32
    %while3A_41 = arith.muli %while3A_40, %while3A_39 : i32
    %while3A_42 = arith.addi %while3A_36, %while3A_41 : i32
    %while3A_43 = arith.constant 1 : i32
    scf.for %while3A_51 = %while3A_36 to %while3A_42 step %while3A_43  : i32 {
      %mul3A_52 = arith.constant 2 : i32
      %mul3A_53 = arith.muli %mul3A_52, %while3A_51 : i32
      %dma_wait3A = arith.constant 0 : i32
      %dma_wait3A_54 = arith.constant 0 : i32
      %dma_wait3A_55 = tpu.memref_slice %arg7[%dma_wait3A, %dma_wait3A_54] : memref<2x128xi32, #tpu.memory_space<vmem>> -> memref<1x128xi32, #tpu.memory_space<vmem>>
      %dma_wait3A_56 = tpu.memref_squeeze %dma_wait3A_55 : memref<1x128xi32, #tpu.memory_space<vmem>> -> memref<128xi32, #tpu.memory_space<vmem>>
      %dma_wait3A_57 = arith.constant 0 : i32
      %dma_wait3A_58 = arith.constant 0 : i32
      %dma_wait3A_59 = tpu.memref_slice %arg2[%dma_wait3A_57, %dma_wait3A_58] : memref<10112x128xf32, #tpu.memory_space<hbm>> -> memref<10112x128xf32, #tpu.memory_space<hbm>>
      tpu.wait_indirect_dma semaphore(%arg16 : memref<!tpu.dma_semaphore, #tpu.memory_space<semaphore_mem>>) src(%dma_wait3A_59 : memref<10112x128xf32, #tpu.memory_space<hbm>>) dst(%arg11 : memref<128x128xf32, #tpu.memory_space<vmem>>)
      %gt3A_60 = arith.constant 0 : i32
      %gt3A_61 = arith.cmpi sgt, %mul3A_53, %gt3A_60 : i32
      %convert_element_type3A_62 = arith.extui %gt3A_61 : i1 to i32
      %cond3A_63 = arith.constant 0 : i32
      %cond3A_64 = arith.cmpi ne, %convert_element_type3A_62, %cond3A_63 : i32
      scf.if %cond3A_64 {
        %dma_wait3A_173 = arith.constant 0 : i32
        %dma_wait3A_174 = arith.constant 0 : i32
        %dma_wait3A_175 = tpu.memref_slice %arg10[%dma_wait3A_173, %dma_wait3A_174] : memref<2x128xi32, #tpu.memory_space<vmem>> -> memref<1x128xi32, #tpu.memory_space<vmem>>
        %dma_wait3A_176 = tpu.memref_squeeze %dma_wait3A_175 : memref<1x128xi32, #tpu.memory_space<vmem>> -> memref<128xi32, #tpu.memory_space<vmem>>
        %dma_wait3A_177 = arith.constant 0 : i32
        %dma_wait3A_178 = arith.constant 0 : i32
        %dma_wait3A_179 = tpu.memref_slice %arg13[%dma_wait3A_177, %dma_wait3A_178] : memref<10112x128xf32, #tpu.memory_space<vmem_shared>> -> memref<10112x128xf32, #tpu.memory_space<vmem_shared>>
        tpu.wait_indirect_dma semaphore(%arg19 : memref<!tpu.dma_semaphore, #tpu.memory_space<semaphore_mem>>) src(%arg12 : memref<128x128xf32, #tpu.memory_space<vmem>>) dst(%dma_wait3A_179 : memref<10112x128xf32, #tpu.memory_space<vmem_shared>>)
      } else {
      }
      %add3A_65 = arith.constant 1 : i32
      %add3A_66 = arith.addi %mul3A_53, %add3A_65 : i32
      %lt3A = arith.cmpi slt, %add3A_66, %select_n3A_10 : i32
      %convert_element_type3A_67 = arith.extui %lt3A : i1 to i32
      %cond3A_68 = arith.constant 0 : i32
      %cond3A_69 = arith.cmpi ne, %convert_element_type3A_67, %cond3A_68 : i32
      scf.if %cond3A_69 {
        %add3A_173 = arith.constant 1 : i32
        %add3A_174 = arith.addi %mul3A_53, %add3A_173 : i32
        %mul3A_175 = arith.constant 2 : i32
        %mul3A_176 = arith.muli %mul3A_175, %add3A_174 : i32
        %add3A_177 = arith.addi %select_n3A, %mul3A_176 : i32
        %dma_start3A_178 = arith.constant 0 : i32
        %dma_start3A_179 = tpu.memref_slice %arg3[%add3A_177, %dma_start3A_178] : memref<2560x128xi32, #tpu.memory_space<hbm>> -> memref<2x128xi32, #tpu.memory_space<hbm>>
        %dma_start3A_180 = arith.constant 0 : i32
        %dma_start3A_181 = tpu.memref_slice %arg3[%add3A_177, %dma_start3A_180] : memref<2560x128xi32, #tpu.memory_space<hbm>> -> memref<2x128xi32, #tpu.memory_space<hbm>>
        tpu.enqueue_dma source(%dma_start3A_181 : memref<2x128xi32, #tpu.memory_space<hbm>>) target(%arg8 : memref<2x128xi32, #tpu.memory_space<vmem>>) target_semaphore(%arg15 : memref<!tpu.dma_semaphore, #tpu.memory_space<semaphore_mem>>)
        %mul3A_182 = arith.constant 2 : i32
        %mul3A_183 = arith.muli %mul3A_182, %add3A_174 : i32
        %add3A_184 = arith.addi %select_n3A, %mul3A_183 : i32
        %dma_start3A_185 = arith.constant 0 : i32
        %dma_start3A_186 = tpu.memref_slice %arg4[%add3A_184, %dma_start3A_185] : memref<2560x128xi32, #tpu.memory_space<hbm>> -> memref<2x128xi32, #tpu.memory_space<hbm>>
        %dma_start3A_187 = arith.constant 0 : i32
        %dma_start3A_188 = tpu.memref_slice %arg4[%add3A_184, %dma_start3A_187] : memref<2560x128xi32, #tpu.memory_space<hbm>> -> memref<2x128xi32, #tpu.memory_space<hbm>>
        tpu.enqueue_dma source(%dma_start3A_188 : memref<2x128xi32, #tpu.memory_space<hbm>>) target(%arg10 : memref<2x128xi32, #tpu.memory_space<vmem>>) target_semaphore(%arg15 : memref<!tpu.dma_semaphore, #tpu.memory_space<semaphore_mem>>)
      } else {
      }
      %dma_start3A = arith.constant 1 : i32
      %dma_start3A_70 = arith.constant 0 : i32
      %dma_start3A_71 = tpu.memref_slice %arg7[%dma_start3A, %dma_start3A_70] : memref<2x128xi32, #tpu.memory_space<vmem>> -> memref<1x128xi32, #tpu.memory_space<vmem>>
      %dma_start3A_72 = tpu.memref_squeeze %dma_start3A_71 : memref<1x128xi32, #tpu.memory_space<vmem>> -> memref<128xi32, #tpu.memory_space<vmem>>
      %dma_start3A_73 = arith.constant 0 : i32
      %dma_start3A_74 = arith.constant 0 : i32
      %dma_start3A_75 = tpu.memref_slice %arg2[%dma_start3A_73, %dma_start3A_74] : memref<10112x128xf32, #tpu.memory_space<hbm>> -> memref<10112x128xf32, #tpu.memory_space<hbm>>
      tpu.enqueue_indirect_dma source(%dma_start3A_75 : memref<10112x128xf32, #tpu.memory_space<hbm>>) target(%arg12 : memref<128x128xf32, #tpu.memory_space<vmem>>) offsets(%dma_start3A_72 : memref<128xi32, #tpu.memory_space<vmem>>) semaphore(%arg17 : memref<!tpu.dma_semaphore, #tpu.memory_space<semaphore_mem>>)
      %dma_start3A_76 = arith.constant 0 : i32
      %dma_start3A_77 = arith.constant 0 : i32
      %dma_start3A_78 = tpu.memref_slice %arg9[%dma_start3A_76, %dma_start3A_77] : memref<2x128xi32, #tpu.memory_space<vmem>> -> memref<1x128xi32, #tpu.memory_space<vmem>>
      %dma_start3A_79 = tpu.memref_squeeze %dma_start3A_78 : memref<1x128xi32, #tpu.memory_space<vmem>> -> memref<128xi32, #tpu.memory_space<vmem>>
      %dma_start3A_80 = arith.constant 0 : i32
      %dma_start3A_81 = arith.constant 0 : i32
      %dma_start3A_82 = tpu.memref_slice %arg13[%dma_start3A_80, %dma_start3A_81] : memref<10112x128xf32, #tpu.memory_space<vmem_shared>> -> memref<10112x128xf32, #tpu.memory_space<vmem_shared>>
      tpu.enqueue_indirect_dma source(%arg11 : memref<128x128xf32, #tpu.memory_space<vmem>>) target(%dma_start3A_82 : memref<10112x128xf32, #tpu.memory_space<vmem_shared>>) offsets(%dma_start3A_79 : memref<128xi32, #tpu.memory_space<vmem>>) semaphore(%arg18 : memref<!tpu.dma_semaphore, #tpu.memory_space<semaphore_mem>>) {add = true}
      %dma_wait3A_83 = arith.constant 0 : i32
      %dma_wait3A_84 = arith.constant 0 : i32
      %dma_wait3A_85 = tpu.memref_slice %arg7[%dma_wait3A_83, %dma_wait3A_84] : memref<2x128xi32, #tpu.memory_space<vmem>> -> memref<1x128xi32, #tpu.memory_space<vmem>>
      %dma_wait3A_86 = tpu.memref_squeeze %dma_wait3A_85 : memref<1x128xi32, #tpu.memory_space<vmem>> -> memref<128xi32, #tpu.memory_space<vmem>>
      %dma_wait3A_87 = arith.constant 0 : i32
      %dma_wait3A_88 = arith.constant 0 : i32
      %dma_wait3A_89 = tpu.memref_slice %arg2[%dma_wait3A_87, %dma_wait3A_88] : memref<10112x128xf32, #tpu.memory_space<hbm>> -> memref<10112x128xf32, #tpu.memory_space<hbm>>
      tpu.wait_indirect_dma semaphore(%arg17 : memref<!tpu.dma_semaphore, #tpu.memory_space<semaphore_mem>>) src(%dma_wait3A_89 : memref<10112x128xf32, #tpu.memory_space<hbm>>) dst(%arg12 : memref<128x128xf32, #tpu.memory_space<vmem>>)
      %dma_wait3A_90 = arith.constant 0 : i32
      %dma_wait3A_91 = arith.constant 0 : i32
      %dma_wait3A_92 = tpu.memref_slice %arg9[%dma_wait3A_90, %dma_wait3A_91] : memref<2x128xi32, #tpu.memory_space<vmem>> -> memref<1x128xi32, #tpu.memory_space<vmem>>
      %dma_wait3A_93 = tpu.memref_squeeze %dma_wait3A_92 : memref<1x128xi32, #tpu.memory_space<vmem>> -> memref<128xi32, #tpu.memory_space<vmem>>
      %dma_wait3A_94 = arith.constant 0 : i32
      %dma_wait3A_95 = arith.constant 0 : i32
      %dma_wait3A_96 = tpu.memref_slice %arg13[%dma_wait3A_94, %dma_wait3A_95] : memref<10112x128xf32, #tpu.memory_space<vmem_shared>> -> memref<10112x128xf32, #tpu.memory_space<vmem_shared>>
      tpu.wait_indirect_dma semaphore(%arg18 : memref<!tpu.dma_semaphore, #tpu.memory_space<semaphore_mem>>) src(%arg11 : memref<128x128xf32, #tpu.memory_space<vmem>>) dst(%dma_wait3A_96 : memref<10112x128xf32, #tpu.memory_space<vmem_shared>>)
      %add3A_97 = arith.constant 1 : i32
      %add3A_98 = arith.addi %mul3A_53, %add3A_97 : i32
      %lt3A_99 = arith.cmpi slt, %add3A_98, %select_n3A_10 : i32
      %convert_element_type3A_100 = arith.extui %lt3A_99 : i1 to i32
      %cond3A_101 = arith.constant 0 : i32
      %cond3A_102 = arith.cmpi ne, %convert_element_type3A_100, %cond3A_101 : i32
      scf.if %cond3A_102 {
        %dma_wait3A_173 = arith.constant 0 : i32
        %dma_wait3A_174 = arith.constant 0 : i32
        %dma_wait3A_175 = tpu.memref_slice %arg3[%dma_wait3A_173, %dma_wait3A_174] : memref<2560x128xi32, #tpu.memory_space<hbm>> -> memref<2x128xi32, #tpu.memory_space<hbm>>
        %dma_wait3A_176 = arith.constant 0 : i32
        %dma_wait3A_177 = arith.constant 0 : i32
        %dma_wait3A_178 = tpu.memref_slice %arg3[%dma_wait3A_176, %dma_wait3A_177] : memref<2560x128xi32, #tpu.memory_space<hbm>> -> memref<2x128xi32, #tpu.memory_space<hbm>>
        tpu.wait_dma2 semaphore(%arg15 : memref<!tpu.dma_semaphore, #tpu.memory_space<semaphore_mem>>) src(%dma_wait3A_178 : memref<2x128xi32, #tpu.memory_space<hbm>>) dst(%arg8 : memref<2x128xi32, #tpu.memory_space<vmem>>)
        %dma_wait3A_179 = arith.constant 0 : i32
        %dma_wait3A_180 = arith.constant 0 : i32
        %dma_wait3A_181 = tpu.memref_slice %arg4[%dma_wait3A_179, %dma_wait3A_180] : memref<2560x128xi32, #tpu.memory_space<hbm>> -> memref<2x128xi32, #tpu.memory_space<hbm>>
        %dma_wait3A_182 = arith.constant 0 : i32
        %dma_wait3A_183 = arith.constant 0 : i32
        %dma_wait3A_184 = tpu.memref_slice %arg4[%dma_wait3A_182, %dma_wait3A_183] : memref<2560x128xi32, #tpu.memory_space<hbm>> -> memref<2x128xi32, #tpu.memory_space<hbm>>
        tpu.wait_dma2 semaphore(%arg15 : memref<!tpu.dma_semaphore, #tpu.memory_space<semaphore_mem>>) src(%dma_wait3A_184 : memref<2x128xi32, #tpu.memory_space<hbm>>) dst(%arg10 : memref<2x128xi32, #tpu.memory_space<vmem>>)
        %dma_start3A_185 = arith.constant 0 : i32
        %dma_start3A_186 = arith.constant 0 : i32
        %dma_start3A_187 = tpu.memref_slice %arg8[%dma_start3A_185, %dma_start3A_186] : memref<2x128xi32, #tpu.memory_space<vmem>> -> memref<1x128xi32, #tpu.memory_space<vmem>>
        %dma_start3A_188 = tpu.memref_squeeze %dma_start3A_187 : memref<1x128xi32, #tpu.memory_space<vmem>> -> memref<128xi32, #tpu.memory_space<vmem>>
        %dma_start3A_189 = arith.constant 0 : i32
        %dma_start3A_190 = arith.constant 0 : i32
        %dma_start3A_191 = tpu.memref_slice %arg2[%dma_start3A_189, %dma_start3A_190] : memref<10112x128xf32, #tpu.memory_space<hbm>> -> memref<10112x128xf32, #tpu.memory_space<hbm>>
        tpu.enqueue_indirect_dma source(%dma_start3A_191 : memref<10112x128xf32, #tpu.memory_space<hbm>>) target(%arg11 : memref<128x128xf32, #tpu.memory_space<vmem>>) offsets(%dma_start3A_188 : memref<128xi32, #tpu.memory_space<vmem>>) semaphore(%arg16 : memref<!tpu.dma_semaphore, #tpu.memory_space<semaphore_mem>>)
      } else {
      }
      %dma_start3A_103 = arith.constant 1 : i32
      %dma_start3A_104 = arith.constant 0 : i32
      %dma_start3A_105 = tpu.memref_slice %arg9[%dma_start3A_103, %dma_start3A_104] : memref<2x128xi32, #tpu.memory_space<vmem>> -> memref<1x128xi32, #tpu.memory_space<vmem>>
      %dma_start3A_106 = tpu.memref_squeeze %dma_start3A_105 : memref<1x128xi32, #tpu.memory_space<vmem>> -> memref<128xi32, #tpu.memory_space<vmem>>
      %dma_start3A_107 = arith.constant 0 : i32
      %dma_start3A_108 = arith.constant 0 : i32
      %dma_start3A_109 = tpu.memref_slice %arg13[%dma_start3A_107, %dma_start3A_108] : memref<10112x128xf32, #tpu.memory_space<vmem_shared>> -> memref<10112x128xf32, #tpu.memory_space<vmem_shared>>
      tpu.enqueue_indirect_dma source(%arg12 : memref<128x128xf32, #tpu.memory_space<vmem>>) target(%dma_start3A_109 : memref<10112x128xf32, #tpu.memory_space<vmem_shared>>) offsets(%dma_start3A_106 : memref<128xi32, #tpu.memory_space<vmem>>) semaphore(%arg19 : memref<!tpu.dma_semaphore, #tpu.memory_space<semaphore_mem>>) {add = true}
      %mul3A_110 = arith.constant 2 : i32
      %mul3A_111 = arith.muli %mul3A_110, %while3A_51 : i32
      %add3A_112 = arith.constant 1 : i32
      %add3A_113 = arith.addi %mul3A_111, %add3A_112 : i32
      %dma_wait3A_114 = arith.constant 0 : i32
      %dma_wait3A_115 = arith.constant 0 : i32
      %dma_wait3A_116 = tpu.memref_slice %arg8[%dma_wait3A_114, %dma_wait3A_115] : memref<2x128xi32, #tpu.memory_space<vmem>> -> memref<1x128xi32, #tpu.memory_space<vmem>>
      %dma_wait3A_117 = tpu.memref_squeeze %dma_wait3A_116 : memref<1x128xi32, #tpu.memory_space<vmem>> -> memref<128xi32, #tpu.memory_space<vmem>>
      %dma_wait3A_118 = arith.constant 0 : i32
      %dma_wait3A_119 = arith.constant 0 : i32
      %dma_wait3A_120 = tpu.memref_slice %arg2[%dma_wait3A_118, %dma_wait3A_119] : memref<10112x128xf32, #tpu.memory_space<hbm>> -> memref<10112x128xf32, #tpu.memory_space<hbm>>
      tpu.wait_indirect_dma semaphore(%arg16 : memref<!tpu.dma_semaphore, #tpu.memory_space<semaphore_mem>>) src(%dma_wait3A_120 : memref<10112x128xf32, #tpu.memory_space<hbm>>) dst(%arg11 : memref<128x128xf32, #tpu.memory_space<vmem>>)
      %gt3A_121 = arith.constant 0 : i32
      %gt3A_122 = arith.cmpi sgt, %add3A_113, %gt3A_121 : i32
      %convert_element_type3A_123 = arith.extui %gt3A_122 : i1 to i32
      %cond3A_124 = arith.constant 0 : i32
      %cond3A_125 = arith.cmpi ne, %convert_element_type3A_123, %cond3A_124 : i32
      scf.if %cond3A_125 {
        %dma_wait3A_173 = arith.constant 0 : i32
        %dma_wait3A_174 = arith.constant 0 : i32
        %dma_wait3A_175 = tpu.memref_slice %arg9[%dma_wait3A_173, %dma_wait3A_174] : memref<2x128xi32, #tpu.memory_space<vmem>> -> memref<1x128xi32, #tpu.memory_space<vmem>>
        %dma_wait3A_176 = tpu.memref_squeeze %dma_wait3A_175 : memref<1x128xi32, #tpu.memory_space<vmem>> -> memref<128xi32, #tpu.memory_space<vmem>>
        %dma_wait3A_177 = arith.constant 0 : i32
        %dma_wait3A_178 = arith.constant 0 : i32
        %dma_wait3A_179 = tpu.memref_slice %arg13[%dma_wait3A_177, %dma_wait3A_178] : memref<10112x128xf32, #tpu.memory_space<vmem_shared>> -> memref<10112x128xf32, #tpu.memory_space<vmem_shared>>
        tpu.wait_indirect_dma semaphore(%arg19 : memref<!tpu.dma_semaphore, #tpu.memory_space<semaphore_mem>>) src(%arg12 : memref<128x128xf32, #tpu.memory_space<vmem>>) dst(%dma_wait3A_179 : memref<10112x128xf32, #tpu.memory_space<vmem_shared>>)
      } else {
      }
      %add3A_126 = arith.constant 1 : i32
      %add3A_127 = arith.addi %add3A_113, %add3A_126 : i32
      %lt3A_128 = arith.cmpi slt, %add3A_127, %select_n3A_10 : i32
      %convert_element_type3A_129 = arith.extui %lt3A_128 : i1 to i32
      %cond3A_130 = arith.constant 0 : i32
      %cond3A_131 = arith.cmpi ne, %convert_element_type3A_129, %cond3A_130 : i32
      scf.if %cond3A_131 {
        %add3A_173 = arith.constant 1 : i32
        %add3A_174 = arith.addi %add3A_113, %add3A_173 : i32
        %mul3A_175 = arith.constant 2 : i32
        %mul3A_176 = arith.muli %mul3A_175, %add3A_174 : i32
        %add3A_177 = arith.addi %select_n3A, %mul3A_176 : i32
        %dma_start3A_178 = arith.constant 0 : i32
        %dma_start3A_179 = tpu.memref_slice %arg3[%add3A_177, %dma_start3A_178] : memref<2560x128xi32, #tpu.memory_space<hbm>> -> memref<2x128xi32, #tpu.memory_space<hbm>>
        %dma_start3A_180 = arith.constant 0 : i32
        %dma_start3A_181 = tpu.memref_slice %arg3[%add3A_177, %dma_start3A_180] : memref<2560x128xi32, #tpu.memory_space<hbm>> -> memref<2x128xi32, #tpu.memory_space<hbm>>
        tpu.enqueue_dma source(%dma_start3A_181 : memref<2x128xi32, #tpu.memory_space<hbm>>) target(%arg7 : memref<2x128xi32, #tpu.memory_space<vmem>>) target_semaphore(%arg14 : memref<!tpu.dma_semaphore, #tpu.memory_space<semaphore_mem>>)
        %mul3A_182 = arith.constant 2 : i32
        %mul3A_183 = arith.muli %mul3A_182, %add3A_174 : i32
        %add3A_184 = arith.addi %select_n3A, %mul3A_183 : i32
        %dma_start3A_185 = arith.constant 0 : i32
        %dma_start3A_186 = tpu.memref_slice %arg4[%add3A_184, %dma_start3A_185] : memref<2560x128xi32, #tpu.memory_space<hbm>> -> memref<2x128xi32, #tpu.memory_space<hbm>>
        %dma_start3A_187 = arith.constant 0 : i32
        %dma_start3A_188 = tpu.memref_slice %arg4[%add3A_184, %dma_start3A_187] : memref<2560x128xi32, #tpu.memory_space<hbm>> -> memref<2x128xi32, #tpu.memory_space<hbm>>
        tpu.enqueue_dma source(%dma_start3A_188 : memref<2x128xi32, #tpu.memory_space<hbm>>) target(%arg9 : memref<2x128xi32, #tpu.memory_space<vmem>>) target_semaphore(%arg14 : memref<!tpu.dma_semaphore, #tpu.memory_space<semaphore_mem>>)
      } else {
      }
      %dma_start3A_132 = arith.constant 1 : i32
      %dma_start3A_133 = arith.constant 0 : i32
      %dma_start3A_134 = tpu.memref_slice %arg8[%dma_start3A_132, %dma_start3A_133] : memref<2x128xi32, #tpu.memory_space<vmem>> -> memref<1x128xi32, #tpu.memory_space<vmem>>
      %dma_start3A_135 = tpu.memref_squeeze %dma_start3A_134 : memref<1x128xi32, #tpu.memory_space<vmem>> -> memref<128xi32, #tpu.memory_space<vmem>>
      %dma_start3A_136 = arith.constant 0 : i32
      %dma_start3A_137 = arith.constant 0 : i32
      %dma_start3A_138 = tpu.memref_slice %arg2[%dma_start3A_136, %dma_start3A_137] : memref<10112x128xf32, #tpu.memory_space<hbm>> -> memref<10112x128xf32, #tpu.memory_space<hbm>>
      tpu.enqueue_indirect_dma source(%dma_start3A_138 : memref<10112x128xf32, #tpu.memory_space<hbm>>) target(%arg12 : memref<128x128xf32, #tpu.memory_space<vmem>>) offsets(%dma_start3A_135 : memref<128xi32, #tpu.memory_space<vmem>>) semaphore(%arg17 : memref<!tpu.dma_semaphore, #tpu.memory_space<semaphore_mem>>)
      %dma_start3A_139 = arith.constant 0 : i32
      %dma_start3A_140 = arith.constant 0 : i32
      %dma_start3A_141 = tpu.memref_slice %arg10[%dma_start3A_139, %dma_start3A_140] : memref<2x128xi32, #tpu.memory_space<vmem>> -> memref<1x128xi32, #tpu.memory_space<vmem>>
      %dma_start3A_142 = tpu.memref_squeeze %dma_start3A_141 : memref<1x128xi32, #tpu.memory_space<vmem>> -> memref<128xi32, #tpu.memory_space<vmem>>
      %dma_start3A_143 = arith.constant 0 : i32
      %dma_start3A_144 = arith.constant 0 : i32
      %dma_start3A_145 = tpu.memref_slice %arg13[%dma_start3A_143, %dma_start3A_144] : memref<10112x128xf32, #tpu.memory_space<vmem_shared>> -> memref<10112x128xf32, #tpu.memory_space<vmem_shared>>
      tpu.enqueue_indirect_dma source(%arg11 : memref<128x128xf32, #tpu.memory_space<vmem>>) target(%dma_start3A_145 : memref<10112x128xf32, #tpu.memory_space<vmem_shared>>) offsets(%dma_start3A_142 : memref<128xi32, #tpu.memory_space<vmem>>) semaphore(%arg18 : memref<!tpu.dma_semaphore, #tpu.memory_space<semaphore_mem>>) {add = true}
      %dma_wait3A_146 = arith.constant 0 : i32
      %dma_wait3A_147 = arith.constant 0 : i32
      %dma_wait3A_148 = tpu.memref_slice %arg8[%dma_wait3A_146, %dma_wait3A_147] : memref<2x128xi32, #tpu.memory_space<vmem>> -> memref<1x128xi32, #tpu.memory_space<vmem>>
      %dma_wait3A_149 = tpu.memref_squeeze %dma_wait3A_148 : memref<1x128xi32, #tpu.memory_space<vmem>> -> memref<128xi32, #tpu.memory_space<vmem>>
      %dma_wait3A_150 = arith.constant 0 : i32
      %dma_wait3A_151 = arith.constant 0 : i32
      %dma_wait3A_152 = tpu.memref_slice %arg2[%dma_wait3A_150, %dma_wait3A_151] : memref<10112x128xf32, #tpu.memory_space<hbm>> -> memref<10112x128xf32, #tpu.memory_space<hbm>>
      tpu.wait_indirect_dma semaphore(%arg17 : memref<!tpu.dma_semaphore, #tpu.memory_space<semaphore_mem>>) src(%dma_wait3A_152 : memref<10112x128xf32, #tpu.memory_space<hbm>>) dst(%arg12 : memref<128x128xf32, #tpu.memory_space<vmem>>)
      %dma_wait3A_153 = arith.constant 0 : i32
      %dma_wait3A_154 = arith.constant 0 : i32
      %dma_wait3A_155 = tpu.memref_slice %arg10[%dma_wait3A_153, %dma_wait3A_154] : memref<2x128xi32, #tpu.memory_space<vmem>> -> memref<1x128xi32, #tpu.memory_space<vmem>>
      %dma_wait3A_156 = tpu.memref_squeeze %dma_wait3A_155 : memref<1x128xi32, #tpu.memory_space<vmem>> -> memref<128xi32, #tpu.memory_space<vmem>>
      %dma_wait3A_157 = arith.constant 0 : i32
      %dma_wait3A_158 = arith.constant 0 : i32
      %dma_wait3A_159 = tpu.memref_slice %arg13[%dma_wait3A_157, %dma_wait3A_158] : memref<10112x128xf32, #tpu.memory_space<vmem_shared>> -> memref<10112x128xf32, #tpu.memory_space<vmem_shared>>
      tpu.wait_indirect_dma semaphore(%arg18 : memref<!tpu.dma_semaphore, #tpu.memory_space<semaphore_mem>>) src(%arg11 : memref<128x128xf32, #tpu.memory_space<vmem>>) dst(%dma_wait3A_159 : memref<10112x128xf32, #tpu.memory_space<vmem_shared>>)
      %add3A_160 = arith.constant 1 : i32
      %add3A_161 = arith.addi %add3A_113, %add3A_160 : i32
      %lt3A_162 = arith.cmpi slt, %add3A_161, %select_n3A_10 : i32
      %convert_element_type3A_163 = arith.extui %lt3A_162 : i1 to i32
      %cond3A_164 = arith.constant 0 : i32
      %cond3A_165 = arith.cmpi ne, %convert_element_type3A_163, %cond3A_164 : i32
      scf.if %cond3A_165 {
        %dma_wait3A_173 = arith.constant 0 : i32
        %dma_wait3A_174 = arith.constant 0 : i32
        %dma_wait3A_175 = tpu.memref_slice %arg3[%dma_wait3A_173, %dma_wait3A_174] : memref<2560x128xi32, #tpu.memory_space<hbm>> -> memref<2x128xi32, #tpu.memory_space<hbm>>
        %dma_wait3A_176 = arith.constant 0 : i32
        %dma_wait3A_177 = arith.constant 0 : i32
        %dma_wait3A_178 = tpu.memref_slice %arg3[%dma_wait3A_176, %dma_wait3A_177] : memref<2560x128xi32, #tpu.memory_space<hbm>> -> memref<2x128xi32, #tpu.memory_space<hbm>>
        tpu.wait_dma2 semaphore(%arg14 : memref<!tpu.dma_semaphore, #tpu.memory_space<semaphore_mem>>) src(%dma_wait3A_178 : memref<2x128xi32, #tpu.memory_space<hbm>>) dst(%arg7 : memref<2x128xi32, #tpu.memory_space<vmem>>)
        %dma_wait3A_179 = arith.constant 0 : i32
        %dma_wait3A_180 = arith.constant 0 : i32
        %dma_wait3A_181 = tpu.memref_slice %arg4[%dma_wait3A_179, %dma_wait3A_180] : memref<2560x128xi32, #tpu.memory_space<hbm>> -> memref<2x128xi32, #tpu.memory_space<hbm>>
        %dma_wait3A_182 = arith.constant 0 : i32
        %dma_wait3A_183 = arith.constant 0 : i32
        %dma_wait3A_184 = tpu.memref_slice %arg4[%dma_wait3A_182, %dma_wait3A_183] : memref<2560x128xi32, #tpu.memory_space<hbm>> -> memref<2x128xi32, #tpu.memory_space<hbm>>
        tpu.wait_dma2 semaphore(%arg14 : memref<!tpu.dma_semaphore, #tpu.memory_space<semaphore_mem>>) src(%dma_wait3A_184 : memref<2x128xi32, #tpu.memory_space<hbm>>) dst(%arg9 : memref<2x128xi32, #tpu.memory_space<vmem>>)
        %dma_start3A_185 = arith.constant 0 : i32
        %dma_start3A_186 = arith.constant 0 : i32
        %dma_start3A_187 = tpu.memref_slice %arg7[%dma_start3A_185, %dma_start3A_186] : memref<2x128xi32, #tpu.memory_space<vmem>> -> memref<1x128xi32, #tpu.memory_space<vmem>>
        %dma_start3A_188 = tpu.memref_squeeze %dma_start3A_187 : memref<1x128xi32, #tpu.memory_space<vmem>> -> memref<128xi32, #tpu.memory_space<vmem>>
        %dma_start3A_189 = arith.constant 0 : i32
        %dma_start3A_190 = arith.constant 0 : i32
        %dma_start3A_191 = tpu.memref_slice %arg2[%dma_start3A_189, %dma_start3A_190] : memref<10112x128xf32, #tpu.memory_space<hbm>> -> memref<10112x128xf32, #tpu.memory_space<hbm>>
        tpu.enqueue_indirect_dma source(%dma_start3A_191 : memref<10112x128xf32, #tpu.memory_space<hbm>>) target(%arg11 : memref<128x128xf32, #tpu.memory_space<vmem>>) offsets(%dma_start3A_188 : memref<128xi32, #tpu.memory_space<vmem>>) semaphore(%arg16 : memref<!tpu.dma_semaphore, #tpu.memory_space<semaphore_mem>>)
      } else {
      }
      %dma_start3A_166 = arith.constant 1 : i32
      %dma_start3A_167 = arith.constant 0 : i32
      %dma_start3A_168 = tpu.memref_slice %arg10[%dma_start3A_166, %dma_start3A_167] : memref<2x128xi32, #tpu.memory_space<vmem>> -> memref<1x128xi32, #tpu.memory_space<vmem>>
      %dma_start3A_169 = tpu.memref_squeeze %dma_start3A_168 : memref<1x128xi32, #tpu.memory_space<vmem>> -> memref<128xi32, #tpu.memory_space<vmem>>
      %dma_start3A_170 = arith.constant 0 : i32
      %dma_start3A_171 = arith.constant 0 : i32
      %dma_start3A_172 = tpu.memref_slice %arg13[%dma_start3A_170, %dma_start3A_171] : memref<10112x128xf32, #tpu.memory_space<vmem_shared>> -> memref<10112x128xf32, #tpu.memory_space<vmem_shared>>
      tpu.enqueue_indirect_dma source(%arg12 : memref<128x128xf32, #tpu.memory_space<vmem>>) target(%dma_start3A_172 : memref<10112x128xf32, #tpu.memory_space<vmem_shared>>) offsets(%dma_start3A_169 : memref<128xi32, #tpu.memory_space<vmem>>) semaphore(%arg19 : memref<!tpu.dma_semaphore, #tpu.memory_space<semaphore_mem>>) {add = true}
    }
    %while3A_44 = arith.constant 1 : i32
    scf.for %while3A_51 = %while3A_42 to %while3A_38 step %while3A_44  : i32 {
      %mul3A_52 = arith.constant 2 : i32
      %mul3A_53 = arith.muli %mul3A_52, %while3A_51 : i32
      %dma_wait3A = arith.constant 0 : i32
      %dma_wait3A_54 = arith.constant 0 : i32
      %dma_wait3A_55 = tpu.memref_slice %arg7[%dma_wait3A, %dma_wait3A_54] : memref<2x128xi32, #tpu.memory_space<vmem>> -> memref<1x128xi32, #tpu.memory_space<vmem>>
      %dma_wait3A_56 = tpu.memref_squeeze %dma_wait3A_55 : memref<1x128xi32, #tpu.memory_space<vmem>> -> memref<128xi32, #tpu.memory_space<vmem>>
      %dma_wait3A_57 = arith.constant 0 : i32
      %dma_wait3A_58 = arith.constant 0 : i32
      %dma_wait3A_59 = tpu.memref_slice %arg2[%dma_wait3A_57, %dma_wait3A_58] : memref<10112x128xf32, #tpu.memory_space<hbm>> -> memref<10112x128xf32, #tpu.memory_space<hbm>>
      tpu.wait_indirect_dma semaphore(%arg16 : memref<!tpu.dma_semaphore, #tpu.memory_space<semaphore_mem>>) src(%dma_wait3A_59 : memref<10112x128xf32, #tpu.memory_space<hbm>>) dst(%arg11 : memref<128x128xf32, #tpu.memory_space<vmem>>)
      %gt3A_60 = arith.constant 0 : i32
      %gt3A_61 = arith.cmpi sgt, %mul3A_53, %gt3A_60 : i32
      %convert_element_type3A_62 = arith.extui %gt3A_61 : i1 to i32
      %cond3A_63 = arith.constant 0 : i32
      %cond3A_64 = arith.cmpi ne, %convert_element_type3A_62, %cond3A_63 : i32
      scf.if %cond3A_64 {
        %dma_wait3A_173 = arith.constant 0 : i32
        %dma_wait3A_174 = arith.constant 0 : i32
        %dma_wait3A_175 = tpu.memref_slice %arg10[%dma_wait3A_173, %dma_wait3A_174] : memref<2x128xi32, #tpu.memory_space<vmem>> -> memref<1x128xi32, #tpu.memory_space<vmem>>
        %dma_wait3A_176 = tpu.memref_squeeze %dma_wait3A_175 : memref<1x128xi32, #tpu.memory_space<vmem>> -> memref<128xi32, #tpu.memory_space<vmem>>
        %dma_wait3A_177 = arith.constant 0 : i32
        %dma_wait3A_178 = arith.constant 0 : i32
        %dma_wait3A_179 = tpu.memref_slice %arg13[%dma_wait3A_177, %dma_wait3A_178] : memref<10112x128xf32, #tpu.memory_space<vmem_shared>> -> memref<10112x128xf32, #tpu.memory_space<vmem_shared>>
        tpu.wait_indirect_dma semaphore(%arg19 : memref<!tpu.dma_semaphore, #tpu.memory_space<semaphore_mem>>) src(%arg12 : memref<128x128xf32, #tpu.memory_space<vmem>>) dst(%dma_wait3A_179 : memref<10112x128xf32, #tpu.memory_space<vmem_shared>>)
      } else {
      }
      %add3A_65 = arith.constant 1 : i32
      %add3A_66 = arith.addi %mul3A_53, %add3A_65 : i32
      %lt3A = arith.cmpi slt, %add3A_66, %select_n3A_10 : i32
      %convert_element_type3A_67 = arith.extui %lt3A : i1 to i32
      %cond3A_68 = arith.constant 0 : i32
      %cond3A_69 = arith.cmpi ne, %convert_element_type3A_67, %cond3A_68 : i32
      scf.if %cond3A_69 {
        %add3A_173 = arith.constant 1 : i32
        %add3A_174 = arith.addi %mul3A_53, %add3A_173 : i32
        %mul3A_175 = arith.constant 2 : i32
        %mul3A_176 = arith.muli %mul3A_175, %add3A_174 : i32
        %add3A_177 = arith.addi %select_n3A, %mul3A_176 : i32
        %dma_start3A_178 = arith.constant 0 : i32
        %dma_start3A_179 = tpu.memref_slice %arg3[%add3A_177, %dma_start3A_178] : memref<2560x128xi32, #tpu.memory_space<hbm>> -> memref<2x128xi32, #tpu.memory_space<hbm>>
        %dma_start3A_180 = arith.constant 0 : i32
        %dma_start3A_181 = tpu.memref_slice %arg3[%add3A_177, %dma_start3A_180] : memref<2560x128xi32, #tpu.memory_space<hbm>> -> memref<2x128xi32, #tpu.memory_space<hbm>>
        tpu.enqueue_dma source(%dma_start3A_181 : memref<2x128xi32, #tpu.memory_space<hbm>>) target(%arg8 : memref<2x128xi32, #tpu.memory_space<vmem>>) target_semaphore(%arg15 : memref<!tpu.dma_semaphore, #tpu.memory_space<semaphore_mem>>)
        %mul3A_182 = arith.constant 2 : i32
        %mul3A_183 = arith.muli %mul3A_182, %add3A_174 : i32
        %add3A_184 = arith.addi %select_n3A, %mul3A_183 : i32
        %dma_start3A_185 = arith.constant 0 : i32
        %dma_start3A_186 = tpu.memref_slice %arg4[%add3A_184, %dma_start3A_185] : memref<2560x128xi32, #tpu.memory_space<hbm>> -> memref<2x128xi32, #tpu.memory_space<hbm>>
        %dma_start3A_187 = arith.constant 0 : i32
        %dma_start3A_188 = tpu.memref_slice %arg4[%add3A_184, %dma_start3A_187] : memref<2560x128xi32, #tpu.memory_space<hbm>> -> memref<2x128xi32, #tpu.memory_space<hbm>>
        tpu.enqueue_dma source(%dma_start3A_188 : memref<2x128xi32, #tpu.memory_space<hbm>>) target(%arg10 : memref<2x128xi32, #tpu.memory_space<vmem>>) target_semaphore(%arg15 : memref<!tpu.dma_semaphore, #tpu.memory_space<semaphore_mem>>)
      } else {
      }
      %dma_start3A = arith.constant 1 : i32
      %dma_start3A_70 = arith.constant 0 : i32
      %dma_start3A_71 = tpu.memref_slice %arg7[%dma_start3A, %dma_start3A_70] : memref<2x128xi32, #tpu.memory_space<vmem>> -> memref<1x128xi32, #tpu.memory_space<vmem>>
      %dma_start3A_72 = tpu.memref_squeeze %dma_start3A_71 : memref<1x128xi32, #tpu.memory_space<vmem>> -> memref<128xi32, #tpu.memory_space<vmem>>
      %dma_start3A_73 = arith.constant 0 : i32
      %dma_start3A_74 = arith.constant 0 : i32
      %dma_start3A_75 = tpu.memref_slice %arg2[%dma_start3A_73, %dma_start3A_74] : memref<10112x128xf32, #tpu.memory_space<hbm>> -> memref<10112x128xf32, #tpu.memory_space<hbm>>
      tpu.enqueue_indirect_dma source(%dma_start3A_75 : memref<10112x128xf32, #tpu.memory_space<hbm>>) target(%arg12 : memref<128x128xf32, #tpu.memory_space<vmem>>) offsets(%dma_start3A_72 : memref<128xi32, #tpu.memory_space<vmem>>) semaphore(%arg17 : memref<!tpu.dma_semaphore, #tpu.memory_space<semaphore_mem>>)
      %dma_start3A_76 = arith.constant 0 : i32
      %dma_start3A_77 = arith.constant 0 : i32
      %dma_start3A_78 = tpu.memref_slice %arg9[%dma_start3A_76, %dma_start3A_77] : memref<2x128xi32, #tpu.memory_space<vmem>> -> memref<1x128xi32, #tpu.memory_space<vmem>>
      %dma_start3A_79 = tpu.memref_squeeze %dma_start3A_78 : memref<1x128xi32, #tpu.memory_space<vmem>> -> memref<128xi32, #tpu.memory_space<vmem>>
      %dma_start3A_80 = arith.constant 0 : i32
      %dma_start3A_81 = arith.constant 0 : i32
      %dma_start3A_82 = tpu.memref_slice %arg13[%dma_start3A_80, %dma_start3A_81] : memref<10112x128xf32, #tpu.memory_space<vmem_shared>> -> memref<10112x128xf32, #tpu.memory_space<vmem_shared>>
      tpu.enqueue_indirect_dma source(%arg11 : memref<128x128xf32, #tpu.memory_space<vmem>>) target(%dma_start3A_82 : memref<10112x128xf32, #tpu.memory_space<vmem_shared>>) offsets(%dma_start3A_79 : memref<128xi32, #tpu.memory_space<vmem>>) semaphore(%arg18 : memref<!tpu.dma_semaphore, #tpu.memory_space<semaphore_mem>>) {add = true}
      %dma_wait3A_83 = arith.constant 0 : i32
      %dma_wait3A_84 = arith.constant 0 : i32
      %dma_wait3A_85 = tpu.memref_slice %arg7[%dma_wait3A_83, %dma_wait3A_84] : memref<2x128xi32, #tpu.memory_space<vmem>> -> memref<1x128xi32, #tpu.memory_space<vmem>>
      %dma_wait3A_86 = tpu.memref_squeeze %dma_wait3A_85 : memref<1x128xi32, #tpu.memory_space<vmem>> -> memref<128xi32, #tpu.memory_space<vmem>>
      %dma_wait3A_87 = arith.constant 0 : i32
      %dma_wait3A_88 = arith.constant 0 : i32
      %dma_wait3A_89 = tpu.memref_slice %arg2[%dma_wait3A_87, %dma_wait3A_88] : memref<10112x128xf32, #tpu.memory_space<hbm>> -> memref<10112x128xf32, #tpu.memory_space<hbm>>
      tpu.wait_indirect_dma semaphore(%arg17 : memref<!tpu.dma_semaphore, #tpu.memory_space<semaphore_mem>>) src(%dma_wait3A_89 : memref<10112x128xf32, #tpu.memory_space<hbm>>) dst(%arg12 : memref<128x128xf32, #tpu.memory_space<vmem>>)
      %dma_wait3A_90 = arith.constant 0 : i32
      %dma_wait3A_91 = arith.constant 0 : i32
      %dma_wait3A_92 = tpu.memref_slice %arg9[%dma_wait3A_90, %dma_wait3A_91] : memref<2x128xi32, #tpu.memory_space<vmem>> -> memref<1x128xi32, #tpu.memory_space<vmem>>
      %dma_wait3A_93 = tpu.memref_squeeze %dma_wait3A_92 : memref<1x128xi32, #tpu.memory_space<vmem>> -> memref<128xi32, #tpu.memory_space<vmem>>
      %dma_wait3A_94 = arith.constant 0 : i32
      %dma_wait3A_95 = arith.constant 0 : i32
      %dma_wait3A_96 = tpu.memref_slice %arg13[%dma_wait3A_94, %dma_wait3A_95] : memref<10112x128xf32, #tpu.memory_space<vmem_shared>> -> memref<10112x128xf32, #tpu.memory_space<vmem_shared>>
      tpu.wait_indirect_dma semaphore(%arg18 : memref<!tpu.dma_semaphore, #tpu.memory_space<semaphore_mem>>) src(%arg11 : memref<128x128xf32, #tpu.memory_space<vmem>>) dst(%dma_wait3A_96 : memref<10112x128xf32, #tpu.memory_space<vmem_shared>>)
      %add3A_97 = arith.constant 1 : i32
      %add3A_98 = arith.addi %mul3A_53, %add3A_97 : i32
      %lt3A_99 = arith.cmpi slt, %add3A_98, %select_n3A_10 : i32
      %convert_element_type3A_100 = arith.extui %lt3A_99 : i1 to i32
      %cond3A_101 = arith.constant 0 : i32
      %cond3A_102 = arith.cmpi ne, %convert_element_type3A_100, %cond3A_101 : i32
      scf.if %cond3A_102 {
        %dma_wait3A_173 = arith.constant 0 : i32
        %dma_wait3A_174 = arith.constant 0 : i32
        %dma_wait3A_175 = tpu.memref_slice %arg3[%dma_wait3A_173, %dma_wait3A_174] : memref<2560x128xi32, #tpu.memory_space<hbm>> -> memref<2x128xi32, #tpu.memory_space<hbm>>
        %dma_wait3A_176 = arith.constant 0 : i32
        %dma_wait3A_177 = arith.constant 0 : i32
        %dma_wait3A_178 = tpu.memref_slice %arg3[%dma_wait3A_176, %dma_wait3A_177] : memref<2560x128xi32, #tpu.memory_space<hbm>> -> memref<2x128xi32, #tpu.memory_space<hbm>>
        tpu.wait_dma2 semaphore(%arg15 : memref<!tpu.dma_semaphore, #tpu.memory_space<semaphore_mem>>) src(%dma_wait3A_178 : memref<2x128xi32, #tpu.memory_space<hbm>>) dst(%arg8 : memref<2x128xi32, #tpu.memory_space<vmem>>)
        %dma_wait3A_179 = arith.constant 0 : i32
        %dma_wait3A_180 = arith.constant 0 : i32
        %dma_wait3A_181 = tpu.memref_slice %arg4[%dma_wait3A_179, %dma_wait3A_180] : memref<2560x128xi32, #tpu.memory_space<hbm>> -> memref<2x128xi32, #tpu.memory_space<hbm>>
        %dma_wait3A_182 = arith.constant 0 : i32
        %dma_wait3A_183 = arith.constant 0 : i32
        %dma_wait3A_184 = tpu.memref_slice %arg4[%dma_wait3A_182, %dma_wait3A_183] : memref<2560x128xi32, #tpu.memory_space<hbm>> -> memref<2x128xi32, #tpu.memory_space<hbm>>
        tpu.wait_dma2 semaphore(%arg15 : memref<!tpu.dma_semaphore, #tpu.memory_space<semaphore_mem>>) src(%dma_wait3A_184 : memref<2x128xi32, #tpu.memory_space<hbm>>) dst(%arg10 : memref<2x128xi32, #tpu.memory_space<vmem>>)
        %dma_start3A_185 = arith.constant 0 : i32
        %dma_start3A_186 = arith.constant 0 : i32
        %dma_start3A_187 = tpu.memref_slice %arg8[%dma_start3A_185, %dma_start3A_186] : memref<2x128xi32, #tpu.memory_space<vmem>> -> memref<1x128xi32, #tpu.memory_space<vmem>>
        %dma_start3A_188 = tpu.memref_squeeze %dma_start3A_187 : memref<1x128xi32, #tpu.memory_space<vmem>> -> memref<128xi32, #tpu.memory_space<vmem>>
        %dma_start3A_189 = arith.constant 0 : i32
        %dma_start3A_190 = arith.constant 0 : i32
        %dma_start3A_191 = tpu.memref_slice %arg2[%dma_start3A_189, %dma_start3A_190] : memref<10112x128xf32, #tpu.memory_space<hbm>> -> memref<10112x128xf32, #tpu.memory_space<hbm>>
        tpu.enqueue_indirect_dma source(%dma_start3A_191 : memref<10112x128xf32, #tpu.memory_space<hbm>>) target(%arg11 : memref<128x128xf32, #tpu.memory_space<vmem>>) offsets(%dma_start3A_188 : memref<128xi32, #tpu.memory_space<vmem>>) semaphore(%arg16 : memref<!tpu.dma_semaphore, #tpu.memory_space<semaphore_mem>>)
      } else {
      }
      %dma_start3A_103 = arith.constant 1 : i32
      %dma_start3A_104 = arith.constant 0 : i32
      %dma_start3A_105 = tpu.memref_slice %arg9[%dma_start3A_103, %dma_start3A_104] : memref<2x128xi32, #tpu.memory_space<vmem>> -> memref<1x128xi32, #tpu.memory_space<vmem>>
      %dma_start3A_106 = tpu.memref_squeeze %dma_start3A_105 : memref<1x128xi32, #tpu.memory_space<vmem>> -> memref<128xi32, #tpu.memory_space<vmem>>
      %dma_start3A_107 = arith.constant 0 : i32
      %dma_start3A_108 = arith.constant 0 : i32
      %dma_start3A_109 = tpu.memref_slice %arg13[%dma_start3A_107, %dma_start3A_108] : memref<10112x128xf32, #tpu.memory_space<vmem_shared>> -> memref<10112x128xf32, #tpu.memory_space<vmem_shared>>
      tpu.enqueue_indirect_dma source(%arg12 : memref<128x128xf32, #tpu.memory_space<vmem>>) target(%dma_start3A_109 : memref<10112x128xf32, #tpu.memory_space<vmem_shared>>) offsets(%dma_start3A_106 : memref<128xi32, #tpu.memory_space<vmem>>) semaphore(%arg19 : memref<!tpu.dma_semaphore, #tpu.memory_space<semaphore_mem>>) {add = true}
      %mul3A_110 = arith.constant 2 : i32
      %mul3A_111 = arith.muli %mul3A_110, %while3A_51 : i32
      %add3A_112 = arith.constant 1 : i32
      %add3A_113 = arith.addi %mul3A_111, %add3A_112 : i32
      %dma_wait3A_114 = arith.constant 0 : i32
      %dma_wait3A_115 = arith.constant 0 : i32
      %dma_wait3A_116 = tpu.memref_slice %arg8[%dma_wait3A_114, %dma_wait3A_115] : memref<2x128xi32, #tpu.memory_space<vmem>> -> memref<1x128xi32, #tpu.memory_space<vmem>>
      %dma_wait3A_117 = tpu.memref_squeeze %dma_wait3A_116 : memref<1x128xi32, #tpu.memory_space<vmem>> -> memref<128xi32, #tpu.memory_space<vmem>>
      %dma_wait3A_118 = arith.constant 0 : i32
      %dma_wait3A_119 = arith.constant 0 : i32
      %dma_wait3A_120 = tpu.memref_slice %arg2[%dma_wait3A_118, %dma_wait3A_119] : memref<10112x128xf32, #tpu.memory_space<hbm>> -> memref<10112x128xf32, #tpu.memory_space<hbm>>
      tpu.wait_indirect_dma semaphore(%arg16 : memref<!tpu.dma_semaphore, #tpu.memory_space<semaphore_mem>>) src(%dma_wait3A_120 : memref<10112x128xf32, #tpu.memory_space<hbm>>) dst(%arg11 : memref<128x128xf32, #tpu.memory_space<vmem>>)
      %gt3A_121 = arith.constant 0 : i32
      %gt3A_122 = arith.cmpi sgt, %add3A_113, %gt3A_121 : i32
      %convert_element_type3A_123 = arith.extui %gt3A_122 : i1 to i32
      %cond3A_124 = arith.constant 0 : i32
      %cond3A_125 = arith.cmpi ne, %convert_element_type3A_123, %cond3A_124 : i32
      scf.if %cond3A_125 {
        %dma_wait3A_173 = arith.constant 0 : i32
        %dma_wait3A_174 = arith.constant 0 : i32
        %dma_wait3A_175 = tpu.memref_slice %arg9[%dma_wait3A_173, %dma_wait3A_174] : memref<2x128xi32, #tpu.memory_space<vmem>> -> memref<1x128xi32, #tpu.memory_space<vmem>>
        %dma_wait3A_176 = tpu.memref_squeeze %dma_wait3A_175 : memref<1x128xi32, #tpu.memory_space<vmem>> -> memref<128xi32, #tpu.memory_space<vmem>>
        %dma_wait3A_177 = arith.constant 0 : i32
        %dma_wait3A_178 = arith.constant 0 : i32
        %dma_wait3A_179 = tpu.memref_slice %arg13[%dma_wait3A_177, %dma_wait3A_178] : memref<10112x128xf32, #tpu.memory_space<vmem_shared>> -> memref<10112x128xf32, #tpu.memory_space<vmem_shared>>
        tpu.wait_indirect_dma semaphore(%arg19 : memref<!tpu.dma_semaphore, #tpu.memory_space<semaphore_mem>>) src(%arg12 : memref<128x128xf32, #tpu.memory_space<vmem>>) dst(%dma_wait3A_179 : memref<10112x128xf32, #tpu.memory_space<vmem_shared>>)
      } else {
      }
      %add3A_126 = arith.constant 1 : i32
      %add3A_127 = arith.addi %add3A_113, %add3A_126 : i32
      %lt3A_128 = arith.cmpi slt, %add3A_127, %select_n3A_10 : i32
      %convert_element_type3A_129 = arith.extui %lt3A_128 : i1 to i32
      %cond3A_130 = arith.constant 0 : i32
      %cond3A_131 = arith.cmpi ne, %convert_element_type3A_129, %cond3A_130 : i32
      scf.if %cond3A_131 {
        %add3A_173 = arith.constant 1 : i32
        %add3A_174 = arith.addi %add3A_113, %add3A_173 : i32
        %mul3A_175 = arith.constant 2 : i32
        %mul3A_176 = arith.muli %mul3A_175, %add3A_174 : i32
        %add3A_177 = arith.addi %select_n3A, %mul3A_176 : i32
        %dma_start3A_178 = arith.constant 0 : i32
        %dma_start3A_179 = tpu.memref_slice %arg3[%add3A_177, %dma_start3A_178] : memref<2560x128xi32, #tpu.memory_space<hbm>> -> memref<2x128xi32, #tpu.memory_space<hbm>>
        %dma_start3A_180 = arith.constant 0 : i32
        %dma_start3A_181 = tpu.memref_slice %arg3[%add3A_177, %dma_start3A_180] : memref<2560x128xi32, #tpu.memory_space<hbm>> -> memref<2x128xi32, #tpu.memory_space<hbm>>
        tpu.enqueue_dma source(%dma_start3A_181 : memref<2x128xi32, #tpu.memory_space<hbm>>) target(%arg7 : memref<2x128xi32, #tpu.memory_space<vmem>>) target_semaphore(%arg14 : memref<!tpu.dma_semaphore, #tpu.memory_space<semaphore_mem>>)
        %mul3A_182 = arith.constant 2 : i32
        %mul3A_183 = arith.muli %mul3A_182, %add3A_174 : i32
        %add3A_184 = arith.addi %select_n3A, %mul3A_183 : i32
        %dma_start3A_185 = arith.constant 0 : i32
        %dma_start3A_186 = tpu.memref_slice %arg4[%add3A_184, %dma_start3A_185] : memref<2560x128xi32, #tpu.memory_space<hbm>> -> memref<2x128xi32, #tpu.memory_space<hbm>>
        %dma_start3A_187 = arith.constant 0 : i32
        %dma_start3A_188 = tpu.memref_slice %arg4[%add3A_184, %dma_start3A_187] : memref<2560x128xi32, #tpu.memory_space<hbm>> -> memref<2x128xi32, #tpu.memory_space<hbm>>
        tpu.enqueue_dma source(%dma_start3A_188 : memref<2x128xi32, #tpu.memory_space<hbm>>) target(%arg9 : memref<2x128xi32, #tpu.memory_space<vmem>>) target_semaphore(%arg14 : memref<!tpu.dma_semaphore, #tpu.memory_space<semaphore_mem>>)
      } else {
      }
      %dma_start3A_132 = arith.constant 1 : i32
      %dma_start3A_133 = arith.constant 0 : i32
      %dma_start3A_134 = tpu.memref_slice %arg8[%dma_start3A_132, %dma_start3A_133] : memref<2x128xi32, #tpu.memory_space<vmem>> -> memref<1x128xi32, #tpu.memory_space<vmem>>
      %dma_start3A_135 = tpu.memref_squeeze %dma_start3A_134 : memref<1x128xi32, #tpu.memory_space<vmem>> -> memref<128xi32, #tpu.memory_space<vmem>>
      %dma_start3A_136 = arith.constant 0 : i32
      %dma_start3A_137 = arith.constant 0 : i32
      %dma_start3A_138 = tpu.memref_slice %arg2[%dma_start3A_136, %dma_start3A_137] : memref<10112x128xf32, #tpu.memory_space<hbm>> -> memref<10112x128xf32, #tpu.memory_space<hbm>>
      tpu.enqueue_indirect_dma source(%dma_start3A_138 : memref<10112x128xf32, #tpu.memory_space<hbm>>) target(%arg12 : memref<128x128xf32, #tpu.memory_space<vmem>>) offsets(%dma_start3A_135 : memref<128xi32, #tpu.memory_space<vmem>>) semaphore(%arg17 : memref<!tpu.dma_semaphore, #tpu.memory_space<semaphore_mem>>)
      %dma_start3A_139 = arith.constant 0 : i32
      %dma_start3A_140 = arith.constant 0 : i32
      %dma_start3A_141 = tpu.memref_slice %arg10[%dma_start3A_139, %dma_start3A_140] : memref<2x128xi32, #tpu.memory_space<vmem>> -> memref<1x128xi32, #tpu.memory_space<vmem>>
      %dma_start3A_142 = tpu.memref_squeeze %dma_start3A_141 : memref<1x128xi32, #tpu.memory_space<vmem>> -> memref<128xi32, #tpu.memory_space<vmem>>
      %dma_start3A_143 = arith.constant 0 : i32
      %dma_start3A_144 = arith.constant 0 : i32
      %dma_start3A_145 = tpu.memref_slice %arg13[%dma_start3A_143, %dma_start3A_144] : memref<10112x128xf32, #tpu.memory_space<vmem_shared>> -> memref<10112x128xf32, #tpu.memory_space<vmem_shared>>
      tpu.enqueue_indirect_dma source(%arg11 : memref<128x128xf32, #tpu.memory_space<vmem>>) target(%dma_start3A_145 : memref<10112x128xf32, #tpu.memory_space<vmem_shared>>) offsets(%dma_start3A_142 : memref<128xi32, #tpu.memory_space<vmem>>) semaphore(%arg18 : memref<!tpu.dma_semaphore, #tpu.memory_space<semaphore_mem>>) {add = true}
      %dma_wait3A_146 = arith.constant 0 : i32
      %dma_wait3A_147 = arith.constant 0 : i32
      %dma_wait3A_148 = tpu.memref_slice %arg8[%dma_wait3A_146, %dma_wait3A_147] : memref<2x128xi32, #tpu.memory_space<vmem>> -> memref<1x128xi32, #tpu.memory_space<vmem>>
      %dma_wait3A_149 = tpu.memref_squeeze %dma_wait3A_148 : memref<1x128xi32, #tpu.memory_space<vmem>> -> memref<128xi32, #tpu.memory_space<vmem>>
      %dma_wait3A_150 = arith.constant 0 : i32
      %dma_wait3A_151 = arith.constant 0 : i32
      %dma_wait3A_152 = tpu.memref_slice %arg2[%dma_wait3A_150, %dma_wait3A_151] : memref<10112x128xf32, #tpu.memory_space<hbm>> -> memref<10112x128xf32, #tpu.memory_space<hbm>>
      tpu.wait_indirect_dma semaphore(%arg17 : memref<!tpu.dma_semaphore, #tpu.memory_space<semaphore_mem>>) src(%dma_wait3A_152 : memref<10112x128xf32, #tpu.memory_space<hbm>>) dst(%arg12 : memref<128x128xf32, #tpu.memory_space<vmem>>)
      %dma_wait3A_153 = arith.constant 0 : i32
      %dma_wait3A_154 = arith.constant 0 : i32
      %dma_wait3A_155 = tpu.memref_slice %arg10[%dma_wait3A_153, %dma_wait3A_154] : memref<2x128xi32, #tpu.memory_space<vmem>> -> memref<1x128xi32, #tpu.memory_space<vmem>>
      %dma_wait3A_156 = tpu.memref_squeeze %dma_wait3A_155 : memref<1x128xi32, #tpu.memory_space<vmem>> -> memref<128xi32, #tpu.memory_space<vmem>>
      %dma_wait3A_157 = arith.constant 0 : i32
      %dma_wait3A_158 = arith.constant 0 : i32
      %dma_wait3A_159 = tpu.memref_slice %arg13[%dma_wait3A_157, %dma_wait3A_158] : memref<10112x128xf32, #tpu.memory_space<vmem_shared>> -> memref<10112x128xf32, #tpu.memory_space<vmem_shared>>
      tpu.wait_indirect_dma semaphore(%arg18 : memref<!tpu.dma_semaphore, #tpu.memory_space<semaphore_mem>>) src(%arg11 : memref<128x128xf32, #tpu.memory_space<vmem>>) dst(%dma_wait3A_159 : memref<10112x128xf32, #tpu.memory_space<vmem_shared>>)
      %add3A_160 = arith.constant 1 : i32
      %add3A_161 = arith.addi %add3A_113, %add3A_160 : i32
      %lt3A_162 = arith.cmpi slt, %add3A_161, %select_n3A_10 : i32
      %convert_element_type3A_163 = arith.extui %lt3A_162 : i1 to i32
      %cond3A_164 = arith.constant 0 : i32
      %cond3A_165 = arith.cmpi ne, %convert_element_type3A_163, %cond3A_164 : i32
      scf.if %cond3A_165 {
        %dma_wait3A_173 = arith.constant 0 : i32
        %dma_wait3A_174 = arith.constant 0 : i32
        %dma_wait3A_175 = tpu.memref_slice %arg3[%dma_wait3A_173, %dma_wait3A_174] : memref<2560x128xi32, #tpu.memory_space<hbm>> -> memref<2x128xi32, #tpu.memory_space<hbm>>
        %dma_wait3A_176 = arith.constant 0 : i32
        %dma_wait3A_177 = arith.constant 0 : i32
        %dma_wait3A_178 = tpu.memref_slice %arg3[%dma_wait3A_176, %dma_wait3A_177] : memref<2560x128xi32, #tpu.memory_space<hbm>> -> memref<2x128xi32, #tpu.memory_space<hbm>>
        tpu.wait_dma2 semaphore(%arg14 : memref<!tpu.dma_semaphore, #tpu.memory_space<semaphore_mem>>) src(%dma_wait3A_178 : memref<2x128xi32, #tpu.memory_space<hbm>>) dst(%arg7 : memref<2x128xi32, #tpu.memory_space<vmem>>)
        %dma_wait3A_179 = arith.constant 0 : i32
        %dma_wait3A_180 = arith.constant 0 : i32
        %dma_wait3A_181 = tpu.memref_slice %arg4[%dma_wait3A_179, %dma_wait3A_180] : memref<2560x128xi32, #tpu.memory_space<hbm>> -> memref<2x128xi32, #tpu.memory_space<hbm>>
        %dma_wait3A_182 = arith.constant 0 : i32
        %dma_wait3A_183 = arith.constant 0 : i32
        %dma_wait3A_184 = tpu.memref_slice %arg4[%dma_wait3A_182, %dma_wait3A_183] : memref<2560x128xi32, #tpu.memory_space<hbm>> -> memref<2x128xi32, #tpu.memory_space<hbm>>
        tpu.wait_dma2 semaphore(%arg14 : memref<!tpu.dma_semaphore, #tpu.memory_space<semaphore_mem>>) src(%dma_wait3A_184 : memref<2x128xi32, #tpu.memory_space<hbm>>) dst(%arg9 : memref<2x128xi32, #tpu.memory_space<vmem>>)
        %dma_start3A_185 = arith.constant 0 : i32
        %dma_start3A_186 = arith.constant 0 : i32
        %dma_start3A_187 = tpu.memref_slice %arg7[%dma_start3A_185, %dma_start3A_186] : memref<2x128xi32, #tpu.memory_space<vmem>> -> memref<1x128xi32, #tpu.memory_space<vmem>>
        %dma_start3A_188 = tpu.memref_squeeze %dma_start3A_187 : memref<1x128xi32, #tpu.memory_space<vmem>> -> memref<128xi32, #tpu.memory_space<vmem>>
        %dma_start3A_189 = arith.constant 0 : i32
        %dma_start3A_190 = arith.constant 0 : i32
        %dma_start3A_191 = tpu.memref_slice %arg2[%dma_start3A_189, %dma_start3A_190] : memref<10112x128xf32, #tpu.memory_space<hbm>> -> memref<10112x128xf32, #tpu.memory_space<hbm>>
        tpu.enqueue_indirect_dma source(%dma_start3A_191 : memref<10112x128xf32, #tpu.memory_space<hbm>>) target(%arg11 : memref<128x128xf32, #tpu.memory_space<vmem>>) offsets(%dma_start3A_188 : memref<128xi32, #tpu.memory_space<vmem>>) semaphore(%arg16 : memref<!tpu.dma_semaphore, #tpu.memory_space<semaphore_mem>>)
      } else {
      }
      %dma_start3A_166 = arith.constant 1 : i32
      %dma_start3A_167 = arith.constant 0 : i32
      %dma_start3A_168 = tpu.memref_slice %arg10[%dma_start3A_166, %dma_start3A_167] : memref<2x128xi32, #tpu.memory_space<vmem>> -> memref<1x128xi32, #tpu.memory_space<vmem>>
      %dma_start3A_169 = tpu.memref_squeeze %dma_start3A_168 : memref<1x128xi32, #tpu.memory_space<vmem>> -> memref<128xi32, #tpu.memory_space<vmem>>
      %dma_start3A_170 = arith.constant 0 : i32
      %dma_start3A_171 = arith.constant 0 : i32
      %dma_start3A_172 = tpu.memref_slice %arg13[%dma_start3A_170, %dma_start3A_171] : memref<10112x128xf32, #tpu.memory_space<vmem_shared>> -> memref<10112x128xf32, #tpu.memory_space<vmem_shared>>
      tpu.enqueue_indirect_dma source(%arg12 : memref<128x128xf32, #tpu.memory_space<vmem>>) target(%dma_start3A_172 : memref<10112x128xf32, #tpu.memory_space<vmem_shared>>) offsets(%dma_start3A_169 : memref<128xi32, #tpu.memory_space<vmem>>) semaphore(%arg19 : memref<!tpu.dma_semaphore, #tpu.memory_space<semaphore_mem>>) {add = true}
    }
    %gt3A_45 = arith.constant 0 : i32
    %gt3A_46 = arith.cmpi sgt, %select_n3A_10, %gt3A_45 : i32
    %convert_element_type3A_47 = arith.extui %gt3A_46 : i1 to i32
    %cond3A_48 = arith.constant 0 : i32
    %cond3A_49 = arith.cmpi ne, %convert_element_type3A_47, %cond3A_48 : i32
    scf.if %cond3A_49 {
      %dma_wait3A = arith.constant 0 : i32
      %dma_wait3A_51 = arith.constant 0 : i32
      %dma_wait3A_52 = tpu.memref_slice %arg10[%dma_wait3A, %dma_wait3A_51] : memref<2x128xi32, #tpu.memory_space<vmem>> -> memref<1x128xi32, #tpu.memory_space<vmem>>
      %dma_wait3A_53 = tpu.memref_squeeze %dma_wait3A_52 : memref<1x128xi32, #tpu.memory_space<vmem>> -> memref<128xi32, #tpu.memory_space<vmem>>
      %dma_wait3A_54 = arith.constant 0 : i32
      %dma_wait3A_55 = arith.constant 0 : i32
      %dma_wait3A_56 = tpu.memref_slice %arg13[%dma_wait3A_54, %dma_wait3A_55] : memref<10112x128xf32, #tpu.memory_space<vmem_shared>> -> memref<10112x128xf32, #tpu.memory_space<vmem_shared>>
      tpu.wait_indirect_dma semaphore(%arg19 : memref<!tpu.dma_semaphore, #tpu.memory_space<semaphore_mem>>) src(%arg12 : memref<128x128xf32, #tpu.memory_space<vmem>>) dst(%dma_wait3A_56 : memref<10112x128xf32, #tpu.memory_space<vmem_shared>>)
    } else {
    }
    %barrier3A_50 = arith.constant 0 : index
    tpu.barrier barrier_id(%barrier3A_50)
    "tpu.region"() ({
      %run_scoped3A = tpu.sem_alloc : memref<!tpu.dma_semaphore, #tpu.memory_space<semaphore_mem>>
      %dma_start3A = arith.constant 0 : i32
      %dma_start3A_51 = arith.constant 0 : i32
      %dma_start3A_52 = tpu.memref_slice %arg6[%arg0, %dma_start3A, %dma_start3A_51] : memref<2x10112x128xf32, #tpu.memory_space<hbm>> -> memref<1x10112x128xf32, #tpu.memory_space<hbm>>
      %dma_start3A_53 = tpu.memref_squeeze %dma_start3A_52 : memref<1x10112x128xf32, #tpu.memory_space<hbm>> -> memref<10112x128xf32, #tpu.memory_space<hbm>>
      %dma_start3A_54 = arith.constant 0 : i32
      %dma_start3A_55 = tpu.memref_slice %dma_start3A_53[%mul3A_0, %dma_start3A_54] : memref<10112x128xf32, #tpu.memory_space<hbm>> -> memref<632x128xf32, #tpu.memory_space<hbm>>
      %dma_start3A_56 = arith.constant 0 : i32
      %dma_start3A_57 = tpu.memref_slice %arg13[%mul3A_0, %dma_start3A_56] : memref<10112x128xf32, #tpu.memory_space<vmem_shared>> -> memref<632x128xf32, #tpu.memory_space<vmem_shared>>
      tpu.enqueue_dma source(%dma_start3A_57 : memref<632x128xf32, #tpu.memory_space<vmem_shared>>) target(%dma_start3A_55 : memref<632x128xf32, #tpu.memory_space<hbm>>) target_semaphore(%run_scoped3A : memref<!tpu.dma_semaphore, #tpu.memory_space<semaphore_mem>>)
      %dma_wait3A = arith.constant 0 : i32
      %dma_wait3A_58 = arith.constant 0 : i32
      %dma_wait3A_59 = tpu.memref_slice %arg6[%arg0, %dma_wait3A, %dma_wait3A_58] : memref<2x10112x128xf32, #tpu.memory_space<hbm>> -> memref<1x10112x128xf32, #tpu.memory_space<hbm>>
      %dma_wait3A_60 = tpu.memref_squeeze %dma_wait3A_59 : memref<1x10112x128xf32, #tpu.memory_space<hbm>> -> memref<10112x128xf32, #tpu.memory_space<hbm>>
      %dma_wait3A_61 = arith.constant 0 : i32
      %dma_wait3A_62 = tpu.memref_slice %dma_wait3A_60[%mul3A_0, %dma_wait3A_61] : memref<10112x128xf32, #tpu.memory_space<hbm>> -> memref<632x128xf32, #tpu.memory_space<hbm>>
      %dma_wait3A_63 = arith.constant 0 : i32
      %dma_wait3A_64 = tpu.memref_slice %arg13[%mul3A_0, %dma_wait3A_63] : memref<10112x128xf32, #tpu.memory_space<vmem_shared>> -> memref<632x128xf32, #tpu.memory_space<vmem_shared>>
      tpu.wait_dma2 semaphore(%run_scoped3A : memref<!tpu.dma_semaphore, #tpu.memory_space<semaphore_mem>>) src(%dma_wait3A_64 : memref<632x128xf32, #tpu.memory_space<vmem_shared>>) dst(%dma_wait3A_62 : memref<632x128xf32, #tpu.memory_space<hbm>>)
      tpu.yield
    }) : () -> ()
    return
  }
}

#map = affine_map<(d0, d1) -> (0, 0)>
#map1 = affine_map<(d0, d1) -> (0, 0, 0)>
module attributes {stable_mosaic.version = 14 : i64} {
  func.func @k(%arg0: i32, %arg1: i32, %arg2: memref<10112x128xf32, #tpu.memory_space<hbm>>, %arg3: memref<2560x128xi32, #tpu.memory_space<hbm>>, %arg4: memref<2560x128xi32, #tpu.memory_space<hbm>>, %arg5: memref<10112x128xf32, #tpu.memory_space<hbm>>, %arg6: memref<2x10112x128xf32, #tpu.memory_space<hbm>>, %arg7: memref<2x128xi32, #tpu.memory_space<vmem>>, %arg8: memref<2x128xi32, #tpu.memory_space<vmem>>, %arg9: memref<2x128xi32, #tpu.memory_space<vmem>>, %arg10: memref<2x128xi32, #tpu.memory_space<vmem>>, %arg11: memref<128x128xf32, #tpu.memory_space<vmem>>, %arg12: memref<128x128xf32, #tpu.memory_space<vmem>>, %arg13: memref<10112x128xf32, #tpu.memory_space<vmem_shared>>, %arg14: memref<!tpu.dma_semaphore, #tpu.memory_space<semaphore_mem>>, %arg15: memref<!tpu.dma_semaphore, #tpu.memory_space<semaphore_mem>>, %arg16: memref<!tpu.dma_semaphore, #tpu.memory_space<semaphore_mem>>, %arg17: memref<!tpu.dma_semaphore, #tpu.memory_space<semaphore_mem>>, %arg18: memref<!tpu.dma_semaphore, #tpu.memory_space<semaphore_mem>>, %arg19: memref<!tpu.dma_semaphore, #tpu.memory_space<semaphore_mem>>) attributes {dimension_semantics = [#tpu.dimension_semantics<core_parallel>, #tpu.dimension_semantics<subcore_parallel>], iteration_bounds = array<i64: 2, 16>, scalar_prefetch = 0 : i64, scratch_operands = 13 : i64, tpu.core_type = #tpu.core_type<sc_vector_subcore>, window_params = [{transform_indices = #map}, {transform_indices = #map}, {transform_indices = #map}, {transform_indices = #map}, {transform_indices = #map1}]} {
    %mul3A = arith.constant 632 : i32
    %mul3A_0 = arith.muli %arg1, %mul3A : i32
    %eq3A = arith.constant 0 : i32
    %eq3A_1 = arith.cmpi eq, %arg0, %eq3A : i32
    %mul3A_2 = arith.constant 148 : i32
    %mul3A_3 = arith.muli %arg1, %mul3A_2 : i32
    %mul3A_4 = arith.constant 12 : i32
    %mul3A_5 = arith.muli %arg1, %mul3A_4 : i32
    %add3A = arith.constant 2368 : i32
    %add3A_6 = arith.addi %add3A, %mul3A_5 : i32
    %select_n3A = arith.select %eq3A_1, %mul3A_3, %add3A_6 : i32
    %eq3A_7 = arith.constant 0 : i32
    %eq3A_8 = arith.cmpi eq, %arg0, %eq3A_7 : i32
    %jit3A = arith.constant 74 : i32
    %jit3A_9 = arith.constant 6 : i32
    %select_n3A_10 = arith.select %eq3A_8, %jit3A, %jit3A_9 : i32
    %gt3A = arith.constant 0 : i32
    %gt3A_11 = arith.cmpi sgt, %select_n3A_10, %gt3A : i32
    %convert_element_type3A = arith.extui %gt3A_11 : i1 to i32
    %cond3A = arith.constant 0 : i32
    %cond3A_12 = arith.cmpi ne, %convert_element_type3A, %cond3A : i32
    scf.if %cond3A_12 {
      %add3A_51 = arith.constant 0 : i32
      %add3A_52 = arith.addi %select_n3A, %add3A_51 : i32
      %dma_start3A = arith.constant 0 : i32
      %dma_start3A_53 = tpu.memref_slice %arg3[%add3A_52, %dma_start3A] : memref<2560x128xi32, #tpu.memory_space<hbm>> -> memref<2x128xi32, #tpu.memory_space<hbm>>
      %dma_start3A_54 = arith.constant 0 : i32
      %dma_start3A_55 = tpu.memref_slice %arg3[%add3A_52, %dma_start3A_54] : memref<2560x128xi32, #tpu.memory_space<hbm>> -> memref<2x128xi32, #tpu.memory_space<hbm>>
      tpu.enqueue_dma source(%dma_start3A_55 : memref<2x128xi32, #tpu.memory_space<hbm>>) target(%arg7 : memref<2x128xi32, #tpu.memory_space<vmem>>) target_semaphore(%arg14 : memref<!tpu.dma_semaphore, #tpu.memory_space<semaphore_mem>>)
      %add3A_56 = arith.constant 0 : i32
      %add3A_57 = arith.addi %select_n3A, %add3A_56 : i32
      %dma_start3A_58 = arith.constant 0 : i32
      %dma_start3A_59 = tpu.memref_slice %arg4[%add3A_57, %dma_start3A_58] : memref<2560x128xi32, #tpu.memory_space<hbm>> -> memref<2x128xi32, #tpu.memory_space<hbm>>
      %dma_start3A_60 = arith.constant 0 : i32
      %dma_start3A_61 = tpu.memref_slice %arg4[%add3A_57, %dma_start3A_60] : memref<2560x128xi32, #tpu.memory_space<hbm>> -> memref<2x128xi32, #tpu.memory_space<hbm>>
      tpu.enqueue_dma source(%dma_start3A_61 : memref<2x128xi32, #tpu.memory_space<hbm>>) target(%arg9 : memref<2x128xi32, #tpu.memory_space<vmem>>) target_semaphore(%arg14 : memref<!tpu.dma_semaphore, #tpu.memory_space<semaphore_mem>>)
    } else {
    }
    "tpu.region"() ({
      %run_scoped3A = tpu.sem_alloc : memref<!tpu.dma_semaphore, #tpu.memory_space<semaphore_mem>>
      %dma_start3A = arith.constant 0 : i32
      %dma_start3A_51 = tpu.memref_slice %arg13[%mul3A_0, %dma_start3A] : memref<10112x128xf32, #tpu.memory_space<vmem_shared>> -> memref<632x128xf32, #tpu.memory_space<vmem_shared>>
      %dma_start3A_52 = arith.constant 0 : i32
      %dma_start3A_53 = tpu.memref_slice %arg5[%mul3A_0, %dma_start3A_52] : memref<10112x128xf32, #tpu.memory_space<hbm>> -> memref<632x128xf32, #tpu.memory_space<hbm>>
      tpu.enqueue_dma source(%dma_start3A_53 : memref<632x128xf32, #tpu.memory_space<hbm>>) target(%dma_start3A_51 : memref<632x128xf32, #tpu.memory_space<vmem_shared>>) target_semaphore(%run_scoped3A : memref<!tpu.dma_semaphore, #tpu.memory_space<semaphore_mem>>)
      %dma_wait3A = arith.constant 0 : i32
      %dma_wait3A_54 = tpu.memref_slice %arg13[%mul3A_0, %dma_wait3A] : memref<10112x128xf32, #tpu.memory_space<vmem_shared>> -> memref<632x128xf32, #tpu.memory_space<vmem_shared>>
      %dma_wait3A_55 = arith.constant 0 : i32
      %dma_wait3A_56 = tpu.memref_slice %arg5[%mul3A_0, %dma_wait3A_55] : memref<10112x128xf32, #tpu.memory_space<hbm>> -> memref<632x128xf32, #tpu.memory_space<hbm>>
      tpu.wait_dma2 semaphore(%run_scoped3A : memref<!tpu.dma_semaphore, #tpu.memory_space<semaphore_mem>>) src(%dma_wait3A_56 : memref<632x128xf32, #tpu.memory_space<hbm>>) dst(%dma_wait3A_54 : memref<632x128xf32, #tpu.memory_space<vmem_shared>>)
      tpu.yield
    }) : () -> ()
    %barrier3A = arith.constant 0 : index
    tpu.barrier barrier_id(%barrier3A)
    %gt3A_13 = arith.constant 0 : i32
    %gt3A_14 = arith.cmpi sgt, %select_n3A_10, %gt3A_13 : i32
    %convert_element_type3A_15 = arith.extui %gt3A_14 : i1 to i32
    %cond3A_16 = arith.constant 0 : i32
    %cond3A_17 = arith.cmpi ne, %convert_element_type3A_15, %cond3A_16 : i32
    scf.if %cond3A_17 {
      %dma_wait3A = arith.constant 0 : i32
      %dma_wait3A_51 = arith.constant 0 : i32
      %dma_wait3A_52 = tpu.memref_slice %arg3[%dma_wait3A, %dma_wait3A_51] : memref<2560x128xi32, #tpu.memory_space<hbm>> -> memref<2x128xi32, #tpu.memory_space<hbm>>
      %dma_wait3A_53 = arith.constant 0 : i32
      %dma_wait3A_54 = arith.constant 0 : i32
      %dma_wait3A_55 = tpu.memref_slice %arg3[%dma_wait3A_53, %dma_wait3A_54] : memref<2560x128xi32, #tpu.memory_space<hbm>> -> memref<2x128xi32, #tpu.memory_space<hbm>>
      tpu.wait_dma2 semaphore(%arg14 : memref<!tpu.dma_semaphore, #tpu.memory_space<semaphore_mem>>) src(%dma_wait3A_55 : memref<2x128xi32, #tpu.memory_space<hbm>>) dst(%arg7 : memref<2x128xi32, #tpu.memory_space<vmem>>)
      %dma_wait3A_56 = arith.constant 0 : i32
      %dma_wait3A_57 = arith.constant 0 : i32
      %dma_wait3A_58 = tpu.memref_slice %arg4[%dma_wait3A_56, %dma_wait3A_57] : memref<2560x128xi32, #tpu.memory_space<hbm>> -> memref<2x128xi32, #tpu.memory_space<hbm>>
      %dma_wait3A_59 = arith.constant 0 : i32
      %dma_wait3A_60 = arith.constant 0 : i32
      %dma_wait3A_61 = tpu.memref_slice %arg4[%dma_wait3A_59, %dma_wait3A_60] : memref<2560x128xi32, #tpu.memory_space<hbm>> -> memref<2x128xi32, #tpu.memory_space<hbm>>
      tpu.wait_dma2 semaphore(%arg14 : memref<!tpu.dma_semaphore, #tpu.memory_space<semaphore_mem>>) src(%dma_wait3A_61 : memref<2x128xi32, #tpu.memory_space<hbm>>) dst(%arg9 : memref<2x128xi32, #tpu.memory_space<vmem>>)
      %dma_start3A = arith.constant 0 : i32
      %dma_start3A_62 = arith.constant 0 : i32
      %dma_start3A_63 = tpu.memref_slice %arg7[%dma_start3A, %dma_start3A_62] : memref<2x128xi32, #tpu.memory_space<vmem>> -> memref<1x128xi32, #tpu.memory_space<vmem>>
      %dma_start3A_64 = tpu.memref_squeeze %dma_start3A_63 : memref<1x128xi32, #tpu.memory_space<vmem>> -> memref<128xi32, #tpu.memory_space<vmem>>
      %dma_start3A_65 = arith.constant 0 : i32
      %dma_start3A_66 = arith.constant 0 : i32
      %dma_start3A_67 = tpu.memref_slice %arg2[%dma_start3A_65, %dma_start3A_66] : memref<10112x128xf32, #tpu.memory_space<hbm>> -> memref<10112x128xf32, #tpu.memory_space<hbm>>
      tpu.enqueue_indirect_dma source(%dma_start3A_67 : memref<10112x128xf32, #tpu.memory_space<hbm>>) target(%arg11 : memref<128x128xf32, #tpu.memory_space<vmem>>) offsets(%dma_start3A_64 : memref<128xi32, #tpu.memory_space<vmem>>) semaphore(%arg16 : memref<!tpu.dma_semaphore, #tpu.memory_space<semaphore_mem>>)
    } else {
    }
    %jit3A_18 = arith.constant 2 : i32
    %div3A = arith.divsi %select_n3A_10, %jit3A_18 : i32
    %sign3A = arith.constant 0 : i32
    %sign3A_19 = arith.cmpi sgt, %select_n3A_10, %sign3A : i32
    %sign3A_20 = arith.extui %sign3A_19 : i1 to i32
    %sign3A_21 = arith.constant 0 : i32
    %sign3A_22 = arith.cmpi slt, %select_n3A_10, %sign3A_21 : i32
    %sign3A_23 = arith.extui %sign3A_22 : i1 to i32
    %sign3A_24 = arith.subi %sign3A_20, %sign3A_23 : i32
    %sign3A_25 = arith.constant 0 : i32
    %sign3A_26 = arith.cmpi sgt, %jit3A_18, %sign3A_25 : i32
    %sign3A_27 = arith.extui %sign3A_26 : i1 to i32
    %sign3A_28 = arith.constant 0 : i32
    %sign3A_29 = arith.cmpi slt, %jit3A_18, %sign3A_28 : i32
    %sign3A_30 = arith.extui %sign3A_29 : i1 to i32
    %sign3A_31 = arith.subi %sign3A_27, %sign3A_30 : i32
    %ne3A = arith.cmpi ne, %sign3A_24, %sign3A_31 : i32
    %rem3A = arith.remsi %select_n3A_10, %jit3A_18 : i32
    %ne3A_32 = arith.constant 0 : i32
    %ne3A_33 = arith.cmpi ne, %rem3A, %ne3A_32 : i32
    %and3A = arith.andi %ne3A, %ne3A_33 : i1
    %sub3A = arith.constant 1 : i32
    %sub3A_34 = arith.subi %div3A, %sub3A : i32
    %select_n3A_35 = arith.select %and3A, %sub3A_34, %div3A : i32
    %while3A = arith.constant 0 : i32
    %while3A_36 = arith.constant 0 : i32
    %while3A_37 = arith.subi %select_n3A_35, %while3A_36 : i32
    %while3A_38 = arith.addi %while3A_36, %while3A_37 : i32
    %while3A_39 = arith.constant 1 : i32
    %while3A_40 = arith.divsi %while3A_37, %while3A_39 : i32
    %while3A_41 = arith.muli %while3A_40, %while3A_39 : i32
    %while3A_42 = arith.addi %while3A_36, %while3A_41 : i32
    %while3A_43 = arith.constant 1 : i32
    scf.for %while3A_51 = %while3A_36 to %while3A_42 step %while3A_43  : i32 {
      %mul3A_52 = arith.constant 2 : i32
      %mul3A_53 = arith.muli %mul3A_52, %while3A_51 : i32
      %dma_wait3A = arith.constant 0 : i32
      %dma_wait3A_54 = arith.constant 0 : i32
      %dma_wait3A_55 = tpu.memref_slice %arg7[%dma_wait3A, %dma_wait3A_54] : memref<2x128xi32, #tpu.memory_space<vmem>> -> memref<1x128xi32, #tpu.memory_space<vmem>>
      %dma_wait3A_56 = tpu.memref_squeeze %dma_wait3A_55 : memref<1x128xi32, #tpu.memory_space<vmem>> -> memref<128xi32, #tpu.memory_space<vmem>>
      %dma_wait3A_57 = arith.constant 0 : i32
      %dma_wait3A_58 = arith.constant 0 : i32
      %dma_wait3A_59 = tpu.memref_slice %arg2[%dma_wait3A_57, %dma_wait3A_58] : memref<10112x128xf32, #tpu.memory_space<hbm>> -> memref<10112x128xf32, #tpu.memory_space<hbm>>
      tpu.wait_indirect_dma semaphore(%arg16 : memref<!tpu.dma_semaphore, #tpu.memory_space<semaphore_mem>>) src(%dma_wait3A_59 : memref<10112x128xf32, #tpu.memory_space<hbm>>) dst(%arg11 : memref<128x128xf32, #tpu.memory_space<vmem>>)
      %gt3A_60 = arith.constant 0 : i32
      %gt3A_61 = arith.cmpi sgt, %mul3A_53, %gt3A_60 : i32
      %convert_element_type3A_62 = arith.extui %gt3A_61 : i1 to i32
      %cond3A_63 = arith.constant 0 : i32
      %cond3A_64 = arith.cmpi ne, %convert_element_type3A_62, %cond3A_63 : i32
      scf.if %cond3A_64 {
        %dma_wait3A_173 = arith.constant 0 : i32
        %dma_wait3A_174 = arith.constant 0 : i32
        %dma_wait3A_175 = tpu.memref_slice %arg10[%dma_wait3A_173, %dma_wait3A_174] : memref<2x128xi32, #tpu.memory_space<vmem>> -> memref<1x128xi32, #tpu.memory_space<vmem>>
        %dma_wait3A_176 = tpu.memref_squeeze %dma_wait3A_175 : memref<1x128xi32, #tpu.memory_space<vmem>> -> memref<128xi32, #tpu.memory_space<vmem>>
        %dma_wait3A_177 = arith.constant 0 : i32
        %dma_wait3A_178 = arith.constant 0 : i32
        %dma_wait3A_179 = tpu.memref_slice %arg13[%dma_wait3A_177, %dma_wait3A_178] : memref<10112x128xf32, #tpu.memory_space<vmem_shared>> -> memref<10112x128xf32, #tpu.memory_space<vmem_shared>>
        tpu.wait_indirect_dma semaphore(%arg19 : memref<!tpu.dma_semaphore, #tpu.memory_space<semaphore_mem>>) src(%arg12 : memref<128x128xf32, #tpu.memory_space<vmem>>) dst(%dma_wait3A_179 : memref<10112x128xf32, #tpu.memory_space<vmem_shared>>)
      } else {
      }
      %add3A_65 = arith.constant 1 : i32
      %add3A_66 = arith.addi %mul3A_53, %add3A_65 : i32
      %lt3A = arith.cmpi slt, %add3A_66, %select_n3A_10 : i32
      %convert_element_type3A_67 = arith.extui %lt3A : i1 to i32
      %cond3A_68 = arith.constant 0 : i32
      %cond3A_69 = arith.cmpi ne, %convert_element_type3A_67, %cond3A_68 : i32
      scf.if %cond3A_69 {
        %add3A_173 = arith.constant 1 : i32
        %add3A_174 = arith.addi %mul3A_53, %add3A_173 : i32
        %mul3A_175 = arith.constant 2 : i32
        %mul3A_176 = arith.muli %mul3A_175, %add3A_174 : i32
        %add3A_177 = arith.addi %select_n3A, %mul3A_176 : i32
        %dma_start3A_178 = arith.constant 0 : i32
        %dma_start3A_179 = tpu.memref_slice %arg3[%add3A_177, %dma_start3A_178] : memref<2560x128xi32, #tpu.memory_space<hbm>> -> memref<2x128xi32, #tpu.memory_space<hbm>>
        %dma_start3A_180 = arith.constant 0 : i32
        %dma_start3A_181 = tpu.memref_slice %arg3[%add3A_177, %dma_start3A_180] : memref<2560x128xi32, #tpu.memory_space<hbm>> -> memref<2x128xi32, #tpu.memory_space<hbm>>
        tpu.enqueue_dma source(%dma_start3A_181 : memref<2x128xi32, #tpu.memory_space<hbm>>) target(%arg8 : memref<2x128xi32, #tpu.memory_space<vmem>>) target_semaphore(%arg15 : memref<!tpu.dma_semaphore, #tpu.memory_space<semaphore_mem>>)
        %mul3A_182 = arith.constant 2 : i32
        %mul3A_183 = arith.muli %mul3A_182, %add3A_174 : i32
        %add3A_184 = arith.addi %select_n3A, %mul3A_183 : i32
        %dma_start3A_185 = arith.constant 0 : i32
        %dma_start3A_186 = tpu.memref_slice %arg4[%add3A_184, %dma_start3A_185] : memref<2560x128xi32, #tpu.memory_space<hbm>> -> memref<2x128xi32, #tpu.memory_space<hbm>>
        %dma_start3A_187 = arith.constant 0 : i32
        %dma_start3A_188 = tpu.memref_slice %arg4[%add3A_184, %dma_start3A_187] : memref<2560x128xi32, #tpu.memory_space<hbm>> -> memref<2x128xi32, #tpu.memory_space<hbm>>
        tpu.enqueue_dma source(%dma_start3A_188 : memref<2x128xi32, #tpu.memory_space<hbm>>) target(%arg10 : memref<2x128xi32, #tpu.memory_space<vmem>>) target_semaphore(%arg15 : memref<!tpu.dma_semaphore, #tpu.memory_space<semaphore_mem>>)
      } else {
      }
      %dma_start3A = arith.constant 1 : i32
      %dma_start3A_70 = arith.constant 0 : i32
      %dma_start3A_71 = tpu.memref_slice %arg7[%dma_start3A, %dma_start3A_70] : memref<2x128xi32, #tpu.memory_space<vmem>> -> memref<1x128xi32, #tpu.memory_space<vmem>>
      %dma_start3A_72 = tpu.memref_squeeze %dma_start3A_71 : memref<1x128xi32, #tpu.memory_space<vmem>> -> memref<128xi32, #tpu.memory_space<vmem>>
      %dma_start3A_73 = arith.constant 0 : i32
      %dma_start3A_74 = arith.constant 0 : i32
      %dma_start3A_75 = tpu.memref_slice %arg2[%dma_start3A_73, %dma_start3A_74] : memref<10112x128xf32, #tpu.memory_space<hbm>> -> memref<10112x128xf32, #tpu.memory_space<hbm>>
      tpu.enqueue_indirect_dma source(%dma_start3A_75 : memref<10112x128xf32, #tpu.memory_space<hbm>>) target(%arg12 : memref<128x128xf32, #tpu.memory_space<vmem>>) offsets(%dma_start3A_72 : memref<128xi32, #tpu.memory_space<vmem>>) semaphore(%arg17 : memref<!tpu.dma_semaphore, #tpu.memory_space<semaphore_mem>>)
      %dma_start3A_76 = arith.constant 0 : i32
      %dma_start3A_77 = arith.constant 0 : i32
      %dma_start3A_78 = tpu.memref_slice %arg9[%dma_start3A_76, %dma_start3A_77] : memref<2x128xi32, #tpu.memory_space<vmem>> -> memref<1x128xi32, #tpu.memory_space<vmem>>
      %dma_start3A_79 = tpu.memref_squeeze %dma_start3A_78 : memref<1x128xi32, #tpu.memory_space<vmem>> -> memref<128xi32, #tpu.memory_space<vmem>>
      %dma_start3A_80 = arith.constant 0 : i32
      %dma_start3A_81 = arith.constant 0 : i32
      %dma_start3A_82 = tpu.memref_slice %arg13[%dma_start3A_80, %dma_start3A_81] : memref<10112x128xf32, #tpu.memory_space<vmem_shared>> -> memref<10112x128xf32, #tpu.memory_space<vmem_shared>>
      tpu.enqueue_indirect_dma source(%arg11 : memref<128x128xf32, #tpu.memory_space<vmem>>) target(%dma_start3A_82 : memref<10112x128xf32, #tpu.memory_space<vmem_shared>>) offsets(%dma_start3A_79 : memref<128xi32, #tpu.memory_space<vmem>>) semaphore(%arg18 : memref<!tpu.dma_semaphore, #tpu.memory_space<semaphore_mem>>) {add = true}
      %dma_wait3A_83 = arith.constant 0 : i32
      %dma_wait3A_84 = arith.constant 0 : i32
      %dma_wait3A_85 = tpu.memref_slice %arg7[%dma_wait3A_83, %dma_wait3A_84] : memref<2x128xi32, #tpu.memory_space<vmem>> -> memref<1x128xi32, #tpu.memory_space<vmem>>
      %dma_wait3A_86 = tpu.memref_squeeze %dma_wait3A_85 : memref<1x128xi32, #tpu.memory_space<vmem>> -> memref<128xi32, #tpu.memory_space<vmem>>
      %dma_wait3A_87 = arith.constant 0 : i32
      %dma_wait3A_88 = arith.constant 0 : i32
      %dma_wait3A_89 = tpu.memref_slice %arg2[%dma_wait3A_87, %dma_wait3A_88] : memref<10112x128xf32, #tpu.memory_space<hbm>> -> memref<10112x128xf32, #tpu.memory_space<hbm>>
      tpu.wait_indirect_dma semaphore(%arg17 : memref<!tpu.dma_semaphore, #tpu.memory_space<semaphore_mem>>) src(%dma_wait3A_89 : memref<10112x128xf32, #tpu.memory_space<hbm>>) dst(%arg12 : memref<128x128xf32, #tpu.memory_space<vmem>>)
      %dma_wait3A_90 = arith.constant 0 : i32
      %dma_wait3A_91 = arith.constant 0 : i32
      %dma_wait3A_92 = tpu.memref_slice %arg9[%dma_wait3A_90, %dma_wait3A_91] : memref<2x128xi32, #tpu.memory_space<vmem>> -> memref<1x128xi32, #tpu.memory_space<vmem>>
      %dma_wait3A_93 = tpu.memref_squeeze %dma_wait3A_92 : memref<1x128xi32, #tpu.memory_space<vmem>> -> memref<128xi32, #tpu.memory_space<vmem>>
      %dma_wait3A_94 = arith.constant 0 : i32
      %dma_wait3A_95 = arith.constant 0 : i32
      %dma_wait3A_96 = tpu.memref_slice %arg13[%dma_wait3A_94, %dma_wait3A_95] : memref<10112x128xf32, #tpu.memory_space<vmem_shared>> -> memref<10112x128xf32, #tpu.memory_space<vmem_shared>>
      tpu.wait_indirect_dma semaphore(%arg18 : memref<!tpu.dma_semaphore, #tpu.memory_space<semaphore_mem>>) src(%arg11 : memref<128x128xf32, #tpu.memory_space<vmem>>) dst(%dma_wait3A_96 : memref<10112x128xf32, #tpu.memory_space<vmem_shared>>)
      %add3A_97 = arith.constant 1 : i32
      %add3A_98 = arith.addi %mul3A_53, %add3A_97 : i32
      %lt3A_99 = arith.cmpi slt, %add3A_98, %select_n3A_10 : i32
      %convert_element_type3A_100 = arith.extui %lt3A_99 : i1 to i32
      %cond3A_101 = arith.constant 0 : i32
      %cond3A_102 = arith.cmpi ne, %convert_element_type3A_100, %cond3A_101 : i32
      scf.if %cond3A_102 {
        %dma_wait3A_173 = arith.constant 0 : i32
        %dma_wait3A_174 = arith.constant 0 : i32
        %dma_wait3A_175 = tpu.memref_slice %arg3[%dma_wait3A_173, %dma_wait3A_174] : memref<2560x128xi32, #tpu.memory_space<hbm>> -> memref<2x128xi32, #tpu.memory_space<hbm>>
        %dma_wait3A_176 = arith.constant 0 : i32
        %dma_wait3A_177 = arith.constant 0 : i32
        %dma_wait3A_178 = tpu.memref_slice %arg3[%dma_wait3A_176, %dma_wait3A_177] : memref<2560x128xi32, #tpu.memory_space<hbm>> -> memref<2x128xi32, #tpu.memory_space<hbm>>
        tpu.wait_dma2 semaphore(%arg15 : memref<!tpu.dma_semaphore, #tpu.memory_space<semaphore_mem>>) src(%dma_wait3A_178 : memref<2x128xi32, #tpu.memory_space<hbm>>) dst(%arg8 : memref<2x128xi32, #tpu.memory_space<vmem>>)
        %dma_wait3A_179 = arith.constant 0 : i32
        %dma_wait3A_180 = arith.constant 0 : i32
        %dma_wait3A_181 = tpu.memref_slice %arg4[%dma_wait3A_179, %dma_wait3A_180] : memref<2560x128xi32, #tpu.memory_space<hbm>> -> memref<2x128xi32, #tpu.memory_space<hbm>>
        %dma_wait3A_182 = arith.constant 0 : i32
        %dma_wait3A_183 = arith.constant 0 : i32
        %dma_wait3A_184 = tpu.memref_slice %arg4[%dma_wait3A_182, %dma_wait3A_183] : memref<2560x128xi32, #tpu.memory_space<hbm>> -> memref<2x128xi32, #tpu.memory_space<hbm>>
        tpu.wait_dma2 semaphore(%arg15 : memref<!tpu.dma_semaphore, #tpu.memory_space<semaphore_mem>>) src(%dma_wait3A_184 : memref<2x128xi32, #tpu.memory_space<hbm>>) dst(%arg10 : memref<2x128xi32, #tpu.memory_space<vmem>>)
        %dma_start3A_185 = arith.constant 0 : i32
        %dma_start3A_186 = arith.constant 0 : i32
        %dma_start3A_187 = tpu.memref_slice %arg8[%dma_start3A_185, %dma_start3A_186] : memref<2x128xi32, #tpu.memory_space<vmem>> -> memref<1x128xi32, #tpu.memory_space<vmem>>
        %dma_start3A_188 = tpu.memref_squeeze %dma_start3A_187 : memref<1x128xi32, #tpu.memory_space<vmem>> -> memref<128xi32, #tpu.memory_space<vmem>>
        %dma_start3A_189 = arith.constant 0 : i32
        %dma_start3A_190 = arith.constant 0 : i32
        %dma_start3A_191 = tpu.memref_slice %arg2[%dma_start3A_189, %dma_start3A_190] : memref<10112x128xf32, #tpu.memory_space<hbm>> -> memref<10112x128xf32, #tpu.memory_space<hbm>>
        tpu.enqueue_indirect_dma source(%dma_start3A_191 : memref<10112x128xf32, #tpu.memory_space<hbm>>) target(%arg11 : memref<128x128xf32, #tpu.memory_space<vmem>>) offsets(%dma_start3A_188 : memref<128xi32, #tpu.memory_space<vmem>>) semaphore(%arg16 : memref<!tpu.dma_semaphore, #tpu.memory_space<semaphore_mem>>)
      } else {
      }
      %dma_start3A_103 = arith.constant 1 : i32
      %dma_start3A_104 = arith.constant 0 : i32
      %dma_start3A_105 = tpu.memref_slice %arg9[%dma_start3A_103, %dma_start3A_104] : memref<2x128xi32, #tpu.memory_space<vmem>> -> memref<1x128xi32, #tpu.memory_space<vmem>>
      %dma_start3A_106 = tpu.memref_squeeze %dma_start3A_105 : memref<1x128xi32, #tpu.memory_space<vmem>> -> memref<128xi32, #tpu.memory_space<vmem>>
      %dma_start3A_107 = arith.constant 0 : i32
      %dma_start3A_108 = arith.constant 0 : i32
      %dma_start3A_109 = tpu.memref_slice %arg13[%dma_start3A_107, %dma_start3A_108] : memref<10112x128xf32, #tpu.memory_space<vmem_shared>> -> memref<10112x128xf32, #tpu.memory_space<vmem_shared>>
      tpu.enqueue_indirect_dma source(%arg12 : memref<128x128xf32, #tpu.memory_space<vmem>>) target(%dma_start3A_109 : memref<10112x128xf32, #tpu.memory_space<vmem_shared>>) offsets(%dma_start3A_106 : memref<128xi32, #tpu.memory_space<vmem>>) semaphore(%arg19 : memref<!tpu.dma_semaphore, #tpu.memory_space<semaphore_mem>>) {add = true}
      %mul3A_110 = arith.constant 2 : i32
      %mul3A_111 = arith.muli %mul3A_110, %while3A_51 : i32
      %add3A_112 = arith.constant 1 : i32
      %add3A_113 = arith.addi %mul3A_111, %add3A_112 : i32
      %dma_wait3A_114 = arith.constant 0 : i32
      %dma_wait3A_115 = arith.constant 0 : i32
      %dma_wait3A_116 = tpu.memref_slice %arg8[%dma_wait3A_114, %dma_wait3A_115] : memref<2x128xi32, #tpu.memory_space<vmem>> -> memref<1x128xi32, #tpu.memory_space<vmem>>
      %dma_wait3A_117 = tpu.memref_squeeze %dma_wait3A_116 : memref<1x128xi32, #tpu.memory_space<vmem>> -> memref<128xi32, #tpu.memory_space<vmem>>
      %dma_wait3A_118 = arith.constant 0 : i32
      %dma_wait3A_119 = arith.constant 0 : i32
      %dma_wait3A_120 = tpu.memref_slice %arg2[%dma_wait3A_118, %dma_wait3A_119] : memref<10112x128xf32, #tpu.memory_space<hbm>> -> memref<10112x128xf32, #tpu.memory_space<hbm>>
      tpu.wait_indirect_dma semaphore(%arg16 : memref<!tpu.dma_semaphore, #tpu.memory_space<semaphore_mem>>) src(%dma_wait3A_120 : memref<10112x128xf32, #tpu.memory_space<hbm>>) dst(%arg11 : memref<128x128xf32, #tpu.memory_space<vmem>>)
      %gt3A_121 = arith.constant 0 : i32
      %gt3A_122 = arith.cmpi sgt, %add3A_113, %gt3A_121 : i32
      %convert_element_type3A_123 = arith.extui %gt3A_122 : i1 to i32
      %cond3A_124 = arith.constant 0 : i32
      %cond3A_125 = arith.cmpi ne, %convert_element_type3A_123, %cond3A_124 : i32
      scf.if %cond3A_125 {
        %dma_wait3A_173 = arith.constant 0 : i32
        %dma_wait3A_174 = arith.constant 0 : i32
        %dma_wait3A_175 = tpu.memref_slice %arg9[%dma_wait3A_173, %dma_wait3A_174] : memref<2x128xi32, #tpu.memory_space<vmem>> -> memref<1x128xi32, #tpu.memory_space<vmem>>
        %dma_wait3A_176 = tpu.memref_squeeze %dma_wait3A_175 : memref<1x128xi32, #tpu.memory_space<vmem>> -> memref<128xi32, #tpu.memory_space<vmem>>
        %dma_wait3A_177 = arith.constant 0 : i32
        %dma_wait3A_178 = arith.constant 0 : i32
        %dma_wait3A_179 = tpu.memref_slice %arg13[%dma_wait3A_177, %dma_wait3A_178] : memref<10112x128xf32, #tpu.memory_space<vmem_shared>> -> memref<10112x128xf32, #tpu.memory_space<vmem_shared>>
        tpu.wait_indirect_dma semaphore(%arg19 : memref<!tpu.dma_semaphore, #tpu.memory_space<semaphore_mem>>) src(%arg12 : memref<128x128xf32, #tpu.memory_space<vmem>>) dst(%dma_wait3A_179 : memref<10112x128xf32, #tpu.memory_space<vmem_shared>>)
      } else {
      }
      %add3A_126 = arith.constant 1 : i32
      %add3A_127 = arith.addi %add3A_113, %add3A_126 : i32
      %lt3A_128 = arith.cmpi slt, %add3A_127, %select_n3A_10 : i32
      %convert_element_type3A_129 = arith.extui %lt3A_128 : i1 to i32
      %cond3A_130 = arith.constant 0 : i32
      %cond3A_131 = arith.cmpi ne, %convert_element_type3A_129, %cond3A_130 : i32
      scf.if %cond3A_131 {
        %add3A_173 = arith.constant 1 : i32
        %add3A_174 = arith.addi %add3A_113, %add3A_173 : i32
        %mul3A_175 = arith.constant 2 : i32
        %mul3A_176 = arith.muli %mul3A_175, %add3A_174 : i32
        %add3A_177 = arith.addi %select_n3A, %mul3A_176 : i32
        %dma_start3A_178 = arith.constant 0 : i32
        %dma_start3A_179 = tpu.memref_slice %arg3[%add3A_177, %dma_start3A_178] : memref<2560x128xi32, #tpu.memory_space<hbm>> -> memref<2x128xi32, #tpu.memory_space<hbm>>
        %dma_start3A_180 = arith.constant 0 : i32
        %dma_start3A_181 = tpu.memref_slice %arg3[%add3A_177, %dma_start3A_180] : memref<2560x128xi32, #tpu.memory_space<hbm>> -> memref<2x128xi32, #tpu.memory_space<hbm>>
        tpu.enqueue_dma source(%dma_start3A_181 : memref<2x128xi32, #tpu.memory_space<hbm>>) target(%arg7 : memref<2x128xi32, #tpu.memory_space<vmem>>) target_semaphore(%arg14 : memref<!tpu.dma_semaphore, #tpu.memory_space<semaphore_mem>>)
        %mul3A_182 = arith.constant 2 : i32
        %mul3A_183 = arith.muli %mul3A_182, %add3A_174 : i32
        %add3A_184 = arith.addi %select_n3A, %mul3A_183 : i32
        %dma_start3A_185 = arith.constant 0 : i32
        %dma_start3A_186 = tpu.memref_slice %arg4[%add3A_184, %dma_start3A_185] : memref<2560x128xi32, #tpu.memory_space<hbm>> -> memref<2x128xi32, #tpu.memory_space<hbm>>
        %dma_start3A_187 = arith.constant 0 : i32
        %dma_start3A_188 = tpu.memref_slice %arg4[%add3A_184, %dma_start3A_187] : memref<2560x128xi32, #tpu.memory_space<hbm>> -> memref<2x128xi32, #tpu.memory_space<hbm>>
        tpu.enqueue_dma source(%dma_start3A_188 : memref<2x128xi32, #tpu.memory_space<hbm>>) target(%arg9 : memref<2x128xi32, #tpu.memory_space<vmem>>) target_semaphore(%arg14 : memref<!tpu.dma_semaphore, #tpu.memory_space<semaphore_mem>>)
      } else {
      }
      %dma_start3A_132 = arith.constant 1 : i32
      %dma_start3A_133 = arith.constant 0 : i32
      %dma_start3A_134 = tpu.memref_slice %arg8[%dma_start3A_132, %dma_start3A_133] : memref<2x128xi32, #tpu.memory_space<vmem>> -> memref<1x128xi32, #tpu.memory_space<vmem>>
      %dma_start3A_135 = tpu.memref_squeeze %dma_start3A_134 : memref<1x128xi32, #tpu.memory_space<vmem>> -> memref<128xi32, #tpu.memory_space<vmem>>
      %dma_start3A_136 = arith.constant 0 : i32
      %dma_start3A_137 = arith.constant 0 : i32
      %dma_start3A_138 = tpu.memref_slice %arg2[%dma_start3A_136, %dma_start3A_137] : memref<10112x128xf32, #tpu.memory_space<hbm>> -> memref<10112x128xf32, #tpu.memory_space<hbm>>
      tpu.enqueue_indirect_dma source(%dma_start3A_138 : memref<10112x128xf32, #tpu.memory_space<hbm>>) target(%arg12 : memref<128x128xf32, #tpu.memory_space<vmem>>) offsets(%dma_start3A_135 : memref<128xi32, #tpu.memory_space<vmem>>) semaphore(%arg17 : memref<!tpu.dma_semaphore, #tpu.memory_space<semaphore_mem>>)
      %dma_start3A_139 = arith.constant 0 : i32
      %dma_start3A_140 = arith.constant 0 : i32
      %dma_start3A_141 = tpu.memref_slice %arg10[%dma_start3A_139, %dma_start3A_140] : memref<2x128xi32, #tpu.memory_space<vmem>> -> memref<1x128xi32, #tpu.memory_space<vmem>>
      %dma_start3A_142 = tpu.memref_squeeze %dma_start3A_141 : memref<1x128xi32, #tpu.memory_space<vmem>> -> memref<128xi32, #tpu.memory_space<vmem>>
      %dma_start3A_143 = arith.constant 0 : i32
      %dma_start3A_144 = arith.constant 0 : i32
      %dma_start3A_145 = tpu.memref_slice %arg13[%dma_start3A_143, %dma_start3A_144] : memref<10112x128xf32, #tpu.memory_space<vmem_shared>> -> memref<10112x128xf32, #tpu.memory_space<vmem_shared>>
      tpu.enqueue_indirect_dma source(%arg11 : memref<128x128xf32, #tpu.memory_space<vmem>>) target(%dma_start3A_145 : memref<10112x128xf32, #tpu.memory_space<vmem_shared>>) offsets(%dma_start3A_142 : memref<128xi32, #tpu.memory_space<vmem>>) semaphore(%arg18 : memref<!tpu.dma_semaphore, #tpu.memory_space<semaphore_mem>>) {add = true}
      %dma_wait3A_146 = arith.constant 0 : i32
      %dma_wait3A_147 = arith.constant 0 : i32
      %dma_wait3A_148 = tpu.memref_slice %arg8[%dma_wait3A_146, %dma_wait3A_147] : memref<2x128xi32, #tpu.memory_space<vmem>> -> memref<1x128xi32, #tpu.memory_space<vmem>>
      %dma_wait3A_149 = tpu.memref_squeeze %dma_wait3A_148 : memref<1x128xi32, #tpu.memory_space<vmem>> -> memref<128xi32, #tpu.memory_space<vmem>>
      %dma_wait3A_150 = arith.constant 0 : i32
      %dma_wait3A_151 = arith.constant 0 : i32
      %dma_wait3A_152 = tpu.memref_slice %arg2[%dma_wait3A_150, %dma_wait3A_151] : memref<10112x128xf32, #tpu.memory_space<hbm>> -> memref<10112x128xf32, #tpu.memory_space<hbm>>
      tpu.wait_indirect_dma semaphore(%arg17 : memref<!tpu.dma_semaphore, #tpu.memory_space<semaphore_mem>>) src(%dma_wait3A_152 : memref<10112x128xf32, #tpu.memory_space<hbm>>) dst(%arg12 : memref<128x128xf32, #tpu.memory_space<vmem>>)
      %dma_wait3A_153 = arith.constant 0 : i32
      %dma_wait3A_154 = arith.constant 0 : i32
      %dma_wait3A_155 = tpu.memref_slice %arg10[%dma_wait3A_153, %dma_wait3A_154] : memref<2x128xi32, #tpu.memory_space<vmem>> -> memref<1x128xi32, #tpu.memory_space<vmem>>
      %dma_wait3A_156 = tpu.memref_squeeze %dma_wait3A_155 : memref<1x128xi32, #tpu.memory_space<vmem>> -> memref<128xi32, #tpu.memory_space<vmem>>
      %dma_wait3A_157 = arith.constant 0 : i32
      %dma_wait3A_158 = arith.constant 0 : i32
      %dma_wait3A_159 = tpu.memref_slice %arg13[%dma_wait3A_157, %dma_wait3A_158] : memref<10112x128xf32, #tpu.memory_space<vmem_shared>> -> memref<10112x128xf32, #tpu.memory_space<vmem_shared>>
      tpu.wait_indirect_dma semaphore(%arg18 : memref<!tpu.dma_semaphore, #tpu.memory_space<semaphore_mem>>) src(%arg11 : memref<128x128xf32, #tpu.memory_space<vmem>>) dst(%dma_wait3A_159 : memref<10112x128xf32, #tpu.memory_space<vmem_shared>>)
      %add3A_160 = arith.constant 1 : i32
      %add3A_161 = arith.addi %add3A_113, %add3A_160 : i32
      %lt3A_162 = arith.cmpi slt, %add3A_161, %select_n3A_10 : i32
      %convert_element_type3A_163 = arith.extui %lt3A_162 : i1 to i32
      %cond3A_164 = arith.constant 0 : i32
      %cond3A_165 = arith.cmpi ne, %convert_element_type3A_163, %cond3A_164 : i32
      scf.if %cond3A_165 {
        %dma_wait3A_173 = arith.constant 0 : i32
        %dma_wait3A_174 = arith.constant 0 : i32
        %dma_wait3A_175 = tpu.memref_slice %arg3[%dma_wait3A_173, %dma_wait3A_174] : memref<2560x128xi32, #tpu.memory_space<hbm>> -> memref<2x128xi32, #tpu.memory_space<hbm>>
        %dma_wait3A_176 = arith.constant 0 : i32
        %dma_wait3A_177 = arith.constant 0 : i32
        %dma_wait3A_178 = tpu.memref_slice %arg3[%dma_wait3A_176, %dma_wait3A_177] : memref<2560x128xi32, #tpu.memory_space<hbm>> -> memref<2x128xi32, #tpu.memory_space<hbm>>
        tpu.wait_dma2 semaphore(%arg14 : memref<!tpu.dma_semaphore, #tpu.memory_space<semaphore_mem>>) src(%dma_wait3A_178 : memref<2x128xi32, #tpu.memory_space<hbm>>) dst(%arg7 : memref<2x128xi32, #tpu.memory_space<vmem>>)
        %dma_wait3A_179 = arith.constant 0 : i32
        %dma_wait3A_180 = arith.constant 0 : i32
        %dma_wait3A_181 = tpu.memref_slice %arg4[%dma_wait3A_179, %dma_wait3A_180] : memref<2560x128xi32, #tpu.memory_space<hbm>> -> memref<2x128xi32, #tpu.memory_space<hbm>>
        %dma_wait3A_182 = arith.constant 0 : i32
        %dma_wait3A_183 = arith.constant 0 : i32
        %dma_wait3A_184 = tpu.memref_slice %arg4[%dma_wait3A_182, %dma_wait3A_183] : memref<2560x128xi32, #tpu.memory_space<hbm>> -> memref<2x128xi32, #tpu.memory_space<hbm>>
        tpu.wait_dma2 semaphore(%arg14 : memref<!tpu.dma_semaphore, #tpu.memory_space<semaphore_mem>>) src(%dma_wait3A_184 : memref<2x128xi32, #tpu.memory_space<hbm>>) dst(%arg9 : memref<2x128xi32, #tpu.memory_space<vmem>>)
        %dma_start3A_185 = arith.constant 0 : i32
        %dma_start3A_186 = arith.constant 0 : i32
        %dma_start3A_187 = tpu.memref_slice %arg7[%dma_start3A_185, %dma_start3A_186] : memref<2x128xi32, #tpu.memory_space<vmem>> -> memref<1x128xi32, #tpu.memory_space<vmem>>
        %dma_start3A_188 = tpu.memref_squeeze %dma_start3A_187 : memref<1x128xi32, #tpu.memory_space<vmem>> -> memref<128xi32, #tpu.memory_space<vmem>>
        %dma_start3A_189 = arith.constant 0 : i32
        %dma_start3A_190 = arith.constant 0 : i32
        %dma_start3A_191 = tpu.memref_slice %arg2[%dma_start3A_189, %dma_start3A_190] : memref<10112x128xf32, #tpu.memory_space<hbm>> -> memref<10112x128xf32, #tpu.memory_space<hbm>>
        tpu.enqueue_indirect_dma source(%dma_start3A_191 : memref<10112x128xf32, #tpu.memory_space<hbm>>) target(%arg11 : memref<128x128xf32, #tpu.memory_space<vmem>>) offsets(%dma_start3A_188 : memref<128xi32, #tpu.memory_space<vmem>>) semaphore(%arg16 : memref<!tpu.dma_semaphore, #tpu.memory_space<semaphore_mem>>)
      } else {
      }
      %dma_start3A_166 = arith.constant 1 : i32
      %dma_start3A_167 = arith.constant 0 : i32
      %dma_start3A_168 = tpu.memref_slice %arg10[%dma_start3A_166, %dma_start3A_167] : memref<2x128xi32, #tpu.memory_space<vmem>> -> memref<1x128xi32, #tpu.memory_space<vmem>>
      %dma_start3A_169 = tpu.memref_squeeze %dma_start3A_168 : memref<1x128xi32, #tpu.memory_space<vmem>> -> memref<128xi32, #tpu.memory_space<vmem>>
      %dma_start3A_170 = arith.constant 0 : i32
      %dma_start3A_171 = arith.constant 0 : i32
      %dma_start3A_172 = tpu.memref_slice %arg13[%dma_start3A_170, %dma_start3A_171] : memref<10112x128xf32, #tpu.memory_space<vmem_shared>> -> memref<10112x128xf32, #tpu.memory_space<vmem_shared>>
      tpu.enqueue_indirect_dma source(%arg12 : memref<128x128xf32, #tpu.memory_space<vmem>>) target(%dma_start3A_172 : memref<10112x128xf32, #tpu.memory_space<vmem_shared>>) offsets(%dma_start3A_169 : memref<128xi32, #tpu.memory_space<vmem>>) semaphore(%arg19 : memref<!tpu.dma_semaphore, #tpu.memory_space<semaphore_mem>>) {add = true}
    }
    %while3A_44 = arith.constant 1 : i32
    scf.for %while3A_51 = %while3A_42 to %while3A_38 step %while3A_44  : i32 {
      %mul3A_52 = arith.constant 2 : i32
      %mul3A_53 = arith.muli %mul3A_52, %while3A_51 : i32
      %dma_wait3A = arith.constant 0 : i32
      %dma_wait3A_54 = arith.constant 0 : i32
      %dma_wait3A_55 = tpu.memref_slice %arg7[%dma_wait3A, %dma_wait3A_54] : memref<2x128xi32, #tpu.memory_space<vmem>> -> memref<1x128xi32, #tpu.memory_space<vmem>>
      %dma_wait3A_56 = tpu.memref_squeeze %dma_wait3A_55 : memref<1x128xi32, #tpu.memory_space<vmem>> -> memref<128xi32, #tpu.memory_space<vmem>>
      %dma_wait3A_57 = arith.constant 0 : i32
      %dma_wait3A_58 = arith.constant 0 : i32
      %dma_wait3A_59 = tpu.memref_slice %arg2[%dma_wait3A_57, %dma_wait3A_58] : memref<10112x128xf32, #tpu.memory_space<hbm>> -> memref<10112x128xf32, #tpu.memory_space<hbm>>
      tpu.wait_indirect_dma semaphore(%arg16 : memref<!tpu.dma_semaphore, #tpu.memory_space<semaphore_mem>>) src(%dma_wait3A_59 : memref<10112x128xf32, #tpu.memory_space<hbm>>) dst(%arg11 : memref<128x128xf32, #tpu.memory_space<vmem>>)
      %gt3A_60 = arith.constant 0 : i32
      %gt3A_61 = arith.cmpi sgt, %mul3A_53, %gt3A_60 : i32
      %convert_element_type3A_62 = arith.extui %gt3A_61 : i1 to i32
      %cond3A_63 = arith.constant 0 : i32
      %cond3A_64 = arith.cmpi ne, %convert_element_type3A_62, %cond3A_63 : i32
      scf.if %cond3A_64 {
        %dma_wait3A_173 = arith.constant 0 : i32
        %dma_wait3A_174 = arith.constant 0 : i32
        %dma_wait3A_175 = tpu.memref_slice %arg10[%dma_wait3A_173, %dma_wait3A_174] : memref<2x128xi32, #tpu.memory_space<vmem>> -> memref<1x128xi32, #tpu.memory_space<vmem>>
        %dma_wait3A_176 = tpu.memref_squeeze %dma_wait3A_175 : memref<1x128xi32, #tpu.memory_space<vmem>> -> memref<128xi32, #tpu.memory_space<vmem>>
        %dma_wait3A_177 = arith.constant 0 : i32
        %dma_wait3A_178 = arith.constant 0 : i32
        %dma_wait3A_179 = tpu.memref_slice %arg13[%dma_wait3A_177, %dma_wait3A_178] : memref<10112x128xf32, #tpu.memory_space<vmem_shared>> -> memref<10112x128xf32, #tpu.memory_space<vmem_shared>>
        tpu.wait_indirect_dma semaphore(%arg19 : memref<!tpu.dma_semaphore, #tpu.memory_space<semaphore_mem>>) src(%arg12 : memref<128x128xf32, #tpu.memory_space<vmem>>) dst(%dma_wait3A_179 : memref<10112x128xf32, #tpu.memory_space<vmem_shared>>)
      } else {
      }
      %add3A_65 = arith.constant 1 : i32
      %add3A_66 = arith.addi %mul3A_53, %add3A_65 : i32
      %lt3A = arith.cmpi slt, %add3A_66, %select_n3A_10 : i32
      %convert_element_type3A_67 = arith.extui %lt3A : i1 to i32
      %cond3A_68 = arith.constant 0 : i32
      %cond3A_69 = arith.cmpi ne, %convert_element_type3A_67, %cond3A_68 : i32
      scf.if %cond3A_69 {
        %add3A_173 = arith.constant 1 : i32
        %add3A_174 = arith.addi %mul3A_53, %add3A_173 : i32
        %mul3A_175 = arith.constant 2 : i32
        %mul3A_176 = arith.muli %mul3A_175, %add3A_174 : i32
        %add3A_177 = arith.addi %select_n3A, %mul3A_176 : i32
        %dma_start3A_178 = arith.constant 0 : i32
        %dma_start3A_179 = tpu.memref_slice %arg3[%add3A_177, %dma_start3A_178] : memref<2560x128xi32, #tpu.memory_space<hbm>> -> memref<2x128xi32, #tpu.memory_space<hbm>>
        %dma_start3A_180 = arith.constant 0 : i32
        %dma_start3A_181 = tpu.memref_slice %arg3[%add3A_177, %dma_start3A_180] : memref<2560x128xi32, #tpu.memory_space<hbm>> -> memref<2x128xi32, #tpu.memory_space<hbm>>
        tpu.enqueue_dma source(%dma_start3A_181 : memref<2x128xi32, #tpu.memory_space<hbm>>) target(%arg8 : memref<2x128xi32, #tpu.memory_space<vmem>>) target_semaphore(%arg15 : memref<!tpu.dma_semaphore, #tpu.memory_space<semaphore_mem>>)
        %mul3A_182 = arith.constant 2 : i32
        %mul3A_183 = arith.muli %mul3A_182, %add3A_174 : i32
        %add3A_184 = arith.addi %select_n3A, %mul3A_183 : i32
        %dma_start3A_185 = arith.constant 0 : i32
        %dma_start3A_186 = tpu.memref_slice %arg4[%add3A_184, %dma_start3A_185] : memref<2560x128xi32, #tpu.memory_space<hbm>> -> memref<2x128xi32, #tpu.memory_space<hbm>>
        %dma_start3A_187 = arith.constant 0 : i32
        %dma_start3A_188 = tpu.memref_slice %arg4[%add3A_184, %dma_start3A_187] : memref<2560x128xi32, #tpu.memory_space<hbm>> -> memref<2x128xi32, #tpu.memory_space<hbm>>
        tpu.enqueue_dma source(%dma_start3A_188 : memref<2x128xi32, #tpu.memory_space<hbm>>) target(%arg10 : memref<2x128xi32, #tpu.memory_space<vmem>>) target_semaphore(%arg15 : memref<!tpu.dma_semaphore, #tpu.memory_space<semaphore_mem>>)
      } else {
      }
      %dma_start3A = arith.constant 1 : i32
      %dma_start3A_70 = arith.constant 0 : i32
      %dma_start3A_71 = tpu.memref_slice %arg7[%dma_start3A, %dma_start3A_70] : memref<2x128xi32, #tpu.memory_space<vmem>> -> memref<1x128xi32, #tpu.memory_space<vmem>>
      %dma_start3A_72 = tpu.memref_squeeze %dma_start3A_71 : memref<1x128xi32, #tpu.memory_space<vmem>> -> memref<128xi32, #tpu.memory_space<vmem>>
      %dma_start3A_73 = arith.constant 0 : i32
      %dma_start3A_74 = arith.constant 0 : i32
      %dma_start3A_75 = tpu.memref_slice %arg2[%dma_start3A_73, %dma_start3A_74] : memref<10112x128xf32, #tpu.memory_space<hbm>> -> memref<10112x128xf32, #tpu.memory_space<hbm>>
      tpu.enqueue_indirect_dma source(%dma_start3A_75 : memref<10112x128xf32, #tpu.memory_space<hbm>>) target(%arg12 : memref<128x128xf32, #tpu.memory_space<vmem>>) offsets(%dma_start3A_72 : memref<128xi32, #tpu.memory_space<vmem>>) semaphore(%arg17 : memref<!tpu.dma_semaphore, #tpu.memory_space<semaphore_mem>>)
      %dma_start3A_76 = arith.constant 0 : i32
      %dma_start3A_77 = arith.constant 0 : i32
      %dma_start3A_78 = tpu.memref_slice %arg9[%dma_start3A_76, %dma_start3A_77] : memref<2x128xi32, #tpu.memory_space<vmem>> -> memref<1x128xi32, #tpu.memory_space<vmem>>
      %dma_start3A_79 = tpu.memref_squeeze %dma_start3A_78 : memref<1x128xi32, #tpu.memory_space<vmem>> -> memref<128xi32, #tpu.memory_space<vmem>>
      %dma_start3A_80 = arith.constant 0 : i32
      %dma_start3A_81 = arith.constant 0 : i32
      %dma_start3A_82 = tpu.memref_slice %arg13[%dma_start3A_80, %dma_start3A_81] : memref<10112x128xf32, #tpu.memory_space<vmem_shared>> -> memref<10112x128xf32, #tpu.memory_space<vmem_shared>>
      tpu.enqueue_indirect_dma source(%arg11 : memref<128x128xf32, #tpu.memory_space<vmem>>) target(%dma_start3A_82 : memref<10112x128xf32, #tpu.memory_space<vmem_shared>>) offsets(%dma_start3A_79 : memref<128xi32, #tpu.memory_space<vmem>>) semaphore(%arg18 : memref<!tpu.dma_semaphore, #tpu.memory_space<semaphore_mem>>) {add = true}
      %dma_wait3A_83 = arith.constant 0 : i32
      %dma_wait3A_84 = arith.constant 0 : i32
      %dma_wait3A_85 = tpu.memref_slice %arg7[%dma_wait3A_83, %dma_wait3A_84] : memref<2x128xi32, #tpu.memory_space<vmem>> -> memref<1x128xi32, #tpu.memory_space<vmem>>
      %dma_wait3A_86 = tpu.memref_squeeze %dma_wait3A_85 : memref<1x128xi32, #tpu.memory_space<vmem>> -> memref<128xi32, #tpu.memory_space<vmem>>
      %dma_wait3A_87 = arith.constant 0 : i32
      %dma_wait3A_88 = arith.constant 0 : i32
      %dma_wait3A_89 = tpu.memref_slice %arg2[%dma_wait3A_87, %dma_wait3A_88] : memref<10112x128xf32, #tpu.memory_space<hbm>> -> memref<10112x128xf32, #tpu.memory_space<hbm>>
      tpu.wait_indirect_dma semaphore(%arg17 : memref<!tpu.dma_semaphore, #tpu.memory_space<semaphore_mem>>) src(%dma_wait3A_89 : memref<10112x128xf32, #tpu.memory_space<hbm>>) dst(%arg12 : memref<128x128xf32, #tpu.memory_space<vmem>>)
      %dma_wait3A_90 = arith.constant 0 : i32
      %dma_wait3A_91 = arith.constant 0 : i32
      %dma_wait3A_92 = tpu.memref_slice %arg9[%dma_wait3A_90, %dma_wait3A_91] : memref<2x128xi32, #tpu.memory_space<vmem>> -> memref<1x128xi32, #tpu.memory_space<vmem>>
      %dma_wait3A_93 = tpu.memref_squeeze %dma_wait3A_92 : memref<1x128xi32, #tpu.memory_space<vmem>> -> memref<128xi32, #tpu.memory_space<vmem>>
      %dma_wait3A_94 = arith.constant 0 : i32
      %dma_wait3A_95 = arith.constant 0 : i32
      %dma_wait3A_96 = tpu.memref_slice %arg13[%dma_wait3A_94, %dma_wait3A_95] : memref<10112x128xf32, #tpu.memory_space<vmem_shared>> -> memref<10112x128xf32, #tpu.memory_space<vmem_shared>>
      tpu.wait_indirect_dma semaphore(%arg18 : memref<!tpu.dma_semaphore, #tpu.memory_space<semaphore_mem>>) src(%arg11 : memref<128x128xf32, #tpu.memory_space<vmem>>) dst(%dma_wait3A_96 : memref<10112x128xf32, #tpu.memory_space<vmem_shared>>)
      %add3A_97 = arith.constant 1 : i32
      %add3A_98 = arith.addi %mul3A_53, %add3A_97 : i32
      %lt3A_99 = arith.cmpi slt, %add3A_98, %select_n3A_10 : i32
      %convert_element_type3A_100 = arith.extui %lt3A_99 : i1 to i32
      %cond3A_101 = arith.constant 0 : i32
      %cond3A_102 = arith.cmpi ne, %convert_element_type3A_100, %cond3A_101 : i32
      scf.if %cond3A_102 {
        %dma_wait3A_173 = arith.constant 0 : i32
        %dma_wait3A_174 = arith.constant 0 : i32
        %dma_wait3A_175 = tpu.memref_slice %arg3[%dma_wait3A_173, %dma_wait3A_174] : memref<2560x128xi32, #tpu.memory_space<hbm>> -> memref<2x128xi32, #tpu.memory_space<hbm>>
        %dma_wait3A_176 = arith.constant 0 : i32
        %dma_wait3A_177 = arith.constant 0 : i32
        %dma_wait3A_178 = tpu.memref_slice %arg3[%dma_wait3A_176, %dma_wait3A_177] : memref<2560x128xi32, #tpu.memory_space<hbm>> -> memref<2x128xi32, #tpu.memory_space<hbm>>
        tpu.wait_dma2 semaphore(%arg15 : memref<!tpu.dma_semaphore, #tpu.memory_space<semaphore_mem>>) src(%dma_wait3A_178 : memref<2x128xi32, #tpu.memory_space<hbm>>) dst(%arg8 : memref<2x128xi32, #tpu.memory_space<vmem>>)
        %dma_wait3A_179 = arith.constant 0 : i32
        %dma_wait3A_180 = arith.constant 0 : i32
        %dma_wait3A_181 = tpu.memref_slice %arg4[%dma_wait3A_179, %dma_wait3A_180] : memref<2560x128xi32, #tpu.memory_space<hbm>> -> memref<2x128xi32, #tpu.memory_space<hbm>>
        %dma_wait3A_182 = arith.constant 0 : i32
        %dma_wait3A_183 = arith.constant 0 : i32
        %dma_wait3A_184 = tpu.memref_slice %arg4[%dma_wait3A_182, %dma_wait3A_183] : memref<2560x128xi32, #tpu.memory_space<hbm>> -> memref<2x128xi32, #tpu.memory_space<hbm>>
        tpu.wait_dma2 semaphore(%arg15 : memref<!tpu.dma_semaphore, #tpu.memory_space<semaphore_mem>>) src(%dma_wait3A_184 : memref<2x128xi32, #tpu.memory_space<hbm>>) dst(%arg10 : memref<2x128xi32, #tpu.memory_space<vmem>>)
        %dma_start3A_185 = arith.constant 0 : i32
        %dma_start3A_186 = arith.constant 0 : i32
        %dma_start3A_187 = tpu.memref_slice %arg8[%dma_start3A_185, %dma_start3A_186] : memref<2x128xi32, #tpu.memory_space<vmem>> -> memref<1x128xi32, #tpu.memory_space<vmem>>
        %dma_start3A_188 = tpu.memref_squeeze %dma_start3A_187 : memref<1x128xi32, #tpu.memory_space<vmem>> -> memref<128xi32, #tpu.memory_space<vmem>>
        %dma_start3A_189 = arith.constant 0 : i32
        %dma_start3A_190 = arith.constant 0 : i32
        %dma_start3A_191 = tpu.memref_slice %arg2[%dma_start3A_189, %dma_start3A_190] : memref<10112x128xf32, #tpu.memory_space<hbm>> -> memref<10112x128xf32, #tpu.memory_space<hbm>>
        tpu.enqueue_indirect_dma source(%dma_start3A_191 : memref<10112x128xf32, #tpu.memory_space<hbm>>) target(%arg11 : memref<128x128xf32, #tpu.memory_space<vmem>>) offsets(%dma_start3A_188 : memref<128xi32, #tpu.memory_space<vmem>>) semaphore(%arg16 : memref<!tpu.dma_semaphore, #tpu.memory_space<semaphore_mem>>)
      } else {
      }
      %dma_start3A_103 = arith.constant 1 : i32
      %dma_start3A_104 = arith.constant 0 : i32
      %dma_start3A_105 = tpu.memref_slice %arg9[%dma_start3A_103, %dma_start3A_104] : memref<2x128xi32, #tpu.memory_space<vmem>> -> memref<1x128xi32, #tpu.memory_space<vmem>>
      %dma_start3A_106 = tpu.memref_squeeze %dma_start3A_105 : memref<1x128xi32, #tpu.memory_space<vmem>> -> memref<128xi32, #tpu.memory_space<vmem>>
      %dma_start3A_107 = arith.constant 0 : i32
      %dma_start3A_108 = arith.constant 0 : i32
      %dma_start3A_109 = tpu.memref_slice %arg13[%dma_start3A_107, %dma_start3A_108] : memref<10112x128xf32, #tpu.memory_space<vmem_shared>> -> memref<10112x128xf32, #tpu.memory_space<vmem_shared>>
      tpu.enqueue_indirect_dma source(%arg12 : memref<128x128xf32, #tpu.memory_space<vmem>>) target(%dma_start3A_109 : memref<10112x128xf32, #tpu.memory_space<vmem_shared>>) offsets(%dma_start3A_106 : memref<128xi32, #tpu.memory_space<vmem>>) semaphore(%arg19 : memref<!tpu.dma_semaphore, #tpu.memory_space<semaphore_mem>>) {add = true}
      %mul3A_110 = arith.constant 2 : i32
      %mul3A_111 = arith.muli %mul3A_110, %while3A_51 : i32
      %add3A_112 = arith.constant 1 : i32
      %add3A_113 = arith.addi %mul3A_111, %add3A_112 : i32
      %dma_wait3A_114 = arith.constant 0 : i32
      %dma_wait3A_115 = arith.constant 0 : i32
      %dma_wait3A_116 = tpu.memref_slice %arg8[%dma_wait3A_114, %dma_wait3A_115] : memref<2x128xi32, #tpu.memory_space<vmem>> -> memref<1x128xi32, #tpu.memory_space<vmem>>
      %dma_wait3A_117 = tpu.memref_squeeze %dma_wait3A_116 : memref<1x128xi32, #tpu.memory_space<vmem>> -> memref<128xi32, #tpu.memory_space<vmem>>
      %dma_wait3A_118 = arith.constant 0 : i32
      %dma_wait3A_119 = arith.constant 0 : i32
      %dma_wait3A_120 = tpu.memref_slice %arg2[%dma_wait3A_118, %dma_wait3A_119] : memref<10112x128xf32, #tpu.memory_space<hbm>> -> memref<10112x128xf32, #tpu.memory_space<hbm>>
      tpu.wait_indirect_dma semaphore(%arg16 : memref<!tpu.dma_semaphore, #tpu.memory_space<semaphore_mem>>) src(%dma_wait3A_120 : memref<10112x128xf32, #tpu.memory_space<hbm>>) dst(%arg11 : memref<128x128xf32, #tpu.memory_space<vmem>>)
      %gt3A_121 = arith.constant 0 : i32
      %gt3A_122 = arith.cmpi sgt, %add3A_113, %gt3A_121 : i32
      %convert_element_type3A_123 = arith.extui %gt3A_122 : i1 to i32
      %cond3A_124 = arith.constant 0 : i32
      %cond3A_125 = arith.cmpi ne, %convert_element_type3A_123, %cond3A_124 : i32
      scf.if %cond3A_125 {
        %dma_wait3A_173 = arith.constant 0 : i32
        %dma_wait3A_174 = arith.constant 0 : i32
        %dma_wait3A_175 = tpu.memref_slice %arg9[%dma_wait3A_173, %dma_wait3A_174] : memref<2x128xi32, #tpu.memory_space<vmem>> -> memref<1x128xi32, #tpu.memory_space<vmem>>
        %dma_wait3A_176 = tpu.memref_squeeze %dma_wait3A_175 : memref<1x128xi32, #tpu.memory_space<vmem>> -> memref<128xi32, #tpu.memory_space<vmem>>
        %dma_wait3A_177 = arith.constant 0 : i32
        %dma_wait3A_178 = arith.constant 0 : i32
        %dma_wait3A_179 = tpu.memref_slice %arg13[%dma_wait3A_177, %dma_wait3A_178] : memref<10112x128xf32, #tpu.memory_space<vmem_shared>> -> memref<10112x128xf32, #tpu.memory_space<vmem_shared>>
        tpu.wait_indirect_dma semaphore(%arg19 : memref<!tpu.dma_semaphore, #tpu.memory_space<semaphore_mem>>) src(%arg12 : memref<128x128xf32, #tpu.memory_space<vmem>>) dst(%dma_wait3A_179 : memref<10112x128xf32, #tpu.memory_space<vmem_shared>>)
      } else {
      }
      %add3A_126 = arith.constant 1 : i32
      %add3A_127 = arith.addi %add3A_113, %add3A_126 : i32
      %lt3A_128 = arith.cmpi slt, %add3A_127, %select_n3A_10 : i32
      %convert_element_type3A_129 = arith.extui %lt3A_128 : i1 to i32
      %cond3A_130 = arith.constant 0 : i32
      %cond3A_131 = arith.cmpi ne, %convert_element_type3A_129, %cond3A_130 : i32
      scf.if %cond3A_131 {
        %add3A_173 = arith.constant 1 : i32
        %add3A_174 = arith.addi %add3A_113, %add3A_173 : i32
        %mul3A_175 = arith.constant 2 : i32
        %mul3A_176 = arith.muli %mul3A_175, %add3A_174 : i32
        %add3A_177 = arith.addi %select_n3A, %mul3A_176 : i32
        %dma_start3A_178 = arith.constant 0 : i32
        %dma_start3A_179 = tpu.memref_slice %arg3[%add3A_177, %dma_start3A_178] : memref<2560x128xi32, #tpu.memory_space<hbm>> -> memref<2x128xi32, #tpu.memory_space<hbm>>
        %dma_start3A_180 = arith.constant 0 : i32
        %dma_start3A_181 = tpu.memref_slice %arg3[%add3A_177, %dma_start3A_180] : memref<2560x128xi32, #tpu.memory_space<hbm>> -> memref<2x128xi32, #tpu.memory_space<hbm>>
        tpu.enqueue_dma source(%dma_start3A_181 : memref<2x128xi32, #tpu.memory_space<hbm>>) target(%arg7 : memref<2x128xi32, #tpu.memory_space<vmem>>) target_semaphore(%arg14 : memref<!tpu.dma_semaphore, #tpu.memory_space<semaphore_mem>>)
        %mul3A_182 = arith.constant 2 : i32
        %mul3A_183 = arith.muli %mul3A_182, %add3A_174 : i32
        %add3A_184 = arith.addi %select_n3A, %mul3A_183 : i32
        %dma_start3A_185 = arith.constant 0 : i32
        %dma_start3A_186 = tpu.memref_slice %arg4[%add3A_184, %dma_start3A_185] : memref<2560x128xi32, #tpu.memory_space<hbm>> -> memref<2x128xi32, #tpu.memory_space<hbm>>
        %dma_start3A_187 = arith.constant 0 : i32
        %dma_start3A_188 = tpu.memref_slice %arg4[%add3A_184, %dma_start3A_187] : memref<2560x128xi32, #tpu.memory_space<hbm>> -> memref<2x128xi32, #tpu.memory_space<hbm>>
        tpu.enqueue_dma source(%dma_start3A_188 : memref<2x128xi32, #tpu.memory_space<hbm>>) target(%arg9 : memref<2x128xi32, #tpu.memory_space<vmem>>) target_semaphore(%arg14 : memref<!tpu.dma_semaphore, #tpu.memory_space<semaphore_mem>>)
      } else {
      }
      %dma_start3A_132 = arith.constant 1 : i32
      %dma_start3A_133 = arith.constant 0 : i32
      %dma_start3A_134 = tpu.memref_slice %arg8[%dma_start3A_132, %dma_start3A_133] : memref<2x128xi32, #tpu.memory_space<vmem>> -> memref<1x128xi32, #tpu.memory_space<vmem>>
      %dma_start3A_135 = tpu.memref_squeeze %dma_start3A_134 : memref<1x128xi32, #tpu.memory_space<vmem>> -> memref<128xi32, #tpu.memory_space<vmem>>
      %dma_start3A_136 = arith.constant 0 : i32
      %dma_start3A_137 = arith.constant 0 : i32
      %dma_start3A_138 = tpu.memref_slice %arg2[%dma_start3A_136, %dma_start3A_137] : memref<10112x128xf32, #tpu.memory_space<hbm>> -> memref<10112x128xf32, #tpu.memory_space<hbm>>
      tpu.enqueue_indirect_dma source(%dma_start3A_138 : memref<10112x128xf32, #tpu.memory_space<hbm>>) target(%arg12 : memref<128x128xf32, #tpu.memory_space<vmem>>) offsets(%dma_start3A_135 : memref<128xi32, #tpu.memory_space<vmem>>) semaphore(%arg17 : memref<!tpu.dma_semaphore, #tpu.memory_space<semaphore_mem>>)
      %dma_start3A_139 = arith.constant 0 : i32
      %dma_start3A_140 = arith.constant 0 : i32
      %dma_start3A_141 = tpu.memref_slice %arg10[%dma_start3A_139, %dma_start3A_140] : memref<2x128xi32, #tpu.memory_space<vmem>> -> memref<1x128xi32, #tpu.memory_space<vmem>>
      %dma_start3A_142 = tpu.memref_squeeze %dma_start3A_141 : memref<1x128xi32, #tpu.memory_space<vmem>> -> memref<128xi32, #tpu.memory_space<vmem>>
      %dma_start3A_143 = arith.constant 0 : i32
      %dma_start3A_144 = arith.constant 0 : i32
      %dma_start3A_145 = tpu.memref_slice %arg13[%dma_start3A_143, %dma_start3A_144] : memref<10112x128xf32, #tpu.memory_space<vmem_shared>> -> memref<10112x128xf32, #tpu.memory_space<vmem_shared>>
      tpu.enqueue_indirect_dma source(%arg11 : memref<128x128xf32, #tpu.memory_space<vmem>>) target(%dma_start3A_145 : memref<10112x128xf32, #tpu.memory_space<vmem_shared>>) offsets(%dma_start3A_142 : memref<128xi32, #tpu.memory_space<vmem>>) semaphore(%arg18 : memref<!tpu.dma_semaphore, #tpu.memory_space<semaphore_mem>>) {add = true}
      %dma_wait3A_146 = arith.constant 0 : i32
      %dma_wait3A_147 = arith.constant 0 : i32
      %dma_wait3A_148 = tpu.memref_slice %arg8[%dma_wait3A_146, %dma_wait3A_147] : memref<2x128xi32, #tpu.memory_space<vmem>> -> memref<1x128xi32, #tpu.memory_space<vmem>>
      %dma_wait3A_149 = tpu.memref_squeeze %dma_wait3A_148 : memref<1x128xi32, #tpu.memory_space<vmem>> -> memref<128xi32, #tpu.memory_space<vmem>>
      %dma_wait3A_150 = arith.constant 0 : i32
      %dma_wait3A_151 = arith.constant 0 : i32
      %dma_wait3A_152 = tpu.memref_slice %arg2[%dma_wait3A_150, %dma_wait3A_151] : memref<10112x128xf32, #tpu.memory_space<hbm>> -> memref<10112x128xf32, #tpu.memory_space<hbm>>
      tpu.wait_indirect_dma semaphore(%arg17 : memref<!tpu.dma_semaphore, #tpu.memory_space<semaphore_mem>>) src(%dma_wait3A_152 : memref<10112x128xf32, #tpu.memory_space<hbm>>) dst(%arg12 : memref<128x128xf32, #tpu.memory_space<vmem>>)
      %dma_wait3A_153 = arith.constant 0 : i32
      %dma_wait3A_154 = arith.constant 0 : i32
      %dma_wait3A_155 = tpu.memref_slice %arg10[%dma_wait3A_153, %dma_wait3A_154] : memref<2x128xi32, #tpu.memory_space<vmem>> -> memref<1x128xi32, #tpu.memory_space<vmem>>
      %dma_wait3A_156 = tpu.memref_squeeze %dma_wait3A_155 : memref<1x128xi32, #tpu.memory_space<vmem>> -> memref<128xi32, #tpu.memory_space<vmem>>
      %dma_wait3A_157 = arith.constant 0 : i32
      %dma_wait3A_158 = arith.constant 0 : i32
      %dma_wait3A_159 = tpu.memref_slice %arg13[%dma_wait3A_157, %dma_wait3A_158] : memref<10112x128xf32, #tpu.memory_space<vmem_shared>> -> memref<10112x128xf32, #tpu.memory_space<vmem_shared>>
      tpu.wait_indirect_dma semaphore(%arg18 : memref<!tpu.dma_semaphore, #tpu.memory_space<semaphore_mem>>) src(%arg11 : memref<128x128xf32, #tpu.memory_space<vmem>>) dst(%dma_wait3A_159 : memref<10112x128xf32, #tpu.memory_space<vmem_shared>>)
      %add3A_160 = arith.constant 1 : i32
      %add3A_161 = arith.addi %add3A_113, %add3A_160 : i32
      %lt3A_162 = arith.cmpi slt, %add3A_161, %select_n3A_10 : i32
      %convert_element_type3A_163 = arith.extui %lt3A_162 : i1 to i32
      %cond3A_164 = arith.constant 0 : i32
      %cond3A_165 = arith.cmpi ne, %convert_element_type3A_163, %cond3A_164 : i32
      scf.if %cond3A_165 {
        %dma_wait3A_173 = arith.constant 0 : i32
        %dma_wait3A_174 = arith.constant 0 : i32
        %dma_wait3A_175 = tpu.memref_slice %arg3[%dma_wait3A_173, %dma_wait3A_174] : memref<2560x128xi32, #tpu.memory_space<hbm>> -> memref<2x128xi32, #tpu.memory_space<hbm>>
        %dma_wait3A_176 = arith.constant 0 : i32
        %dma_wait3A_177 = arith.constant 0 : i32
        %dma_wait3A_178 = tpu.memref_slice %arg3[%dma_wait3A_176, %dma_wait3A_177] : memref<2560x128xi32, #tpu.memory_space<hbm>> -> memref<2x128xi32, #tpu.memory_space<hbm>>
        tpu.wait_dma2 semaphore(%arg14 : memref<!tpu.dma_semaphore, #tpu.memory_space<semaphore_mem>>) src(%dma_wait3A_178 : memref<2x128xi32, #tpu.memory_space<hbm>>) dst(%arg7 : memref<2x128xi32, #tpu.memory_space<vmem>>)
        %dma_wait3A_179 = arith.constant 0 : i32
        %dma_wait3A_180 = arith.constant 0 : i32
        %dma_wait3A_181 = tpu.memref_slice %arg4[%dma_wait3A_179, %dma_wait3A_180] : memref<2560x128xi32, #tpu.memory_space<hbm>> -> memref<2x128xi32, #tpu.memory_space<hbm>>
        %dma_wait3A_182 = arith.constant 0 : i32
        %dma_wait3A_183 = arith.constant 0 : i32
        %dma_wait3A_184 = tpu.memref_slice %arg4[%dma_wait3A_182, %dma_wait3A_183] : memref<2560x128xi32, #tpu.memory_space<hbm>> -> memref<2x128xi32, #tpu.memory_space<hbm>>
        tpu.wait_dma2 semaphore(%arg14 : memref<!tpu.dma_semaphore, #tpu.memory_space<semaphore_mem>>) src(%dma_wait3A_184 : memref<2x128xi32, #tpu.memory_space<hbm>>) dst(%arg9 : memref<2x128xi32, #tpu.memory_space<vmem>>)
        %dma_start3A_185 = arith.constant 0 : i32
        %dma_start3A_186 = arith.constant 0 : i32
        %dma_start3A_187 = tpu.memref_slice %arg7[%dma_start3A_185, %dma_start3A_186] : memref<2x128xi32, #tpu.memory_space<vmem>> -> memref<1x128xi32, #tpu.memory_space<vmem>>
        %dma_start3A_188 = tpu.memref_squeeze %dma_start3A_187 : memref<1x128xi32, #tpu.memory_space<vmem>> -> memref<128xi32, #tpu.memory_space<vmem>>
        %dma_start3A_189 = arith.constant 0 : i32
        %dma_start3A_190 = arith.constant 0 : i32
        %dma_start3A_191 = tpu.memref_slice %arg2[%dma_start3A_189, %dma_start3A_190] : memref<10112x128xf32, #tpu.memory_space<hbm>> -> memref<10112x128xf32, #tpu.memory_space<hbm>>
        tpu.enqueue_indirect_dma source(%dma_start3A_191 : memref<10112x128xf32, #tpu.memory_space<hbm>>) target(%arg11 : memref<128x128xf32, #tpu.memory_space<vmem>>) offsets(%dma_start3A_188 : memref<128xi32, #tpu.memory_space<vmem>>) semaphore(%arg16 : memref<!tpu.dma_semaphore, #tpu.memory_space<semaphore_mem>>)
      } else {
      }
      %dma_start3A_166 = arith.constant 1 : i32
      %dma_start3A_167 = arith.constant 0 : i32
      %dma_start3A_168 = tpu.memref_slice %arg10[%dma_start3A_166, %dma_start3A_167] : memref<2x128xi32, #tpu.memory_space<vmem>> -> memref<1x128xi32, #tpu.memory_space<vmem>>
      %dma_start3A_169 = tpu.memref_squeeze %dma_start3A_168 : memref<1x128xi32, #tpu.memory_space<vmem>> -> memref<128xi32, #tpu.memory_space<vmem>>
      %dma_start3A_170 = arith.constant 0 : i32
      %dma_start3A_171 = arith.constant 0 : i32
      %dma_start3A_172 = tpu.memref_slice %arg13[%dma_start3A_170, %dma_start3A_171] : memref<10112x128xf32, #tpu.memory_space<vmem_shared>> -> memref<10112x128xf32, #tpu.memory_space<vmem_shared>>
      tpu.enqueue_indirect_dma source(%arg12 : memref<128x128xf32, #tpu.memory_space<vmem>>) target(%dma_start3A_172 : memref<10112x128xf32, #tpu.memory_space<vmem_shared>>) offsets(%dma_start3A_169 : memref<128xi32, #tpu.memory_space<vmem>>) semaphore(%arg19 : memref<!tpu.dma_semaphore, #tpu.memory_space<semaphore_mem>>) {add = true}
    }
    %gt3A_45 = arith.constant 0 : i32
    %gt3A_46 = arith.cmpi sgt, %select_n3A_10, %gt3A_45 : i32
    %convert_element_type3A_47 = arith.extui %gt3A_46 : i1 to i32
    %cond3A_48 = arith.constant 0 : i32
    %cond3A_49 = arith.cmpi ne, %convert_element_type3A_47, %cond3A_48 : i32
    scf.if %cond3A_49 {
      %dma_wait3A = arith.constant 0 : i32
      %dma_wait3A_51 = arith.constant 0 : i32
      %dma_wait3A_52 = tpu.memref_slice %arg10[%dma_wait3A, %dma_wait3A_51] : memref<2x128xi32, #tpu.memory_space<vmem>> -> memref<1x128xi32, #tpu.memory_space<vmem>>
      %dma_wait3A_53 = tpu.memref_squeeze %dma_wait3A_52 : memref<1x128xi32, #tpu.memory_space<vmem>> -> memref<128xi32, #tpu.memory_space<vmem>>
      %dma_wait3A_54 = arith.constant 0 : i32
      %dma_wait3A_55 = arith.constant 0 : i32
      %dma_wait3A_56 = tpu.memref_slice %arg13[%dma_wait3A_54, %dma_wait3A_55] : memref<10112x128xf32, #tpu.memory_space<vmem_shared>> -> memref<10112x128xf32, #tpu.memory_space<vmem_shared>>
      tpu.wait_indirect_dma semaphore(%arg19 : memref<!tpu.dma_semaphore, #tpu.memory_space<semaphore_mem>>) src(%arg12 : memref<128x128xf32, #tpu.memory_space<vmem>>) dst(%dma_wait3A_56 : memref<10112x128xf32, #tpu.memory_space<vmem_shared>>)
    } else {
    }
    %barrier3A_50 = arith.constant 0 : index
    tpu.barrier barrier_id(%barrier3A_50)
    "tpu.region"() ({
      %run_scoped3A = tpu.sem_alloc : memref<!tpu.dma_semaphore, #tpu.memory_space<semaphore_mem>>
      %dma_start3A = arith.constant 0 : i32
      %dma_start3A_51 = arith.constant 0 : i32
      %dma_start3A_52 = tpu.memref_slice %arg6[%arg0, %dma_start3A, %dma_start3A_51] : memref<2x10112x128xf32, #tpu.memory_space<hbm>> -> memref<1x10112x128xf32, #tpu.memory_space<hbm>>
      %dma_start3A_53 = tpu.memref_squeeze %dma_start3A_52 : memref<1x10112x128xf32, #tpu.memory_space<hbm>> -> memref<10112x128xf32, #tpu.memory_space<hbm>>
      %dma_start3A_54 = arith.constant 0 : i32
      %dma_start3A_55 = tpu.memref_slice %dma_start3A_53[%mul3A_0, %dma_start3A_54] : memref<10112x128xf32, #tpu.memory_space<hbm>> -> memref<632x128xf32, #tpu.memory_space<hbm>>
      %dma_start3A_56 = arith.constant 0 : i32
      %dma_start3A_57 = tpu.memref_slice %arg13[%mul3A_0, %dma_start3A_56] : memref<10112x128xf32, #tpu.memory_space<vmem_shared>> -> memref<632x128xf32, #tpu.memory_space<vmem_shared>>
      tpu.enqueue_dma source(%dma_start3A_57 : memref<632x128xf32, #tpu.memory_space<vmem_shared>>) target(%dma_start3A_55 : memref<632x128xf32, #tpu.memory_space<hbm>>) target_semaphore(%run_scoped3A : memref<!tpu.dma_semaphore, #tpu.memory_space<semaphore_mem>>)
      %dma_wait3A = arith.constant 0 : i32
      %dma_wait3A_58 = arith.constant 0 : i32
      %dma_wait3A_59 = tpu.memref_slice %arg6[%arg0, %dma_wait3A, %dma_wait3A_58] : memref<2x10112x128xf32, #tpu.memory_space<hbm>> -> memref<1x10112x128xf32, #tpu.memory_space<hbm>>
      %dma_wait3A_60 = tpu.memref_squeeze %dma_wait3A_59 : memref<1x10112x128xf32, #tpu.memory_space<hbm>> -> memref<10112x128xf32, #tpu.memory_space<hbm>>
      %dma_wait3A_61 = arith.constant 0 : i32
      %dma_wait3A_62 = tpu.memref_slice %dma_wait3A_60[%mul3A_0, %dma_wait3A_61] : memref<10112x128xf32, #tpu.memory_space<hbm>> -> memref<632x128xf32, #tpu.memory_space<hbm>>
      %dma_wait3A_63 = arith.constant 0 : i32
      %dma_wait3A_64 = tpu.memref_slice %arg13[%mul3A_0, %dma_wait3A_63] : memref<10112x128xf32, #tpu.memory_space<vmem_shared>> -> memref<632x128xf32, #tpu.memory_space<vmem_shared>>
      tpu.wait_dma2 semaphore(%run_scoped3A : memref<!tpu.dma_semaphore, #tpu.memory_space<semaphore_mem>>) src(%dma_wait3A_64 : memref<632x128xf32, #tpu.memory_space<vmem_shared>>) dst(%dma_wait3A_62 : memref<632x128xf32, #tpu.memory_space<hbm>>)
      tpu.yield
    }) : () -> ()
    return
  }
}

#map = affine_map<(d0, d1) -> (0, 0)>
#map1 = affine_map<(d0, d1) -> (0, 0, 0)>
module attributes {stable_mosaic.version = 14 : i64} {
  func.func @k(%arg0: i32, %arg1: i32, %arg2: memref<10112x128xf32, #tpu.memory_space<hbm>>, %arg3: memref<2560x128xi32, #tpu.memory_space<hbm>>, %arg4: memref<2560x128xi32, #tpu.memory_space<hbm>>, %arg5: memref<10112x128xf32, #tpu.memory_space<hbm>>, %arg6: memref<2x10112x128xf32, #tpu.memory_space<hbm>>, %arg7: memref<2x128xi32, #tpu.memory_space<vmem>>, %arg8: memref<2x128xi32, #tpu.memory_space<vmem>>, %arg9: memref<2x128xi32, #tpu.memory_space<vmem>>, %arg10: memref<2x128xi32, #tpu.memory_space<vmem>>, %arg11: memref<128x128xf32, #tpu.memory_space<vmem>>, %arg12: memref<128x128xf32, #tpu.memory_space<vmem>>, %arg13: memref<10112x128xf32, #tpu.memory_space<vmem_shared>>, %arg14: memref<!tpu.dma_semaphore, #tpu.memory_space<semaphore_mem>>, %arg15: memref<!tpu.dma_semaphore, #tpu.memory_space<semaphore_mem>>, %arg16: memref<!tpu.dma_semaphore, #tpu.memory_space<semaphore_mem>>, %arg17: memref<!tpu.dma_semaphore, #tpu.memory_space<semaphore_mem>>, %arg18: memref<!tpu.dma_semaphore, #tpu.memory_space<semaphore_mem>>, %arg19: memref<!tpu.dma_semaphore, #tpu.memory_space<semaphore_mem>>) attributes {dimension_semantics = [#tpu.dimension_semantics<core_parallel>, #tpu.dimension_semantics<subcore_parallel>], iteration_bounds = array<i64: 2, 16>, scalar_prefetch = 0 : i64, scratch_operands = 13 : i64, tpu.core_type = #tpu.core_type<sc_vector_subcore>, window_params = [{transform_indices = #map}, {transform_indices = #map}, {transform_indices = #map}, {transform_indices = #map}, {transform_indices = #map1}]} {
    %mul3A = arith.constant 632 : i32
    %mul3A_0 = arith.muli %arg1, %mul3A : i32
    %eq3A = arith.constant 0 : i32
    %eq3A_1 = arith.cmpi eq, %arg0, %eq3A : i32
    %mul3A_2 = arith.constant 148 : i32
    %mul3A_3 = arith.muli %arg1, %mul3A_2 : i32
    %mul3A_4 = arith.constant 12 : i32
    %mul3A_5 = arith.muli %arg1, %mul3A_4 : i32
    %add3A = arith.constant 2368 : i32
    %add3A_6 = arith.addi %add3A, %mul3A_5 : i32
    %select_n3A = arith.select %eq3A_1, %mul3A_3, %add3A_6 : i32
    %eq3A_7 = arith.constant 0 : i32
    %eq3A_8 = arith.cmpi eq, %arg0, %eq3A_7 : i32
    %jit3A = arith.constant 74 : i32
    %jit3A_9 = arith.constant 6 : i32
    %select_n3A_10 = arith.select %eq3A_8, %jit3A, %jit3A_9 : i32
    %gt3A = arith.constant 0 : i32
    %gt3A_11 = arith.cmpi sgt, %select_n3A_10, %gt3A : i32
    %convert_element_type3A = arith.extui %gt3A_11 : i1 to i32
    %cond3A = arith.constant 0 : i32
    %cond3A_12 = arith.cmpi ne, %convert_element_type3A, %cond3A : i32
    scf.if %cond3A_12 {
      %add3A_51 = arith.constant 0 : i32
      %add3A_52 = arith.addi %select_n3A, %add3A_51 : i32
      %dma_start3A = arith.constant 0 : i32
      %dma_start3A_53 = tpu.memref_slice %arg3[%add3A_52, %dma_start3A] : memref<2560x128xi32, #tpu.memory_space<hbm>> -> memref<2x128xi32, #tpu.memory_space<hbm>>
      %dma_start3A_54 = arith.constant 0 : i32
      %dma_start3A_55 = tpu.memref_slice %arg3[%add3A_52, %dma_start3A_54] : memref<2560x128xi32, #tpu.memory_space<hbm>> -> memref<2x128xi32, #tpu.memory_space<hbm>>
      tpu.enqueue_dma source(%dma_start3A_55 : memref<2x128xi32, #tpu.memory_space<hbm>>) target(%arg7 : memref<2x128xi32, #tpu.memory_space<vmem>>) target_semaphore(%arg14 : memref<!tpu.dma_semaphore, #tpu.memory_space<semaphore_mem>>)
      %add3A_56 = arith.constant 0 : i32
      %add3A_57 = arith.addi %select_n3A, %add3A_56 : i32
      %dma_start3A_58 = arith.constant 0 : i32
      %dma_start3A_59 = tpu.memref_slice %arg4[%add3A_57, %dma_start3A_58] : memref<2560x128xi32, #tpu.memory_space<hbm>> -> memref<2x128xi32, #tpu.memory_space<hbm>>
      %dma_start3A_60 = arith.constant 0 : i32
      %dma_start3A_61 = tpu.memref_slice %arg4[%add3A_57, %dma_start3A_60] : memref<2560x128xi32, #tpu.memory_space<hbm>> -> memref<2x128xi32, #tpu.memory_space<hbm>>
      tpu.enqueue_dma source(%dma_start3A_61 : memref<2x128xi32, #tpu.memory_space<hbm>>) target(%arg9 : memref<2x128xi32, #tpu.memory_space<vmem>>) target_semaphore(%arg14 : memref<!tpu.dma_semaphore, #tpu.memory_space<semaphore_mem>>)
    } else {
    }
    "tpu.region"() ({
      %run_scoped3A = tpu.sem_alloc : memref<!tpu.dma_semaphore, #tpu.memory_space<semaphore_mem>>
      %dma_start3A = arith.constant 0 : i32
      %dma_start3A_51 = tpu.memref_slice %arg13[%mul3A_0, %dma_start3A] : memref<10112x128xf32, #tpu.memory_space<vmem_shared>> -> memref<632x128xf32, #tpu.memory_space<vmem_shared>>
      %dma_start3A_52 = arith.constant 0 : i32
      %dma_start3A_53 = tpu.memref_slice %arg5[%mul3A_0, %dma_start3A_52] : memref<10112x128xf32, #tpu.memory_space<hbm>> -> memref<632x128xf32, #tpu.memory_space<hbm>>
      tpu.enqueue_dma source(%dma_start3A_53 : memref<632x128xf32, #tpu.memory_space<hbm>>) target(%dma_start3A_51 : memref<632x128xf32, #tpu.memory_space<vmem_shared>>) target_semaphore(%run_scoped3A : memref<!tpu.dma_semaphore, #tpu.memory_space<semaphore_mem>>)
      %dma_wait3A = arith.constant 0 : i32
      %dma_wait3A_54 = tpu.memref_slice %arg13[%mul3A_0, %dma_wait3A] : memref<10112x128xf32, #tpu.memory_space<vmem_shared>> -> memref<632x128xf32, #tpu.memory_space<vmem_shared>>
      %dma_wait3A_55 = arith.constant 0 : i32
      %dma_wait3A_56 = tpu.memref_slice %arg5[%mul3A_0, %dma_wait3A_55] : memref<10112x128xf32, #tpu.memory_space<hbm>> -> memref<632x128xf32, #tpu.memory_space<hbm>>
      tpu.wait_dma2 semaphore(%run_scoped3A : memref<!tpu.dma_semaphore, #tpu.memory_space<semaphore_mem>>) src(%dma_wait3A_56 : memref<632x128xf32, #tpu.memory_space<hbm>>) dst(%dma_wait3A_54 : memref<632x128xf32, #tpu.memory_space<vmem_shared>>)
      tpu.yield
    }) : () -> ()
    %barrier3A = arith.constant 0 : index
    tpu.barrier barrier_id(%barrier3A)
    %gt3A_13 = arith.constant 0 : i32
    %gt3A_14 = arith.cmpi sgt, %select_n3A_10, %gt3A_13 : i32
    %convert_element_type3A_15 = arith.extui %gt3A_14 : i1 to i32
    %cond3A_16 = arith.constant 0 : i32
    %cond3A_17 = arith.cmpi ne, %convert_element_type3A_15, %cond3A_16 : i32
    scf.if %cond3A_17 {
      %dma_wait3A = arith.constant 0 : i32
      %dma_wait3A_51 = arith.constant 0 : i32
      %dma_wait3A_52 = tpu.memref_slice %arg3[%dma_wait3A, %dma_wait3A_51] : memref<2560x128xi32, #tpu.memory_space<hbm>> -> memref<2x128xi32, #tpu.memory_space<hbm>>
      %dma_wait3A_53 = arith.constant 0 : i32
      %dma_wait3A_54 = arith.constant 0 : i32
      %dma_wait3A_55 = tpu.memref_slice %arg3[%dma_wait3A_53, %dma_wait3A_54] : memref<2560x128xi32, #tpu.memory_space<hbm>> -> memref<2x128xi32, #tpu.memory_space<hbm>>
      tpu.wait_dma2 semaphore(%arg14 : memref<!tpu.dma_semaphore, #tpu.memory_space<semaphore_mem>>) src(%dma_wait3A_55 : memref<2x128xi32, #tpu.memory_space<hbm>>) dst(%arg7 : memref<2x128xi32, #tpu.memory_space<vmem>>)
      %dma_wait3A_56 = arith.constant 0 : i32
      %dma_wait3A_57 = arith.constant 0 : i32
      %dma_wait3A_58 = tpu.memref_slice %arg4[%dma_wait3A_56, %dma_wait3A_57] : memref<2560x128xi32, #tpu.memory_space<hbm>> -> memref<2x128xi32, #tpu.memory_space<hbm>>
      %dma_wait3A_59 = arith.constant 0 : i32
      %dma_wait3A_60 = arith.constant 0 : i32
      %dma_wait3A_61 = tpu.memref_slice %arg4[%dma_wait3A_59, %dma_wait3A_60] : memref<2560x128xi32, #tpu.memory_space<hbm>> -> memref<2x128xi32, #tpu.memory_space<hbm>>
      tpu.wait_dma2 semaphore(%arg14 : memref<!tpu.dma_semaphore, #tpu.memory_space<semaphore_mem>>) src(%dma_wait3A_61 : memref<2x128xi32, #tpu.memory_space<hbm>>) dst(%arg9 : memref<2x128xi32, #tpu.memory_space<vmem>>)
      %dma_start3A = arith.constant 0 : i32
      %dma_start3A_62 = arith.constant 0 : i32
      %dma_start3A_63 = tpu.memref_slice %arg7[%dma_start3A, %dma_start3A_62] : memref<2x128xi32, #tpu.memory_space<vmem>> -> memref<1x128xi32, #tpu.memory_space<vmem>>
      %dma_start3A_64 = tpu.memref_squeeze %dma_start3A_63 : memref<1x128xi32, #tpu.memory_space<vmem>> -> memref<128xi32, #tpu.memory_space<vmem>>
      %dma_start3A_65 = arith.constant 0 : i32
      %dma_start3A_66 = arith.constant 0 : i32
      %dma_start3A_67 = tpu.memref_slice %arg2[%dma_start3A_65, %dma_start3A_66] : memref<10112x128xf32, #tpu.memory_space<hbm>> -> memref<10112x128xf32, #tpu.memory_space<hbm>>
      tpu.enqueue_indirect_dma source(%dma_start3A_67 : memref<10112x128xf32, #tpu.memory_space<hbm>>) target(%arg11 : memref<128x128xf32, #tpu.memory_space<vmem>>) offsets(%dma_start3A_64 : memref<128xi32, #tpu.memory_space<vmem>>) semaphore(%arg16 : memref<!tpu.dma_semaphore, #tpu.memory_space<semaphore_mem>>)
    } else {
    }
    %jit3A_18 = arith.constant 2 : i32
    %div3A = arith.divsi %select_n3A_10, %jit3A_18 : i32
    %sign3A = arith.constant 0 : i32
    %sign3A_19 = arith.cmpi sgt, %select_n3A_10, %sign3A : i32
    %sign3A_20 = arith.extui %sign3A_19 : i1 to i32
    %sign3A_21 = arith.constant 0 : i32
    %sign3A_22 = arith.cmpi slt, %select_n3A_10, %sign3A_21 : i32
    %sign3A_23 = arith.extui %sign3A_22 : i1 to i32
    %sign3A_24 = arith.subi %sign3A_20, %sign3A_23 : i32
    %sign3A_25 = arith.constant 0 : i32
    %sign3A_26 = arith.cmpi sgt, %jit3A_18, %sign3A_25 : i32
    %sign3A_27 = arith.extui %sign3A_26 : i1 to i32
    %sign3A_28 = arith.constant 0 : i32
    %sign3A_29 = arith.cmpi slt, %jit3A_18, %sign3A_28 : i32
    %sign3A_30 = arith.extui %sign3A_29 : i1 to i32
    %sign3A_31 = arith.subi %sign3A_27, %sign3A_30 : i32
    %ne3A = arith.cmpi ne, %sign3A_24, %sign3A_31 : i32
    %rem3A = arith.remsi %select_n3A_10, %jit3A_18 : i32
    %ne3A_32 = arith.constant 0 : i32
    %ne3A_33 = arith.cmpi ne, %rem3A, %ne3A_32 : i32
    %and3A = arith.andi %ne3A, %ne3A_33 : i1
    %sub3A = arith.constant 1 : i32
    %sub3A_34 = arith.subi %div3A, %sub3A : i32
    %select_n3A_35 = arith.select %and3A, %sub3A_34, %div3A : i32
    %while3A = arith.constant 0 : i32
    %while3A_36 = arith.constant 0 : i32
    %while3A_37 = arith.subi %select_n3A_35, %while3A_36 : i32
    %while3A_38 = arith.addi %while3A_36, %while3A_37 : i32
    %while3A_39 = arith.constant 1 : i32
    %while3A_40 = arith.divsi %while3A_37, %while3A_39 : i32
    %while3A_41 = arith.muli %while3A_40, %while3A_39 : i32
    %while3A_42 = arith.addi %while3A_36, %while3A_41 : i32
    %while3A_43 = arith.constant 1 : i32
    scf.for %while3A_51 = %while3A_36 to %while3A_42 step %while3A_43  : i32 {
      %mul3A_52 = arith.constant 2 : i32
      %mul3A_53 = arith.muli %mul3A_52, %while3A_51 : i32
      %dma_wait3A = arith.constant 0 : i32
      %dma_wait3A_54 = arith.constant 0 : i32
      %dma_wait3A_55 = tpu.memref_slice %arg7[%dma_wait3A, %dma_wait3A_54] : memref<2x128xi32, #tpu.memory_space<vmem>> -> memref<1x128xi32, #tpu.memory_space<vmem>>
      %dma_wait3A_56 = tpu.memref_squeeze %dma_wait3A_55 : memref<1x128xi32, #tpu.memory_space<vmem>> -> memref<128xi32, #tpu.memory_space<vmem>>
      %dma_wait3A_57 = arith.constant 0 : i32
      %dma_wait3A_58 = arith.constant 0 : i32
      %dma_wait3A_59 = tpu.memref_slice %arg2[%dma_wait3A_57, %dma_wait3A_58] : memref<10112x128xf32, #tpu.memory_space<hbm>> -> memref<10112x128xf32, #tpu.memory_space<hbm>>
      tpu.wait_indirect_dma semaphore(%arg16 : memref<!tpu.dma_semaphore, #tpu.memory_space<semaphore_mem>>) src(%dma_wait3A_59 : memref<10112x128xf32, #tpu.memory_space<hbm>>) dst(%arg11 : memref<128x128xf32, #tpu.memory_space<vmem>>)
      %gt3A_60 = arith.constant 0 : i32
      %gt3A_61 = arith.cmpi sgt, %mul3A_53, %gt3A_60 : i32
      %convert_element_type3A_62 = arith.extui %gt3A_61 : i1 to i32
      %cond3A_63 = arith.constant 0 : i32
      %cond3A_64 = arith.cmpi ne, %convert_element_type3A_62, %cond3A_63 : i32
      scf.if %cond3A_64 {
        %dma_wait3A_173 = arith.constant 0 : i32
        %dma_wait3A_174 = arith.constant 0 : i32
        %dma_wait3A_175 = tpu.memref_slice %arg10[%dma_wait3A_173, %dma_wait3A_174] : memref<2x128xi32, #tpu.memory_space<vmem>> -> memref<1x128xi32, #tpu.memory_space<vmem>>
        %dma_wait3A_176 = tpu.memref_squeeze %dma_wait3A_175 : memref<1x128xi32, #tpu.memory_space<vmem>> -> memref<128xi32, #tpu.memory_space<vmem>>
        %dma_wait3A_177 = arith.constant 0 : i32
        %dma_wait3A_178 = arith.constant 0 : i32
        %dma_wait3A_179 = tpu.memref_slice %arg13[%dma_wait3A_177, %dma_wait3A_178] : memref<10112x128xf32, #tpu.memory_space<vmem_shared>> -> memref<10112x128xf32, #tpu.memory_space<vmem_shared>>
        tpu.wait_indirect_dma semaphore(%arg19 : memref<!tpu.dma_semaphore, #tpu.memory_space<semaphore_mem>>) src(%arg12 : memref<128x128xf32, #tpu.memory_space<vmem>>) dst(%dma_wait3A_179 : memref<10112x128xf32, #tpu.memory_space<vmem_shared>>)
      } else {
      }
      %add3A_65 = arith.constant 1 : i32
      %add3A_66 = arith.addi %mul3A_53, %add3A_65 : i32
      %lt3A = arith.cmpi slt, %add3A_66, %select_n3A_10 : i32
      %convert_element_type3A_67 = arith.extui %lt3A : i1 to i32
      %cond3A_68 = arith.constant 0 : i32
      %cond3A_69 = arith.cmpi ne, %convert_element_type3A_67, %cond3A_68 : i32
      scf.if %cond3A_69 {
        %add3A_173 = arith.constant 1 : i32
        %add3A_174 = arith.addi %mul3A_53, %add3A_173 : i32
        %mul3A_175 = arith.constant 2 : i32
        %mul3A_176 = arith.muli %mul3A_175, %add3A_174 : i32
        %add3A_177 = arith.addi %select_n3A, %mul3A_176 : i32
        %dma_start3A_178 = arith.constant 0 : i32
        %dma_start3A_179 = tpu.memref_slice %arg3[%add3A_177, %dma_start3A_178] : memref<2560x128xi32, #tpu.memory_space<hbm>> -> memref<2x128xi32, #tpu.memory_space<hbm>>
        %dma_start3A_180 = arith.constant 0 : i32
        %dma_start3A_181 = tpu.memref_slice %arg3[%add3A_177, %dma_start3A_180] : memref<2560x128xi32, #tpu.memory_space<hbm>> -> memref<2x128xi32, #tpu.memory_space<hbm>>
        tpu.enqueue_dma source(%dma_start3A_181 : memref<2x128xi32, #tpu.memory_space<hbm>>) target(%arg8 : memref<2x128xi32, #tpu.memory_space<vmem>>) target_semaphore(%arg15 : memref<!tpu.dma_semaphore, #tpu.memory_space<semaphore_mem>>)
        %mul3A_182 = arith.constant 2 : i32
        %mul3A_183 = arith.muli %mul3A_182, %add3A_174 : i32
        %add3A_184 = arith.addi %select_n3A, %mul3A_183 : i32
        %dma_start3A_185 = arith.constant 0 : i32
        %dma_start3A_186 = tpu.memref_slice %arg4[%add3A_184, %dma_start3A_185] : memref<2560x128xi32, #tpu.memory_space<hbm>> -> memref<2x128xi32, #tpu.memory_space<hbm>>
        %dma_start3A_187 = arith.constant 0 : i32
        %dma_start3A_188 = tpu.memref_slice %arg4[%add3A_184, %dma_start3A_187] : memref<2560x128xi32, #tpu.memory_space<hbm>> -> memref<2x128xi32, #tpu.memory_space<hbm>>
        tpu.enqueue_dma source(%dma_start3A_188 : memref<2x128xi32, #tpu.memory_space<hbm>>) target(%arg10 : memref<2x128xi32, #tpu.memory_space<vmem>>) target_semaphore(%arg15 : memref<!tpu.dma_semaphore, #tpu.memory_space<semaphore_mem>>)
      } else {
      }
      %dma_start3A = arith.constant 1 : i32
      %dma_start3A_70 = arith.constant 0 : i32
      %dma_start3A_71 = tpu.memref_slice %arg7[%dma_start3A, %dma_start3A_70] : memref<2x128xi32, #tpu.memory_space<vmem>> -> memref<1x128xi32, #tpu.memory_space<vmem>>
      %dma_start3A_72 = tpu.memref_squeeze %dma_start3A_71 : memref<1x128xi32, #tpu.memory_space<vmem>> -> memref<128xi32, #tpu.memory_space<vmem>>
      %dma_start3A_73 = arith.constant 0 : i32
      %dma_start3A_74 = arith.constant 0 : i32
      %dma_start3A_75 = tpu.memref_slice %arg2[%dma_start3A_73, %dma_start3A_74] : memref<10112x128xf32, #tpu.memory_space<hbm>> -> memref<10112x128xf32, #tpu.memory_space<hbm>>
      tpu.enqueue_indirect_dma source(%dma_start3A_75 : memref<10112x128xf32, #tpu.memory_space<hbm>>) target(%arg12 : memref<128x128xf32, #tpu.memory_space<vmem>>) offsets(%dma_start3A_72 : memref<128xi32, #tpu.memory_space<vmem>>) semaphore(%arg17 : memref<!tpu.dma_semaphore, #tpu.memory_space<semaphore_mem>>)
      %dma_start3A_76 = arith.constant 0 : i32
      %dma_start3A_77 = arith.constant 0 : i32
      %dma_start3A_78 = tpu.memref_slice %arg9[%dma_start3A_76, %dma_start3A_77] : memref<2x128xi32, #tpu.memory_space<vmem>> -> memref<1x128xi32, #tpu.memory_space<vmem>>
      %dma_start3A_79 = tpu.memref_squeeze %dma_start3A_78 : memref<1x128xi32, #tpu.memory_space<vmem>> -> memref<128xi32, #tpu.memory_space<vmem>>
      %dma_start3A_80 = arith.constant 0 : i32
      %dma_start3A_81 = arith.constant 0 : i32
      %dma_start3A_82 = tpu.memref_slice %arg13[%dma_start3A_80, %dma_start3A_81] : memref<10112x128xf32, #tpu.memory_space<vmem_shared>> -> memref<10112x128xf32, #tpu.memory_space<vmem_shared>>
      tpu.enqueue_indirect_dma source(%arg11 : memref<128x128xf32, #tpu.memory_space<vmem>>) target(%dma_start3A_82 : memref<10112x128xf32, #tpu.memory_space<vmem_shared>>) offsets(%dma_start3A_79 : memref<128xi32, #tpu.memory_space<vmem>>) semaphore(%arg18 : memref<!tpu.dma_semaphore, #tpu.memory_space<semaphore_mem>>) {add = true}
      %dma_wait3A_83 = arith.constant 0 : i32
      %dma_wait3A_84 = arith.constant 0 : i32
      %dma_wait3A_85 = tpu.memref_slice %arg7[%dma_wait3A_83, %dma_wait3A_84] : memref<2x128xi32, #tpu.memory_space<vmem>> -> memref<1x128xi32, #tpu.memory_space<vmem>>
      %dma_wait3A_86 = tpu.memref_squeeze %dma_wait3A_85 : memref<1x128xi32, #tpu.memory_space<vmem>> -> memref<128xi32, #tpu.memory_space<vmem>>
      %dma_wait3A_87 = arith.constant 0 : i32
      %dma_wait3A_88 = arith.constant 0 : i32
      %dma_wait3A_89 = tpu.memref_slice %arg2[%dma_wait3A_87, %dma_wait3A_88] : memref<10112x128xf32, #tpu.memory_space<hbm>> -> memref<10112x128xf32, #tpu.memory_space<hbm>>
      tpu.wait_indirect_dma semaphore(%arg17 : memref<!tpu.dma_semaphore, #tpu.memory_space<semaphore_mem>>) src(%dma_wait3A_89 : memref<10112x128xf32, #tpu.memory_space<hbm>>) dst(%arg12 : memref<128x128xf32, #tpu.memory_space<vmem>>)
      %dma_wait3A_90 = arith.constant 0 : i32
      %dma_wait3A_91 = arith.constant 0 : i32
      %dma_wait3A_92 = tpu.memref_slice %arg9[%dma_wait3A_90, %dma_wait3A_91] : memref<2x128xi32, #tpu.memory_space<vmem>> -> memref<1x128xi32, #tpu.memory_space<vmem>>
      %dma_wait3A_93 = tpu.memref_squeeze %dma_wait3A_92 : memref<1x128xi32, #tpu.memory_space<vmem>> -> memref<128xi32, #tpu.memory_space<vmem>>
      %dma_wait3A_94 = arith.constant 0 : i32
      %dma_wait3A_95 = arith.constant 0 : i32
      %dma_wait3A_96 = tpu.memref_slice %arg13[%dma_wait3A_94, %dma_wait3A_95] : memref<10112x128xf32, #tpu.memory_space<vmem_shared>> -> memref<10112x128xf32, #tpu.memory_space<vmem_shared>>
      tpu.wait_indirect_dma semaphore(%arg18 : memref<!tpu.dma_semaphore, #tpu.memory_space<semaphore_mem>>) src(%arg11 : memref<128x128xf32, #tpu.memory_space<vmem>>) dst(%dma_wait3A_96 : memref<10112x128xf32, #tpu.memory_space<vmem_shared>>)
      %add3A_97 = arith.constant 1 : i32
      %add3A_98 = arith.addi %mul3A_53, %add3A_97 : i32
      %lt3A_99 = arith.cmpi slt, %add3A_98, %select_n3A_10 : i32
      %convert_element_type3A_100 = arith.extui %lt3A_99 : i1 to i32
      %cond3A_101 = arith.constant 0 : i32
      %cond3A_102 = arith.cmpi ne, %convert_element_type3A_100, %cond3A_101 : i32
      scf.if %cond3A_102 {
        %dma_wait3A_173 = arith.constant 0 : i32
        %dma_wait3A_174 = arith.constant 0 : i32
        %dma_wait3A_175 = tpu.memref_slice %arg3[%dma_wait3A_173, %dma_wait3A_174] : memref<2560x128xi32, #tpu.memory_space<hbm>> -> memref<2x128xi32, #tpu.memory_space<hbm>>
        %dma_wait3A_176 = arith.constant 0 : i32
        %dma_wait3A_177 = arith.constant 0 : i32
        %dma_wait3A_178 = tpu.memref_slice %arg3[%dma_wait3A_176, %dma_wait3A_177] : memref<2560x128xi32, #tpu.memory_space<hbm>> -> memref<2x128xi32, #tpu.memory_space<hbm>>
        tpu.wait_dma2 semaphore(%arg15 : memref<!tpu.dma_semaphore, #tpu.memory_space<semaphore_mem>>) src(%dma_wait3A_178 : memref<2x128xi32, #tpu.memory_space<hbm>>) dst(%arg8 : memref<2x128xi32, #tpu.memory_space<vmem>>)
        %dma_wait3A_179 = arith.constant 0 : i32
        %dma_wait3A_180 = arith.constant 0 : i32
        %dma_wait3A_181 = tpu.memref_slice %arg4[%dma_wait3A_179, %dma_wait3A_180] : memref<2560x128xi32, #tpu.memory_space<hbm>> -> memref<2x128xi32, #tpu.memory_space<hbm>>
        %dma_wait3A_182 = arith.constant 0 : i32
        %dma_wait3A_183 = arith.constant 0 : i32
        %dma_wait3A_184 = tpu.memref_slice %arg4[%dma_wait3A_182, %dma_wait3A_183] : memref<2560x128xi32, #tpu.memory_space<hbm>> -> memref<2x128xi32, #tpu.memory_space<hbm>>
        tpu.wait_dma2 semaphore(%arg15 : memref<!tpu.dma_semaphore, #tpu.memory_space<semaphore_mem>>) src(%dma_wait3A_184 : memref<2x128xi32, #tpu.memory_space<hbm>>) dst(%arg10 : memref<2x128xi32, #tpu.memory_space<vmem>>)
        %dma_start3A_185 = arith.constant 0 : i32
        %dma_start3A_186 = arith.constant 0 : i32
        %dma_start3A_187 = tpu.memref_slice %arg8[%dma_start3A_185, %dma_start3A_186] : memref<2x128xi32, #tpu.memory_space<vmem>> -> memref<1x128xi32, #tpu.memory_space<vmem>>
        %dma_start3A_188 = tpu.memref_squeeze %dma_start3A_187 : memref<1x128xi32, #tpu.memory_space<vmem>> -> memref<128xi32, #tpu.memory_space<vmem>>
        %dma_start3A_189 = arith.constant 0 : i32
        %dma_start3A_190 = arith.constant 0 : i32
        %dma_start3A_191 = tpu.memref_slice %arg2[%dma_start3A_189, %dma_start3A_190] : memref<10112x128xf32, #tpu.memory_space<hbm>> -> memref<10112x128xf32, #tpu.memory_space<hbm>>
        tpu.enqueue_indirect_dma source(%dma_start3A_191 : memref<10112x128xf32, #tpu.memory_space<hbm>>) target(%arg11 : memref<128x128xf32, #tpu.memory_space<vmem>>) offsets(%dma_start3A_188 : memref<128xi32, #tpu.memory_space<vmem>>) semaphore(%arg16 : memref<!tpu.dma_semaphore, #tpu.memory_space<semaphore_mem>>)
      } else {
      }
      %dma_start3A_103 = arith.constant 1 : i32
      %dma_start3A_104 = arith.constant 0 : i32
      %dma_start3A_105 = tpu.memref_slice %arg9[%dma_start3A_103, %dma_start3A_104] : memref<2x128xi32, #tpu.memory_space<vmem>> -> memref<1x128xi32, #tpu.memory_space<vmem>>
      %dma_start3A_106 = tpu.memref_squeeze %dma_start3A_105 : memref<1x128xi32, #tpu.memory_space<vmem>> -> memref<128xi32, #tpu.memory_space<vmem>>
      %dma_start3A_107 = arith.constant 0 : i32
      %dma_start3A_108 = arith.constant 0 : i32
      %dma_start3A_109 = tpu.memref_slice %arg13[%dma_start3A_107, %dma_start3A_108] : memref<10112x128xf32, #tpu.memory_space<vmem_shared>> -> memref<10112x128xf32, #tpu.memory_space<vmem_shared>>
      tpu.enqueue_indirect_dma source(%arg12 : memref<128x128xf32, #tpu.memory_space<vmem>>) target(%dma_start3A_109 : memref<10112x128xf32, #tpu.memory_space<vmem_shared>>) offsets(%dma_start3A_106 : memref<128xi32, #tpu.memory_space<vmem>>) semaphore(%arg19 : memref<!tpu.dma_semaphore, #tpu.memory_space<semaphore_mem>>) {add = true}
      %mul3A_110 = arith.constant 2 : i32
      %mul3A_111 = arith.muli %mul3A_110, %while3A_51 : i32
      %add3A_112 = arith.constant 1 : i32
      %add3A_113 = arith.addi %mul3A_111, %add3A_112 : i32
      %dma_wait3A_114 = arith.constant 0 : i32
      %dma_wait3A_115 = arith.constant 0 : i32
      %dma_wait3A_116 = tpu.memref_slice %arg8[%dma_wait3A_114, %dma_wait3A_115] : memref<2x128xi32, #tpu.memory_space<vmem>> -> memref<1x128xi32, #tpu.memory_space<vmem>>
      %dma_wait3A_117 = tpu.memref_squeeze %dma_wait3A_116 : memref<1x128xi32, #tpu.memory_space<vmem>> -> memref<128xi32, #tpu.memory_space<vmem>>
      %dma_wait3A_118 = arith.constant 0 : i32
      %dma_wait3A_119 = arith.constant 0 : i32
      %dma_wait3A_120 = tpu.memref_slice %arg2[%dma_wait3A_118, %dma_wait3A_119] : memref<10112x128xf32, #tpu.memory_space<hbm>> -> memref<10112x128xf32, #tpu.memory_space<hbm>>
      tpu.wait_indirect_dma semaphore(%arg16 : memref<!tpu.dma_semaphore, #tpu.memory_space<semaphore_mem>>) src(%dma_wait3A_120 : memref<10112x128xf32, #tpu.memory_space<hbm>>) dst(%arg11 : memref<128x128xf32, #tpu.memory_space<vmem>>)
      %gt3A_121 = arith.constant 0 : i32
      %gt3A_122 = arith.cmpi sgt, %add3A_113, %gt3A_121 : i32
      %convert_element_type3A_123 = arith.extui %gt3A_122 : i1 to i32
      %cond3A_124 = arith.constant 0 : i32
      %cond3A_125 = arith.cmpi ne, %convert_element_type3A_123, %cond3A_124 : i32
      scf.if %cond3A_125 {
        %dma_wait3A_173 = arith.constant 0 : i32
        %dma_wait3A_174 = arith.constant 0 : i32
        %dma_wait3A_175 = tpu.memref_slice %arg9[%dma_wait3A_173, %dma_wait3A_174] : memref<2x128xi32, #tpu.memory_space<vmem>> -> memref<1x128xi32, #tpu.memory_space<vmem>>
        %dma_wait3A_176 = tpu.memref_squeeze %dma_wait3A_175 : memref<1x128xi32, #tpu.memory_space<vmem>> -> memref<128xi32, #tpu.memory_space<vmem>>
        %dma_wait3A_177 = arith.constant 0 : i32
        %dma_wait3A_178 = arith.constant 0 : i32
        %dma_wait3A_179 = tpu.memref_slice %arg13[%dma_wait3A_177, %dma_wait3A_178] : memref<10112x128xf32, #tpu.memory_space<vmem_shared>> -> memref<10112x128xf32, #tpu.memory_space<vmem_shared>>
        tpu.wait_indirect_dma semaphore(%arg19 : memref<!tpu.dma_semaphore, #tpu.memory_space<semaphore_mem>>) src(%arg12 : memref<128x128xf32, #tpu.memory_space<vmem>>) dst(%dma_wait3A_179 : memref<10112x128xf32, #tpu.memory_space<vmem_shared>>)
      } else {
      }
      %add3A_126 = arith.constant 1 : i32
      %add3A_127 = arith.addi %add3A_113, %add3A_126 : i32
      %lt3A_128 = arith.cmpi slt, %add3A_127, %select_n3A_10 : i32
      %convert_element_type3A_129 = arith.extui %lt3A_128 : i1 to i32
      %cond3A_130 = arith.constant 0 : i32
      %cond3A_131 = arith.cmpi ne, %convert_element_type3A_129, %cond3A_130 : i32
      scf.if %cond3A_131 {
        %add3A_173 = arith.constant 1 : i32
        %add3A_174 = arith.addi %add3A_113, %add3A_173 : i32
        %mul3A_175 = arith.constant 2 : i32
        %mul3A_176 = arith.muli %mul3A_175, %add3A_174 : i32
        %add3A_177 = arith.addi %select_n3A, %mul3A_176 : i32
        %dma_start3A_178 = arith.constant 0 : i32
        %dma_start3A_179 = tpu.memref_slice %arg3[%add3A_177, %dma_start3A_178] : memref<2560x128xi32, #tpu.memory_space<hbm>> -> memref<2x128xi32, #tpu.memory_space<hbm>>
        %dma_start3A_180 = arith.constant 0 : i32
        %dma_start3A_181 = tpu.memref_slice %arg3[%add3A_177, %dma_start3A_180] : memref<2560x128xi32, #tpu.memory_space<hbm>> -> memref<2x128xi32, #tpu.memory_space<hbm>>
        tpu.enqueue_dma source(%dma_start3A_181 : memref<2x128xi32, #tpu.memory_space<hbm>>) target(%arg7 : memref<2x128xi32, #tpu.memory_space<vmem>>) target_semaphore(%arg14 : memref<!tpu.dma_semaphore, #tpu.memory_space<semaphore_mem>>)
        %mul3A_182 = arith.constant 2 : i32
        %mul3A_183 = arith.muli %mul3A_182, %add3A_174 : i32
        %add3A_184 = arith.addi %select_n3A, %mul3A_183 : i32
        %dma_start3A_185 = arith.constant 0 : i32
        %dma_start3A_186 = tpu.memref_slice %arg4[%add3A_184, %dma_start3A_185] : memref<2560x128xi32, #tpu.memory_space<hbm>> -> memref<2x128xi32, #tpu.memory_space<hbm>>
        %dma_start3A_187 = arith.constant 0 : i32
        %dma_start3A_188 = tpu.memref_slice %arg4[%add3A_184, %dma_start3A_187] : memref<2560x128xi32, #tpu.memory_space<hbm>> -> memref<2x128xi32, #tpu.memory_space<hbm>>
        tpu.enqueue_dma source(%dma_start3A_188 : memref<2x128xi32, #tpu.memory_space<hbm>>) target(%arg9 : memref<2x128xi32, #tpu.memory_space<vmem>>) target_semaphore(%arg14 : memref<!tpu.dma_semaphore, #tpu.memory_space<semaphore_mem>>)
      } else {
      }
      %dma_start3A_132 = arith.constant 1 : i32
      %dma_start3A_133 = arith.constant 0 : i32
      %dma_start3A_134 = tpu.memref_slice %arg8[%dma_start3A_132, %dma_start3A_133] : memref<2x128xi32, #tpu.memory_space<vmem>> -> memref<1x128xi32, #tpu.memory_space<vmem>>
      %dma_start3A_135 = tpu.memref_squeeze %dma_start3A_134 : memref<1x128xi32, #tpu.memory_space<vmem>> -> memref<128xi32, #tpu.memory_space<vmem>>
      %dma_start3A_136 = arith.constant 0 : i32
      %dma_start3A_137 = arith.constant 0 : i32
      %dma_start3A_138 = tpu.memref_slice %arg2[%dma_start3A_136, %dma_start3A_137] : memref<10112x128xf32, #tpu.memory_space<hbm>> -> memref<10112x128xf32, #tpu.memory_space<hbm>>
      tpu.enqueue_indirect_dma source(%dma_start3A_138 : memref<10112x128xf32, #tpu.memory_space<hbm>>) target(%arg12 : memref<128x128xf32, #tpu.memory_space<vmem>>) offsets(%dma_start3A_135 : memref<128xi32, #tpu.memory_space<vmem>>) semaphore(%arg17 : memref<!tpu.dma_semaphore, #tpu.memory_space<semaphore_mem>>)
      %dma_start3A_139 = arith.constant 0 : i32
      %dma_start3A_140 = arith.constant 0 : i32
      %dma_start3A_141 = tpu.memref_slice %arg10[%dma_start3A_139, %dma_start3A_140] : memref<2x128xi32, #tpu.memory_space<vmem>> -> memref<1x128xi32, #tpu.memory_space<vmem>>
      %dma_start3A_142 = tpu.memref_squeeze %dma_start3A_141 : memref<1x128xi32, #tpu.memory_space<vmem>> -> memref<128xi32, #tpu.memory_space<vmem>>
      %dma_start3A_143 = arith.constant 0 : i32
      %dma_start3A_144 = arith.constant 0 : i32
      %dma_start3A_145 = tpu.memref_slice %arg13[%dma_start3A_143, %dma_start3A_144] : memref<10112x128xf32, #tpu.memory_space<vmem_shared>> -> memref<10112x128xf32, #tpu.memory_space<vmem_shared>>
      tpu.enqueue_indirect_dma source(%arg11 : memref<128x128xf32, #tpu.memory_space<vmem>>) target(%dma_start3A_145 : memref<10112x128xf32, #tpu.memory_space<vmem_shared>>) offsets(%dma_start3A_142 : memref<128xi32, #tpu.memory_space<vmem>>) semaphore(%arg18 : memref<!tpu.dma_semaphore, #tpu.memory_space<semaphore_mem>>) {add = true}
      %dma_wait3A_146 = arith.constant 0 : i32
      %dma_wait3A_147 = arith.constant 0 : i32
      %dma_wait3A_148 = tpu.memref_slice %arg8[%dma_wait3A_146, %dma_wait3A_147] : memref<2x128xi32, #tpu.memory_space<vmem>> -> memref<1x128xi32, #tpu.memory_space<vmem>>
      %dma_wait3A_149 = tpu.memref_squeeze %dma_wait3A_148 : memref<1x128xi32, #tpu.memory_space<vmem>> -> memref<128xi32, #tpu.memory_space<vmem>>
      %dma_wait3A_150 = arith.constant 0 : i32
      %dma_wait3A_151 = arith.constant 0 : i32
      %dma_wait3A_152 = tpu.memref_slice %arg2[%dma_wait3A_150, %dma_wait3A_151] : memref<10112x128xf32, #tpu.memory_space<hbm>> -> memref<10112x128xf32, #tpu.memory_space<hbm>>
      tpu.wait_indirect_dma semaphore(%arg17 : memref<!tpu.dma_semaphore, #tpu.memory_space<semaphore_mem>>) src(%dma_wait3A_152 : memref<10112x128xf32, #tpu.memory_space<hbm>>) dst(%arg12 : memref<128x128xf32, #tpu.memory_space<vmem>>)
      %dma_wait3A_153 = arith.constant 0 : i32
      %dma_wait3A_154 = arith.constant 0 : i32
      %dma_wait3A_155 = tpu.memref_slice %arg10[%dma_wait3A_153, %dma_wait3A_154] : memref<2x128xi32, #tpu.memory_space<vmem>> -> memref<1x128xi32, #tpu.memory_space<vmem>>
      %dma_wait3A_156 = tpu.memref_squeeze %dma_wait3A_155 : memref<1x128xi32, #tpu.memory_space<vmem>> -> memref<128xi32, #tpu.memory_space<vmem>>
      %dma_wait3A_157 = arith.constant 0 : i32
      %dma_wait3A_158 = arith.constant 0 : i32
      %dma_wait3A_159 = tpu.memref_slice %arg13[%dma_wait3A_157, %dma_wait3A_158] : memref<10112x128xf32, #tpu.memory_space<vmem_shared>> -> memref<10112x128xf32, #tpu.memory_space<vmem_shared>>
      tpu.wait_indirect_dma semaphore(%arg18 : memref<!tpu.dma_semaphore, #tpu.memory_space<semaphore_mem>>) src(%arg11 : memref<128x128xf32, #tpu.memory_space<vmem>>) dst(%dma_wait3A_159 : memref<10112x128xf32, #tpu.memory_space<vmem_shared>>)
      %add3A_160 = arith.constant 1 : i32
      %add3A_161 = arith.addi %add3A_113, %add3A_160 : i32
      %lt3A_162 = arith.cmpi slt, %add3A_161, %select_n3A_10 : i32
      %convert_element_type3A_163 = arith.extui %lt3A_162 : i1 to i32
      %cond3A_164 = arith.constant 0 : i32
      %cond3A_165 = arith.cmpi ne, %convert_element_type3A_163, %cond3A_164 : i32
      scf.if %cond3A_165 {
        %dma_wait3A_173 = arith.constant 0 : i32
        %dma_wait3A_174 = arith.constant 0 : i32
        %dma_wait3A_175 = tpu.memref_slice %arg3[%dma_wait3A_173, %dma_wait3A_174] : memref<2560x128xi32, #tpu.memory_space<hbm>> -> memref<2x128xi32, #tpu.memory_space<hbm>>
        %dma_wait3A_176 = arith.constant 0 : i32
        %dma_wait3A_177 = arith.constant 0 : i32
        %dma_wait3A_178 = tpu.memref_slice %arg3[%dma_wait3A_176, %dma_wait3A_177] : memref<2560x128xi32, #tpu.memory_space<hbm>> -> memref<2x128xi32, #tpu.memory_space<hbm>>
        tpu.wait_dma2 semaphore(%arg14 : memref<!tpu.dma_semaphore, #tpu.memory_space<semaphore_mem>>) src(%dma_wait3A_178 : memref<2x128xi32, #tpu.memory_space<hbm>>) dst(%arg7 : memref<2x128xi32, #tpu.memory_space<vmem>>)
        %dma_wait3A_179 = arith.constant 0 : i32
        %dma_wait3A_180 = arith.constant 0 : i32
        %dma_wait3A_181 = tpu.memref_slice %arg4[%dma_wait3A_179, %dma_wait3A_180] : memref<2560x128xi32, #tpu.memory_space<hbm>> -> memref<2x128xi32, #tpu.memory_space<hbm>>
        %dma_wait3A_182 = arith.constant 0 : i32
        %dma_wait3A_183 = arith.constant 0 : i32
        %dma_wait3A_184 = tpu.memref_slice %arg4[%dma_wait3A_182, %dma_wait3A_183] : memref<2560x128xi32, #tpu.memory_space<hbm>> -> memref<2x128xi32, #tpu.memory_space<hbm>>
        tpu.wait_dma2 semaphore(%arg14 : memref<!tpu.dma_semaphore, #tpu.memory_space<semaphore_mem>>) src(%dma_wait3A_184 : memref<2x128xi32, #tpu.memory_space<hbm>>) dst(%arg9 : memref<2x128xi32, #tpu.memory_space<vmem>>)
        %dma_start3A_185 = arith.constant 0 : i32
        %dma_start3A_186 = arith.constant 0 : i32
        %dma_start3A_187 = tpu.memref_slice %arg7[%dma_start3A_185, %dma_start3A_186] : memref<2x128xi32, #tpu.memory_space<vmem>> -> memref<1x128xi32, #tpu.memory_space<vmem>>
        %dma_start3A_188 = tpu.memref_squeeze %dma_start3A_187 : memref<1x128xi32, #tpu.memory_space<vmem>> -> memref<128xi32, #tpu.memory_space<vmem>>
        %dma_start3A_189 = arith.constant 0 : i32
        %dma_start3A_190 = arith.constant 0 : i32
        %dma_start3A_191 = tpu.memref_slice %arg2[%dma_start3A_189, %dma_start3A_190] : memref<10112x128xf32, #tpu.memory_space<hbm>> -> memref<10112x128xf32, #tpu.memory_space<hbm>>
        tpu.enqueue_indirect_dma source(%dma_start3A_191 : memref<10112x128xf32, #tpu.memory_space<hbm>>) target(%arg11 : memref<128x128xf32, #tpu.memory_space<vmem>>) offsets(%dma_start3A_188 : memref<128xi32, #tpu.memory_space<vmem>>) semaphore(%arg16 : memref<!tpu.dma_semaphore, #tpu.memory_space<semaphore_mem>>)
      } else {
      }
      %dma_start3A_166 = arith.constant 1 : i32
      %dma_start3A_167 = arith.constant 0 : i32
      %dma_start3A_168 = tpu.memref_slice %arg10[%dma_start3A_166, %dma_start3A_167] : memref<2x128xi32, #tpu.memory_space<vmem>> -> memref<1x128xi32, #tpu.memory_space<vmem>>
      %dma_start3A_169 = tpu.memref_squeeze %dma_start3A_168 : memref<1x128xi32, #tpu.memory_space<vmem>> -> memref<128xi32, #tpu.memory_space<vmem>>
      %dma_start3A_170 = arith.constant 0 : i32
      %dma_start3A_171 = arith.constant 0 : i32
      %dma_start3A_172 = tpu.memref_slice %arg13[%dma_start3A_170, %dma_start3A_171] : memref<10112x128xf32, #tpu.memory_space<vmem_shared>> -> memref<10112x128xf32, #tpu.memory_space<vmem_shared>>
      tpu.enqueue_indirect_dma source(%arg12 : memref<128x128xf32, #tpu.memory_space<vmem>>) target(%dma_start3A_172 : memref<10112x128xf32, #tpu.memory_space<vmem_shared>>) offsets(%dma_start3A_169 : memref<128xi32, #tpu.memory_space<vmem>>) semaphore(%arg19 : memref<!tpu.dma_semaphore, #tpu.memory_space<semaphore_mem>>) {add = true}
    }
    %while3A_44 = arith.constant 1 : i32
    scf.for %while3A_51 = %while3A_42 to %while3A_38 step %while3A_44  : i32 {
      %mul3A_52 = arith.constant 2 : i32
      %mul3A_53 = arith.muli %mul3A_52, %while3A_51 : i32
      %dma_wait3A = arith.constant 0 : i32
      %dma_wait3A_54 = arith.constant 0 : i32
      %dma_wait3A_55 = tpu.memref_slice %arg7[%dma_wait3A, %dma_wait3A_54] : memref<2x128xi32, #tpu.memory_space<vmem>> -> memref<1x128xi32, #tpu.memory_space<vmem>>
      %dma_wait3A_56 = tpu.memref_squeeze %dma_wait3A_55 : memref<1x128xi32, #tpu.memory_space<vmem>> -> memref<128xi32, #tpu.memory_space<vmem>>
      %dma_wait3A_57 = arith.constant 0 : i32
      %dma_wait3A_58 = arith.constant 0 : i32
      %dma_wait3A_59 = tpu.memref_slice %arg2[%dma_wait3A_57, %dma_wait3A_58] : memref<10112x128xf32, #tpu.memory_space<hbm>> -> memref<10112x128xf32, #tpu.memory_space<hbm>>
      tpu.wait_indirect_dma semaphore(%arg16 : memref<!tpu.dma_semaphore, #tpu.memory_space<semaphore_mem>>) src(%dma_wait3A_59 : memref<10112x128xf32, #tpu.memory_space<hbm>>) dst(%arg11 : memref<128x128xf32, #tpu.memory_space<vmem>>)
      %gt3A_60 = arith.constant 0 : i32
      %gt3A_61 = arith.cmpi sgt, %mul3A_53, %gt3A_60 : i32
      %convert_element_type3A_62 = arith.extui %gt3A_61 : i1 to i32
      %cond3A_63 = arith.constant 0 : i32
      %cond3A_64 = arith.cmpi ne, %convert_element_type3A_62, %cond3A_63 : i32
      scf.if %cond3A_64 {
        %dma_wait3A_173 = arith.constant 0 : i32
        %dma_wait3A_174 = arith.constant 0 : i32
        %dma_wait3A_175 = tpu.memref_slice %arg10[%dma_wait3A_173, %dma_wait3A_174] : memref<2x128xi32, #tpu.memory_space<vmem>> -> memref<1x128xi32, #tpu.memory_space<vmem>>
        %dma_wait3A_176 = tpu.memref_squeeze %dma_wait3A_175 : memref<1x128xi32, #tpu.memory_space<vmem>> -> memref<128xi32, #tpu.memory_space<vmem>>
        %dma_wait3A_177 = arith.constant 0 : i32
        %dma_wait3A_178 = arith.constant 0 : i32
        %dma_wait3A_179 = tpu.memref_slice %arg13[%dma_wait3A_177, %dma_wait3A_178] : memref<10112x128xf32, #tpu.memory_space<vmem_shared>> -> memref<10112x128xf32, #tpu.memory_space<vmem_shared>>
        tpu.wait_indirect_dma semaphore(%arg19 : memref<!tpu.dma_semaphore, #tpu.memory_space<semaphore_mem>>) src(%arg12 : memref<128x128xf32, #tpu.memory_space<vmem>>) dst(%dma_wait3A_179 : memref<10112x128xf32, #tpu.memory_space<vmem_shared>>)
      } else {
      }
      %add3A_65 = arith.constant 1 : i32
      %add3A_66 = arith.addi %mul3A_53, %add3A_65 : i32
      %lt3A = arith.cmpi slt, %add3A_66, %select_n3A_10 : i32
      %convert_element_type3A_67 = arith.extui %lt3A : i1 to i32
      %cond3A_68 = arith.constant 0 : i32
      %cond3A_69 = arith.cmpi ne, %convert_element_type3A_67, %cond3A_68 : i32
      scf.if %cond3A_69 {
        %add3A_173 = arith.constant 1 : i32
        %add3A_174 = arith.addi %mul3A_53, %add3A_173 : i32
        %mul3A_175 = arith.constant 2 : i32
        %mul3A_176 = arith.muli %mul3A_175, %add3A_174 : i32
        %add3A_177 = arith.addi %select_n3A, %mul3A_176 : i32
        %dma_start3A_178 = arith.constant 0 : i32
        %dma_start3A_179 = tpu.memref_slice %arg3[%add3A_177, %dma_start3A_178] : memref<2560x128xi32, #tpu.memory_space<hbm>> -> memref<2x128xi32, #tpu.memory_space<hbm>>
        %dma_start3A_180 = arith.constant 0 : i32
        %dma_start3A_181 = tpu.memref_slice %arg3[%add3A_177, %dma_start3A_180] : memref<2560x128xi32, #tpu.memory_space<hbm>> -> memref<2x128xi32, #tpu.memory_space<hbm>>
        tpu.enqueue_dma source(%dma_start3A_181 : memref<2x128xi32, #tpu.memory_space<hbm>>) target(%arg8 : memref<2x128xi32, #tpu.memory_space<vmem>>) target_semaphore(%arg15 : memref<!tpu.dma_semaphore, #tpu.memory_space<semaphore_mem>>)
        %mul3A_182 = arith.constant 2 : i32
        %mul3A_183 = arith.muli %mul3A_182, %add3A_174 : i32
        %add3A_184 = arith.addi %select_n3A, %mul3A_183 : i32
        %dma_start3A_185 = arith.constant 0 : i32
        %dma_start3A_186 = tpu.memref_slice %arg4[%add3A_184, %dma_start3A_185] : memref<2560x128xi32, #tpu.memory_space<hbm>> -> memref<2x128xi32, #tpu.memory_space<hbm>>
        %dma_start3A_187 = arith.constant 0 : i32
        %dma_start3A_188 = tpu.memref_slice %arg4[%add3A_184, %dma_start3A_187] : memref<2560x128xi32, #tpu.memory_space<hbm>> -> memref<2x128xi32, #tpu.memory_space<hbm>>
        tpu.enqueue_dma source(%dma_start3A_188 : memref<2x128xi32, #tpu.memory_space<hbm>>) target(%arg10 : memref<2x128xi32, #tpu.memory_space<vmem>>) target_semaphore(%arg15 : memref<!tpu.dma_semaphore, #tpu.memory_space<semaphore_mem>>)
      } else {
      }
      %dma_start3A = arith.constant 1 : i32
      %dma_start3A_70 = arith.constant 0 : i32
      %dma_start3A_71 = tpu.memref_slice %arg7[%dma_start3A, %dma_start3A_70] : memref<2x128xi32, #tpu.memory_space<vmem>> -> memref<1x128xi32, #tpu.memory_space<vmem>>
      %dma_start3A_72 = tpu.memref_squeeze %dma_start3A_71 : memref<1x128xi32, #tpu.memory_space<vmem>> -> memref<128xi32, #tpu.memory_space<vmem>>
      %dma_start3A_73 = arith.constant 0 : i32
      %dma_start3A_74 = arith.constant 0 : i32
      %dma_start3A_75 = tpu.memref_slice %arg2[%dma_start3A_73, %dma_start3A_74] : memref<10112x128xf32, #tpu.memory_space<hbm>> -> memref<10112x128xf32, #tpu.memory_space<hbm>>
      tpu.enqueue_indirect_dma source(%dma_start3A_75 : memref<10112x128xf32, #tpu.memory_space<hbm>>) target(%arg12 : memref<128x128xf32, #tpu.memory_space<vmem>>) offsets(%dma_start3A_72 : memref<128xi32, #tpu.memory_space<vmem>>) semaphore(%arg17 : memref<!tpu.dma_semaphore, #tpu.memory_space<semaphore_mem>>)
      %dma_start3A_76 = arith.constant 0 : i32
      %dma_start3A_77 = arith.constant 0 : i32
      %dma_start3A_78 = tpu.memref_slice %arg9[%dma_start3A_76, %dma_start3A_77] : memref<2x128xi32, #tpu.memory_space<vmem>> -> memref<1x128xi32, #tpu.memory_space<vmem>>
      %dma_start3A_79 = tpu.memref_squeeze %dma_start3A_78 : memref<1x128xi32, #tpu.memory_space<vmem>> -> memref<128xi32, #tpu.memory_space<vmem>>
      %dma_start3A_80 = arith.constant 0 : i32
      %dma_start3A_81 = arith.constant 0 : i32
      %dma_start3A_82 = tpu.memref_slice %arg13[%dma_start3A_80, %dma_start3A_81] : memref<10112x128xf32, #tpu.memory_space<vmem_shared>> -> memref<10112x128xf32, #tpu.memory_space<vmem_shared>>
      tpu.enqueue_indirect_dma source(%arg11 : memref<128x128xf32, #tpu.memory_space<vmem>>) target(%dma_start3A_82 : memref<10112x128xf32, #tpu.memory_space<vmem_shared>>) offsets(%dma_start3A_79 : memref<128xi32, #tpu.memory_space<vmem>>) semaphore(%arg18 : memref<!tpu.dma_semaphore, #tpu.memory_space<semaphore_mem>>) {add = true}
      %dma_wait3A_83 = arith.constant 0 : i32
      %dma_wait3A_84 = arith.constant 0 : i32
      %dma_wait3A_85 = tpu.memref_slice %arg7[%dma_wait3A_83, %dma_wait3A_84] : memref<2x128xi32, #tpu.memory_space<vmem>> -> memref<1x128xi32, #tpu.memory_space<vmem>>
      %dma_wait3A_86 = tpu.memref_squeeze %dma_wait3A_85 : memref<1x128xi32, #tpu.memory_space<vmem>> -> memref<128xi32, #tpu.memory_space<vmem>>
      %dma_wait3A_87 = arith.constant 0 : i32
      %dma_wait3A_88 = arith.constant 0 : i32
      %dma_wait3A_89 = tpu.memref_slice %arg2[%dma_wait3A_87, %dma_wait3A_88] : memref<10112x128xf32, #tpu.memory_space<hbm>> -> memref<10112x128xf32, #tpu.memory_space<hbm>>
      tpu.wait_indirect_dma semaphore(%arg17 : memref<!tpu.dma_semaphore, #tpu.memory_space<semaphore_mem>>) src(%dma_wait3A_89 : memref<10112x128xf32, #tpu.memory_space<hbm>>) dst(%arg12 : memref<128x128xf32, #tpu.memory_space<vmem>>)
      %dma_wait3A_90 = arith.constant 0 : i32
      %dma_wait3A_91 = arith.constant 0 : i32
      %dma_wait3A_92 = tpu.memref_slice %arg9[%dma_wait3A_90, %dma_wait3A_91] : memref<2x128xi32, #tpu.memory_space<vmem>> -> memref<1x128xi32, #tpu.memory_space<vmem>>
      %dma_wait3A_93 = tpu.memref_squeeze %dma_wait3A_92 : memref<1x128xi32, #tpu.memory_space<vmem>> -> memref<128xi32, #tpu.memory_space<vmem>>
      %dma_wait3A_94 = arith.constant 0 : i32
      %dma_wait3A_95 = arith.constant 0 : i32
      %dma_wait3A_96 = tpu.memref_slice %arg13[%dma_wait3A_94, %dma_wait3A_95] : memref<10112x128xf32, #tpu.memory_space<vmem_shared>> -> memref<10112x128xf32, #tpu.memory_space<vmem_shared>>
      tpu.wait_indirect_dma semaphore(%arg18 : memref<!tpu.dma_semaphore, #tpu.memory_space<semaphore_mem>>) src(%arg11 : memref<128x128xf32, #tpu.memory_space<vmem>>) dst(%dma_wait3A_96 : memref<10112x128xf32, #tpu.memory_space<vmem_shared>>)
      %add3A_97 = arith.constant 1 : i32
      %add3A_98 = arith.addi %mul3A_53, %add3A_97 : i32
      %lt3A_99 = arith.cmpi slt, %add3A_98, %select_n3A_10 : i32
      %convert_element_type3A_100 = arith.extui %lt3A_99 : i1 to i32
      %cond3A_101 = arith.constant 0 : i32
      %cond3A_102 = arith.cmpi ne, %convert_element_type3A_100, %cond3A_101 : i32
      scf.if %cond3A_102 {
        %dma_wait3A_173 = arith.constant 0 : i32
        %dma_wait3A_174 = arith.constant 0 : i32
        %dma_wait3A_175 = tpu.memref_slice %arg3[%dma_wait3A_173, %dma_wait3A_174] : memref<2560x128xi32, #tpu.memory_space<hbm>> -> memref<2x128xi32, #tpu.memory_space<hbm>>
        %dma_wait3A_176 = arith.constant 0 : i32
        %dma_wait3A_177 = arith.constant 0 : i32
        %dma_wait3A_178 = tpu.memref_slice %arg3[%dma_wait3A_176, %dma_wait3A_177] : memref<2560x128xi32, #tpu.memory_space<hbm>> -> memref<2x128xi32, #tpu.memory_space<hbm>>
        tpu.wait_dma2 semaphore(%arg15 : memref<!tpu.dma_semaphore, #tpu.memory_space<semaphore_mem>>) src(%dma_wait3A_178 : memref<2x128xi32, #tpu.memory_space<hbm>>) dst(%arg8 : memref<2x128xi32, #tpu.memory_space<vmem>>)
        %dma_wait3A_179 = arith.constant 0 : i32
        %dma_wait3A_180 = arith.constant 0 : i32
        %dma_wait3A_181 = tpu.memref_slice %arg4[%dma_wait3A_179, %dma_wait3A_180] : memref<2560x128xi32, #tpu.memory_space<hbm>> -> memref<2x128xi32, #tpu.memory_space<hbm>>
        %dma_wait3A_182 = arith.constant 0 : i32
        %dma_wait3A_183 = arith.constant 0 : i32
        %dma_wait3A_184 = tpu.memref_slice %arg4[%dma_wait3A_182, %dma_wait3A_183] : memref<2560x128xi32, #tpu.memory_space<hbm>> -> memref<2x128xi32, #tpu.memory_space<hbm>>
        tpu.wait_dma2 semaphore(%arg15 : memref<!tpu.dma_semaphore, #tpu.memory_space<semaphore_mem>>) src(%dma_wait3A_184 : memref<2x128xi32, #tpu.memory_space<hbm>>) dst(%arg10 : memref<2x128xi32, #tpu.memory_space<vmem>>)
        %dma_start3A_185 = arith.constant 0 : i32
        %dma_start3A_186 = arith.constant 0 : i32
        %dma_start3A_187 = tpu.memref_slice %arg8[%dma_start3A_185, %dma_start3A_186] : memref<2x128xi32, #tpu.memory_space<vmem>> -> memref<1x128xi32, #tpu.memory_space<vmem>>
        %dma_start3A_188 = tpu.memref_squeeze %dma_start3A_187 : memref<1x128xi32, #tpu.memory_space<vmem>> -> memref<128xi32, #tpu.memory_space<vmem>>
        %dma_start3A_189 = arith.constant 0 : i32
        %dma_start3A_190 = arith.constant 0 : i32
        %dma_start3A_191 = tpu.memref_slice %arg2[%dma_start3A_189, %dma_start3A_190] : memref<10112x128xf32, #tpu.memory_space<hbm>> -> memref<10112x128xf32, #tpu.memory_space<hbm>>
        tpu.enqueue_indirect_dma source(%dma_start3A_191 : memref<10112x128xf32, #tpu.memory_space<hbm>>) target(%arg11 : memref<128x128xf32, #tpu.memory_space<vmem>>) offsets(%dma_start3A_188 : memref<128xi32, #tpu.memory_space<vmem>>) semaphore(%arg16 : memref<!tpu.dma_semaphore, #tpu.memory_space<semaphore_mem>>)
      } else {
      }
      %dma_start3A_103 = arith.constant 1 : i32
      %dma_start3A_104 = arith.constant 0 : i32
      %dma_start3A_105 = tpu.memref_slice %arg9[%dma_start3A_103, %dma_start3A_104] : memref<2x128xi32, #tpu.memory_space<vmem>> -> memref<1x128xi32, #tpu.memory_space<vmem>>
      %dma_start3A_106 = tpu.memref_squeeze %dma_start3A_105 : memref<1x128xi32, #tpu.memory_space<vmem>> -> memref<128xi32, #tpu.memory_space<vmem>>
      %dma_start3A_107 = arith.constant 0 : i32
      %dma_start3A_108 = arith.constant 0 : i32
      %dma_start3A_109 = tpu.memref_slice %arg13[%dma_start3A_107, %dma_start3A_108] : memref<10112x128xf32, #tpu.memory_space<vmem_shared>> -> memref<10112x128xf32, #tpu.memory_space<vmem_shared>>
      tpu.enqueue_indirect_dma source(%arg12 : memref<128x128xf32, #tpu.memory_space<vmem>>) target(%dma_start3A_109 : memref<10112x128xf32, #tpu.memory_space<vmem_shared>>) offsets(%dma_start3A_106 : memref<128xi32, #tpu.memory_space<vmem>>) semaphore(%arg19 : memref<!tpu.dma_semaphore, #tpu.memory_space<semaphore_mem>>) {add = true}
      %mul3A_110 = arith.constant 2 : i32
      %mul3A_111 = arith.muli %mul3A_110, %while3A_51 : i32
      %add3A_112 = arith.constant 1 : i32
      %add3A_113 = arith.addi %mul3A_111, %add3A_112 : i32
      %dma_wait3A_114 = arith.constant 0 : i32
      %dma_wait3A_115 = arith.constant 0 : i32
      %dma_wait3A_116 = tpu.memref_slice %arg8[%dma_wait3A_114, %dma_wait3A_115] : memref<2x128xi32, #tpu.memory_space<vmem>> -> memref<1x128xi32, #tpu.memory_space<vmem>>
      %dma_wait3A_117 = tpu.memref_squeeze %dma_wait3A_116 : memref<1x128xi32, #tpu.memory_space<vmem>> -> memref<128xi32, #tpu.memory_space<vmem>>
      %dma_wait3A_118 = arith.constant 0 : i32
      %dma_wait3A_119 = arith.constant 0 : i32
      %dma_wait3A_120 = tpu.memref_slice %arg2[%dma_wait3A_118, %dma_wait3A_119] : memref<10112x128xf32, #tpu.memory_space<hbm>> -> memref<10112x128xf32, #tpu.memory_space<hbm>>
      tpu.wait_indirect_dma semaphore(%arg16 : memref<!tpu.dma_semaphore, #tpu.memory_space<semaphore_mem>>) src(%dma_wait3A_120 : memref<10112x128xf32, #tpu.memory_space<hbm>>) dst(%arg11 : memref<128x128xf32, #tpu.memory_space<vmem>>)
      %gt3A_121 = arith.constant 0 : i32
      %gt3A_122 = arith.cmpi sgt, %add3A_113, %gt3A_121 : i32
      %convert_element_type3A_123 = arith.extui %gt3A_122 : i1 to i32
      %cond3A_124 = arith.constant 0 : i32
      %cond3A_125 = arith.cmpi ne, %convert_element_type3A_123, %cond3A_124 : i32
      scf.if %cond3A_125 {
        %dma_wait3A_173 = arith.constant 0 : i32
        %dma_wait3A_174 = arith.constant 0 : i32
        %dma_wait3A_175 = tpu.memref_slice %arg9[%dma_wait3A_173, %dma_wait3A_174] : memref<2x128xi32, #tpu.memory_space<vmem>> -> memref<1x128xi32, #tpu.memory_space<vmem>>
        %dma_wait3A_176 = tpu.memref_squeeze %dma_wait3A_175 : memref<1x128xi32, #tpu.memory_space<vmem>> -> memref<128xi32, #tpu.memory_space<vmem>>
        %dma_wait3A_177 = arith.constant 0 : i32
        %dma_wait3A_178 = arith.constant 0 : i32
        %dma_wait3A_179 = tpu.memref_slice %arg13[%dma_wait3A_177, %dma_wait3A_178] : memref<10112x128xf32, #tpu.memory_space<vmem_shared>> -> memref<10112x128xf32, #tpu.memory_space<vmem_shared>>
        tpu.wait_indirect_dma semaphore(%arg19 : memref<!tpu.dma_semaphore, #tpu.memory_space<semaphore_mem>>) src(%arg12 : memref<128x128xf32, #tpu.memory_space<vmem>>) dst(%dma_wait3A_179 : memref<10112x128xf32, #tpu.memory_space<vmem_shared>>)
      } else {
      }
      %add3A_126 = arith.constant 1 : i32
      %add3A_127 = arith.addi %add3A_113, %add3A_126 : i32
      %lt3A_128 = arith.cmpi slt, %add3A_127, %select_n3A_10 : i32
      %convert_element_type3A_129 = arith.extui %lt3A_128 : i1 to i32
      %cond3A_130 = arith.constant 0 : i32
      %cond3A_131 = arith.cmpi ne, %convert_element_type3A_129, %cond3A_130 : i32
      scf.if %cond3A_131 {
        %add3A_173 = arith.constant 1 : i32
        %add3A_174 = arith.addi %add3A_113, %add3A_173 : i32
        %mul3A_175 = arith.constant 2 : i32
        %mul3A_176 = arith.muli %mul3A_175, %add3A_174 : i32
        %add3A_177 = arith.addi %select_n3A, %mul3A_176 : i32
        %dma_start3A_178 = arith.constant 0 : i32
        %dma_start3A_179 = tpu.memref_slice %arg3[%add3A_177, %dma_start3A_178] : memref<2560x128xi32, #tpu.memory_space<hbm>> -> memref<2x128xi32, #tpu.memory_space<hbm>>
        %dma_start3A_180 = arith.constant 0 : i32
        %dma_start3A_181 = tpu.memref_slice %arg3[%add3A_177, %dma_start3A_180] : memref<2560x128xi32, #tpu.memory_space<hbm>> -> memref<2x128xi32, #tpu.memory_space<hbm>>
        tpu.enqueue_dma source(%dma_start3A_181 : memref<2x128xi32, #tpu.memory_space<hbm>>) target(%arg7 : memref<2x128xi32, #tpu.memory_space<vmem>>) target_semaphore(%arg14 : memref<!tpu.dma_semaphore, #tpu.memory_space<semaphore_mem>>)
        %mul3A_182 = arith.constant 2 : i32
        %mul3A_183 = arith.muli %mul3A_182, %add3A_174 : i32
        %add3A_184 = arith.addi %select_n3A, %mul3A_183 : i32
        %dma_start3A_185 = arith.constant 0 : i32
        %dma_start3A_186 = tpu.memref_slice %arg4[%add3A_184, %dma_start3A_185] : memref<2560x128xi32, #tpu.memory_space<hbm>> -> memref<2x128xi32, #tpu.memory_space<hbm>>
        %dma_start3A_187 = arith.constant 0 : i32
        %dma_start3A_188 = tpu.memref_slice %arg4[%add3A_184, %dma_start3A_187] : memref<2560x128xi32, #tpu.memory_space<hbm>> -> memref<2x128xi32, #tpu.memory_space<hbm>>
        tpu.enqueue_dma source(%dma_start3A_188 : memref<2x128xi32, #tpu.memory_space<hbm>>) target(%arg9 : memref<2x128xi32, #tpu.memory_space<vmem>>) target_semaphore(%arg14 : memref<!tpu.dma_semaphore, #tpu.memory_space<semaphore_mem>>)
      } else {
      }
      %dma_start3A_132 = arith.constant 1 : i32
      %dma_start3A_133 = arith.constant 0 : i32
      %dma_start3A_134 = tpu.memref_slice %arg8[%dma_start3A_132, %dma_start3A_133] : memref<2x128xi32, #tpu.memory_space<vmem>> -> memref<1x128xi32, #tpu.memory_space<vmem>>
      %dma_start3A_135 = tpu.memref_squeeze %dma_start3A_134 : memref<1x128xi32, #tpu.memory_space<vmem>> -> memref<128xi32, #tpu.memory_space<vmem>>
      %dma_start3A_136 = arith.constant 0 : i32
      %dma_start3A_137 = arith.constant 0 : i32
      %dma_start3A_138 = tpu.memref_slice %arg2[%dma_start3A_136, %dma_start3A_137] : memref<10112x128xf32, #tpu.memory_space<hbm>> -> memref<10112x128xf32, #tpu.memory_space<hbm>>
      tpu.enqueue_indirect_dma source(%dma_start3A_138 : memref<10112x128xf32, #tpu.memory_space<hbm>>) target(%arg12 : memref<128x128xf32, #tpu.memory_space<vmem>>) offsets(%dma_start3A_135 : memref<128xi32, #tpu.memory_space<vmem>>) semaphore(%arg17 : memref<!tpu.dma_semaphore, #tpu.memory_space<semaphore_mem>>)
      %dma_start3A_139 = arith.constant 0 : i32
      %dma_start3A_140 = arith.constant 0 : i32
      %dma_start3A_141 = tpu.memref_slice %arg10[%dma_start3A_139, %dma_start3A_140] : memref<2x128xi32, #tpu.memory_space<vmem>> -> memref<1x128xi32, #tpu.memory_space<vmem>>
      %dma_start3A_142 = tpu.memref_squeeze %dma_start3A_141 : memref<1x128xi32, #tpu.memory_space<vmem>> -> memref<128xi32, #tpu.memory_space<vmem>>
      %dma_start3A_143 = arith.constant 0 : i32
      %dma_start3A_144 = arith.constant 0 : i32
      %dma_start3A_145 = tpu.memref_slice %arg13[%dma_start3A_143, %dma_start3A_144] : memref<10112x128xf32, #tpu.memory_space<vmem_shared>> -> memref<10112x128xf32, #tpu.memory_space<vmem_shared>>
      tpu.enqueue_indirect_dma source(%arg11 : memref<128x128xf32, #tpu.memory_space<vmem>>) target(%dma_start3A_145 : memref<10112x128xf32, #tpu.memory_space<vmem_shared>>) offsets(%dma_start3A_142 : memref<128xi32, #tpu.memory_space<vmem>>) semaphore(%arg18 : memref<!tpu.dma_semaphore, #tpu.memory_space<semaphore_mem>>) {add = true}
      %dma_wait3A_146 = arith.constant 0 : i32
      %dma_wait3A_147 = arith.constant 0 : i32
      %dma_wait3A_148 = tpu.memref_slice %arg8[%dma_wait3A_146, %dma_wait3A_147] : memref<2x128xi32, #tpu.memory_space<vmem>> -> memref<1x128xi32, #tpu.memory_space<vmem>>
      %dma_wait3A_149 = tpu.memref_squeeze %dma_wait3A_148 : memref<1x128xi32, #tpu.memory_space<vmem>> -> memref<128xi32, #tpu.memory_space<vmem>>
      %dma_wait3A_150 = arith.constant 0 : i32
      %dma_wait3A_151 = arith.constant 0 : i32
      %dma_wait3A_152 = tpu.memref_slice %arg2[%dma_wait3A_150, %dma_wait3A_151] : memref<10112x128xf32, #tpu.memory_space<hbm>> -> memref<10112x128xf32, #tpu.memory_space<hbm>>
      tpu.wait_indirect_dma semaphore(%arg17 : memref<!tpu.dma_semaphore, #tpu.memory_space<semaphore_mem>>) src(%dma_wait3A_152 : memref<10112x128xf32, #tpu.memory_space<hbm>>) dst(%arg12 : memref<128x128xf32, #tpu.memory_space<vmem>>)
      %dma_wait3A_153 = arith.constant 0 : i32
      %dma_wait3A_154 = arith.constant 0 : i32
      %dma_wait3A_155 = tpu.memref_slice %arg10[%dma_wait3A_153, %dma_wait3A_154] : memref<2x128xi32, #tpu.memory_space<vmem>> -> memref<1x128xi32, #tpu.memory_space<vmem>>
      %dma_wait3A_156 = tpu.memref_squeeze %dma_wait3A_155 : memref<1x128xi32, #tpu.memory_space<vmem>> -> memref<128xi32, #tpu.memory_space<vmem>>
      %dma_wait3A_157 = arith.constant 0 : i32
      %dma_wait3A_158 = arith.constant 0 : i32
      %dma_wait3A_159 = tpu.memref_slice %arg13[%dma_wait3A_157, %dma_wait3A_158] : memref<10112x128xf32, #tpu.memory_space<vmem_shared>> -> memref<10112x128xf32, #tpu.memory_space<vmem_shared>>
      tpu.wait_indirect_dma semaphore(%arg18 : memref<!tpu.dma_semaphore, #tpu.memory_space<semaphore_mem>>) src(%arg11 : memref<128x128xf32, #tpu.memory_space<vmem>>) dst(%dma_wait3A_159 : memref<10112x128xf32, #tpu.memory_space<vmem_shared>>)
      %add3A_160 = arith.constant 1 : i32
      %add3A_161 = arith.addi %add3A_113, %add3A_160 : i32
      %lt3A_162 = arith.cmpi slt, %add3A_161, %select_n3A_10 : i32
      %convert_element_type3A_163 = arith.extui %lt3A_162 : i1 to i32
      %cond3A_164 = arith.constant 0 : i32
      %cond3A_165 = arith.cmpi ne, %convert_element_type3A_163, %cond3A_164 : i32
      scf.if %cond3A_165 {
        %dma_wait3A_173 = arith.constant 0 : i32
        %dma_wait3A_174 = arith.constant 0 : i32
        %dma_wait3A_175 = tpu.memref_slice %arg3[%dma_wait3A_173, %dma_wait3A_174] : memref<2560x128xi32, #tpu.memory_space<hbm>> -> memref<2x128xi32, #tpu.memory_space<hbm>>
        %dma_wait3A_176 = arith.constant 0 : i32
        %dma_wait3A_177 = arith.constant 0 : i32
        %dma_wait3A_178 = tpu.memref_slice %arg3[%dma_wait3A_176, %dma_wait3A_177] : memref<2560x128xi32, #tpu.memory_space<hbm>> -> memref<2x128xi32, #tpu.memory_space<hbm>>
        tpu.wait_dma2 semaphore(%arg14 : memref<!tpu.dma_semaphore, #tpu.memory_space<semaphore_mem>>) src(%dma_wait3A_178 : memref<2x128xi32, #tpu.memory_space<hbm>>) dst(%arg7 : memref<2x128xi32, #tpu.memory_space<vmem>>)
        %dma_wait3A_179 = arith.constant 0 : i32
        %dma_wait3A_180 = arith.constant 0 : i32
        %dma_wait3A_181 = tpu.memref_slice %arg4[%dma_wait3A_179, %dma_wait3A_180] : memref<2560x128xi32, #tpu.memory_space<hbm>> -> memref<2x128xi32, #tpu.memory_space<hbm>>
        %dma_wait3A_182 = arith.constant 0 : i32
        %dma_wait3A_183 = arith.constant 0 : i32
        %dma_wait3A_184 = tpu.memref_slice %arg4[%dma_wait3A_182, %dma_wait3A_183] : memref<2560x128xi32, #tpu.memory_space<hbm>> -> memref<2x128xi32, #tpu.memory_space<hbm>>
        tpu.wait_dma2 semaphore(%arg14 : memref<!tpu.dma_semaphore, #tpu.memory_space<semaphore_mem>>) src(%dma_wait3A_184 : memref<2x128xi32, #tpu.memory_space<hbm>>) dst(%arg9 : memref<2x128xi32, #tpu.memory_space<vmem>>)
        %dma_start3A_185 = arith.constant 0 : i32
        %dma_start3A_186 = arith.constant 0 : i32
        %dma_start3A_187 = tpu.memref_slice %arg7[%dma_start3A_185, %dma_start3A_186] : memref<2x128xi32, #tpu.memory_space<vmem>> -> memref<1x128xi32, #tpu.memory_space<vmem>>
        %dma_start3A_188 = tpu.memref_squeeze %dma_start3A_187 : memref<1x128xi32, #tpu.memory_space<vmem>> -> memref<128xi32, #tpu.memory_space<vmem>>
        %dma_start3A_189 = arith.constant 0 : i32
        %dma_start3A_190 = arith.constant 0 : i32
        %dma_start3A_191 = tpu.memref_slice %arg2[%dma_start3A_189, %dma_start3A_190] : memref<10112x128xf32, #tpu.memory_space<hbm>> -> memref<10112x128xf32, #tpu.memory_space<hbm>>
        tpu.enqueue_indirect_dma source(%dma_start3A_191 : memref<10112x128xf32, #tpu.memory_space<hbm>>) target(%arg11 : memref<128x128xf32, #tpu.memory_space<vmem>>) offsets(%dma_start3A_188 : memref<128xi32, #tpu.memory_space<vmem>>) semaphore(%arg16 : memref<!tpu.dma_semaphore, #tpu.memory_space<semaphore_mem>>)
      } else {
      }
      %dma_start3A_166 = arith.constant 1 : i32
      %dma_start3A_167 = arith.constant 0 : i32
      %dma_start3A_168 = tpu.memref_slice %arg10[%dma_start3A_166, %dma_start3A_167] : memref<2x128xi32, #tpu.memory_space<vmem>> -> memref<1x128xi32, #tpu.memory_space<vmem>>
      %dma_start3A_169 = tpu.memref_squeeze %dma_start3A_168 : memref<1x128xi32, #tpu.memory_space<vmem>> -> memref<128xi32, #tpu.memory_space<vmem>>
      %dma_start3A_170 = arith.constant 0 : i32
      %dma_start3A_171 = arith.constant 0 : i32
      %dma_start3A_172 = tpu.memref_slice %arg13[%dma_start3A_170, %dma_start3A_171] : memref<10112x128xf32, #tpu.memory_space<vmem_shared>> -> memref<10112x128xf32, #tpu.memory_space<vmem_shared>>
      tpu.enqueue_indirect_dma source(%arg12 : memref<128x128xf32, #tpu.memory_space<vmem>>) target(%dma_start3A_172 : memref<10112x128xf32, #tpu.memory_space<vmem_shared>>) offsets(%dma_start3A_169 : memref<128xi32, #tpu.memory_space<vmem>>) semaphore(%arg19 : memref<!tpu.dma_semaphore, #tpu.memory_space<semaphore_mem>>) {add = true}
    }
    %gt3A_45 = arith.constant 0 : i32
    %gt3A_46 = arith.cmpi sgt, %select_n3A_10, %gt3A_45 : i32
    %convert_element_type3A_47 = arith.extui %gt3A_46 : i1 to i32
    %cond3A_48 = arith.constant 0 : i32
    %cond3A_49 = arith.cmpi ne, %convert_element_type3A_47, %cond3A_48 : i32
    scf.if %cond3A_49 {
      %dma_wait3A = arith.constant 0 : i32
      %dma_wait3A_51 = arith.constant 0 : i32
      %dma_wait3A_52 = tpu.memref_slice %arg10[%dma_wait3A, %dma_wait3A_51] : memref<2x128xi32, #tpu.memory_space<vmem>> -> memref<1x128xi32, #tpu.memory_space<vmem>>
      %dma_wait3A_53 = tpu.memref_squeeze %dma_wait3A_52 : memref<1x128xi32, #tpu.memory_space<vmem>> -> memref<128xi32, #tpu.memory_space<vmem>>
      %dma_wait3A_54 = arith.constant 0 : i32
      %dma_wait3A_55 = arith.constant 0 : i32
      %dma_wait3A_56 = tpu.memref_slice %arg13[%dma_wait3A_54, %dma_wait3A_55] : memref<10112x128xf32, #tpu.memory_space<vmem_shared>> -> memref<10112x128xf32, #tpu.memory_space<vmem_shared>>
      tpu.wait_indirect_dma semaphore(%arg19 : memref<!tpu.dma_semaphore, #tpu.memory_space<semaphore_mem>>) src(%arg12 : memref<128x128xf32, #tpu.memory_space<vmem>>) dst(%dma_wait3A_56 : memref<10112x128xf32, #tpu.memory_space<vmem_shared>>)
    } else {
    }
    %barrier3A_50 = arith.constant 0 : index
    tpu.barrier barrier_id(%barrier3A_50)
    "tpu.region"() ({
      %run_scoped3A = tpu.sem_alloc : memref<!tpu.dma_semaphore, #tpu.memory_space<semaphore_mem>>
      %dma_start3A = arith.constant 0 : i32
      %dma_start3A_51 = arith.constant 0 : i32
      %dma_start3A_52 = tpu.memref_slice %arg6[%arg0, %dma_start3A, %dma_start3A_51] : memref<2x10112x128xf32, #tpu.memory_space<hbm>> -> memref<1x10112x128xf32, #tpu.memory_space<hbm>>
      %dma_start3A_53 = tpu.memref_squeeze %dma_start3A_52 : memref<1x10112x128xf32, #tpu.memory_space<hbm>> -> memref<10112x128xf32, #tpu.memory_space<hbm>>
      %dma_start3A_54 = arith.constant 0 : i32
      %dma_start3A_55 = tpu.memref_slice %dma_start3A_53[%mul3A_0, %dma_start3A_54] : memref<10112x128xf32, #tpu.memory_space<hbm>> -> memref<632x128xf32, #tpu.memory_space<hbm>>
      %dma_start3A_56 = arith.constant 0 : i32
      %dma_start3A_57 = tpu.memref_slice %arg13[%mul3A_0, %dma_start3A_56] : memref<10112x128xf32, #tpu.memory_space<vmem_shared>> -> memref<632x128xf32, #tpu.memory_space<vmem_shared>>
      tpu.enqueue_dma source(%dma_start3A_57 : memref<632x128xf32, #tpu.memory_space<vmem_shared>>) target(%dma_start3A_55 : memref<632x128xf32, #tpu.memory_space<hbm>>) target_semaphore(%run_scoped3A : memref<!tpu.dma_semaphore, #tpu.memory_space<semaphore_mem>>)
      %dma_wait3A = arith.constant 0 : i32
      %dma_wait3A_58 = arith.constant 0 : i32
      %dma_wait3A_59 = tpu.memref_slice %arg6[%arg0, %dma_wait3A, %dma_wait3A_58] : memref<2x10112x128xf32, #tpu.memory_space<hbm>> -> memref<1x10112x128xf32, #tpu.memory_space<hbm>>
      %dma_wait3A_60 = tpu.memref_squeeze %dma_wait3A_59 : memref<1x10112x128xf32, #tpu.memory_space<hbm>> -> memref<10112x128xf32, #tpu.memory_space<hbm>>
      %dma_wait3A_61 = arith.constant 0 : i32
      %dma_wait3A_62 = tpu.memref_slice %dma_wait3A_60[%mul3A_0, %dma_wait3A_61] : memref<10112x128xf32, #tpu.memory_space<hbm>> -> memref<632x128xf32, #tpu.memory_space<hbm>>
      %dma_wait3A_63 = arith.constant 0 : i32
      %dma_wait3A_64 = tpu.memref_slice %arg13[%mul3A_0, %dma_wait3A_63] : memref<10112x128xf32, #tpu.memory_space<vmem_shared>> -> memref<632x128xf32, #tpu.memory_space<vmem_shared>>
      tpu.wait_dma2 semaphore(%run_scoped3A : memref<!tpu.dma_semaphore, #tpu.memory_space<semaphore_mem>>) src(%dma_wait3A_64 : memref<632x128xf32, #tpu.memory_space<vmem_shared>>) dst(%dma_wait3A_62 : memref<632x128xf32, #tpu.memory_space<hbm>>)
      tpu.yield
    }) : () -> ()
    return
  }
}

module attributes {stable_mosaic.version = 14 : i64} {
  func.func @body(%arg0: i32, %arg1: memref<2x128x128xf32, #tpu.memory_space<vmem>>, %arg2: memref<128x128xf32, #tpu.memory_space<vmem>>, %arg3: memref<128x128xf32, #tpu.memory_space<vmem>>, %arg4: memref<128x128xf32, #tpu.memory_space<vmem>>, %arg5: memref<128x128xf32, #tpu.memory_space<vmem>>) attributes {dimension_semantics = [#tpu.dimension_semantics<arbitrary>], iteration_bounds = array<i64: 79>, scalar_prefetch = 0 : i64, scratch_operands = 0 : i64, tpu.core_type = #tpu.core_type<tc>, window_params = [{transform_indices = @transform_0, window_bounds = array<i64: 2, 128, 128>}, {transform_indices = @transform_1, window_bounds = array<i64: 128, 128>}, {pipeline_mode = #tpu.pipeline_mode<synchronous>, transform_indices = @transform_2, window_bounds = array<i64: 128, 128>}, {transform_indices = @transform_3, window_bounds = array<i64: 128, 128>}, {transform_indices = @transform_4, window_bounds = array<i64: 128, 128>}]} {
    %get3A = arith.constant 0 : index
    %get3A_0 = arith.constant 0 : index
    %get3A_1 = arith.constant 0 : index
    %get3A_2 = vector.load %arg1[%get3A, %get3A_0, %get3A_1] : memref<2x128x128xf32, #tpu.memory_space<vmem>>, vector<1x128x128xf32>
    %get3A_3 = vector.shape_cast %get3A_2 : vector<1x128x128xf32> to vector<128x128xf32>
    %get3A_4 = arith.constant 1 : index
    %get3A_5 = arith.constant 0 : index
    %get3A_6 = arith.constant 0 : index
    %get3A_7 = vector.load %arg1[%get3A_4, %get3A_5, %get3A_6] : memref<2x128x128xf32, #tpu.memory_space<vmem>>, vector<1x128x128xf32>
    %get3A_8 = vector.shape_cast %get3A_7 : vector<1x128x128xf32> to vector<128x128xf32>
    %add3A = arith.addf %get3A_3, %get3A_8 : vector<128x128xf32>
    %slice3A = vector.extract_strided_slice %add3A {offsets = [0, 0], sizes = [128, 1], strides = [1, 1]} : vector<128x128xf32> to vector<128x1xf32>
    %add3A_9 = arith.constant 1.000000e+00 : f32
    %add3A_10 = vector.broadcast %add3A_9 : f32 to vector<128x1xf32>
    %add3A_11 = arith.addf %slice3A, %add3A_10 : vector<128x1xf32>
    %rsqrt3A = math.rsqrt %add3A_11 : vector<128x1xf32>
    %broadcast_in_dim3A = vector.shape_cast %rsqrt3A : vector<128x1xf32> to vector<128x1xf32>
    %broadcast_in_dim3A_12 = vector.broadcast %broadcast_in_dim3A : vector<128x1xf32> to vector<128x128xf32>
    %get3A_13 = arith.constant 0 : index
    %get3A_14 = arith.constant 0 : index
    %get3A_15 = vector.load %arg2[%get3A_13, %get3A_14] : memref<128x128xf32, #tpu.memory_space<vmem>>, vector<128x128xf32>
    %get3A_16 = arith.constant 0 : index
    %get3A_17 = arith.constant 0 : index
    %get3A_18 = vector.load %arg3[%get3A_16, %get3A_17] : memref<128x128xf32, #tpu.memory_space<vmem>>, vector<128x128xf32>
    %dot_general3A = arith.constant dense<0.000000e+00> : vector<128x128xf32>
    %dot_general3A_19 = tpu.matmul %get3A_15, %get3A_18, %dot_general3A {dimension_numbers = #tpu.dot_dimension_numbers<[1], [0], [0], [1], [0, 0, 1, 1], [], []>, transpose_lhs_hint = false} : vector<128x128xf32>, vector<128x128xf32>, vector<128x128xf32> -> vector<128x128xf32>
    %swap3A = arith.constant 0 : index
    %swap3A_20 = arith.constant 0 : index
    %swap3A_21 = vector.load %arg4[%swap3A, %swap3A_20] : memref<128x128xf32, #tpu.memory_space<vmem>>, vector<128x128xf32>
    tpu.vector_store %arg4[%swap3A, %swap3A_20], %broadcast_in_dim3A_12 {strides = array<i32>} : memref<128x128xf32, #tpu.memory_space<vmem>>, vector<128x128xf32>,
    %mul3A = arith.mulf %dot_general3A_19, %broadcast_in_dim3A_12 : vector<128x128xf32>
    %swap3A_22 = arith.constant 0 : index
    %swap3A_23 = arith.constant 0 : index
    %swap3A_24 = vector.load %arg5[%swap3A_22, %swap3A_23] : memref<128x128xf32, #tpu.memory_space<vmem>>, vector<128x128xf32>
    tpu.vector_store %arg5[%swap3A_22, %swap3A_23], %mul3A {strides = array<i32>} : memref<128x128xf32, #tpu.memory_space<vmem>>, vector<128x128xf32>,
    return
  }
  func.func @transform_0(%arg0: i32) -> (i32, i32, i32) {
    %c0_i32 = arith.constant 0 : i32
    %c0_i32_0 = arith.constant 0 : i32
    %c0_i32_1 = arith.constant 0 : i32
    return %c0_i32, %arg0, %c0_i32_0 : i32, i32, i32
  }
  func.func @transform_1(%arg0: i32) -> (i32, i32) {
    %c0_i32 = arith.constant 0 : i32
    %c0_i32_0 = arith.constant 0 : i32
    return %arg0, %c0_i32 : i32, i32
  }
  func.func @transform_2(%arg0: i32) -> (i32, i32) {
    %c0_i32 = arith.constant 0 : i32
    %c0_i32_0 = arith.constant 0 : i32
    %c0_i32_1 = arith.constant 0 : i32
    return %c0_i32, %c0_i32_0 : i32, i32
  }
  func.func @transform_3(%arg0: i32) -> (i32, i32) {
    %c0_i32 = arith.constant 0 : i32
    %c0_i32_0 = arith.constant 0 : i32
    return %arg0, %c0_i32 : i32, i32
  }
  func.func @transform_4(%arg0: i32) -> (i32, i32) {
    %c0_i32 = arith.constant 0 : i32
    %c0_i32_0 = arith.constant 0 : i32
    return %arg0, %c0_i32 : i32, i32
  }
}

module attributes {stable_mosaic.version = 14 : i64} {
  func.func @body(%arg0: i32, %arg1: memref<128x128xf32, #tpu.memory_space<vmem>>, %arg2: memref<2x128xf32, #tpu.memory_space<vmem>>, %arg3: memref<1x128xf32, #tpu.memory_space<vmem>>, %arg4: memref<1x128xf32, #tpu.memory_space<vmem>>, %arg5: memref<128x128xf32, #tpu.memory_space<vmem>>, %arg6: memref<128x128xf32, #tpu.memory_space<vmem>>, %arg7: memref<128x128xf32, #tpu.memory_space<vmem>>) attributes {dimension_semantics = [#tpu.dimension_semantics<arbitrary>], iteration_bounds = array<i64: 79>, scalar_prefetch = 0 : i64, scratch_operands = 0 : i64, tpu.core_type = #tpu.core_type<tc>, window_params = [{transform_indices = @transform_0, window_bounds = array<i64: 128, 128>}, {pipeline_mode = #tpu.pipeline_mode<synchronous>, transform_indices = @transform_1, window_bounds = array<i64: 2, 128>}, {pipeline_mode = #tpu.pipeline_mode<synchronous>, transform_indices = @transform_2, window_bounds = array<i64: 1, 128>}, {pipeline_mode = #tpu.pipeline_mode<synchronous>, transform_indices = @transform_3, window_bounds = array<i64: 1, 128>}, {pipeline_mode = #tpu.pipeline_mode<synchronous>, transform_indices = @transform_4, window_bounds = array<i64: 128, 128>}, {transform_indices = @transform_5, window_bounds = array<i64: 128, 128>}, {transform_indices = @transform_6, window_bounds = array<i64: 128, 128>}]} {
    %get3A = arith.constant 0 : index
    %get3A_0 = arith.constant 0 : index
    %get3A_1 = vector.load %arg1[%get3A, %get3A_0] : memref<128x128xf32, #tpu.memory_space<vmem>>, vector<128x128xf32>
    %get3A_2 = arith.constant 0 : index
    %get3A_3 = arith.constant 0 : index
    %get3A_4 = vector.load %arg2[%get3A_2, %get3A_3] : memref<2x128xf32, #tpu.memory_space<vmem>>, vector<2x128xf32>
    %get3A_5 = arith.constant 0 : index
    %get3A_6 = arith.constant 0 : index
    %get3A_7 = vector.load %arg3[%get3A_5, %get3A_6] : memref<1x128xf32, #tpu.memory_space<vmem>>, vector<1x128xf32>
    %get3A_8 = arith.constant 0 : index
    %get3A_9 = arith.constant 0 : index
    %get3A_10 = vector.load %arg4[%get3A_8, %get3A_9] : memref<1x128xf32, #tpu.memory_space<vmem>>, vector<1x128xf32>
    %slice3A = vector.extract_strided_slice %get3A_4 {offsets = [0, 0], sizes = [1, 128], strides = [1, 1]} : vector<2x128xf32> to vector<1x128xf32>
    %mul3A = arith.constant 9.99999974E-5 : f32
    %mul3A_11 = vector.broadcast %mul3A : f32 to vector<1x128xf32>
    %mul3A_12 = arith.mulf %slice3A, %mul3A_11 : vector<1x128xf32>
    %slice3A_13 = vector.extract_strided_slice %get3A_4 {offsets = [1, 0], sizes = [1, 128], strides = [1, 1]} : vector<2x128xf32> to vector<1x128xf32>
    %mul3A_14 = arith.constant 9.99999974E-5 : f32
    %mul3A_15 = vector.broadcast %mul3A_14 : f32 to vector<1x128xf32>
    %mul3A_16 = arith.mulf %slice3A_13, %mul3A_15 : vector<1x128xf32>
    %mul3A_17 = arith.mulf %mul3A_12, %mul3A_12 : vector<1x128xf32>
    %sub3A = arith.subf %mul3A_16, %mul3A_17 : vector<1x128xf32>
    %add3A = arith.constant 9.99999974E-6 : f32
    %add3A_18 = vector.broadcast %add3A : f32 to vector<1x128xf32>
    %add3A_19 = arith.addf %sub3A, %add3A_18 : vector<1x128xf32>
    %rsqrt3A = math.rsqrt %add3A_19 : vector<1x128xf32>
    %mul3A_20 = arith.mulf %get3A_7, %rsqrt3A : vector<1x128xf32>
    %sub3A_21 = vector.broadcast %mul3A_12 : vector<1x128xf32> to vector<128x128xf32>
    %sub3A_22 = arith.subf %get3A_1, %sub3A_21 : vector<128x128xf32>
    %mul3A_23 = vector.broadcast %mul3A_20 : vector<1x128xf32> to vector<128x128xf32>
    %mul3A_24 = arith.mulf %sub3A_22, %mul3A_23 : vector<128x128xf32>
    %add3A_25 = vector.broadcast %get3A_10 : vector<1x128xf32> to vector<128x128xf32>
    %add3A_26 = arith.addf %mul3A_24, %add3A_25 : vector<128x128xf32>
    %max3A = arith.constant 0.000000e+00 : f32
    %max3A_27 = vector.broadcast %max3A : f32 to vector<128x128xf32>
    %max3A_28 = arith.maximumf %add3A_26, %max3A_27 : vector<128x128xf32>
    %get3A_29 = arith.constant 0 : index
    %get3A_30 = arith.constant 0 : index
    %get3A_31 = vector.load %arg5[%get3A_29, %get3A_30] : memref<128x128xf32, #tpu.memory_space<vmem>>, vector<128x128xf32>
    %dot_general3A = arith.constant dense<0.000000e+00> : vector<128x128xf32>
    %dot_general3A_32 = tpu.matmul %max3A_28, %get3A_31, %dot_general3A {dimension_numbers = #tpu.dot_dimension_numbers<[1], [0], [0], [1], [0, 0, 1, 1], [], []>, transpose_lhs_hint = false} : vector<128x128xf32>, vector<128x128xf32>, vector<128x128xf32> -> vector<128x128xf32>
    %get3A_33 = arith.constant 0 : index
    %get3A_34 = arith.constant 0 : index
    %get3A_35 = vector.load %arg6[%get3A_33, %get3A_34] : memref<128x128xf32, #tpu.memory_space<vmem>>, vector<128x128xf32>
    %mul3A_36 = arith.mulf %dot_general3A_32, %get3A_35 : vector<128x128xf32>
    %swap3A = arith.constant 0 : index
    %swap3A_37 = arith.constant 0 : index
    %swap3A_38 = vector.load %arg7[%swap3A, %swap3A_37] : memref<128x128xf32, #tpu.memory_space<vmem>>, vector<128x128xf32>
    tpu.vector_store %arg7[%swap3A, %swap3A_37], %mul3A_36 {strides = array<i32>} : memref<128x128xf32, #tpu.memory_space<vmem>>, vector<128x128xf32>,
    return
  }
  func.func @transform_0(%arg0: i32) -> (i32, i32) {
    %c0_i32 = arith.constant 0 : i32
    %c0_i32_0 = arith.constant 0 : i32
    return %arg0, %c0_i32 : i32, i32
  }
  func.func @transform_1(%arg0: i32) -> (i32, i32) {
    %c0_i32 = arith.constant 0 : i32
    %c0_i32_0 = arith.constant 0 : i32
    %c0_i32_1 = arith.constant 0 : i32
    return %c0_i32, %c0_i32_0 : i32, i32
  }
  func.func @transform_2(%arg0: i32) -> (i32, i32) {
    %c0_i32 = arith.constant 0 : i32
    %c0_i32_0 = arith.constant 0 : i32
    %c0_i32_1 = arith.constant 0 : i32
    return %c0_i32, %c0_i32_0 : i32, i32
  }
  func.func @transform_3(%arg0: i32) -> (i32, i32) {
    %c0_i32 = arith.constant 0 : i32
    %c0_i32_0 = arith.constant 0 : i32
    %c0_i32_1 = arith.constant 0 : i32
    return %c0_i32, %c0_i32_0 : i32, i32
  }
  func.func @transform_4(%arg0: i32) -> (i32, i32) {
    %c0_i32 = arith.constant 0 : i32
    %c0_i32_0 = arith.constant 0 : i32
    %c0_i32_1 = arith.constant 0 : i32
    return %c0_i32, %c0_i32_0 : i32, i32
  }
  func.func @transform_5(%arg0: i32) -> (i32, i32) {
    %c0_i32 = arith.constant 0 : i32
    %c0_i32_0 = arith.constant 0 : i32
    return %arg0, %c0_i32 : i32, i32
  }
  func.func @transform_6(%arg0: i32) -> (i32, i32) {
    %c0_i32 = arith.constant 0 : i32
    %c0_i32_0 = arith.constant 0 : i32
    return %arg0, %c0_i32 : i32, i32
  }
}

module attributes {stable_mosaic.version = 14 : i64} {
  func.func @body(%arg0: i32, %arg1: memref<2x128x128xf32, #tpu.memory_space<vmem>>, %arg2: memref<128x128xf32, #tpu.memory_space<vmem>>, %arg3: memref<128x128xf32, #tpu.memory_space<vmem>>, %arg4: memref<1x128xf32, #tpu.memory_space<vmem>>, %arg5: memref<128x128xf32, #tpu.memory_space<vmem>>, %arg6: memref<2x128xf32, #tpu.memory_space<vmem>>) attributes {dimension_semantics = [#tpu.dimension_semantics<arbitrary>], iteration_bounds = array<i64: 79>, scalar_prefetch = 0 : i64, scratch_operands = 0 : i64, tpu.core_type = #tpu.core_type<tc>, window_params = [{transform_indices = @transform_0, window_bounds = array<i64: 2, 128, 128>}, {transform_indices = @transform_1, window_bounds = array<i64: 128, 128>}, {transform_indices = @transform_2, window_bounds = array<i64: 128, 128>}, {pipeline_mode = #tpu.pipeline_mode<synchronous>, transform_indices = @transform_3, window_bounds = array<i64: 1, 128>}, {transform_indices = @transform_4, window_bounds = array<i64: 128, 128>}, {pipeline_mode = #tpu.pipeline_mode<synchronous>, transform_indices = @transform_5, window_bounds = array<i64: 2, 128>}]} {
    %get3A = arith.constant 0 : index
    %get3A_0 = arith.constant 0 : index
    %get3A_1 = arith.constant 0 : index
    %get3A_2 = vector.load %arg1[%get3A, %get3A_0, %get3A_1] : memref<2x128x128xf32, #tpu.memory_space<vmem>>, vector<1x128x128xf32>
    %get3A_3 = vector.shape_cast %get3A_2 : vector<1x128x128xf32> to vector<128x128xf32>
    %get3A_4 = arith.constant 1 : index
    %get3A_5 = arith.constant 0 : index
    %get3A_6 = arith.constant 0 : index
    %get3A_7 = vector.load %arg1[%get3A_4, %get3A_5, %get3A_6] : memref<2x128x128xf32, #tpu.memory_space<vmem>>, vector<1x128x128xf32>
    %get3A_8 = vector.shape_cast %get3A_7 : vector<1x128x128xf32> to vector<128x128xf32>
    %add3A = arith.addf %get3A_3, %get3A_8 : vector<128x128xf32>
    %get3A_9 = arith.constant 0 : index
    %get3A_10 = arith.constant 0 : index
    %get3A_11 = vector.load %arg2[%get3A_9, %get3A_10] : memref<128x128xf32, #tpu.memory_space<vmem>>, vector<128x128xf32>
    %add3A_12 = arith.addf %add3A, %get3A_11 : vector<128x128xf32>
    %get3A_13 = arith.constant 0 : index
    %get3A_14 = arith.constant 0 : index
    %get3A_15 = vector.load %arg3[%get3A_13, %get3A_14] : memref<128x128xf32, #tpu.memory_space<vmem>>, vector<128x128xf32>
    %mul3A = arith.mulf %get3A_15, %add3A_12 : vector<128x128xf32>
    %get3A_16 = arith.constant 0 : index
    %get3A_17 = arith.constant 0 : index
    %get3A_18 = vector.load %arg4[%get3A_16, %get3A_17] : memref<1x128xf32, #tpu.memory_space<vmem>>, vector<1x128xf32>
    %add3A_19 = vector.broadcast %get3A_18 : vector<1x128xf32> to vector<128x128xf32>
    %add3A_20 = arith.addf %mul3A, %add3A_19 : vector<128x128xf32>
    %swap3A = arith.constant 0 : index
    %swap3A_21 = arith.constant 0 : index
    %swap3A_22 = vector.load %arg5[%swap3A, %swap3A_21] : memref<128x128xf32, #tpu.memory_space<vmem>>, vector<128x128xf32>
    tpu.vector_store %arg5[%swap3A, %swap3A_21], %add3A_20 {strides = array<i32>} : memref<128x128xf32, #tpu.memory_space<vmem>>, vector<128x128xf32>,
    %mul3A_23 = arith.constant 128 : i32
    %mul3A_24 = arith.muli %arg0, %mul3A_23 : i32
    %iota3A = tpu.iota {dimensions = array<i32: 0>} : vector<128x1xi32>
    %add3A_25 = vector.broadcast %mul3A_24 : i32 to vector<128x1xi32>
    %add3A_26 = arith.addi %add3A_25, %iota3A : vector<128x1xi32>
    %lt3A = arith.constant 10000 : i32
    %lt3A_27 = vector.broadcast %lt3A : i32 to vector<128x1xi32>
    %lt3A_28 = arith.cmpi slt, %add3A_26, %lt3A_27 : vector<128x1xi32>
    %jit3A = arith.constant 0.000000e+00 : f32
    %broadcast_in_dim3A = vector.shape_cast %lt3A_28 : vector<128x1xi1> to vector<128x1xi1>
    %broadcast_in_dim3A_29 = vector.broadcast %broadcast_in_dim3A : vector<128x1xi1> to vector<128x128xi1>
    %broadcast_in_dim3A_30 = vector.broadcast %jit3A : f32 to vector<128x128xf32>
    %select_n3A = arith.select %broadcast_in_dim3A_29, %add3A_20, %broadcast_in_dim3A_30 : vector<128x128xi1>, vector<128x128xf32>
    %eq3A = arith.constant 0 : i32
    %eq3A_31 = arith.cmpi eq, %arg0, %eq3A : i32
    %convert_element_type3A = arith.extui %eq3A_31 : i1 to i32
    %cond3A = arith.constant 0 : i32
    %cond3A_32 = arith.cmpi ne, %convert_element_type3A, %cond3A : i32
    scf.if %cond3A_32 {
      %broadcast_in_dim3A_53 = arith.constant 0.000000e+00 : f32
      %broadcast_in_dim3A_54 = vector.broadcast %broadcast_in_dim3A_53 : f32 to vector<2x128xf32>
      %swap3A_55 = arith.constant 0 : index
      %swap3A_56 = arith.constant 0 : index
      %swap3A_57 = vector.load %arg6[%swap3A_55, %swap3A_56] : memref<2x128xf32, #tpu.memory_space<vmem>>, vector<2x128xf32>
      tpu.vector_store %arg6[%swap3A_55, %swap3A_56], %broadcast_in_dim3A_54 {strides = array<i32>} : memref<2x128xf32, #tpu.memory_space<vmem>>, vector<2x128xf32>,
    } else {
    }
    %get3A_33 = arith.constant 0 : index
    %get3A_34 = arith.constant 0 : index
    %get3A_35 = vector.load %arg6[%get3A_33, %get3A_34] : memref<2x128xf32, #tpu.memory_space<vmem>>, vector<1x128xf32>
    %reduce_sum3A = arith.constant dense<0.000000e+00> : vector<128xf32>
    %reduce_sum3A_36 = vector.multi_reduction <add>, %select_n3A, %reduce_sum3A [0] : vector<128x128xf32> to vector<128xf32>
    %broadcast_in_dim3A_37 = vector.shape_cast %reduce_sum3A_36 : vector<128xf32> to vector<1x128xf32>
    %add3A_38 = arith.addf %get3A_35, %broadcast_in_dim3A_37 : vector<1x128xf32>
    %swap3A_39 = arith.constant 0 : index
    %swap3A_40 = arith.constant 0 : index
    %swap3A_41 = vector.load %arg6[%swap3A_39, %swap3A_40] : memref<2x128xf32, #tpu.memory_space<vmem>>, vector<1x128xf32>
    tpu.vector_store %arg6[%swap3A_39, %swap3A_40], %add3A_38 {strides = array<i32>} : memref<2x128xf32, #tpu.memory_space<vmem>>, vector<1x128xf32>,
    %get3A_42 = arith.constant 1 : index
    %get3A_43 = arith.constant 0 : index
    %get3A_44 = vector.load %arg6[%get3A_42, %get3A_43] : memref<2x128xf32, #tpu.memory_space<vmem>>, vector<1x128xf32>
    %mul3A_45 = arith.mulf %select_n3A, %select_n3A : vector<128x128xf32>
    %reduce_sum3A_46 = arith.constant dense<0.000000e+00> : vector<128xf32>
    %reduce_sum3A_47 = vector.multi_reduction <add>, %mul3A_45, %reduce_sum3A_46 [0] : vector<128x128xf32> to vector<128xf32>
    %broadcast_in_dim3A_48 = vector.shape_cast %reduce_sum3A_47 : vector<128xf32> to vector<1x128xf32>
    %add3A_49 = arith.addf %get3A_44, %broadcast_in_dim3A_48 : vector<1x128xf32>
    %swap3A_50 = arith.constant 1 : index
    %swap3A_51 = arith.constant 0 : index
    %swap3A_52 = vector.load %arg6[%swap3A_50, %swap3A_51] : memref<2x128xf32, #tpu.memory_space<vmem>>, vector<1x128xf32>
    tpu.vector_store %arg6[%swap3A_50, %swap3A_51], %add3A_49 {strides = array<i32>} : memref<2x128xf32, #tpu.memory_space<vmem>>, vector<1x128xf32>,
    return
  }
  func.func @transform_0(%arg0: i32) -> (i32, i32, i32) {
    %c0_i32 = arith.constant 0 : i32
    %c0_i32_0 = arith.constant 0 : i32
    %c0_i32_1 = arith.constant 0 : i32
    return %c0_i32, %arg0, %c0_i32_0 : i32, i32, i32
  }
  func.func @transform_1(%arg0: i32) -> (i32, i32) {
    %c0_i32 = arith.constant 0 : i32
    %c0_i32_0 = arith.constant 0 : i32
    return %arg0, %c0_i32 : i32, i32
  }
  func.func @transform_2(%arg0: i32) -> (i32, i32) {
    %c0_i32 = arith.constant 0 : i32
    %c0_i32_0 = arith.constant 0 : i32
    return %arg0, %c0_i32 : i32, i32
  }
  func.func @transform_3(%arg0: i32) -> (i32, i32) {
    %c0_i32 = arith.constant 0 : i32
    %c0_i32_0 = arith.constant 0 : i32
    %c0_i32_1 = arith.constant 0 : i32
    return %c0_i32, %c0_i32_0 : i32, i32
  }
  func.func @transform_4(%arg0: i32) -> (i32, i32) {
    %c0_i32 = arith.constant 0 : i32
    %c0_i32_0 = arith.constant 0 : i32
    return %arg0, %c0_i32 : i32, i32
  }
  func.func @transform_5(%arg0: i32) -> (i32, i32) {
    %c0_i32 = arith.constant 0 : i32
    %c0_i32_0 = arith.constant 0 : i32
    %c0_i32_1 = arith.constant 0 : i32
    return %c0_i32, %c0_i32_0 : i32, i32
  }
}

module attributes {stable_mosaic.version = 14 : i64} {
  func.func @body(%arg0: i32, %arg1: memref<128x128xf32, #tpu.memory_space<vmem>>, %arg2: memref<2x128xf32, #tpu.memory_space<vmem>>, %arg3: memref<1x128xf32, #tpu.memory_space<vmem>>, %arg4: memref<1x128xf32, #tpu.memory_space<vmem>>, %arg5: memref<128x128xi32, #tpu.memory_space<vmem>>, %arg6: memref<128x64xf32, #tpu.memory_space<vmem>>, %arg7: memref<1x64xf32, #tpu.memory_space<vmem>>, %arg8: memref<64x64xf32, #tpu.memory_space<vmem>>, %arg9: memref<128x128xf32, #tpu.memory_space<vmem>>, %arg10: memref<128x1xf32, #tpu.memory_space<vmem>>) attributes {dimension_semantics = [#tpu.dimension_semantics<arbitrary>], iteration_bounds = array<i64: 79>, scalar_prefetch = 0 : i64, scratch_operands = 2 : i64, tpu.core_type = #tpu.core_type<tc>, window_params = [{transform_indices = @transform_0, window_bounds = array<i64: 128, 128>}, {pipeline_mode = #tpu.pipeline_mode<synchronous>, transform_indices = @transform_1, window_bounds = array<i64: 2, 128>}, {pipeline_mode = #tpu.pipeline_mode<synchronous>, transform_indices = @transform_2, window_bounds = array<i64: 1, 128>}, {pipeline_mode = #tpu.pipeline_mode<synchronous>, transform_indices = @transform_3, window_bounds = array<i64: 1, 128>}, {transform_indices = @transform_4, window_bounds = array<i64: 128, 128>}, {pipeline_mode = #tpu.pipeline_mode<synchronous>, transform_indices = @transform_5, window_bounds = array<i64: 128, 64>}, {pipeline_mode = #tpu.pipeline_mode<synchronous>, transform_indices = @transform_6, window_bounds = array<i64: 1, 64>}, {pipeline_mode = #tpu.pipeline_mode<synchronous>, transform_indices = @transform_7, window_bounds = array<i64: 64, 64>}]} {
    %get3A = arith.constant 0 : index
    %get3A_0 = arith.constant 0 : index
    %get3A_1 = vector.load %arg1[%get3A, %get3A_0] : memref<128x128xf32, #tpu.memory_space<vmem>>, vector<128x128xf32>
    %get3A_2 = arith.constant 0 : index
    %get3A_3 = arith.constant 0 : index
    %get3A_4 = vector.load %arg2[%get3A_2, %get3A_3] : memref<2x128xf32, #tpu.memory_space<vmem>>, vector<2x128xf32>
    %get3A_5 = arith.constant 0 : index
    %get3A_6 = arith.constant 0 : index
    %get3A_7 = vector.load %arg3[%get3A_5, %get3A_6] : memref<1x128xf32, #tpu.memory_space<vmem>>, vector<1x128xf32>
    %get3A_8 = arith.constant 0 : index
    %get3A_9 = arith.constant 0 : index
    %get3A_10 = vector.load %arg4[%get3A_8, %get3A_9] : memref<1x128xf32, #tpu.memory_space<vmem>>, vector<1x128xf32>
    %slice3A = vector.extract_strided_slice %get3A_4 {offsets = [0, 0], sizes = [1, 128], strides = [1, 1]} : vector<2x128xf32> to vector<1x128xf32>
    %mul3A = arith.constant 9.99999974E-5 : f32
    %mul3A_11 = vector.broadcast %mul3A : f32 to vector<1x128xf32>
    %mul3A_12 = arith.mulf %slice3A, %mul3A_11 : vector<1x128xf32>
    %slice3A_13 = vector.extract_strided_slice %get3A_4 {offsets = [1, 0], sizes = [1, 128], strides = [1, 1]} : vector<2x128xf32> to vector<1x128xf32>
    %mul3A_14 = arith.constant 9.99999974E-5 : f32
    %mul3A_15 = vector.broadcast %mul3A_14 : f32 to vector<1x128xf32>
    %mul3A_16 = arith.mulf %slice3A_13, %mul3A_15 : vector<1x128xf32>
    %mul3A_17 = arith.mulf %mul3A_12, %mul3A_12 : vector<1x128xf32>
    %sub3A = arith.subf %mul3A_16, %mul3A_17 : vector<1x128xf32>
    %add3A = arith.constant 9.99999974E-6 : f32
    %add3A_18 = vector.broadcast %add3A : f32 to vector<1x128xf32>
    %add3A_19 = arith.addf %sub3A, %add3A_18 : vector<1x128xf32>
    %rsqrt3A = math.rsqrt %add3A_19 : vector<1x128xf32>
    %mul3A_20 = arith.mulf %get3A_7, %rsqrt3A : vector<1x128xf32>
    %sub3A_21 = vector.broadcast %mul3A_12 : vector<1x128xf32> to vector<128x128xf32>
    %sub3A_22 = arith.subf %get3A_1, %sub3A_21 : vector<128x128xf32>
    %mul3A_23 = vector.broadcast %mul3A_20 : vector<1x128xf32> to vector<128x128xf32>
    %mul3A_24 = arith.mulf %sub3A_22, %mul3A_23 : vector<128x128xf32>
    %add3A_25 = vector.broadcast %get3A_10 : vector<1x128xf32> to vector<128x128xf32>
    %add3A_26 = arith.addf %mul3A_24, %add3A_25 : vector<128x128xf32>
    %max3A = arith.constant 0.000000e+00 : f32
    %max3A_27 = vector.broadcast %max3A : f32 to vector<128x128xf32>
    %max3A_28 = arith.maximumf %add3A_26, %max3A_27 : vector<128x128xf32>
    %iota3A = tpu.iota {dimensions = array<i32: 1>} : vector<128x128xi32>
    %get3A_29 = arith.constant 0 : index
    %get3A_30 = arith.constant 0 : index
    %get3A_31 = vector.load %arg5[%get3A_29, %get3A_30] : memref<128x128xi32, #tpu.memory_space<vmem>>, vector<128x128xi32>
    %eq3A = arith.cmpi eq, %get3A_31, %iota3A : vector<128x128xi32>
    %convert_element_type3A = arith.extui %eq3A : vector<128x128xi1> to vector<128x128xi32>
    %convert_element_type3A_32 = arith.sitofp %convert_element_type3A : vector<128x128xi32> to vector<128x128xf32>
    %dot_general3A = arith.constant dense<0.000000e+00> : vector<128x128xf32>
    %dot_general3A_33 = tpu.matmul %convert_element_type3A_32, %max3A_28, %dot_general3A {dimension_numbers = #tpu.dot_dimension_numbers<[0], [0], [1], [1], [0, 1, 1, 1], [], []>, transpose_lhs_hint = false} : vector<128x128xf32>, vector<128x128xf32>, vector<128x128xf32> -> vector<128x128xf32>
    %broadcast_in_dim3A = arith.constant 1.000000e+00 : f32
    %broadcast_in_dim3A_34 = vector.broadcast %broadcast_in_dim3A : f32 to vector<128x1xf32>
    %dot_general3A_35 = arith.constant dense<0.000000e+00> : vector<128x1xf32>
    %dot_general3A_36 = tpu.matmul %convert_element_type3A_32, %broadcast_in_dim3A_34, %dot_general3A_35 {dimension_numbers = #tpu.dot_dimension_numbers<[0], [0], [1], [1], [0, 1, 1, 1], [], []>, transpose_lhs_hint = false} : vector<128x128xf32>, vector<128x1xf32>, vector<128x1xf32> -> vector<128x1xf32>
    %eq3A_37 = arith.constant 0 : i32
    %eq3A_38 = arith.cmpi eq, %arg0, %eq3A_37 : i32
    %convert_element_type3A_39 = arith.extui %eq3A_38 : i1 to i32
    %cond3A = arith.constant 0 : i32
    %cond3A_40 = arith.cmpi ne, %convert_element_type3A_39, %cond3A : i32
    scf.if %cond3A_40 {
      %broadcast_in_dim3A_59 = arith.constant 0.000000e+00 : f32
      %broadcast_in_dim3A_60 = vector.broadcast %broadcast_in_dim3A_59 : f32 to vector<128x128xf32>
      %swap3A_61 = arith.constant 0 : index
      %swap3A_62 = arith.constant 0 : index
      %swap3A_63 = vector.load %arg9[%swap3A_61, %swap3A_62] : memref<128x128xf32, #tpu.memory_space<vmem>>, vector<128x128xf32>
      tpu.vector_store %arg9[%swap3A_61, %swap3A_62], %broadcast_in_dim3A_60 {strides = array<i32>} : memref<128x128xf32, #tpu.memory_space<vmem>>, vector<128x128xf32>,
      %broadcast_in_dim3A_64 = arith.constant 0.000000e+00 : f32
      %broadcast_in_dim3A_65 = vector.broadcast %broadcast_in_dim3A_64 : f32 to vector<128x1xf32>
      %swap3A_66 = arith.constant 0 : index
      %swap3A_67 = arith.constant 0 : index
      %swap3A_68 = vector.load %arg10[%swap3A_66, %swap3A_67] : memref<128x1xf32, #tpu.memory_space<vmem>>, vector<128x1xf32>
      tpu.vector_store %arg10[%swap3A_66, %swap3A_67], %broadcast_in_dim3A_65 {strides = array<i32>} : memref<128x1xf32, #tpu.memory_space<vmem>>, vector<128x1xf32>,
    } else {
    }
    %get3A_41 = arith.constant 0 : index
    %get3A_42 = arith.constant 0 : index
    %get3A_43 = vector.load %arg9[%get3A_41, %get3A_42] : memref<128x128xf32, #tpu.memory_space<vmem>>, vector<128x128xf32>
    %add3A_44 = arith.addf %get3A_43, %dot_general3A_33 : vector<128x128xf32>
    %swap3A = arith.constant 0 : index
    %swap3A_45 = arith.constant 0 : index
    %swap3A_46 = vector.load %arg9[%swap3A, %swap3A_45] : memref<128x128xf32, #tpu.memory_space<vmem>>, vector<128x128xf32>
    tpu.vector_store %arg9[%swap3A, %swap3A_45], %add3A_44 {strides = array<i32>} : memref<128x128xf32, #tpu.memory_space<vmem>>, vector<128x128xf32>,
    %get3A_47 = arith.constant 0 : index
    %get3A_48 = arith.constant 0 : index
    %get3A_49 = vector.load %arg10[%get3A_47, %get3A_48] : memref<128x1xf32, #tpu.memory_space<vmem>>, vector<128x1xf32>
    %add3A_50 = arith.addf %get3A_49, %dot_general3A_36 : vector<128x1xf32>
    %swap3A_51 = arith.constant 0 : index
    %swap3A_52 = arith.constant 0 : index
    %swap3A_53 = vector.load %arg10[%swap3A_51, %swap3A_52] : memref<128x1xf32, #tpu.memory_space<vmem>>, vector<128x1xf32>
    tpu.vector_store %arg10[%swap3A_51, %swap3A_52], %add3A_50 {strides = array<i32>} : memref<128x1xf32, #tpu.memory_space<vmem>>, vector<128x1xf32>,
    %eq3A_54 = arith.constant 78 : i32
    %eq3A_55 = arith.cmpi eq, %arg0, %eq3A_54 : i32
    %convert_element_type3A_56 = arith.extui %eq3A_55 : i1 to i32
    %cond3A_57 = arith.constant 0 : i32
    %cond3A_58 = arith.cmpi ne, %convert_element_type3A_56, %cond3A_57 : i32
    scf.if %cond3A_58 {
      %get3A_59 = arith.constant 0 : index
      %get3A_60 = arith.constant 0 : index
      %get3A_61 = vector.load %arg9[%get3A_59, %get3A_60] : memref<128x128xf32, #tpu.memory_space<vmem>>, vector<128x128xf32>
      %get3A_62 = arith.constant 0 : index
      %get3A_63 = arith.constant 0 : index
      %get3A_64 = vector.load %arg10[%get3A_62, %get3A_63] : memref<128x1xf32, #tpu.memory_space<vmem>>, vector<128x1xf32>
      %max3A_65 = arith.constant 1.000000e+00 : f32
      %max3A_66 = vector.broadcast %max3A_65 : f32 to vector<128x1xf32>
      %max3A_67 = arith.maximumf %get3A_64, %max3A_66 : vector<128x1xf32>
      %div3A = vector.broadcast %max3A_67 : vector<128x1xf32> to vector<128x128xf32>
      %div3A_68 = arith.divf %get3A_61, %div3A : vector<128x128xf32>
      %get3A_69 = arith.constant 0 : index
      %get3A_70 = arith.constant 0 : index
      %get3A_71 = vector.load %arg6[%get3A_69, %get3A_70] : memref<128x64xf32, #tpu.memory_space<vmem>>, vector<128x64xf32>
      %dot_general3A_72 = arith.constant dense<0.000000e+00> : vector<128x64xf32>
      %dot_general3A_73 = tpu.matmul %div3A_68, %get3A_71, %dot_general3A_72 {dimension_numbers = #tpu.dot_dimension_numbers<[1], [0], [0], [1], [0, 0, 1, 1], [], []>, transpose_lhs_hint = false} : vector<128x128xf32>, vector<128x64xf32>, vector<128x64xf32> -> vector<128x64xf32>
      %get3A_74 = arith.constant 0 : index
      %get3A_75 = arith.constant 0 : index
      %get3A_76 = vector.load %arg7[%get3A_74, %get3A_75] : memref<1x64xf32, #tpu.memory_space<vmem>>, vector<1x64xf32>
      %add3A_77 = vector.broadcast %get3A_76 : vector<1x64xf32> to vector<128x64xf32>
      %add3A_78 = arith.addf %dot_general3A_73, %add3A_77 : vector<128x64xf32>
      %slice3A_79 = vector.extract_strided_slice %add3A_78 {offsets = [0, 0], sizes = [64, 64], strides = [1, 1]} : vector<128x64xf32> to vector<64x64xf32>
      %swap3A_80 = arith.constant 0 : index
      %swap3A_81 = arith.constant 0 : index
      %swap3A_82 = vector.load %arg8[%swap3A_80, %swap3A_81] : memref<64x64xf32, #tpu.memory_space<vmem>>, vector<64x64xf32>
      tpu.vector_store %arg8[%swap3A_80, %swap3A_81], %slice3A_79 {strides = array<i32>} : memref<64x64xf32, #tpu.memory_space<vmem>>, vector<64x64xf32>,
    } else {
    }
    return
  }
  func.func @transform_0(%arg0: i32) -> (i32, i32) {
    %c0_i32 = arith.constant 0 : i32
    %c0_i32_0 = arith.constant 0 : i32
    return %arg0, %c0_i32 : i32, i32
  }
  func.func @transform_1(%arg0: i32) -> (i32, i32) {
    %c0_i32 = arith.constant 0 : i32
    %c0_i32_0 = arith.constant 0 : i32
    %c0_i32_1 = arith.constant 0 : i32
    return %c0_i32, %c0_i32_0 : i32, i32
  }
  func.func @transform_2(%arg0: i32) -> (i32, i32) {
    %c0_i32 = arith.constant 0 : i32
    %c0_i32_0 = arith.constant 0 : i32
    %c0_i32_1 = arith.constant 0 : i32
    return %c0_i32, %c0_i32_0 : i32, i32
  }
  func.func @transform_3(%arg0: i32) -> (i32, i32) {
    %c0_i32 = arith.constant 0 : i32
    %c0_i32_0 = arith.constant 0 : i32
    %c0_i32_1 = arith.constant 0 : i32
    return %c0_i32, %c0_i32_0 : i32, i32
  }
  func.func @transform_4(%arg0: i32) -> (i32, i32) {
    %c0_i32 = arith.constant 0 : i32
    %c0_i32_0 = arith.constant 0 : i32
    return %arg0, %c0_i32 : i32, i32
  }
  func.func @transform_5(%arg0: i32) -> (i32, i32) {
    %c0_i32 = arith.constant 0 : i32
    %c0_i32_0 = arith.constant 0 : i32
    %c0_i32_1 = arith.constant 0 : i32
    return %c0_i32, %c0_i32_0 : i32, i32
  }
  func.func @transform_6(%arg0: i32) -> (i32, i32) {
    %c0_i32 = arith.constant 0 : i32
    %c0_i32_0 = arith.constant 0 : i32
    %c0_i32_1 = arith.constant 0 : i32
    return %c0_i32, %c0_i32_0 : i32, i32
  }
  func.func @transform_7(%arg0: i32) -> (i32, i32) {
    %c0_i32 = arith.constant 0 : i32
    %c0_i32_0 = arith.constant 0 : i32
    %c0_i32_1 = arith.constant 0 : i32
    return %c0_i32, %c0_i32_0 : i32, i32
  }
}

</mosaic_0001>

<sc_bundles>
// kernel: kernel.13.cloned.1.call-start
scs
__scs_entry_jumppad:
0x0: {  	(pc) =	sbr.rel $0x88, $3  }
0x1: {  	(tag) =	ssettag $0x0;
	lr =	simm.s32 $0x1  }
0x2: {  	[smem:$0x3F90] =	sst lr;
	_ =	strace $0xD0000000  }
0x3: {  	_ = 	snop  }
0x4: {  	_ = 	snop  }
0x5: {  	_ = 	snop  }
0x6: {  	_ = 	snop  }
0x7: {  	_ = 	snop  }
__scs_overlays_trampoline_lowered:
0x8: {  	[smem:$0x3F9F] =	sst s0  }
0x9: {  	[smem:$0x3FA0] =	sst s1  }
0xa: {  	[smem:$0x3FA1] =	sst s2  }
0xb: {  	[smem:$0x3FA2] =	sst s3  }
0xc: {  	[smem:$0x3FA3] =	sst s4  }
0xd: {  	[smem:$0x3FA4] =	sst s5  }
0xe: {  	[smem:$0x3FA5] =	sst s6  }
0xf: {  	[smem:$0x3FA6] =	sst s7  }
0x10: {  	[smem:$0x3FA7] =	sst s8  }
0x11: {  	[smem:$0x3FA8] =	sst s9;
	s0 =	simm.s32 @!p0 $0x0  }
0x12: {  	s1 =	sld [smem:$0x3F8E];
	s0 =	simm.s32 @p0 $0x1  }
0x13: {  	[smem:$0x3FA9] =	sst s0;
	s0 =	simm.s32 @!p1 $0x0  }
0x14: {  	s2 =	sld [smem:$0x3F8D];
	s0 =	simm.s32 @p1 $0x1  }
0x15: {  	[smem:$0x3FAA] =	sst s0;
	s0 =	simm.s32 @!p2 $0x0  }
0x16: {  	s3 =	sld [smem:$0x3FDB];
	s0 =	simm.s32 @p2 $0x1  }
0x17: {  	s4 =	simm.s32 $0x1BF5;
	[smem:$0x3FAC] =	sst s0  }
0x18: {  	s0 =	sld [smem:$0x3F8F];
	_ =	swait.ge [sflag:s4], $0x0  }
0x19: {  	s7 =	sld [smem:$0x3F90]  }
0x1a: {  	s8 =	sadd.s32 $0xFFFFE003, lr  }
0x1b: {  	s9 =	sadd.s32 $0xFFFFFEF7, lr;
	s5 =	simm.s32 $0xFFFFFFFF;
	p2 =	slt.u32 s8, $0xFFFFF086  }
0x1c: {  	p1 =	slt.u32 s9, $0xF7A;
	s5 =	simm.s32 @!p2 $0x0  }
0x1d: {  	s5 =	simm.s32 @p1 $0x1;
	p0 =	seq.s32 s7, s2  }
0x1e: {  	s7 =	smul.u32 @!p0 $0xF7A, s2;
	p2 =	seq.s32 @!p0 s5, $0x0  }
0x1f: {  	s9 =	smul.u32 $0xF7A, s1;
	s8 =	simm.s32 @!p0 $0x1BF5;
	p2 =	por !p2, p0  }
0x20: {  	[sflag:s8] =	ssyncset.s32 @!p0 $0xFFFFF086;
	s6 =	sadd.s32 @!p0 s3, s7;
	s7 =	simm.s32 @!p0 $0x108  }
0x21: {  	s3 =	sadd.s32 s3, s9;
	s6 =	sadd.s32 @!p0 $0x88, s6;
	s7 =	simm.s32 @p2 $0x1082  }
0x22: {  	[simem:s7], [sflag:s8] =	dma.local @!p0 [hbm:s6], $0xF7A  }
0x23: {  	s9 =	sor.u32 $0xD0000000, s2;
	s6 =	simm.s32 $0x108;
	_ =	swait.ge @!p0 [sflag:s8], $0x0  }
0x24: {  	s3 =	sadd.s32 $0x88, s3;
	s6 =	simm.s32 @!p1 $0x1082;
	[sflag:s4] =	ssyncset.s32 $0xFFFFF086  }
0x25: {  	[simem:s6], [sflag:s4] =	dma.local [hbm:s3], $0xF7A  }
0x26: {  	[smem:$0x3F90] =	sst s1;
	(tag) =	ssettag s2;
	_ =	strace s9  }
0x27: {  	s1 =	sld [smem:$0x3FA0]  }
0x28: {  	s2 =	sld [smem:$0x3FA1]  }
0x29: {  	s4 =	sld [smem:$0x3FA3]  }
0x2a: {  	p0 =	seq.s32 s5, $0x0;
	s5 =	sld [smem:$0x3FA4]  }
0x2b: {  	s6 =	sld [smem:$0x3FA5]  }
0x2c: {  	s7 =	sld [smem:$0x3FA6]  }
0x2d: {  	s3 =	simm.s32 $0x108;
	s8 =	sld [smem:$0x3FA7]  }
0x2e: {  	s3 =	simm.s32 @!p0 $0x1082;
	s9 =	sld [smem:$0x3FA8]  }
0x2f: {  	lr =	sadd.s32 s0, s3;
	s0 =	sld [smem:$0x3F9F]  }
0x30: {  	s3 =	sld [smem:$0x3FA2]  }
0x31: {  	[smem:$0x3FAB] =	sst s10  }
0x32: {  	s10 =	sld [smem:$0x3FA9];
	_ =	sdelay $0x3  }
0x33: {  	p0 =	seq.s32 s10, $0x1;
	s10 =	sld [smem:$0x3FAB];
	_ =	sdelay $0x3  }
0x34: {  	[smem:$0x3FAB] =	sst s10  }
0x35: {  	s10 =	sld [smem:$0x3FAA];
	_ =	sdelay $0x3  }
0x36: {  	p1 =	seq.s32 s10, $0x1;
	s10 =	sld [smem:$0x3FAB];
	_ =	sdelay $0x3  }
0x37: {  	[smem:$0x3FAB] =	sst s10  }
0x38: {  	s10 =	sld [smem:$0x3FAC]  }
0x39: {  	_ = 	snop;
	(pc) =	sbr.ind lr, $3  }
0x3a: {  	_ = 	snop  }
0x3b: {  	_ = 	snop  }
0x3c: {  	p2 =	seq.s32 s10, $0x1;
	s10 =	sld [smem:$0x3FAB]  }
0x3d: {  	_ =	shalt  }
0x3e: {  	_ =	shalt  }
0x3f: {  	_ =	shalt  }
0x40: {  	_ =	shalt  }
0x41: {  	_ =	shalt  }
0x42: {  	_ =	shalt  }
0x43: {  	_ =	shalt  }
0x44: {  	_ =	shalt  }
0x45: {  	_ =	shalt  }
0x46: {  	_ =	shalt  }
0x47: {  	_ =	shalt  }
0x48: {  	_ =	shalt  }
0x49: {  	_ =	shalt  }
0x4a: {  	_ =	shalt  }
0x4b: {  	_ =	shalt  }
0x4c: {  	_ =	shalt  }
0x4d: {  	_ =	shalt  }
0x4e: {  	_ =	shalt  }
0x4f: {  	_ =	shalt  }
0x50: {  	_ =	shalt  }
0x51: {  	_ =	shalt  }
0x52: {  	_ =	shalt  }
0x53: {  	_ =	shalt  }
0x54: {  	_ =	shalt  }
0x55: {  	_ =	shalt  }
0x56: {  	_ =	shalt  }
0x57: {  	_ =	shalt  }
0x58: {  	_ =	shalt  }
0x59: {  	_ =	shalt  }
0x5a: {  	_ =	shalt  }
0x5b: {  	_ =	shalt  }
0x5c: {  	_ =	shalt  }
0x5d: {  	_ =	shalt  }
0x5e: {  	_ =	shalt  }
0x5f: {  	_ =	shalt  }
0x60: {  	_ =	shalt  }
0x61: {  	_ =	shalt  }
0x62: {  	_ =	shalt  }
0x63: {  	_ =	shalt  }
0x64: {  	_ =	shalt  }
0x65: {  	_ =	shalt  }
0x66: {  	_ =	shalt  }
0x67: {  	_ =	shalt  }
0x68: {  	_ =	shalt  }
0x69: {  	_ =	shalt  }
0x6a: {  	_ =	shalt  }
0x6b: {  	_ =	shalt  }
0x6c: {  	_ =	shalt  }
0x6d: {  	_ =	shalt  }
0x6e: {  	_ =	shalt  }
0x6f: {  	_ =	shalt  }
0x70: {  	_ =	shalt  }
0x71: {  	_ =	shalt  }
0x72: {  	_ =	shalt  }
0x73: {  	_ =	shalt  }
0x74: {  	_ =	shalt  }
0x75: {  	_ =	shalt  }
0x76: {  	_ =	shalt  }
0x77: {  	_ =	shalt  }
0x78: {  	_ =	shalt  }
0x79: {  	_ =	shalt  }
0x7a: {  	_ =	shalt  }
0x7b: {  	_ =	shalt  }
0x7c: {  	_ =	shalt  }
0x7d: {  	_ =	shalt  }
0x7e: {  	_ =	shalt  }
0x7f: {  	_ =	shalt  }
0x80: {  	_ =	shalt  }
0x81: {  	_ =	shalt  }
0x82: {  	_ =	shalt  }
0x83: {  	_ =	shalt  }
0x84: {  	_ =	shalt  }
0x85: {  	_ =	shalt  }
0x86: {  	_ =	shalt  }
0x87: {  	_ =	shalt  }
.Lfunc_end0:
.L_simem_size_0:
called_computation_lowered:
.L_overlay_start_0:
0x88: {  	s2 =	sld [smem:$0x3FD9]  }
0x89: {  	s3 =	sld [smem:$0x3FFE];
	_ =	sdelay $0x1  }
0x8a: {  	s1 =	srdreg.scid  }
0x8b: {  	s0 =	sand.u32 $0x1, s1  }
0x8c: {  	s16 =	sshll.u32 s0, $0xA;
	s2 =	sadd.s32 s3, s2  }
0x8d: {  	s2 =	sadd.s32 s2, s16  }
0x8e: {  	[smem:$0x3FB7] =	sst s2  }
0x8f: {  	_ = 	snop  }
0x90: {  	(tm) =	ssettm $0x1  }
0x91: {  	s17 =	sld [smem:$0x3FFB];
	_ =	sdelay $0x3  }
0x92: {  	_ =	strace s17  }
0x93: {  	s2 =	sld [smem:$0x3FFC];
	_ =	sdelay $0x3  }
0x94: {  	_ =	strace s2  }
0x95: {  	s2 =	sld [smem:$0x3FFD];
	_ =	sdelay $0x3  }
0x96: {  	_ =	strace s2  }
0x97: {  	_ =	strace $0x8FFFFFFF  }
0x98: {  	s18 =	sld [smem:$0x3FDB];
	_ =	sdelay $0x1  }
0x99: {  	s19 =	simm.s32 $_scs_section_size  }
0x9a: {  	s4 =	simm.s32 $_size__tile_overlayer_lowered;
	s5 =	simm.s32 $_tile_overlayer_lowered  }
0x9b: {  	s22 =	simm.s32 $0x1BFF;
	s21 =	sshll.u32 s5, $0x1;
	s2 =	sadd.s32 s19, s18  }
0x9c: {  	s6 =	simm.s32 $0x0;
	s20 =	sshll.u32 s4, $0x1;
	s4 =	sadd.s32 s21, s2  }
0x9d: {  	[timem:s6], [sflag:s22] =	dma.local [hbm:s4], s20  }
0x9e: {  	_ =	swait.ge [sflag:s22], s20  }
0x9f: {  	s3 =	ssub.s32 $0x0, s20;
	[sflag:s22] =	ssyncset.done $0x0  }
0xa0: {  	[sflag:s22] =	ssyncadd.s32 s3;
	_ =	sdelay $0x1  }
0xa1: {  	s23 =	simm.s32 $0x1B8B  }
0xa2: {  	_ =	swait.ge [sflag:s23], $0x1  }
0xa3: {  	[sflag:s23] =	ssyncset.done $0x0  }
0xa4: {  	s25 =	simm.s32 $0x1B8E;
	s24 =	sld [smem:$0x3FFE];
	[sflag:s23] =	ssyncadd.s32 $0xFFFFFFFF  }
0xa5: {  	s26 =	simm.s32 $execute0_lowered;
	[smem:$0x3FD2] =	sst s25  }
0xa6: {  	s4 =	sshll.u32 s26, $0x1;
	_ =	strace $0x80000046;
	[dreg:$0x1] =	wrdreg $0xFFFFFFFF  }
0xa7: {  	s28 =	simm.s32 $_size_execute0_lowered;
	s2 =	sadd.s32 s2, s4;
	[dreg:$0x0] =	wrdreg $0x0  }
0xa8: {  	s4 =	sshll.u32 s28, $0x1;
	[dreg:$0x2] =	wrdreg s2  }
0xa9: {  	[dreg:$0x3] =	wrdreg s4  }
0xaa: {  	[dreg:$0x4] =	wrdreg $0xC0  }
0xab: {  	_ =	task [dreg:s6], $0x5FFFF  }
0xac: {  	[dreg:$0x1] =	wrdreg $0xFFFFFFFF  }
0xad: {  	[dreg:$0x0] =	wrdreg $0x60  }
0xae: {  	[dreg:$0x2] =	wrdreg s24  }
0xaf: {  	[dreg:$0x3] =	wrdreg $0x41000  }
0xb0: {  	[dreg:$0x4] =	wrdreg $0x9  }
0xb1: {  	_ =	task.clear_ibuf [dreg:s6], $0x5FFFF;
	_ =	strace $0x90000046  }
0xb2: {  	s29 =	simm.s32 $0x9;
	_ =	strace $0x80000048  }
0xb3: {  	_ =	swait.ge [sflag:s29], $0x1  }
0xb4: {  	[sflag:s29] =	ssyncadd.s32 $0xFFFFFFFF  }
0xb5: {  	_ =	strace $0x90000048  }
0xb6: {  	_ =	sfence  }
0xb7: {  	s30 =	sld [smem:$0x0];
	_ =	sdelay $0x2  }
0xb8: {  	s31 =	sshll.u32 s1, $0xD;
	s1 =	sshrl.u32 s1, $0x2  }
0xb9: {  	s3 =	sand.u32 $0x4000, s31;
	s1 =	sadd.s32 s1, s30  }
0xba: {  	s0 =	sor.u32 s3, s0;
	s1 =	sshll.u32 s1, $0x11  }
0xbb: {  	s0 =	sor.u32 s1, s0  }
0xbc: {  	s0 =	sadd.s32 $0x8F2B, s0  }
0xbd: {  	[sflag:s0] =	ssyncadd.remote.s32 $0x1  }
0xbe: {  	_ =	sfence.sel $0xFFFF  }
0xbf: {  	[dreg:$0x0] =	wrdreg $0xFFFFFFFF;
	(pc) =	sbr.abs _section_cstart, $3  }
0xc0: {  	[dreg:$0x1] =	wrdreg $0xFFFFFFFF  }
0xc1: {  	_ =	task.clear_ibuf [dreg:s6], $0x2FFFF;
	_ =	strace $0x9FFFFFFF  }
0xc2: {  	(tm) =	ssettm $0x7FFFFFFF  }
0xc3: {  	_ =	shalt  }
tec
execute0_lowered:
.L_overlay_start_1:
0x0: {  	(tag) =	ssettag $0x1  }
0x1: {  	s6 =	rddreg [dreg:$0x0]  }
0x2: {  	s1 =	rddreg [dreg:$0x1]  }
0x3: {  	s0 =	rddreg [dreg:$0x2];
	s3 =	simm.s32 $0x0;
	s4 =	srdreg.scid  }
0x4: {  	s2 =	stileid.u32;
	s16 =	simm.s32 $0x1;
	s17 =	simm.s32 $0x2  }
0x5: {  	s18 =	simm.s32 $0x3;
	s19 =	simm.s32 $0x4;
	s20 =	smul.u32 $0x2780, s2  }
0x6: {  	[smem:$0x7FF] =	sst s3;
	s7 =	sand.u32 $0x1, s4;
	s13 =	smul.u32 $0x4F000, s2  }
0x7: {  	s4 =	sadd.s32 $0xE400, s6;
	s30 =	smul.u32 $0x500, s2;
	s31 =	sshll.u32 s2, $0x6  }
0x8: {  	_ =	strace $0x80000047;
	s5 =	sshll.u32 s7, $0x4;
	s8 =	smul.u32 $0x27800, s7  }
0x9: {  	s10 =	ssub.s32 $0x2, s7;
	s28 =	smul.u32 $0x5000, s7;
	s9 =	sor.u32 s2, s5  }
0xa: {  	s5 =	sadd.s32 $0x3FC00, s6;
	s11 =	sadd.s32 s20, s6;
	s12 =	sshrl.u32 s10, $0x1  }
0xb: {  	s29 =	sshrl.u32 s13, $0x2;
	s13 =	simm.s32 $0x5;
	s9 =	smul.u32 $0x500, s9  }
0xc: {  	s14 =	sadd.s32 s8, s6;
	s10 =	ssub.s32 s10, s12;
	s15 =	sadd.s32 s29, s1  }
0xd: {  	s8 =	sadd.s32 $0x18400, s11;
	s11 =	simm.s32 $0x80;
	s12 =	simm.s32 $0x100  }
0xe: {  	s21 =	sadd.s32 $0x40400, s14;
	s14 =	sor.u32 $0x1C05, s31;
	s15 =	sshrl.u32 s15, $0x3  }
0xf: {  	s6 =	sadd.s32 s4, s9;
	s9 =	smax.u32 s10, $0x1;
	s10 =	sadd.s32 s30, s28  }
0x10: {  	s20 =	sadd.s32 s20, s21;
	s21 =	simm.s32 $0x0;
	s7 =	sadd.s32 $0x10, s6  }
.LBB2_1:
0x11: {  	[tilespmem:s3], [sflag:$0x1] =	stream.linear.gather [hbm4b:s6+s3], $0x80, $0x38;
	[tilespmem:$0x17D00] =	vst v63  }
0x12: {  	_ = 	snop  }
0x13: {  	[tilespmem:s11], [sflag:$0x2] =	stream.linear.gather [hbm4b:s7+s3], $0x80, $0x38;
	[tilespmem:$0x17D00] =	vst v63  }
0x14: {  	_ = 	snop  }
0x15: {  	[tilespmem:s12], [sflag:$0x5] =	stream.linear.gather [hbm4b:s5+s3], $0x4000, $0x38;
	[tilespmem:$0x17D00] =	vst v63  }
0x16: {  	_ =	swait.ge [sflag:s13], $0x4000  }
0x17: {  	[sflag:s13] =	ssyncset.done $0x0  }
0x18: {  	[sflag:s13] =	ssyncadd.s32 $0xFFFFC000  }
0x19: {  	[spmem:s15], [sflag:s14] =	dma.local [hbm:s8], $0x2780  }
0x1a: {  	_ =	swait.ge [sflag:s13], $0x2780  }
0x1b: {  	[sflag:s13] =	ssyncset.done $0x0  }
0x1c: {  	[sflag:s13] =	ssyncadd.s32 $0xFFFFD880  }
0x1d: {  	[bflag:$0x0] =	sbarrier.arrive $0xFFFF  }
0x1e: {  	_ =	swait.ge [sflag:s16], $0x80  }
0x1f: {  	[sflag:s16] =	ssyncset.done $0x0  }
0x20: {  	[sflag:s16] =	ssyncadd.s32 $0xFFFFFF80  }
0x21: {  	[spmem:s1] =	stream.indirect.scatter.add.f32 [tilespmem:s12], [sflag:$0x3], $0x80, s3, s11, $0xb8;
	[tilespmem:$0x17D00] =	vst v63  }
0x22: {  	_ =	swait.ge [sflag:s17], $0x80  }
0x23: {  	[sflag:s17] =	ssyncset.done $0x0  }
0x24: {  	s22 =	sadd.s32 $0x30, s10;
	s23 =	simm.s32 $0x20;
	[sflag:s17] =	ssyncadd.s32 $0xFFFFFF80  }
0x25: {  	[spmem:s1] =	stream.indirect.scatter.add.f32 [tilespmem:s12], [sflag:$0x4], $0x80, s11, s11, $0xb8;
	[tilespmem:$0x17D00] =	vst v63  }
0x26: {  	s24 =	sadd.s32 $0xFFFFFFF0, s22;
	s23 =	sand.u32 $0x60, s23;
	_ =	swait.ge [sflag:s18], $0x4000  }
0x27: {  	s24 =	sand.u32 $0xFFFFF80, s24;
	s23 =	sadd.s32 s4, s23;
	[sflag:s18] =	ssyncset.done $0x0  }
0x28: {  	s25 =	simm.s32 $0x30;
	s23 =	sadd.s32 s24, s23;
	[sflag:s18] =	ssyncadd.s32 $0xFFFFC000  }
0x29: {  	[tilespmem:s3], [sflag:$0x1] =	stream.linear.gather [hbm4b:s23+s3], $0x80, $0x38;
	[tilespmem:$0x17D00] =	vst v63  }
0x2a: {  	s31 =	sand.u32 $0x70, s25;
	_ =	swait.ge [sflag:s19], $0x4000  }
0x2b: {  	s22 =	sand.u32 $0xFFFFF80, s22;
	s23 =	sadd.s32 s4, s31;
	[sflag:s19] =	ssyncset.done $0x0  }
0x2c: {  	s22 =	sadd.s32 s22, s23;
	[sflag:s19] =	ssyncadd.s32 $0xFFFFC000  }
0x2d: {  	[tilespmem:s11], [sflag:$0x2] =	stream.linear.gather [hbm4b:s22+s3], $0x80, $0x38;
	[tilespmem:$0x17D00] =	vst v63  }
0x2e: {  	_ =	swait.ge [sflag:s16], $0x80  }
0x2f: {  	[sflag:s16] =	ssyncset.done $0x0  }
0x30: {  	s22 =	simm.s32 $0x50;
	[sflag:s16] =	ssyncadd.s32 $0xFFFFFF80  }
.LBB2_2:
0x31: {  	[spmem:s1] =	stream.indirect.scatter.add.f32 [tilespmem:s12], [sflag:$0x3], $0x80, s3, s11, $0xb8;
	[tilespmem:$0x17D00] =	vst v63  }
0x32: {  	s23 =	smov.u32 s22  }
0x33: {  	p0 =	sne.s32 s22, $0x4F0;
	s22 =	sadd.s32 $0x20, s22;
	_ =	swait.ge [sflag:s17], $0x80  }
0x34: {  	[sflag:s17] =	ssyncset.done $0x0  }
0x35: {  	s24 =	sadd.s32 s23, s10;
	s25 =	sadd.s32 $0xFFFFFFF0, s23;
	[sflag:s17] =	ssyncadd.s32 $0xFFFFFF80  }
0x36: {  	[spmem:s1] =	stream.indirect.scatter.add.f32 [tilespmem:s12], [sflag:$0x4], $0x80, s11, s11, $0xb8;
	[tilespmem:$0x17D00] =	vst v63  }
0x37: {  	s26 =	sadd.s32 $0xFFFFFFF0, s24;
	s25 =	sand.u32 $0x60, s25;
	_ =	swait.ge [sflag:s18], $0x4000  }
0x38: {  	s26 =	sand.u32 $0xFFFFF80, s26;
	s25 =	sadd.s32 s4, s25;
	[sflag:s18] =	ssyncset.done $0x0  }
0x39: {  	s24 =	sand.u32 $0xFFFFF80, s24;
	s25 =	sadd.s32 s26, s25;
	[sflag:s18] =	ssyncadd.s32 $0xFFFFC000  }
0x3a: {  	[tilespmem:s3], [sflag:$0x1] =	stream.linear.gather [hbm4b:s25+s3], $0x80, $0x38;
	[tilespmem:$0x17D00] =	vst v63  }
0x3b: {  	s23 =	sand.u32 $0x70, s23;
	_ =	swait.ge [sflag:s19], $0x4000  }
0x3c: {  	s23 =	sadd.s32 s4, s23;
	[sflag:s19] =	ssyncset.done $0x0  }
.Ltmp0:
0x3d: {  	s23 =	sadd.s32 s24, s23;
	[sflag:s19] =	ssyncadd.s32 $0xFFFFC000;
	(pc) =	sbr.rel @p0 .LBB2_2-.Ltmp0, $4  }
0x3e: {  	[tilespmem:s11], [sflag:$0x2] =	stream.linear.gather [hbm4b:s23+s3], $0x80, $0x38;
	[tilespmem:$0x17D00] =	vst v63  }
0x3f: {  	_ =	swait.ge [sflag:s16], $0x80  }
0x40: {  	[sflag:s16] =	ssyncset.done $0x0  }
0x41: {  	[sflag:s16] =	ssyncadd.s32 $0xFFFFFF80  }
0x42: {  	[spmem:s1] =	stream.indirect.scatter.add.f32 [tilespmem:s12], [sflag:$0x3], $0x80, s3, s11, $0xb8;
	[tilespmem:$0x17D00] =	vst v63  }
0x43: {  	_ =	swait.ge [sflag:s17], $0x80  }
0x44: {  	[sflag:s17] =	ssyncset.done $0x0  }
0x45: {  	[sflag:s17] =	ssyncadd.s32 $0xFFFFFF80  }
0x46: {  	[spmem:s1] =	stream.indirect.scatter.add.f32 [tilespmem:s12], [sflag:$0x4], $0x80, s11, s11, $0xb8;
	[tilespmem:$0x17D00] =	vst v63  }
0x47: {  	_ =	swait.ge [sflag:s18], $0x4000  }
0x48: {  	[sflag:s18] =	ssyncset.done $0x0  }
0x49: {  	[sflag:s18] =	ssyncadd.s32 $0xFFFFC000  }
0x4a: {  	_ =	swait.ge [sflag:s19], $0x4000  }
0x4b: {  	s21 =	sadd.s32 $0x1, s21;
	[sflag:s19] =	ssyncset.done $0x0  }
0x4c: {  	p0 =	sne.s32 s21, s9;
	[sflag:s19] =	ssyncadd.s32 $0xFFFFC000  }
.Ltmp1:
0x4d: {  	[bflag:$0x0] =	sbarrier.arrive $0xFFFF;
	(pc) =	sbr.rel @p0 .LBB2_1-.Ltmp1, $4  }
0x4e: {  	[hbm:s20], [sflag:s14] =	dma.local [spmem:s15], $0x2780  }
0x4f: {  	_ =	swait.ge [sflag:s13], $0x2780  }
0x50: {  	[sflag:s13] =	ssyncset.done $0x0  }
0x51: {  	[sflag:s13] =	ssyncadd.s32 $0xFFFFD880  }
0x52: {  	_ =	sfence.sel $0x180000  }
0x53: {  	[bflag:$0x0] =	sbarrier.arrive $0xFFFF  }
0x54: {  	p0 =	sne.s32 s2, $0x0;
	_ =	strace $0x90000047  }
0x55: {  	s0 =	sadd.s32 @!p0 $0x100000, s0;
	[bflag:$0x2] =	sbarrier.arrive $0xFFFF  }
0x56: {  	[sflag:s0] =	ssyncadd.tile.s32 @!p0 $0x1;
	_ =	shalt  }
.Lfunc_end2:
_tile_overlayer_lowered:
.L_overlay_start_2:
0x57: {  	(tag) =	ssettag $0x2  }
0x58: {  	s0 =	rddreg [dreg:$0x0];
	s2 =	stileid.u32  }
0x59: {  	s1 =	rddreg [dreg:$0x1];
	p0 =	sne.s32 s2, $0x0  }
0x5a: {  	s3 =	rddreg [dreg:$0x2];
	[bflag:$0x3] =	sbarrier.arrive $0xFFFF;
	s2 =	simm.s32 @!p0 $0x1C05  }
0x5b: {  	[timem:s3], [sflag:s2] =	dma.local @!p0 [hbm:s0], s1  }
0x5c: {  	s0 =	simm.s32 @!p0 $0x5  }
0x5d: {  	_ =	swait.ge @!p0 [sflag:s0], s1  }
0x5e: {  	s1 =	ssub.s32 @!p0 $0x0, s1;
	[sflag:s0] =	ssyncset.done @!p0 $0x0  }
0x5f: {  	[sflag:s0] =	ssyncadd.s32 @!p0 s1  }
0x60: {  	[bflag:$0x3] =	sbarrier.arrive $0xFFFF  }
0x61: {  	_ =	shalt  }

// kernel: kernel.16.cloned.1.call-start
scs
__scs_entry_jumppad:
0x0: {  	(pc) =	sbr.rel $0x88, $3  }
0x1: {  	(tag) =	ssettag $0x0;
	lr =	simm.s32 $0x1  }
0x2: {  	[smem:$0x3F90] =	sst lr;
	_ =	strace $0xD0000000  }
0x3: {  	_ = 	snop  }
0x4: {  	_ = 	snop  }
0x5: {  	_ = 	snop  }
0x6: {  	_ = 	snop  }
0x7: {  	_ = 	snop  }
__scs_overlays_trampoline_lowered:
0x8: {  	[smem:$0x3F9F] =	sst s0  }
0x9: {  	[smem:$0x3FA0] =	sst s1  }
0xa: {  	[smem:$0x3FA1] =	sst s2  }
0xb: {  	[smem:$0x3FA2] =	sst s3  }
0xc: {  	[smem:$0x3FA3] =	sst s4  }
0xd: {  	[smem:$0x3FA4] =	sst s5  }
0xe: {  	[smem:$0x3FA5] =	sst s6  }
0xf: {  	[smem:$0x3FA6] =	sst s7  }
0x10: {  	[smem:$0x3FA7] =	sst s8  }
0x11: {  	[smem:$0x3FA8] =	sst s9;
	s0 =	simm.s32 @!p0 $0x0  }
0x12: {  	s1 =	sld [smem:$0x3F8E];
	s0 =	simm.s32 @p0 $0x1  }
0x13: {  	[smem:$0x3FA9] =	sst s0;
	s0 =	simm.s32 @!p1 $0x0  }
0x14: {  	s2 =	sld [smem:$0x3F8D];
	s0 =	simm.s32 @p1 $0x1  }
0x15: {  	[smem:$0x3FAA] =	sst s0;
	s0 =	simm.s32 @!p2 $0x0  }
0x16: {  	s3 =	sld [smem:$0x3FDB];
	s0 =	simm.s32 @p2 $0x1  }
0x17: {  	s4 =	simm.s32 $0x1BF5;
	[smem:$0x3FAC] =	sst s0  }
0x18: {  	s0 =	sld [smem:$0x3F8F];
	_ =	swait.ge [sflag:s4], $0x0  }
0x19: {  	s7 =	sld [smem:$0x3F90]  }
0x1a: {  	s8 =	sadd.s32 $0xFFFFE003, lr  }
0x1b: {  	s9 =	sadd.s32 $0xFFFFFEF7, lr;
	s5 =	simm.s32 $0xFFFFFFFF;
	p2 =	slt.u32 s8, $0xFFFFF086  }
0x1c: {  	p1 =	slt.u32 s9, $0xF7A;
	s5 =	simm.s32 @!p2 $0x0  }
0x1d: {  	s5 =	simm.s32 @p1 $0x1;
	p0 =	seq.s32 s7, s2  }
0x1e: {  	s7 =	smul.u32 @!p0 $0xF7A, s2;
	p2 =	seq.s32 @!p0 s5, $0x0  }
0x1f: {  	s9 =	smul.u32 $0xF7A, s1;
	s8 =	simm.s32 @!p0 $0x1BF5;
	p2 =	por !p2, p0  }
0x20: {  	[sflag:s8] =	ssyncset.s32 @!p0 $0xFFFFF086;
	s6 =	sadd.s32 @!p0 s3, s7;
	s7 =	simm.s32 @!p0 $0x108  }
0x21: {  	s3 =	sadd.s32 s3, s9;
	s6 =	sadd.s32 @!p0 $0x88, s6;
	s7 =	simm.s32 @p2 $0x1082  }
0x22: {  	[simem:s7], [sflag:s8] =	dma.local @!p0 [hbm:s6], $0xF7A  }
0x23: {  	s9 =	sor.u32 $0xD0000000, s2;
	s6 =	simm.s32 $0x108;
	_ =	swait.ge @!p0 [sflag:s8], $0x0  }
0x24: {  	s3 =	sadd.s32 $0x88, s3;
	s6 =	simm.s32 @!p1 $0x1082;
	[sflag:s4] =	ssyncset.s32 $0xFFFFF086  }
0x25: {  	[simem:s6], [sflag:s4] =	dma.local [hbm:s3], $0xF7A  }
0x26: {  	[smem:$0x3F90] =	sst s1;
	(tag) =	ssettag s2;
	_ =	strace s9  }
0x27: {  	s1 =	sld [smem:$0x3FA0]  }
0x28: {  	s2 =	sld [smem:$0x3FA1]  }
0x29: {  	s4 =	sld [smem:$0x3FA3]  }
0x2a: {  	p0 =	seq.s32 s5, $0x0;
	s5 =	sld [smem:$0x3FA4]  }
0x2b: {  	s6 =	sld [smem:$0x3FA5]  }
0x2c: {  	s7 =	sld [smem:$0x3FA6]  }
0x2d: {  	s3 =	simm.s32 $0x108;
	s8 =	sld [smem:$0x3FA7]  }
0x2e: {  	s3 =	simm.s32 @!p0 $0x1082;
	s9 =	sld [smem:$0x3FA8]  }
0x2f: {  	lr =	sadd.s32 s0, s3;
	s0 =	sld [smem:$0x3F9F]  }
0x30: {  	s3 =	sld [smem:$0x3FA2]  }
0x31: {  	[smem:$0x3FAB] =	sst s10  }
0x32: {  	s10 =	sld [smem:$0x3FA9];
	_ =	sdelay $0x3  }
0x33: {  	p0 =	seq.s32 s10, $0x1;
	s10 =	sld [smem:$0x3FAB];
	_ =	sdelay $0x3  }
0x34: {  	[smem:$0x3FAB] =	sst s10  }
0x35: {  	s10 =	sld [smem:$0x3FAA];
	_ =	sdelay $0x3  }
0x36: {  	p1 =	seq.s32 s10, $0x1;
	s10 =	sld [smem:$0x3FAB];
	_ =	sdelay $0x3  }
0x37: {  	[smem:$0x3FAB] =	sst s10  }
0x38: {  	s10 =	sld [smem:$0x3FAC]  }
0x39: {  	_ = 	snop;
	(pc) =	sbr.ind lr, $3  }
0x3a: {  	_ = 	snop  }
0x3b: {  	_ = 	snop  }
0x3c: {  	p2 =	seq.s32 s10, $0x1;
	s10 =	sld [smem:$0x3FAB]  }
0x3d: {  	_ =	shalt  }
0x3e: {  	_ =	shalt  }
0x3f: {  	_ =	shalt  }
0x40: {  	_ =	shalt  }
0x41: {  	_ =	shalt  }
0x42: {  	_ =	shalt  }
0x43: {  	_ =	shalt  }
0x44: {  	_ =	shalt  }
0x45: {  	_ =	shalt  }
0x46: {  	_ =	shalt  }
0x47: {  	_ =	shalt  }
0x48: {  	_ =	shalt  }
0x49: {  	_ =	shalt  }
0x4a: {  	_ =	shalt  }
0x4b: {  	_ =	shalt  }
0x4c: {  	_ =	shalt  }
0x4d: {  	_ =	shalt  }
0x4e: {  	_ =	shalt  }
0x4f: {  	_ =	shalt  }
0x50: {  	_ =	shalt  }
0x51: {  	_ =	shalt  }
0x52: {  	_ =	shalt  }
0x53: {  	_ =	shalt  }
0x54: {  	_ =	shalt  }
0x55: {  	_ =	shalt  }
0x56: {  	_ =	shalt  }
0x57: {  	_ =	shalt  }
0x58: {  	_ =	shalt  }
0x59: {  	_ =	shalt  }
0x5a: {  	_ =	shalt  }
0x5b: {  	_ =	shalt  }
0x5c: {  	_ =	shalt  }
0x5d: {  	_ =	shalt  }
0x5e: {  	_ =	shalt  }
0x5f: {  	_ =	shalt  }
0x60: {  	_ =	shalt  }
0x61: {  	_ =	shalt  }
0x62: {  	_ =	shalt  }
0x63: {  	_ =	shalt  }
0x64: {  	_ =	shalt  }
0x65: {  	_ =	shalt  }
0x66: {  	_ =	shalt  }
0x67: {  	_ =	shalt  }
0x68: {  	_ =	shalt  }
0x69: {  	_ =	shalt  }
0x6a: {  	_ =	shalt  }
0x6b: {  	_ =	shalt  }
0x6c: {  	_ =	shalt  }
0x6d: {  	_ =	shalt  }
0x6e: {  	_ =	shalt  }
0x6f: {  	_ =	shalt  }
0x70: {  	_ =	shalt  }
0x71: {  	_ =	shalt  }
0x72: {  	_ =	shalt  }
0x73: {  	_ =	shalt  }
0x74: {  	_ =	shalt  }
0x75: {  	_ =	shalt  }
0x76: {  	_ =	shalt  }
0x77: {  	_ =	shalt  }
0x78: {  	_ =	shalt  }
0x79: {  	_ =	shalt  }
0x7a: {  	_ =	shalt  }
0x7b: {  	_ =	shalt  }
0x7c: {  	_ =	shalt  }
0x7d: {  	_ =	shalt  }
0x7e: {  	_ =	shalt  }
0x7f: {  	_ =	shalt  }
0x80: {  	_ =	shalt  }
0x81: {  	_ =	shalt  }
0x82: {  	_ =	shalt  }
0x83: {  	_ =	shalt  }
0x84: {  	_ =	shalt  }
0x85: {  	_ =	shalt  }
0x86: {  	_ =	shalt  }
0x87: {  	_ =	shalt  }
.Lfunc_end0:
.L_simem_size_0:
called_computation.1_lowered:
.L_overlay_start_0:
0x88: {  	s2 =	sld [smem:$0x3FD9]  }
0x89: {  	s3 =	sld [smem:$0x3FFE];
	_ =	sdelay $0x1  }
0x8a: {  	s1 =	srdreg.scid  }
0x8b: {  	s0 =	sand.u32 $0x1, s1  }
0x8c: {  	s16 =	sshll.u32 s0, $0xA;
	s2 =	sadd.s32 s3, s2  }
0x8d: {  	s2 =	sadd.s32 s2, s16  }
0x8e: {  	[smem:$0x3FB7] =	sst s2  }
0x8f: {  	_ = 	snop  }
0x90: {  	(tm) =	ssettm $0x1  }
0x91: {  	s17 =	sld [smem:$0x3FFB];
	_ =	sdelay $0x3  }
0x92: {  	_ =	strace s17  }
0x93: {  	s2 =	sld [smem:$0x3FFC];
	_ =	sdelay $0x3  }
0x94: {  	_ =	strace s2  }
0x95: {  	s2 =	sld [smem:$0x3FFD];
	_ =	sdelay $0x3  }
0x96: {  	_ =	strace s2  }
0x97: {  	_ =	strace $0x8FFFFFFF  }
0x98: {  	s18 =	sld [smem:$0x3FDB];
	_ =	sdelay $0x1  }
0x99: {  	s19 =	simm.s32 $_scs_section_size  }
0x9a: {  	s4 =	simm.s32 $_size__tile_overlayer_lowered;
	s5 =	simm.s32 $_tile_overlayer_lowered  }
0x9b: {  	s22 =	simm.s32 $0x1BFF;
	s21 =	sshll.u32 s5, $0x1;
	s2 =	sadd.s32 s19, s18  }
0x9c: {  	s6 =	simm.s32 $0x0;
	s20 =	sshll.u32 s4, $0x1;
	s4 =	sadd.s32 s21, s2  }
0x9d: {  	[timem:s6], [sflag:s22] =	dma.local [hbm:s4], s20  }
0x9e: {  	_ =	swait.ge [sflag:s22], s20  }
0x9f: {  	s3 =	ssub.s32 $0x0, s20;
	[sflag:s22] =	ssyncset.done $0x0  }
0xa0: {  	[sflag:s22] =	ssyncadd.s32 s3;
	_ =	sdelay $0x1  }
0xa1: {  	s23 =	simm.s32 $0x1B8B  }
0xa2: {  	_ =	swait.ge [sflag:s23], $0x1  }
0xa3: {  	[sflag:s23] =	ssyncset.done $0x0  }
0xa4: {  	s25 =	simm.s32 $0x1B8E;
	s24 =	sld [smem:$0x3FFE];
	[sflag:s23] =	ssyncadd.s32 $0xFFFFFFFF  }
0xa5: {  	s26 =	simm.s32 $execute0_lowered;
	[smem:$0x3FD2] =	sst s25  }
0xa6: {  	s4 =	sshll.u32 s26, $0x1;
	_ =	strace $0x80000049;
	[dreg:$0x1] =	wrdreg $0xFFFFFFFF  }
0xa7: {  	s28 =	simm.s32 $_size_execute0_lowered;
	s2 =	sadd.s32 s2, s4;
	[dreg:$0x0] =	wrdreg $0x0  }
0xa8: {  	s4 =	sshll.u32 s28, $0x1;
	[dreg:$0x2] =	wrdreg s2  }
0xa9: {  	[dreg:$0x3] =	wrdreg s4  }
0xaa: {  	[dreg:$0x4] =	wrdreg $0xC0  }
0xab: {  	_ =	task [dreg:s6], $0x5FFFF  }
0xac: {  	[dreg:$0x1] =	wrdreg $0xFFFFFFFF  }
0xad: {  	[dreg:$0x0] =	wrdreg $0x60  }
0xae: {  	[dreg:$0x2] =	wrdreg s24  }
0xaf: {  	[dreg:$0x3] =	wrdreg $0x84000  }
0xb0: {  	[dreg:$0x4] =	wrdreg $0x9  }
0xb1: {  	_ =	task.clear_ibuf [dreg:s6], $0x5FFFF;
	_ =	strace $0x90000049  }
0xb2: {  	s29 =	simm.s32 $0x9;
	_ =	strace $0x8000004B  }
0xb3: {  	_ =	swait.ge [sflag:s29], $0x1  }
0xb4: {  	[sflag:s29] =	ssyncadd.s32 $0xFFFFFFFF  }
0xb5: {  	_ =	strace $0x9000004B  }
0xb6: {  	_ =	sfence  }
0xb7: {  	s30 =	sld [smem:$0x0];
	_ =	sdelay $0x2  }
0xb8: {  	s31 =	sshll.u32 s1, $0xD;
	s1 =	sshrl.u32 s1, $0x2  }
0xb9: {  	s3 =	sand.u32 $0x4000, s31;
	s1 =	sadd.s32 s1, s30  }
0xba: {  	s0 =	sor.u32 s3, s0;
	s1 =	sshll.u32 s1, $0x11  }
0xbb: {  	s0 =	sor.u32 s1, s0  }
0xbc: {  	s0 =	sadd.s32 $0x8F2B, s0  }
0xbd: {  	[sflag:s0] =	ssyncadd.remote.s32 $0x1  }
0xbe: {  	_ =	sfence.sel $0xFFFF  }
0xbf: {  	[dreg:$0x0] =	wrdreg $0xFFFFFFFF;
	(pc) =	sbr.abs _section_cstart, $3  }
0xc0: {  	[dreg:$0x1] =	wrdreg $0xFFFFFFFF  }
0xc1: {  	_ =	task.clear_ibuf [dreg:s6], $0x2FFFF;
	_ =	strace $0x9FFFFFFF  }
0xc2: {  	(tm) =	ssettm $0x7FFFFFFF  }
0xc3: {  	_ =	shalt  }
tec
execute0_lowered:
.L_overlay_start_1:
0x0: {  	(tag) =	ssettag $0x1  }
0x1: {  	s5 =	rddreg [dreg:$0x0];
	s0 =	stileid.u32  }
0x2: {  	s1 =	srdreg.scid;
	s2 =	rddreg [dreg:$0x1]  }
0x3: {  	s14 =	simm.s32 $0x80;
	s17 =	simm.s32 $0x280;
	s3 =	smul.u32 $0xC, s0  }
0x4: {  	s15 =	simm.s32 $0x400;
	s16 =	simm.s32 $0x3;
	s4 =	smul.u32 $0x94, s0  }
0x5: {  	s18 =	simm.s32 $0x6;
	s21 =	simm.s32 $0x380;
	s19 =	smul.u32 $0x2780, s0  }
0x6: {  	s6 =	sand.u32 $0x1, s1;
	s1 =	rddreg [dreg:$0x2];
	s11 =	smul.u32 $0x4F000, s0  }
0x7: {  	s30 =	sshll.u32 s0, $0x6;
	p0 =	seq.s32 s6, $0x0;
	s8 =	smul.u32 $0x27800, s6  }
0x8: {  	s6 =	ssub.s32 $0x2, s6;
	s7 =	sadd.s32 $0x940, s3;
	s3 =	simm.s32 $0x0  }
0x9: {  	s9 =	sadd.s32 s19, s5;
	s28 =	sshrl.u32 s6, $0x1;
	s29 =	sshrl.u32 s11, $0x2  }
0xa: {  	s11 =	simm.s32 $0x200;
	s7 =	smov.u32 @p0 s4;
	[smem:$0x7FF] =	sst s3  }
0xb: {  	s4 =	sadd.s32 $0x3FC00, s5;
	s10 =	sadd.s32 s8, s5;
	s12 =	ssub.s32 s6, s28  }
0xc: {  	s13 =	sadd.s32 s29, s2;
	s8 =	sadd.s32 $0x18400, s9;
	s9 =	sor.u32 $0x1C07, s30  }
0xd: {  	s7 =	sshll.u32 s7, $0x4;
	_ =	strace $0x8000004A;
	s20 =	sadd.s32 $0x67400, s10  }
0xe: {  	s10 =	smax.u32 s12, $0x1;
	s12 =	sshrl.u32 s13, $0x3;
	s13 =	simm.s32 $0x7  }
0xf: {  	[dreg:$0x3] =	wrdreg s17;
	s7 =	sadd.s32 s7, s5;
	s5 =	simm.s32 $0x4A  }
0x10: {  	s17 =	simm.s32 $0x4400;
	[dreg:$0x4] =	wrdreg s21;
	s5 =	simm.s32 @!p0 $0x6  }
0x11: {  	s19 =	sadd.s32 s19, s20;
	s20 =	simm.s32 $0x0;
	s31 =	sshll.u32 s5, $0x5  }
0x12: {  	s6 =	sadd.s32 $0x4400, s7;
	s7 =	sadd.s32 $0xE400, s7;
	[dreg:$0x5] =	wrdreg s31  }
.LBB2_1:
0x13: {  	[tilespmem:s3], [sflag:$0x1] =	stream.linear.gather [hbm4b:s6+s3], $0x100, $0x38;
	[tilespmem:$0x1C000] =	vst v63  }
0x14: {  	_ = 	snop  }
0x15: {  	[tilespmem:s11], [sflag:$0x1] =	stream.linear.gather [hbm4b:s7+s3], $0x100, $0x38;
	[tilespmem:$0x1C000] =	vst v63  }
0x16: {  	[spmem:s12], [sflag:s9] =	dma.local [hbm:s8], $0x2780  }
0x17: {  	_ =	swait.ge [sflag:s13], $0x2780  }
0x18: {  	[sflag:s13] =	ssyncset.done $0x0  }
0x19: {  	[sflag:s13] =	ssyncadd.s32 $0xFFFFD880  }
0x1a: {  	s21 =	simm.s32 $0x1;
	[bflag:$0x0] =	sbarrier.arrive $0xFFFF  }
0x1b: {  	_ =	swait.ge [sflag:s21], $0x100  }
0x1c: {  	[sflag:s21] =	ssyncset.done $0x0  }
0x1d: {  	[sflag:s21] =	ssyncadd.s32 $0xFFFFFF00  }
0x1e: {  	_ =	swait.ge [sflag:s21], $0x100  }
0x1f: {  	[sflag:s21] =	ssyncset.done $0x0  }
0x20: {  	s22 =	simm.s32 $0x0;
	[sflag:s21] =	ssyncadd.s32 $0xFFFFFF00  }
0x21: {  	[tilespmem:s15], [sflag:$0x3] =	stream.indirect.gather [hbm4b:s4+s14], $0x80, s3, s14, $0xb8;
	[tilespmem:$0x1C000] =	vst v63  }
.LBB2_2:
0x22: {  	_ =	swait.ge [sflag:s16], $0x4000  }
0x23: {  	p1 =	seq.s32 s22, $0x0;
	[sflag:s16] =	ssyncset.done $0x0  }
0x24: {  	s23 =	simm.s32 @!p1 $0x6;
	[sflag:s16] =	ssyncadd.s32 $0xFFFFC000  }
0x25: {  	_ =	swait.ge @!p1 [sflag:s23], $0x4000  }
0x26: {  	p0 =	sge.u32 s21, s5;
	[sflag:s23] =	ssyncset.done @!p1 $0x0  }
0x27: {  	s24 =	simm.s32 @p0 $0x4400;
	[sflag:s23] =	ssyncadd.s32 @!p1 $0xFFFFC000;
	s23 =	simm.s32 @p0 $0x80  }
0x28: {  	[tilespmem:s24], [sflag:$0x4] =	stream.indirect.gather @p0 [hbm4b:s4+s23], $0x80, s23, s23, $0xb8;
	[tilespmem:$0x1C000] =	vst v63  }
0x29: {  	s25 =	simm.s32 @p0 $0x400;
	s24 =	simm.s32 @p0 $0x200  }
0x2a: {  	[spmem:s2] =	stream.indirect.scatter.add.f32 @p0 [tilespmem:s25], [sflag:$0x5], $0x80, s24, s23, $0xb8;
	[tilespmem:$0x1C000] =	vst v63  }
0x2b: {  	s23 =	simm.s32 @p0 $0x4  }
0x2c: {  	_ =	swait.ge @p0 [sflag:s23], $0x4000  }
0x2d: {  	[sflag:s23] =	ssyncset.done @p0 $0x0  }
0x2e: {  	[sflag:s23] =	ssyncadd.s32 @p0 $0xFFFFC000;
	s23 =	simm.s32 @p0 $0x5  }
0x2f: {  	_ =	swait.ge @p0 [sflag:s23], $0x4000  }
0x30: {  	[sflag:s23] =	ssyncset.done @p0 $0x0  }
0x31: {  	[sflag:s23] =	ssyncadd.s32 @p0 $0xFFFFC000;
	s23 =	sadd.s32 @!p0 s22, s6  }
0x32: {  	s24 =	simm.s32 @!p0 $0x0;
	s25 =	simm.s32 @!p0 $0x100;
	s23 =	sadd.s32 @!p0 $0x20, s23  }
0x33: {  	[tilespmem:s25], [sflag:$0x2] =	stream.linear.gather @!p0 [hbm4b:s23+s24], $0x100, $0x38;
	[tilespmem:$0x1C000] =	vst v63  }
0x34: {  	s23 =	sadd.s32 @!p0 s22, s7  }
0x35: {  	s26 =	simm.s32 @!p0 $0x300;
	s23 =	sadd.s32 @!p0 $0x20, s23  }
0x36: {  	[tilespmem:s26], [sflag:$0x2] =	stream.linear.gather @!p0 [hbm4b:s23+s24], $0x100, $0x38;
	[tilespmem:$0x1C000] =	vst v63  }
0x37: {  	s23 =	simm.s32 @!p0 $0x80;
	s24 =	simm.s32 @!p0 $0x4400  }
0x38: {  	[tilespmem:s24], [sflag:$0x4] =	stream.indirect.gather @!p0 [hbm4b:s4+s23], $0x80, s23, s23, $0xb8;
	[tilespmem:$0x1C000] =	vst v63  }
0x39: {  	s26 =	simm.s32 @!p0 $0x400;
	s24 =	simm.s32 @!p0 $0x200  }
0x3a: {  	[spmem:s2] =	stream.indirect.scatter.add.f32 @!p0 [tilespmem:s26], [sflag:$0x5], $0x80, s24, s23, $0xb8;
	[tilespmem:$0x1C000] =	vst v63  }
0x3b: {  	s24 =	simm.s32 @!p0 $0x4  }
0x3c: {  	_ =	swait.ge @!p0 [sflag:s24], $0x4000  }
0x3d: {  	[sflag:s24] =	ssyncset.done @!p0 $0x0  }
0x3e: {  	[sflag:s24] =	ssyncadd.s32 @!p0 $0xFFFFC000;
	s24 =	simm.s32 @!p0 $0x5  }
0x3f: {  	_ =	swait.ge @!p0 [sflag:s24], $0x4000  }
0x40: {  	[sflag:s24] =	ssyncset.done @!p0 $0x0  }
0x41: {  	[sflag:s24] =	ssyncadd.s32 @!p0 $0xFFFFC000;
	s24 =	simm.s32 @!p0 $0x2  }
0x42: {  	_ =	swait.ge @!p0 [sflag:s24], $0x100  }
0x43: {  	[sflag:s24] =	ssyncset.done @!p0 $0x0  }
0x44: {  	[sflag:s24] =	ssyncadd.s32 @!p0 $0xFFFFFF00  }
0x45: {  	_ =	swait.ge @!p0 [sflag:s24], $0x100  }
0x46: {  	[sflag:s24] =	ssyncset.done @!p0 $0x0  }
0x47: {  	[sflag:s24] =	ssyncadd.s32 @!p0 $0xFFFFFF00  }
0x48: {  	[tilespmem:s26], [sflag:$0x3] =	stream.indirect.gather @!p0 [hbm4b:s4+s23], $0x80, s25, s23, $0xb8;
	[tilespmem:$0x1C000] =	vst v63  }
0x49: {  	s28 =	rddreg [dreg:$0x3]  }
0x4a: {  	[spmem:s2] =	stream.indirect.scatter.add.f32 [tilespmem:s17], [sflag:$0x6], $0x80, s28, s14, $0xb8;
	[tilespmem:$0x1C000] =	vst v63  }
0x4b: {  	_ =	swait.ge [sflag:s16], $0x4000  }
0x4c: {  	[sflag:s16] =	ssyncset.done $0x0  }
0x4d: {  	s29 =	sadd.s32 $0x1, s21;
	[sflag:s16] =	ssyncadd.s32 $0xFFFFC000  }
0x4e: {  	p0 =	sge.u32 s29, s5;
	_ =	swait.ge [sflag:s18], $0x4000  }
0x4f: {  	s23 =	simm.s32 @p0 $0x80;
	[sflag:s18] =	ssyncset.done $0x0  }
0x50: {  	s24 =	simm.s32 @p0 $0x180;
	s25 =	simm.s32 @p0 $0x4400;
	[sflag:s18] =	ssyncadd.s32 $0xFFFFC000  }
0x51: {  	[tilespmem:s25], [sflag:$0x4] =	stream.indirect.gather @p0 [hbm4b:s4+s23], $0x80, s24, s23, $0xb8;
	[tilespmem:$0x1C000] =	vst v63  }
0x52: {  	s24 =	simm.s32 @p0 $0x300;
	s25 =	simm.s32 @p0 $0x400  }
0x53: {  	[spmem:s2] =	stream.indirect.scatter.add.f32 @p0 [tilespmem:s25], [sflag:$0x5], $0x80, s24, s23, $0xb8;
	[tilespmem:$0x1C000] =	vst v63  }
0x54: {  	s23 =	simm.s32 @p0 $0x4  }
0x55: {  	_ =	swait.ge @p0 [sflag:s23], $0x4000  }
0x56: {  	[sflag:s23] =	ssyncset.done @p0 $0x0  }
0x57: {  	[sflag:s23] =	ssyncadd.s32 @p0 $0xFFFFC000;
	s23 =	simm.s32 @p0 $0x5  }
0x58: {  	_ =	swait.ge @p0 [sflag:s23], $0x4000  }
0x59: {  	s24 =	sadd.s32 @!p0 s22, s6;
	[sflag:s23] =	ssyncset.done @p0 $0x0  }
0x5a: {  	[sflag:s23] =	ssyncadd.s32 @p0 $0xFFFFC000;
	s23 =	sadd.s32 @!p0 $0x40, s24;
	s24 =	simm.s32 @!p0 $0x0  }
0x5b: {  	[tilespmem:s24], [sflag:$0x1] =	stream.linear.gather @!p0 [hbm4b:s23+s24], $0x100, $0x38;
	[tilespmem:$0x1C000] =	vst v63  }
0x5c: {  	s23 =	sadd.s32 @!p0 s22, s7  }
0x5d: {  	s25 =	simm.s32 @!p0 $0x200;
	s23 =	sadd.s32 @!p0 $0x40, s23  }
0x5e: {  	[tilespmem:s25], [sflag:$0x1] =	stream.linear.gather @!p0 [hbm4b:s23+s24], $0x100, $0x38;
	[tilespmem:$0x1C000] =	vst v63  }
0x5f: {  	s26 =	simm.s32 @!p0 $0x4400;
	s23 =	simm.s32 @!p0 $0x80;
	s25 =	simm.s32 @!p0 $0x180  }
0x60: {  	[tilespmem:s26], [sflag:$0x4] =	stream.indirect.gather @!p0 [hbm4b:s4+s23], $0x80, s25, s23, $0xb8;
	[tilespmem:$0x1C000] =	vst v63  }
0x61: {  	s25 =	simm.s32 @!p0 $0x300;
	s26 =	simm.s32 @!p0 $0x400  }
0x62: {  	[spmem:s2] =	stream.indirect.scatter.add.f32 @!p0 [tilespmem:s26], [sflag:$0x5], $0x80, s25, s23, $0xb8;
	[tilespmem:$0x1C000] =	vst v63  }
0x63: {  	s25 =	simm.s32 @!p0 $0x4  }
0x64: {  	_ =	swait.ge @!p0 [sflag:s25], $0x4000  }
0x65: {  	[sflag:s25] =	ssyncset.done @!p0 $0x0  }
0x66: {  	[sflag:s25] =	ssyncadd.s32 @!p0 $0xFFFFC000;
	s25 =	simm.s32 @!p0 $0x5  }
0x67: {  	_ =	swait.ge @!p0 [sflag:s25], $0x4000  }
0x68: {  	[sflag:s25] =	ssyncset.done @!p0 $0x0  }
0x69: {  	[sflag:s25] =	ssyncadd.s32 @!p0 $0xFFFFC000;
	s25 =	simm.s32 @!p0 $0x1  }
0x6a: {  	_ =	swait.ge @!p0 [sflag:s25], $0x100  }
0x6b: {  	[sflag:s25] =	ssyncset.done @!p0 $0x0  }
0x6c: {  	[sflag:s25] =	ssyncadd.s32 @!p0 $0xFFFFFF00  }
0x6d: {  	_ =	swait.ge @!p0 [sflag:s25], $0x100  }
0x6e: {  	[sflag:s25] =	ssyncset.done @!p0 $0x0  }
0x6f: {  	s22 =	sadd.s32 $0x40, s22;
	s31 =	rddreg [dreg:$0x5];
	[sflag:s25] =	ssyncadd.s32 @!p0 $0xFFFFFF00  }
0x70: {  	[tilespmem:s26], [sflag:$0x3] =	stream.indirect.gather @!p0 [hbm4b:s4+s23], $0x80, s24, s23, $0xb8;
	[tilespmem:$0x1C000] =	vst v63  }
0x71: {  	p0 =	sne.s32 s31, s22  }
.Ltmp0:
0x72: {  	_ = 	snop;
	(pc) =	sbr.rel @p0 .LBB2_2-.Ltmp0, $3  }
0x73: {  	_ =	sdelay $0x1  }
0x74: {  	s21 =	sadd.s32 $0x2, s21;
	s30 =	rddreg [dreg:$0x4]  }
0x75: {  	[spmem:s2] =	stream.indirect.scatter.add.f32 [tilespmem:s17], [sflag:$0x6], $0x80, s30, s14, $0xb8;
	[tilespmem:$0x1C000] =	vst v63  }
0x76: {  	_ =	swait.ge [sflag:s18], $0x4000  }
0x77: {  	s20 =	sadd.s32 $0x1, s20;
	[sflag:s18] =	ssyncset.done $0x0  }
0x78: {  	p0 =	sne.s32 s20, s10;
	[sflag:s18] =	ssyncadd.s32 $0xFFFFC000  }
.Ltmp1:
0x79: {  	[bflag:$0x0] =	sbarrier.arrive $0xFFFF;
	(pc) =	sbr.rel @p0 .LBB2_1-.Ltmp1, $4  }
0x7a: {  	[hbm:s19], [sflag:s9] =	dma.local [spmem:s12], $0x2780  }
0x7b: {  	_ =	swait.ge [sflag:s13], $0x2780  }
0x7c: {  	[sflag:s13] =	ssyncset.done $0x0  }
0x7d: {  	[sflag:s13] =	ssyncadd.s32 $0xFFFFD880  }
0x7e: {  	_ =	sfence.sel $0x180000  }
0x7f: {  	[bflag:$0x0] =	sbarrier.arrive $0xFFFF  }
0x80: {  	p0 =	sne.s32 s0, $0x0;
	_ =	strace $0x9000004A  }
0x81: {  	s0 =	sadd.s32 @!p0 $0x100000, s1;
	[bflag:$0x2] =	sbarrier.arrive $0xFFFF  }
0x82: {  	[sflag:s0] =	ssyncadd.tile.s32 @!p0 $0x1;
	_ =	shalt  }
.Lfunc_end2:
_tile_overlayer_lowered:
.L_overlay_start_2:
0x83: {  	(tag) =	ssettag $0x2  }
0x84: {  	s0 =	rddreg [dreg:$0x0];
	s2 =	stileid.u32  }
0x85: {  	s1 =	rddreg [dreg:$0x1];
	p0 =	sne.s32 s2, $0x0  }
0x86: {  	s3 =	rddreg [dreg:$0x2];
	[bflag:$0x3] =	sbarrier.arrive $0xFFFF;
	s2 =	simm.s32 @!p0 $0x1C07  }
0x87: {  	[timem:s3], [sflag:s2] =	dma.local @!p0 [hbm:s0], s1  }
0x88: {  	s0 =	simm.s32 @!p0 $0x7  }
0x89: {  	_ =	swait.ge @!p0 [sflag:s0], s1  }
0x8a: {  	s1 =	ssub.s32 @!p0 $0x0, s1;
	[sflag:s0] =	ssyncset.done @!p0 $0x0  }
0x8b: {  	[sflag:s0] =	ssyncadd.s32 @!p0 s1  }
0x8c: {  	[bflag:$0x3] =	sbarrier.arrive $0xFFFF  }
0x8d: {  	_ =	shalt  }

// kernel: kernel.19.cloned.1.call-start
scs
__scs_entry_jumppad:
0x0: {  	(pc) =	sbr.rel $0x88, $3  }
0x1: {  	(tag) =	ssettag $0x0;
	lr =	simm.s32 $0x1  }
0x2: {  	[smem:$0x3F90] =	sst lr;
	_ =	strace $0xD0000000  }
0x3: {  	_ = 	snop  }
0x4: {  	_ = 	snop  }
0x5: {  	_ = 	snop  }
0x6: {  	_ = 	snop  }
0x7: {  	_ = 	snop  }
__scs_overlays_trampoline_lowered:
0x8: {  	[smem:$0x3F9F] =	sst s0  }
0x9: {  	[smem:$0x3FA0] =	sst s1  }
0xa: {  	[smem:$0x3FA1] =	sst s2  }
0xb: {  	[smem:$0x3FA2] =	sst s3  }
0xc: {  	[smem:$0x3FA3] =	sst s4  }
0xd: {  	[smem:$0x3FA4] =	sst s5  }
0xe: {  	[smem:$0x3FA5] =	sst s6  }
0xf: {  	[smem:$0x3FA6] =	sst s7  }
0x10: {  	[smem:$0x3FA7] =	sst s8  }
0x11: {  	[smem:$0x3FA8] =	sst s9;
	s0 =	simm.s32 @!p0 $0x0  }
0x12: {  	s1 =	sld [smem:$0x3F8E];
	s0 =	simm.s32 @p0 $0x1  }
0x13: {  	[smem:$0x3FA9] =	sst s0;
	s0 =	simm.s32 @!p1 $0x0  }
0x14: {  	s2 =	sld [smem:$0x3F8D];
	s0 =	simm.s32 @p1 $0x1  }
0x15: {  	[smem:$0x3FAA] =	sst s0;
	s0 =	simm.s32 @!p2 $0x0  }
0x16: {  	s3 =	sld [smem:$0x3FDB];
	s0 =	simm.s32 @p2 $0x1  }
0x17: {  	s4 =	simm.s32 $0x1BF5;
	[smem:$0x3FAC] =	sst s0  }
0x18: {  	s0 =	sld [smem:$0x3F8F];
	_ =	swait.ge [sflag:s4], $0x0  }
0x19: {  	s7 =	sld [smem:$0x3F90]  }
0x1a: {  	s8 =	sadd.s32 $0xFFFFE003, lr  }
0x1b: {  	s9 =	sadd.s32 $0xFFFFFEF7, lr;
	s5 =	simm.s32 $0xFFFFFFFF;
	p2 =	slt.u32 s8, $0xFFFFF086  }
0x1c: {  	p1 =	slt.u32 s9, $0xF7A;
	s5 =	simm.s32 @!p2 $0x0  }
0x1d: {  	s5 =	simm.s32 @p1 $0x1;
	p0 =	seq.s32 s7, s2  }
0x1e: {  	s7 =	smul.u32 @!p0 $0xF7A, s2;
	p2 =	seq.s32 @!p0 s5, $0x0  }
0x1f: {  	s9 =	smul.u32 $0xF7A, s1;
	s8 =	simm.s32 @!p0 $0x1BF5;
	p2 =	por !p2, p0  }
0x20: {  	[sflag:s8] =	ssyncset.s32 @!p0 $0xFFFFF086;
	s6 =	sadd.s32 @!p0 s3, s7;
	s7 =	simm.s32 @!p0 $0x108  }
0x21: {  	s3 =	sadd.s32 s3, s9;
	s6 =	sadd.s32 @!p0 $0x88, s6;
	s7 =	simm.s32 @p2 $0x1082  }
0x22: {  	[simem:s7], [sflag:s8] =	dma.local @!p0 [hbm:s6], $0xF7A  }
0x23: {  	s9 =	sor.u32 $0xD0000000, s2;
	s6 =	simm.s32 $0x108;
	_ =	swait.ge @!p0 [sflag:s8], $0x0  }
0x24: {  	s3 =	sadd.s32 $0x88, s3;
	s6 =	simm.s32 @!p1 $0x1082;
	[sflag:s4] =	ssyncset.s32 $0xFFFFF086  }
0x25: {  	[simem:s6], [sflag:s4] =	dma.local [hbm:s3], $0xF7A  }
0x26: {  	[smem:$0x3F90] =	sst s1;
	(tag) =	ssettag s2;
	_ =	strace s9  }
0x27: {  	s1 =	sld [smem:$0x3FA0]  }
0x28: {  	s2 =	sld [smem:$0x3FA1]  }
0x29: {  	s4 =	sld [smem:$0x3FA3]  }
0x2a: {  	p0 =	seq.s32 s5, $0x0;
	s5 =	sld [smem:$0x3FA4]  }
0x2b: {  	s6 =	sld [smem:$0x3FA5]  }
0x2c: {  	s7 =	sld [smem:$0x3FA6]  }
0x2d: {  	s3 =	simm.s32 $0x108;
	s8 =	sld [smem:$0x3FA7]  }
0x2e: {  	s3 =	simm.s32 @!p0 $0x1082;
	s9 =	sld [smem:$0x3FA8]  }
0x2f: {  	lr =	sadd.s32 s0, s3;
	s0 =	sld [smem:$0x3F9F]  }
0x30: {  	s3 =	sld [smem:$0x3FA2]  }
0x31: {  	[smem:$0x3FAB] =	sst s10  }
0x32: {  	s10 =	sld [smem:$0x3FA9];
	_ =	sdelay $0x3  }
0x33: {  	p0 =	seq.s32 s10, $0x1;
	s10 =	sld [smem:$0x3FAB];
	_ =	sdelay $0x3  }
0x34: {  	[smem:$0x3FAB] =	sst s10  }
0x35: {  	s10 =	sld [smem:$0x3FAA];
	_ =	sdelay $0x3  }
0x36: {  	p1 =	seq.s32 s10, $0x1;
	s10 =	sld [smem:$0x3FAB];
	_ =	sdelay $0x3  }
0x37: {  	[smem:$0x3FAB] =	sst s10  }
0x38: {  	s10 =	sld [smem:$0x3FAC]  }
0x39: {  	_ = 	snop;
	(pc) =	sbr.ind lr, $3  }
0x3a: {  	_ = 	snop  }
0x3b: {  	_ = 	snop  }
0x3c: {  	p2 =	seq.s32 s10, $0x1;
	s10 =	sld [smem:$0x3FAB]  }
0x3d: {  	_ =	shalt  }
0x3e: {  	_ =	shalt  }
0x3f: {  	_ =	shalt  }
0x40: {  	_ =	shalt  }
0x41: {  	_ =	shalt  }
0x42: {  	_ =	shalt  }
0x43: {  	_ =	shalt  }
0x44: {  	_ =	shalt  }
0x45: {  	_ =	shalt  }
0x46: {  	_ =	shalt  }
0x47: {  	_ =	shalt  }
0x48: {  	_ =	shalt  }
0x49: {  	_ =	shalt  }
0x4a: {  	_ =	shalt  }
0x4b: {  	_ =	shalt  }
0x4c: {  	_ =	shalt  }
0x4d: {  	_ =	shalt  }
0x4e: {  	_ =	shalt  }
0x4f: {  	_ =	shalt  }
0x50: {  	_ =	shalt  }
0x51: {  	_ =	shalt  }
0x52: {  	_ =	shalt  }
0x53: {  	_ =	shalt  }
0x54: {  	_ =	shalt  }
0x55: {  	_ =	shalt  }
0x56: {  	_ =	shalt  }
0x57: {  	_ =	shalt  }
0x58: {  	_ =	shalt  }
0x59: {  	_ =	shalt  }
0x5a: {  	_ =	shalt  }
0x5b: {  	_ =	shalt  }
0x5c: {  	_ =	shalt  }
0x5d: {  	_ =	shalt  }
0x5e: {  	_ =	shalt  }
0x5f: {  	_ =	shalt  }
0x60: {  	_ =	shalt  }
0x61: {  	_ =	shalt  }
0x62: {  	_ =	shalt  }
0x63: {  	_ =	shalt  }
0x64: {  	_ =	shalt  }
0x65: {  	_ =	shalt  }
0x66: {  	_ =	shalt  }
0x67: {  	_ =	shalt  }
0x68: {  	_ =	shalt  }
0x69: {  	_ =	shalt  }
0x6a: {  	_ =	shalt  }
0x6b: {  	_ =	shalt  }
0x6c: {  	_ =	shalt  }
0x6d: {  	_ =	shalt  }
0x6e: {  	_ =	shalt  }
0x6f: {  	_ =	shalt  }
0x70: {  	_ =	shalt  }
0x71: {  	_ =	shalt  }
0x72: {  	_ =	shalt  }
0x73: {  	_ =	shalt  }
0x74: {  	_ =	shalt  }
0x75: {  	_ =	shalt  }
0x76: {  	_ =	shalt  }
0x77: {  	_ =	shalt  }
0x78: {  	_ =	shalt  }
0x79: {  	_ =	shalt  }
0x7a: {  	_ =	shalt  }
0x7b: {  	_ =	shalt  }
0x7c: {  	_ =	shalt  }
0x7d: {  	_ =	shalt  }
0x7e: {  	_ =	shalt  }
0x7f: {  	_ =	shalt  }
0x80: {  	_ =	shalt  }
0x81: {  	_ =	shalt  }
0x82: {  	_ =	shalt  }
0x83: {  	_ =	shalt  }
0x84: {  	_ =	shalt  }
0x85: {  	_ =	shalt  }
0x86: {  	_ =	shalt  }
0x87: {  	_ =	shalt  }
.Lfunc_end0:
.L_simem_size_0:
called_computation.2_lowered:
.L_overlay_start_0:
0x88: {  	s2 =	sld [smem:$0x3FD9]  }
0x89: {  	s3 =	sld [smem:$0x3FFE];
	_ =	sdelay $0x1  }
0x8a: {  	s1 =	srdreg.scid  }
0x8b: {  	s0 =	sand.u32 $0x1, s1  }
0x8c: {  	s16 =	sshll.u32 s0, $0xA;
	s2 =	sadd.s32 s3, s2  }
0x8d: {  	s2 =	sadd.s32 s2, s16  }
0x8e: {  	[smem:$0x3FB7] =	sst s2  }
0x8f: {  	_ = 	snop  }
0x90: {  	(tm) =	ssettm $0x1  }
0x91: {  	s17 =	sld [smem:$0x3FFB];
	_ =	sdelay $0x3  }
0x92: {  	_ =	strace s17  }
0x93: {  	s2 =	sld [smem:$0x3FFC];
	_ =	sdelay $0x3  }
0x94: {  	_ =	strace s2  }
0x95: {  	s2 =	sld [smem:$0x3FFD];
	_ =	sdelay $0x3  }
0x96: {  	_ =	strace s2  }
0x97: {  	_ =	strace $0x8FFFFFFF  }
0x98: {  	s18 =	sld [smem:$0x3FDB];
	_ =	sdelay $0x1  }
0x99: {  	s19 =	simm.s32 $_scs_section_size  }
0x9a: {  	s4 =	simm.s32 $_size__tile_overlayer_lowered;
	s5 =	simm.s32 $_tile_overlayer_lowered  }
0x9b: {  	s22 =	simm.s32 $0x1BFF;
	s21 =	sshll.u32 s5, $0x1;
	s2 =	sadd.s32 s19, s18  }
0x9c: {  	s6 =	simm.s32 $0x0;
	s20 =	sshll.u32 s4, $0x1;
	s4 =	sadd.s32 s21, s2  }
0x9d: {  	[timem:s6], [sflag:s22] =	dma.local [hbm:s4], s20  }
0x9e: {  	_ =	swait.ge [sflag:s22], s20  }
0x9f: {  	s3 =	ssub.s32 $0x0, s20;
	[sflag:s22] =	ssyncset.done $0x0  }
0xa0: {  	[sflag:s22] =	ssyncadd.s32 s3;
	_ =	sdelay $0x1  }
0xa1: {  	s23 =	simm.s32 $0x1B8B  }
0xa2: {  	_ =	swait.ge [sflag:s23], $0x1  }
0xa3: {  	[sflag:s23] =	ssyncset.done $0x0  }
0xa4: {  	s25 =	simm.s32 $0x1B8E;
	s24 =	sld [smem:$0x3FFE];
	[sflag:s23] =	ssyncadd.s32 $0xFFFFFFFF  }
0xa5: {  	s26 =	simm.s32 $execute0_lowered;
	[smem:$0x3FD2] =	sst s25  }
0xa6: {  	s4 =	sshll.u32 s26, $0x1;
	_ =	strace $0x8000004C;
	[dreg:$0x1] =	wrdreg $0xFFFFFFFF  }
0xa7: {  	s28 =	simm.s32 $_size_execute0_lowered;
	s2 =	sadd.s32 s2, s4;
	[dreg:$0x0] =	wrdreg $0x0  }
0xa8: {  	s4 =	sshll.u32 s28, $0x1;
	[dreg:$0x2] =	wrdreg s2  }
0xa9: {  	[dreg:$0x3] =	wrdreg s4  }
0xaa: {  	[dreg:$0x4] =	wrdreg $0xC0  }
0xab: {  	_ =	task [dreg:s6], $0x5FFFF  }
0xac: {  	[dreg:$0x1] =	wrdreg $0xFFFFFFFF  }
0xad: {  	[dreg:$0x0] =	wrdreg $0x60  }
0xae: {  	[dreg:$0x2] =	wrdreg s24  }
0xaf: {  	[dreg:$0x3] =	wrdreg $0x84000  }
0xb0: {  	[dreg:$0x4] =	wrdreg $0x9  }
0xb1: {  	_ =	task.clear_ibuf [dreg:s6], $0x5FFFF;
	_ =	strace $0x9000004C  }
0xb2: {  	s29 =	simm.s32 $0x9;
	_ =	strace $0x8000004E  }
0xb3: {  	_ =	swait.ge [sflag:s29], $0x1  }
0xb4: {  	[sflag:s29] =	ssyncadd.s32 $0xFFFFFFFF  }
0xb5: {  	_ =	strace $0x9000004E  }
0xb6: {  	_ =	sfence  }
0xb7: {  	s30 =	sld [smem:$0x0];
	_ =	sdelay $0x2  }
0xb8: {  	s31 =	sshll.u32 s1, $0xD;
	s1 =	sshrl.u32 s1, $0x2  }
0xb9: {  	s3 =	sand.u32 $0x4000, s31;
	s1 =	sadd.s32 s1, s30  }
0xba: {  	s0 =	sor.u32 s3, s0;
	s1 =	sshll.u32 s1, $0x11  }
0xbb: {  	s0 =	sor.u32 s1, s0  }
0xbc: {  	s0 =	sadd.s32 $0x8F2B, s0  }
0xbd: {  	[sflag:s0] =	ssyncadd.remote.s32 $0x1  }
0xbe: {  	_ =	sfence.sel $0xFFFF  }
0xbf: {  	[dreg:$0x0] =	wrdreg $0xFFFFFFFF;
	(pc) =	sbr.abs _section_cstart, $3  }
0xc0: {  	[dreg:$0x1] =	wrdreg $0xFFFFFFFF  }
0xc1: {  	_ =	task.clear_ibuf [dreg:s6], $0x2FFFF;
	_ =	strace $0x9FFFFFFF  }
0xc2: {  	(tm) =	ssettm $0x7FFFFFFF  }
0xc3: {  	_ =	shalt  }
tec
execute0_lowered:
.L_overlay_start_1:
0x0: {  	(tag) =	ssettag $0x1  }
0x1: {  	s5 =	rddreg [dreg:$0x0];
	s0 =	stileid.u32  }
0x2: {  	s1 =	srdreg.scid;
	s2 =	rddreg [dreg:$0x1]  }
0x3: {  	s14 =	simm.s32 $0x80;
	s17 =	simm.s32 $0x280;
	s3 =	smul.u32 $0xC, s0  }
0x4: {  	s15 =	simm.s32 $0x400;
	s16 =	simm.s32 $0x3;
	s4 =	smul.u32 $0x94, s0  }
0x5: {  	s18 =	simm.s32 $0x6;
	s21 =	simm.s32 $0x380;
	s19 =	smul.u32 $0x2780, s0  }
0x6: {  	s6 =	sand.u32 $0x1, s1;
	s1 =	rddreg [dreg:$0x2];
	s11 =	smul.u32 $0x4F000, s0  }
0x7: {  	s30 =	sshll.u32 s0, $0x6;
	p0 =	seq.s32 s6, $0x0;
	s8 =	smul.u32 $0x27800, s6  }
0x8: {  	s6 =	ssub.s32 $0x2, s6;
	s7 =	sadd.s32 $0x940, s3;
	s3 =	simm.s32 $0x0  }
0x9: {  	s9 =	sadd.s32 s19, s5;
	s28 =	sshrl.u32 s6, $0x1;
	s29 =	sshrl.u32 s11, $0x2  }
0xa: {  	s11 =	simm.s32 $0x200;
	s7 =	smov.u32 @p0 s4;
	[smem:$0x7FF] =	sst s3  }
0xb: {  	s4 =	sadd.s32 $0x3FC00, s5;
	s10 =	sadd.s32 s8, s5;
	s12 =	ssub.s32 s6, s28  }
0xc: {  	s13 =	sadd.s32 s29, s2;
	s8 =	sadd.s32 $0x18400, s9;
	s9 =	sor.u32 $0x1C07, s30  }
0xd: {  	s7 =	sshll.u32 s7, $0x4;
	_ =	strace $0x8000004D;
	s20 =	sadd.s32 $0x67400, s10  }
0xe: {  	s10 =	smax.u32 s12, $0x1;
	s12 =	sshrl.u32 s13, $0x3;
	s13 =	simm.s32 $0x7  }
0xf: {  	[dreg:$0x3] =	wrdreg s17;
	s7 =	sadd.s32 s7, s5;
	s5 =	simm.s32 $0x4A  }
0x10: {  	s17 =	simm.s32 $0x4400;
	[dreg:$0x4] =	wrdreg s21;
	s5 =	simm.s32 @!p0 $0x6  }
0x11: {  	s19 =	sadd.s32 s19, s20;
	s20 =	simm.s32 $0x0;
	s31 =	sshll.u32 s5, $0x5  }
0x12: {  	s6 =	sadd.s32 $0x4400, s7;
	s7 =	sadd.s32 $0xE400, s7;
	[dreg:$0x5] =	wrdreg s31  }
.LBB2_1:
0x13: {  	[tilespmem:s3], [sflag:$0x1] =	stream.linear.gather [hbm4b:s6+s3], $0x100, $0x38;
	[tilespmem:$0x1C000] =	vst v63  }
0x14: {  	_ = 	snop  }
0x15: {  	[tilespmem:s11], [sflag:$0x1] =	stream.linear.gather [hbm4b:s7+s3], $0x100, $0x38;
	[tilespmem:$0x1C000] =	vst v63  }
0x16: {  	[spmem:s12], [sflag:s9] =	dma.local [hbm:s8], $0x2780  }
0x17: {  	_ =	swait.ge [sflag:s13], $0x2780  }
0x18: {  	[sflag:s13] =	ssyncset.done $0x0  }
0x19: {  	[sflag:s13] =	ssyncadd.s32 $0xFFFFD880  }
0x1a: {  	s21 =	simm.s32 $0x1;
	[bflag:$0x0] =	sbarrier.arrive $0xFFFF  }
0x1b: {  	_ =	swait.ge [sflag:s21], $0x100  }
0x1c: {  	[sflag:s21] =	ssyncset.done $0x0  }
0x1d: {  	[sflag:s21] =	ssyncadd.s32 $0xFFFFFF00  }
0x1e: {  	_ =	swait.ge [sflag:s21], $0x100  }
0x1f: {  	[sflag:s21] =	ssyncset.done $0x0  }
0x20: {  	s22 =	simm.s32 $0x0;
	[sflag:s21] =	ssyncadd.s32 $0xFFFFFF00  }
0x21: {  	[tilespmem:s15], [sflag:$0x3] =	stream.indirect.gather [hbm4b:s4+s14], $0x80, s3, s14, $0xb8;
	[tilespmem:$0x1C000] =	vst v63  }
.LBB2_2:
0x22: {  	_ =	swait.ge [sflag:s16], $0x4000  }
0x23: {  	p1 =	seq.s32 s22, $0x0;
	[sflag:s16] =	ssyncset.done $0x0  }
0x24: {  	s23 =	simm.s32 @!p1 $0x6;
	[sflag:s16] =	ssyncadd.s32 $0xFFFFC000  }
0x25: {  	_ =	swait.ge @!p1 [sflag:s23], $0x4000  }
0x26: {  	p0 =	sge.u32 s21, s5;
	[sflag:s23] =	ssyncset.done @!p1 $0x0  }
0x27: {  	s24 =	simm.s32 @p0 $0x4400;
	[sflag:s23] =	ssyncadd.s32 @!p1 $0xFFFFC000;
	s23 =	simm.s32 @p0 $0x80  }
0x28: {  	[tilespmem:s24], [sflag:$0x4] =	stream.indirect.gather @p0 [hbm4b:s4+s23], $0x80, s23, s23, $0xb8;
	[tilespmem:$0x1C000] =	vst v63  }
0x29: {  	s25 =	simm.s32 @p0 $0x400;
	s24 =	simm.s32 @p0 $0x200  }
0x2a: {  	[spmem:s2] =	stream.indirect.scatter.add.f32 @p0 [tilespmem:s25], [sflag:$0x5], $0x80, s24, s23, $0xb8;
	[tilespmem:$0x1C000] =	vst v63  }
0x2b: {  	s23 =	simm.s32 @p0 $0x4  }
0x2c: {  	_ =	swait.ge @p0 [sflag:s23], $0x4000  }
0x2d: {  	[sflag:s23] =	ssyncset.done @p0 $0x0  }
0x2e: {  	[sflag:s23] =	ssyncadd.s32 @p0 $0xFFFFC000;
	s23 =	simm.s32 @p0 $0x5  }
0x2f: {  	_ =	swait.ge @p0 [sflag:s23], $0x4000  }
0x30: {  	[sflag:s23] =	ssyncset.done @p0 $0x0  }
0x31: {  	[sflag:s23] =	ssyncadd.s32 @p0 $0xFFFFC000;
	s23 =	sadd.s32 @!p0 s22, s6  }
0x32: {  	s24 =	simm.s32 @!p0 $0x0;
	s25 =	simm.s32 @!p0 $0x100;
	s23 =	sadd.s32 @!p0 $0x20, s23  }
0x33: {  	[tilespmem:s25], [sflag:$0x2] =	stream.linear.gather @!p0 [hbm4b:s23+s24], $0x100, $0x38;
	[tilespmem:$0x1C000] =	vst v63  }
0x34: {  	s23 =	sadd.s32 @!p0 s22, s7  }
0x35: {  	s26 =	simm.s32 @!p0 $0x300;
	s23 =	sadd.s32 @!p0 $0x20, s23  }
0x36: {  	[tilespmem:s26], [sflag:$0x2] =	stream.linear.gather @!p0 [hbm4b:s23+s24], $0x100, $0x38;
	[tilespmem:$0x1C000] =	vst v63  }
0x37: {  	s23 =	simm.s32 @!p0 $0x80;
	s24 =	simm.s32 @!p0 $0x4400  }
0x38: {  	[tilespmem:s24], [sflag:$0x4] =	stream.indirect.gather @!p0 [hbm4b:s4+s23], $0x80, s23, s23, $0xb8;
	[tilespmem:$0x1C000] =	vst v63  }
0x39: {  	s26 =	simm.s32 @!p0 $0x400;
	s24 =	simm.s32 @!p0 $0x200  }
0x3a: {  	[spmem:s2] =	stream.indirect.scatter.add.f32 @!p0 [tilespmem:s26], [sflag:$0x5], $0x80, s24, s23, $0xb8;
	[tilespmem:$0x1C000] =	vst v63  }
0x3b: {  	s24 =	simm.s32 @!p0 $0x4  }
0x3c: {  	_ =	swait.ge @!p0 [sflag:s24], $0x4000  }
0x3d: {  	[sflag:s24] =	ssyncset.done @!p0 $0x0  }
0x3e: {  	[sflag:s24] =	ssyncadd.s32 @!p0 $0xFFFFC000;
	s24 =	simm.s32 @!p0 $0x5  }
0x3f: {  	_ =	swait.ge @!p0 [sflag:s24], $0x4000  }
0x40: {  	[sflag:s24] =	ssyncset.done @!p0 $0x0  }
0x41: {  	[sflag:s24] =	ssyncadd.s32 @!p0 $0xFFFFC000;
	s24 =	simm.s32 @!p0 $0x2  }
0x42: {  	_ =	swait.ge @!p0 [sflag:s24], $0x100  }
0x43: {  	[sflag:s24] =	ssyncset.done @!p0 $0x0  }
0x44: {  	[sflag:s24] =	ssyncadd.s32 @!p0 $0xFFFFFF00  }
0x45: {  	_ =	swait.ge @!p0 [sflag:s24], $0x100  }
0x46: {  	[sflag:s24] =	ssyncset.done @!p0 $0x0  }
0x47: {  	[sflag:s24] =	ssyncadd.s32 @!p0 $0xFFFFFF00  }
0x48: {  	[tilespmem:s26], [sflag:$0x3] =	stream.indirect.gather @!p0 [hbm4b:s4+s23], $0x80, s25, s23, $0xb8;
	[tilespmem:$0x1C000] =	vst v63  }
0x49: {  	s28 =	rddreg [dreg:$0x3]  }
0x4a: {  	[spmem:s2] =	stream.indirect.scatter.add.f32 [tilespmem:s17], [sflag:$0x6], $0x80, s28, s14, $0xb8;
	[tilespmem:$0x1C000] =	vst v63  }
0x4b: {  	_ =	swait.ge [sflag:s16], $0x4000  }
0x4c: {  	[sflag:s16] =	ssyncset.done $0x0  }
0x4d: {  	s29 =	sadd.s32 $0x1, s21;
	[sflag:s16] =	ssyncadd.s32 $0xFFFFC000  }
0x4e: {  	p0 =	sge.u32 s29, s5;
	_ =	swait.ge [sflag:s18], $0x4000  }
0x4f: {  	s23 =	simm.s32 @p0 $0x80;
	[sflag:s18] =	ssyncset.done $0x0  }
0x50: {  	s24 =	simm.s32 @p0 $0x180;
	s25 =	simm.s32 @p0 $0x4400;
	[sflag:s18] =	ssyncadd.s32 $0xFFFFC000  }
0x51: {  	[tilespmem:s25], [sflag:$0x4] =	stream.indirect.gather @p0 [hbm4b:s4+s23], $0x80, s24, s23, $0xb8;
	[tilespmem:$0x1C000] =	vst v63  }
0x52: {  	s24 =	simm.s32 @p0 $0x300;
	s25 =	simm.s32 @p0 $0x400  }
0x53: {  	[spmem:s2] =	stream.indirect.scatter.add.f32 @p0 [tilespmem:s25], [sflag:$0x5], $0x80, s24, s23, $0xb8;
	[tilespmem:$0x1C000] =	vst v63  }
0x54: {  	s23 =	simm.s32 @p0 $0x4  }
0x55: {  	_ =	swait.ge @p0 [sflag:s23], $0x4000  }
0x56: {  	[sflag:s23] =	ssyncset.done @p0 $0x0  }
0x57: {  	[sflag:s23] =	ssyncadd.s32 @p0 $0xFFFFC000;
	s23 =	simm.s32 @p0 $0x5  }
0x58: {  	_ =	swait.ge @p0 [sflag:s23], $0x4000  }
0x59: {  	s24 =	sadd.s32 @!p0 s22, s6;
	[sflag:s23] =	ssyncset.done @p0 $0x0  }
0x5a: {  	[sflag:s23] =	ssyncadd.s32 @p0 $0xFFFFC000;
	s23 =	sadd.s32 @!p0 $0x40, s24;
	s24 =	simm.s32 @!p0 $0x0  }
0x5b: {  	[tilespmem:s24], [sflag:$0x1] =	stream.linear.gather @!p0 [hbm4b:s23+s24], $0x100, $0x38;
	[tilespmem:$0x1C000] =	vst v63  }
0x5c: {  	s23 =	sadd.s32 @!p0 s22, s7  }
0x5d: {  	s25 =	simm.s32 @!p0 $0x200;
	s23 =	sadd.s32 @!p0 $0x40, s23  }
0x5e: {  	[tilespmem:s25], [sflag:$0x1] =	stream.linear.gather @!p0 [hbm4b:s23+s24], $0x100, $0x38;
	[tilespmem:$0x1C000] =	vst v63  }
0x5f: {  	s26 =	simm.s32 @!p0 $0x4400;
	s23 =	simm.s32 @!p0 $0x80;
	s25 =	simm.s32 @!p0 $0x180  }
0x60: {  	[tilespmem:s26], [sflag:$0x4] =	stream.indirect.gather @!p0 [hbm4b:s4+s23], $0x80, s25, s23, $0xb8;
	[tilespmem:$0x1C000] =	vst v63  }
0x61: {  	s25 =	simm.s32 @!p0 $0x300;
	s26 =	simm.s32 @!p0 $0x400  }
0x62: {  	[spmem:s2] =	stream.indirect.scatter.add.f32 @!p0 [tilespmem:s26], [sflag:$0x5], $0x80, s25, s23, $0xb8;
	[tilespmem:$0x1C000] =	vst v63  }
0x63: {  	s25 =	simm.s32 @!p0 $0x4  }
0x64: {  	_ =	swait.ge @!p0 [sflag:s25], $0x4000  }
0x65: {  	[sflag:s25] =	ssyncset.done @!p0 $0x0  }
0x66: {  	[sflag:s25] =	ssyncadd.s32 @!p0 $0xFFFFC000;
	s25 =	simm.s32 @!p0 $0x5  }
0x67: {  	_ =	swait.ge @!p0 [sflag:s25], $0x4000  }
0x68: {  	[sflag:s25] =	ssyncset.done @!p0 $0x0  }
0x69: {  	[sflag:s25] =	ssyncadd.s32 @!p0 $0xFFFFC000;
	s25 =	simm.s32 @!p0 $0x1  }
0x6a: {  	_ =	swait.ge @!p0 [sflag:s25], $0x100  }
0x6b: {  	[sflag:s25] =	ssyncset.done @!p0 $0x0  }
0x6c: {  	[sflag:s25] =	ssyncadd.s32 @!p0 $0xFFFFFF00  }
0x6d: {  	_ =	swait.ge @!p0 [sflag:s25], $0x100  }
0x6e: {  	[sflag:s25] =	ssyncset.done @!p0 $0x0  }
0x6f: {  	s22 =	sadd.s32 $0x40, s22;
	s31 =	rddreg [dreg:$0x5];
	[sflag:s25] =	ssyncadd.s32 @!p0 $0xFFFFFF00  }
0x70: {  	[tilespmem:s26], [sflag:$0x3] =	stream.indirect.gather @!p0 [hbm4b:s4+s23], $0x80, s24, s23, $0xb8;
	[tilespmem:$0x1C000] =	vst v63  }
0x71: {  	p0 =	sne.s32 s31, s22  }
.Ltmp0:
0x72: {  	_ = 	snop;
	(pc) =	sbr.rel @p0 .LBB2_2-.Ltmp0, $3  }
0x73: {  	_ =	sdelay $0x1  }
0x74: {  	s21 =	sadd.s32 $0x2, s21;
	s30 =	rddreg [dreg:$0x4]  }
0x75: {  	[spmem:s2] =	stream.indirect.scatter.add.f32 [tilespmem:s17], [sflag:$0x6], $0x80, s30, s14, $0xb8;
	[tilespmem:$0x1C000] =	vst v63  }
0x76: {  	_ =	swait.ge [sflag:s18], $0x4000  }
0x77: {  	s20 =	sadd.s32 $0x1, s20;
	[sflag:s18] =	ssyncset.done $0x0  }
0x78: {  	p0 =	sne.s32 s20, s10;
	[sflag:s18] =	ssyncadd.s32 $0xFFFFC000  }
.Ltmp1:
0x79: {  	[bflag:$0x0] =	sbarrier.arrive $0xFFFF;
	(pc) =	sbr.rel @p0 .LBB2_1-.Ltmp1, $4  }
0x7a: {  	[hbm:s19], [sflag:s9] =	dma.local [spmem:s12], $0x2780  }
0x7b: {  	_ =	swait.ge [sflag:s13], $0x2780  }
0x7c: {  	[sflag:s13] =	ssyncset.done $0x0  }
0x7d: {  	[sflag:s13] =	ssyncadd.s32 $0xFFFFD880  }
0x7e: {  	_ =	sfence.sel $0x180000  }
0x7f: {  	[bflag:$0x0] =	sbarrier.arrive $0xFFFF  }
0x80: {  	p0 =	sne.s32 s0, $0x0;
	_ =	strace $0x9000004D  }
0x81: {  	s0 =	sadd.s32 @!p0 $0x100000, s1;
	[bflag:$0x2] =	sbarrier.arrive $0xFFFF  }
0x82: {  	[sflag:s0] =	ssyncadd.tile.s32 @!p0 $0x1;
	_ =	shalt  }
.Lfunc_end2:
_tile_overlayer_lowered:
.L_overlay_start_2:
0x83: {  	(tag) =	ssettag $0x2  }
0x84: {  	s0 =	rddreg [dreg:$0x0];
	s2 =	stileid.u32  }
0x85: {  	s1 =	rddreg [dreg:$0x1];
	p0 =	sne.s32 s2, $0x0  }
0x86: {  	s3 =	rddreg [dreg:$0x2];
	[bflag:$0x3] =	sbarrier.arrive $0xFFFF;
	s2 =	simm.s32 @!p0 $0x1C07  }
0x87: {  	[timem:s3], [sflag:s2] =	dma.local @!p0 [hbm:s0], s1  }
0x88: {  	s0 =	simm.s32 @!p0 $0x7  }
0x89: {  	_ =	swait.ge @!p0 [sflag:s0], s1  }
0x8a: {  	s1 =	ssub.s32 @!p0 $0x0, s1;
	[sflag:s0] =	ssyncset.done @!p0 $0x0  }
0x8b: {  	[sflag:s0] =	ssyncadd.s32 @!p0 s1  }
0x8c: {  	[bflag:$0x3] =	sbarrier.arrive $0xFFFF  }
0x8d: {  	_ =	shalt  }

// kernel: kernel.22.cloned.1.call-start
scs
__scs_entry_jumppad:
0x0: {  	(pc) =	sbr.rel $0x88, $3  }
0x1: {  	(tag) =	ssettag $0x0;
	lr =	simm.s32 $0x1  }
0x2: {  	[smem:$0x3F90] =	sst lr;
	_ =	strace $0xD0000000  }
0x3: {  	_ = 	snop  }
0x4: {  	_ = 	snop  }
0x5: {  	_ = 	snop  }
0x6: {  	_ = 	snop  }
0x7: {  	_ = 	snop  }
__scs_overlays_trampoline_lowered:
0x8: {  	[smem:$0x3F9F] =	sst s0  }
0x9: {  	[smem:$0x3FA0] =	sst s1  }
0xa: {  	[smem:$0x3FA1] =	sst s2  }
0xb: {  	[smem:$0x3FA2] =	sst s3  }
0xc: {  	[smem:$0x3FA3] =	sst s4  }
0xd: {  	[smem:$0x3FA4] =	sst s5  }
0xe: {  	[smem:$0x3FA5] =	sst s6  }
0xf: {  	[smem:$0x3FA6] =	sst s7  }
0x10: {  	[smem:$0x3FA7] =	sst s8  }
0x11: {  	[smem:$0x3FA8] =	sst s9;
	s0 =	simm.s32 @!p0 $0x0  }
0x12: {  	s1 =	sld [smem:$0x3F8E];
	s0 =	simm.s32 @p0 $0x1  }
0x13: {  	[smem:$0x3FA9] =	sst s0;
	s0 =	simm.s32 @!p1 $0x0  }
0x14: {  	s2 =	sld [smem:$0x3F8D];
	s0 =	simm.s32 @p1 $0x1  }
0x15: {  	[smem:$0x3FAA] =	sst s0;
	s0 =	simm.s32 @!p2 $0x0  }
0x16: {  	s3 =	sld [smem:$0x3FDB];
	s0 =	simm.s32 @p2 $0x1  }
0x17: {  	s4 =	simm.s32 $0x1BF5;
	[smem:$0x3FAC] =	sst s0  }
0x18: {  	s0 =	sld [smem:$0x3F8F];
	_ =	swait.ge [sflag:s4], $0x0  }
0x19: {  	s7 =	sld [smem:$0x3F90]  }
0x1a: {  	s8 =	sadd.s32 $0xFFFFE003, lr  }
0x1b: {  	s9 =	sadd.s32 $0xFFFFFEF7, lr;
	s5 =	simm.s32 $0xFFFFFFFF;
	p2 =	slt.u32 s8, $0xFFFFF086  }
0x1c: {  	p1 =	slt.u32 s9, $0xF7A;
	s5 =	simm.s32 @!p2 $0x0  }
0x1d: {  	s5 =	simm.s32 @p1 $0x1;
	p0 =	seq.s32 s7, s2  }
0x1e: {  	s7 =	smul.u32 @!p0 $0xF7A, s2;
	p2 =	seq.s32 @!p0 s5, $0x0  }
0x1f: {  	s9 =	smul.u32 $0xF7A, s1;
	s8 =	simm.s32 @!p0 $0x1BF5;
	p2 =	por !p2, p0  }
0x20: {  	[sflag:s8] =	ssyncset.s32 @!p0 $0xFFFFF086;
	s6 =	sadd.s32 @!p0 s3, s7;
	s7 =	simm.s32 @!p0 $0x108  }
0x21: {  	s3 =	sadd.s32 s3, s9;
	s6 =	sadd.s32 @!p0 $0x88, s6;
	s7 =	simm.s32 @p2 $0x1082  }
0x22: {  	[simem:s7], [sflag:s8] =	dma.local @!p0 [hbm:s6], $0xF7A  }
0x23: {  	s9 =	sor.u32 $0xD0000000, s2;
	s6 =	simm.s32 $0x108;
	_ =	swait.ge @!p0 [sflag:s8], $0x0  }
0x24: {  	s3 =	sadd.s32 $0x88, s3;
	s6 =	simm.s32 @!p1 $0x1082;
	[sflag:s4] =	ssyncset.s32 $0xFFFFF086  }
0x25: {  	[simem:s6], [sflag:s4] =	dma.local [hbm:s3], $0xF7A  }
0x26: {  	[smem:$0x3F90] =	sst s1;
	(tag) =	ssettag s2;
	_ =	strace s9  }
0x27: {  	s1 =	sld [smem:$0x3FA0]  }
0x28: {  	s2 =	sld [smem:$0x3FA1]  }
0x29: {  	s4 =	sld [smem:$0x3FA3]  }
0x2a: {  	p0 =	seq.s32 s5, $0x0;
	s5 =	sld [smem:$0x3FA4]  }
0x2b: {  	s6 =	sld [smem:$0x3FA5]  }
0x2c: {  	s7 =	sld [smem:$0x3FA6]  }
0x2d: {  	s3 =	simm.s32 $0x108;
	s8 =	sld [smem:$0x3FA7]  }
0x2e: {  	s3 =	simm.s32 @!p0 $0x1082;
	s9 =	sld [smem:$0x3FA8]  }
0x2f: {  	lr =	sadd.s32 s0, s3;
	s0 =	sld [smem:$0x3F9F]  }
0x30: {  	s3 =	sld [smem:$0x3FA2]  }
0x31: {  	[smem:$0x3FAB] =	sst s10  }
0x32: {  	s10 =	sld [smem:$0x3FA9];
	_ =	sdelay $0x3  }
0x33: {  	p0 =	seq.s32 s10, $0x1;
	s10 =	sld [smem:$0x3FAB];
	_ =	sdelay $0x3  }
0x34: {  	[smem:$0x3FAB] =	sst s10  }
0x35: {  	s10 =	sld [smem:$0x3FAA];
	_ =	sdelay $0x3  }
0x36: {  	p1 =	seq.s32 s10, $0x1;
	s10 =	sld [smem:$0x3FAB];
	_ =	sdelay $0x3  }
0x37: {  	[smem:$0x3FAB] =	sst s10  }
0x38: {  	s10 =	sld [smem:$0x3FAC]  }
0x39: {  	_ = 	snop;
	(pc) =	sbr.ind lr, $3  }
0x3a: {  	_ = 	snop  }
0x3b: {  	_ = 	snop  }
0x3c: {  	p2 =	seq.s32 s10, $0x1;
	s10 =	sld [smem:$0x3FAB]  }
0x3d: {  	_ =	shalt  }
0x3e: {  	_ =	shalt  }
0x3f: {  	_ =	shalt  }
0x40: {  	_ =	shalt  }
0x41: {  	_ =	shalt  }
0x42: {  	_ =	shalt  }
0x43: {  	_ =	shalt  }
0x44: {  	_ =	shalt  }
0x45: {  	_ =	shalt  }
0x46: {  	_ =	shalt  }
0x47: {  	_ =	shalt  }
0x48: {  	_ =	shalt  }
0x49: {  	_ =	shalt  }
0x4a: {  	_ =	shalt  }
0x4b: {  	_ =	shalt  }
0x4c: {  	_ =	shalt  }
0x4d: {  	_ =	shalt  }
0x4e: {  	_ =	shalt  }
0x4f: {  	_ =	shalt  }
0x50: {  	_ =	shalt  }
0x51: {  	_ =	shalt  }
0x52: {  	_ =	shalt  }
0x53: {  	_ =	shalt  }
0x54: {  	_ =	shalt  }
0x55: {  	_ =	shalt  }
0x56: {  	_ =	shalt  }
0x57: {  	_ =	shalt  }
0x58: {  	_ =	shalt  }
0x59: {  	_ =	shalt  }
0x5a: {  	_ =	shalt  }
0x5b: {  	_ =	shalt  }
0x5c: {  	_ =	shalt  }
0x5d: {  	_ =	shalt  }
0x5e: {  	_ =	shalt  }
0x5f: {  	_ =	shalt  }
0x60: {  	_ =	shalt  }
0x61: {  	_ =	shalt  }
0x62: {  	_ =	shalt  }
0x63: {  	_ =	shalt  }
0x64: {  	_ =	shalt  }
0x65: {  	_ =	shalt  }
0x66: {  	_ =	shalt  }
0x67: {  	_ =	shalt  }
0x68: {  	_ =	shalt  }
0x69: {  	_ =	shalt  }
0x6a: {  	_ =	shalt  }
0x6b: {  	_ =	shalt  }
0x6c: {  	_ =	shalt  }
0x6d: {  	_ =	shalt  }
0x6e: {  	_ =	shalt  }
0x6f: {  	_ =	shalt  }
0x70: {  	_ =	shalt  }
0x71: {  	_ =	shalt  }
0x72: {  	_ =	shalt  }
0x73: {  	_ =	shalt  }
0x74: {  	_ =	shalt  }
0x75: {  	_ =	shalt  }
0x76: {  	_ =	shalt  }
0x77: {  	_ =	shalt  }
0x78: {  	_ =	shalt  }
0x79: {  	_ =	shalt  }
0x7a: {  	_ =	shalt  }
0x7b: {  	_ =	shalt  }
0x7c: {  	_ =	shalt  }
0x7d: {  	_ =	shalt  }
0x7e: {  	_ =	shalt  }
0x7f: {  	_ =	shalt  }
0x80: {  	_ =	shalt  }
0x81: {  	_ =	shalt  }
0x82: {  	_ =	shalt  }
0x83: {  	_ =	shalt  }
0x84: {  	_ =	shalt  }
0x85: {  	_ =	shalt  }
0x86: {  	_ =	shalt  }
0x87: {  	_ =	shalt  }
.Lfunc_end0:
.L_simem_size_0:
called_computation.3_lowered:
.L_overlay_start_0:
0x88: {  	s2 =	sld [smem:$0x3FD9]  }
0x89: {  	s3 =	sld [smem:$0x3FFE];
	_ =	sdelay $0x1  }
0x8a: {  	s1 =	srdreg.scid  }
0x8b: {  	s0 =	sand.u32 $0x1, s1  }
0x8c: {  	s16 =	sshll.u32 s0, $0xA;
	s2 =	sadd.s32 s3, s2  }
0x8d: {  	s2 =	sadd.s32 s2, s16  }
0x8e: {  	[smem:$0x3FB7] =	sst s2  }
0x8f: {  	_ = 	snop  }
0x90: {  	(tm) =	ssettm $0x1  }
0x91: {  	s17 =	sld [smem:$0x3FFB];
	_ =	sdelay $0x3  }
0x92: {  	_ =	strace s17  }
0x93: {  	s2 =	sld [smem:$0x3FFC];
	_ =	sdelay $0x3  }
0x94: {  	_ =	strace s2  }
0x95: {  	s2 =	sld [smem:$0x3FFD];
	_ =	sdelay $0x3  }
0x96: {  	_ =	strace s2  }
0x97: {  	_ =	strace $0x8FFFFFFF  }
0x98: {  	s18 =	sld [smem:$0x3FDB];
	_ =	sdelay $0x1  }
0x99: {  	s19 =	simm.s32 $_scs_section_size  }
0x9a: {  	s4 =	simm.s32 $_size__tile_overlayer_lowered;
	s5 =	simm.s32 $_tile_overlayer_lowered  }
0x9b: {  	s22 =	simm.s32 $0x1BFF;
	s21 =	sshll.u32 s5, $0x1;
	s2 =	sadd.s32 s19, s18  }
0x9c: {  	s6 =	simm.s32 $0x0;
	s20 =	sshll.u32 s4, $0x1;
	s4 =	sadd.s32 s21, s2  }
0x9d: {  	[timem:s6], [sflag:s22] =	dma.local [hbm:s4], s20  }
0x9e: {  	_ =	swait.ge [sflag:s22], s20  }
0x9f: {  	s3 =	ssub.s32 $0x0, s20;
	[sflag:s22] =	ssyncset.done $0x0  }
0xa0: {  	[sflag:s22] =	ssyncadd.s32 s3;
	_ =	sdelay $0x1  }
0xa1: {  	s23 =	simm.s32 $0x1B8B  }
0xa2: {  	_ =	swait.ge [sflag:s23], $0x1  }
0xa3: {  	[sflag:s23] =	ssyncset.done $0x0  }
0xa4: {  	s25 =	simm.s32 $0x1B8E;
	s24 =	sld [smem:$0x3FFE];
	[sflag:s23] =	ssyncadd.s32 $0xFFFFFFFF  }
0xa5: {  	s26 =	simm.s32 $execute0_lowered;
	[smem:$0x3FD2] =	sst s25  }
0xa6: {  	s4 =	sshll.u32 s26, $0x1;
	_ =	strace $0x8000004F;
	[dreg:$0x1] =	wrdreg $0xFFFFFFFF  }
0xa7: {  	s28 =	simm.s32 $_size_execute0_lowered;
	s2 =	sadd.s32 s2, s4;
	[dreg:$0x0] =	wrdreg $0x0  }
0xa8: {  	s4 =	sshll.u32 s28, $0x1;
	[dreg:$0x2] =	wrdreg s2  }
0xa9: {  	[dreg:$0x3] =	wrdreg s4  }
0xaa: {  	[dreg:$0x4] =	wrdreg $0xC0  }
0xab: {  	_ =	task [dreg:s6], $0x5FFFF  }
0xac: {  	[dreg:$0x1] =	wrdreg $0xFFFFFFFF  }
0xad: {  	[dreg:$0x0] =	wrdreg $0x60  }
0xae: {  	[dreg:$0x2] =	wrdreg s24  }
0xaf: {  	[dreg:$0x3] =	wrdreg $0x84000  }
0xb0: {  	[dreg:$0x4] =	wrdreg $0x9  }
0xb1: {  	_ =	task.clear_ibuf [dreg:s6], $0x5FFFF;
	_ =	strace $0x9000004F  }
0xb2: {  	s29 =	simm.s32 $0x9;
	_ =	strace $0x80000051  }
0xb3: {  	_ =	swait.ge [sflag:s29], $0x1  }
0xb4: {  	[sflag:s29] =	ssyncadd.s32 $0xFFFFFFFF  }
0xb5: {  	_ =	strace $0x90000051  }
0xb6: {  	_ =	sfence  }
0xb7: {  	s30 =	sld [smem:$0x0];
	_ =	sdelay $0x2  }
0xb8: {  	s31 =	sshll.u32 s1, $0xD;
	s1 =	sshrl.u32 s1, $0x2  }
0xb9: {  	s3 =	sand.u32 $0x4000, s31;
	s1 =	sadd.s32 s1, s30  }
0xba: {  	s0 =	sor.u32 s3, s0;
	s1 =	sshll.u32 s1, $0x11  }
0xbb: {  	s0 =	sor.u32 s1, s0  }
0xbc: {  	s0 =	sadd.s32 $0x8F2B, s0  }
0xbd: {  	[sflag:s0] =	ssyncadd.remote.s32 $0x1  }
0xbe: {  	_ =	sfence.sel $0xFFFF  }
0xbf: {  	[dreg:$0x0] =	wrdreg $0xFFFFFFFF;
	(pc) =	sbr.abs _section_cstart, $3  }
0xc0: {  	[dreg:$0x1] =	wrdreg $0xFFFFFFFF  }
0xc1: {  	_ =	task.clear_ibuf [dreg:s6], $0x2FFFF;
	_ =	strace $0x9FFFFFFF  }
0xc2: {  	(tm) =	ssettm $0x7FFFFFFF  }
0xc3: {  	_ =	shalt  }
tec
execute0_lowered:
.L_overlay_start_1:
0x0: {  	(tag) =	ssettag $0x1  }
0x1: {  	s5 =	rddreg [dreg:$0x0];
	s0 =	stileid.u32  }
0x2: {  	s1 =	srdreg.scid;
	s2 =	rddreg [dreg:$0x1]  }
0x3: {  	s14 =	simm.s32 $0x80;
	s17 =	simm.s32 $0x280;
	s3 =	smul.u32 $0xC, s0  }
0x4: {  	s15 =	simm.s32 $0x400;
	s16 =	simm.s32 $0x3;
	s4 =	smul.u32 $0x94, s0  }
0x5: {  	s18 =	simm.s32 $0x6;
	s21 =	simm.s32 $0x380;
	s19 =	smul.u32 $0x2780, s0  }
0x6: {  	s6 =	sand.u32 $0x1, s1;
	s1 =	rddreg [dreg:$0x2];
	s11 =	smul.u32 $0x4F000, s0  }
0x7: {  	s30 =	sshll.u32 s0, $0x6;
	p0 =	seq.s32 s6, $0x0;
	s8 =	smul.u32 $0x27800, s6  }
0x8: {  	s6 =	ssub.s32 $0x2, s6;
	s7 =	sadd.s32 $0x940, s3;
	s3 =	simm.s32 $0x0  }
0x9: {  	s9 =	sadd.s32 s19, s5;
	s28 =	sshrl.u32 s6, $0x1;
	s29 =	sshrl.u32 s11, $0x2  }
0xa: {  	s11 =	simm.s32 $0x200;
	s7 =	smov.u32 @p0 s4;
	[smem:$0x7FF] =	sst s3  }
0xb: {  	s4 =	sadd.s32 $0x3FC00, s5;
	s10 =	sadd.s32 s8, s5;
	s12 =	ssub.s32 s6, s28  }
0xc: {  	s13 =	sadd.s32 s29, s2;
	s8 =	sadd.s32 $0x18400, s9;
	s9 =	sor.u32 $0x1C07, s30  }
0xd: {  	s7 =	sshll.u32 s7, $0x4;
	_ =	strace $0x80000050;
	s20 =	sadd.s32 $0x67400, s10  }
0xe: {  	s10 =	smax.u32 s12, $0x1;
	s12 =	sshrl.u32 s13, $0x3;
	s13 =	simm.s32 $0x7  }
0xf: {  	[dreg:$0x3] =	wrdreg s17;
	s7 =	sadd.s32 s7, s5;
	s5 =	simm.s32 $0x4A  }
0x10: {  	s17 =	simm.s32 $0x4400;
	[dreg:$0x4] =	wrdreg s21;
	s5 =	simm.s32 @!p0 $0x6  }
0x11: {  	s19 =	sadd.s32 s19, s20;
	s20 =	simm.s32 $0x0;
	s31 =	sshll.u32 s5, $0x5  }
0x12: {  	s6 =	sadd.s32 $0x4400, s7;
	s7 =	sadd.s32 $0xE400, s7;
	[dreg:$0x5] =	wrdreg s31  }
.LBB2_1:
0x13: {  	[tilespmem:s3], [sflag:$0x1] =	stream.linear.gather [hbm4b:s6+s3], $0x100, $0x38;
	[tilespmem:$0x1C000] =	vst v63  }
0x14: {  	_ = 	snop  }
0x15: {  	[tilespmem:s11], [sflag:$0x1] =	stream.linear.gather [hbm4b:s7+s3], $0x100, $0x38;
	[tilespmem:$0x1C000] =	vst v63  }
0x16: {  	[spmem:s12], [sflag:s9] =	dma.local [hbm:s8], $0x2780  }
0x17: {  	_ =	swait.ge [sflag:s13], $0x2780  }
0x18: {  	[sflag:s13] =	ssyncset.done $0x0  }
0x19: {  	[sflag:s13] =	ssyncadd.s32 $0xFFFFD880  }
0x1a: {  	s21 =	simm.s32 $0x1;
	[bflag:$0x0] =	sbarrier.arrive $0xFFFF  }
0x1b: {  	_ =	swait.ge [sflag:s21], $0x100  }
0x1c: {  	[sflag:s21] =	ssyncset.done $0x0  }
0x1d: {  	[sflag:s21] =	ssyncadd.s32 $0xFFFFFF00  }
0x1e: {  	_ =	swait.ge [sflag:s21], $0x100  }
0x1f: {  	[sflag:s21] =	ssyncset.done $0x0  }
0x20: {  	s22 =	simm.s32 $0x0;
	[sflag:s21] =	ssyncadd.s32 $0xFFFFFF00  }
0x21: {  	[tilespmem:s15], [sflag:$0x3] =	stream.indirect.gather [hbm4b:s4+s14], $0x80, s3, s14, $0xb8;
	[tilespmem:$0x1C000] =	vst v63  }
.LBB2_2:
0x22: {  	_ =	swait.ge [sflag:s16], $0x4000  }
0x23: {  	p1 =	seq.s32 s22, $0x0;
	[sflag:s16] =	ssyncset.done $0x0  }
0x24: {  	s23 =	simm.s32 @!p1 $0x6;
	[sflag:s16] =	ssyncadd.s32 $0xFFFFC000  }
0x25: {  	_ =	swait.ge @!p1 [sflag:s23], $0x4000  }
0x26: {  	p0 =	sge.u32 s21, s5;
	[sflag:s23] =	ssyncset.done @!p1 $0x0  }
0x27: {  	s24 =	simm.s32 @p0 $0x4400;
	[sflag:s23] =	ssyncadd.s32 @!p1 $0xFFFFC000;
	s23 =	simm.s32 @p0 $0x80  }
0x28: {  	[tilespmem:s24], [sflag:$0x4] =	stream.indirect.gather @p0 [hbm4b:s4+s23], $0x80, s23, s23, $0xb8;
	[tilespmem:$0x1C000] =	vst v63  }
0x29: {  	s25 =	simm.s32 @p0 $0x400;
	s24 =	simm.s32 @p0 $0x200  }
0x2a: {  	[spmem:s2] =	stream.indirect.scatter.add.f32 @p0 [tilespmem:s25], [sflag:$0x5], $0x80, s24, s23, $0xb8;
	[tilespmem:$0x1C000] =	vst v63  }
0x2b: {  	s23 =	simm.s32 @p0 $0x4  }
0x2c: {  	_ =	swait.ge @p0 [sflag:s23], $0x4000  }
0x2d: {  	[sflag:s23] =	ssyncset.done @p0 $0x0  }
0x2e: {  	[sflag:s23] =	ssyncadd.s32 @p0 $0xFFFFC000;
	s23 =	simm.s32 @p0 $0x5  }
0x2f: {  	_ =	swait.ge @p0 [sflag:s23], $0x4000  }
0x30: {  	[sflag:s23] =	ssyncset.done @p0 $0x0  }
0x31: {  	[sflag:s23] =	ssyncadd.s32 @p0 $0xFFFFC000;
	s23 =	sadd.s32 @!p0 s22, s6  }
0x32: {  	s24 =	simm.s32 @!p0 $0x0;
	s25 =	simm.s32 @!p0 $0x100;
	s23 =	sadd.s32 @!p0 $0x20, s23  }
0x33: {  	[tilespmem:s25], [sflag:$0x2] =	stream.linear.gather @!p0 [hbm4b:s23+s24], $0x100, $0x38;
	[tilespmem:$0x1C000] =	vst v63  }
0x34: {  	s23 =	sadd.s32 @!p0 s22, s7  }
0x35: {  	s26 =	simm.s32 @!p0 $0x300;
	s23 =	sadd.s32 @!p0 $0x20, s23  }
0x36: {  	[tilespmem:s26], [sflag:$0x2] =	stream.linear.gather @!p0 [hbm4b:s23+s24], $0x100, $0x38;
	[tilespmem:$0x1C000] =	vst v63  }
0x37: {  	s23 =	simm.s32 @!p0 $0x80;
	s24 =	simm.s32 @!p0 $0x4400  }
0x38: {  	[tilespmem:s24], [sflag:$0x4] =	stream.indirect.gather @!p0 [hbm4b:s4+s23], $0x80, s23, s23, $0xb8;
	[tilespmem:$0x1C000] =	vst v63  }
0x39: {  	s26 =	simm.s32 @!p0 $0x400;
	s24 =	simm.s32 @!p0 $0x200  }
0x3a: {  	[spmem:s2] =	stream.indirect.scatter.add.f32 @!p0 [tilespmem:s26], [sflag:$0x5], $0x80, s24, s23, $0xb8;
	[tilespmem:$0x1C000] =	vst v63  }
0x3b: {  	s24 =	simm.s32 @!p0 $0x4  }
0x3c: {  	_ =	swait.ge @!p0 [sflag:s24], $0x4000  }
0x3d: {  	[sflag:s24] =	ssyncset.done @!p0 $0x0  }
0x3e: {  	[sflag:s24] =	ssyncadd.s32 @!p0 $0xFFFFC000;
	s24 =	simm.s32 @!p0 $0x5  }
0x3f: {  	_ =	swait.ge @!p0 [sflag:s24], $0x4000  }
0x40: {  	[sflag:s24] =	ssyncset.done @!p0 $0x0  }
0x41: {  	[sflag:s24] =	ssyncadd.s32 @!p0 $0xFFFFC000;
	s24 =	simm.s32 @!p0 $0x2  }
0x42: {  	_ =	swait.ge @!p0 [sflag:s24], $0x100  }
0x43: {  	[sflag:s24] =	ssyncset.done @!p0 $0x0  }
0x44: {  	[sflag:s24] =	ssyncadd.s32 @!p0 $0xFFFFFF00  }
0x45: {  	_ =	swait.ge @!p0 [sflag:s24], $0x100  }
0x46: {  	[sflag:s24] =	ssyncset.done @!p0 $0x0  }
0x47: {  	[sflag:s24] =	ssyncadd.s32 @!p0 $0xFFFFFF00  }
0x48: {  	[tilespmem:s26], [sflag:$0x3] =	stream.indirect.gather @!p0 [hbm4b:s4+s23], $0x80, s25, s23, $0xb8;
	[tilespmem:$0x1C000] =	vst v63  }
0x49: {  	s28 =	rddreg [dreg:$0x3]  }
0x4a: {  	[spmem:s2] =	stream.indirect.scatter.add.f32 [tilespmem:s17], [sflag:$0x6], $0x80, s28, s14, $0xb8;
	[tilespmem:$0x1C000] =	vst v63  }
0x4b: {  	_ =	swait.ge [sflag:s16], $0x4000  }
0x4c: {  	[sflag:s16] =	ssyncset.done $0x0  }
0x4d: {  	s29 =	sadd.s32 $0x1, s21;
	[sflag:s16] =	ssyncadd.s32 $0xFFFFC000  }
0x4e: {  	p0 =	sge.u32 s29, s5;
	_ =	swait.ge [sflag:s18], $0x4000  }
0x4f: {  	s23 =	simm.s32 @p0 $0x80;
	[sflag:s18] =	ssyncset.done $0x0  }
0x50: {  	s24 =	simm.s32 @p0 $0x180;
	s25 =	simm.s32 @p0 $0x4400;
	[sflag:s18] =	ssyncadd.s32 $0xFFFFC000  }
0x51: {  	[tilespmem:s25], [sflag:$0x4] =	stream.indirect.gather @p0 [hbm4b:s4+s23], $0x80, s24, s23, $0xb8;
	[tilespmem:$0x1C000] =	vst v63  }
0x52: {  	s24 =	simm.s32 @p0 $0x300;
	s25 =	simm.s32 @p0 $0x400  }
0x53: {  	[spmem:s2] =	stream.indirect.scatter.add.f32 @p0 [tilespmem:s25], [sflag:$0x5], $0x80, s24, s23, $0xb8;
	[tilespmem:$0x1C000] =	vst v63  }
0x54: {  	s23 =	simm.s32 @p0 $0x4  }
0x55: {  	_ =	swait.ge @p0 [sflag:s23], $0x4000  }
0x56: {  	[sflag:s23] =	ssyncset.done @p0 $0x0  }
0x57: {  	[sflag:s23] =	ssyncadd.s32 @p0 $0xFFFFC000;
	s23 =	simm.s32 @p0 $0x5  }
0x58: {  	_ =	swait.ge @p0 [sflag:s23], $0x4000  }
0x59: {  	s24 =	sadd.s32 @!p0 s22, s6;
	[sflag:s23] =	ssyncset.done @p0 $0x0  }
0x5a: {  	[sflag:s23] =	ssyncadd.s32 @p0 $0xFFFFC000;
	s23 =	sadd.s32 @!p0 $0x40, s24;
	s24 =	simm.s32 @!p0 $0x0  }
0x5b: {  	[tilespmem:s24], [sflag:$0x1] =	stream.linear.gather @!p0 [hbm4b:s23+s24], $0x100, $0x38;
	[tilespmem:$0x1C000] =	vst v63  }
0x5c: {  	s23 =	sadd.s32 @!p0 s22, s7  }
0x5d: {  	s25 =	simm.s32 @!p0 $0x200;
	s23 =	sadd.s32 @!p0 $0x40, s23  }
0x5e: {  	[tilespmem:s25], [sflag:$0x1] =	stream.linear.gather @!p0 [hbm4b:s23+s24], $0x100, $0x38;
	[tilespmem:$0x1C000] =	vst v63  }
0x5f: {  	s26 =	simm.s32 @!p0 $0x4400;
	s23 =	simm.s32 @!p0 $0x80;
	s25 =	simm.s32 @!p0 $0x180  }
0x60: {  	[tilespmem:s26], [sflag:$0x4] =	stream.indirect.gather @!p0 [hbm4b:s4+s23], $0x80, s25, s23, $0xb8;
	[tilespmem:$0x1C000] =	vst v63  }
0x61: {  	s25 =	simm.s32 @!p0 $0x300;
	s26 =	simm.s32 @!p0 $0x400  }
0x62: {  	[spmem:s2] =	stream.indirect.scatter.add.f32 @!p0 [tilespmem:s26], [sflag:$0x5], $0x80, s25, s23, $0xb8;
	[tilespmem:$0x1C000] =	vst v63  }
0x63: {  	s25 =	simm.s32 @!p0 $0x4  }
0x64: {  	_ =	swait.ge @!p0 [sflag:s25], $0x4000  }
0x65: {  	[sflag:s25] =	ssyncset.done @!p0 $0x0  }
0x66: {  	[sflag:s25] =	ssyncadd.s32 @!p0 $0xFFFFC000;
	s25 =	simm.s32 @!p0 $0x5  }
0x67: {  	_ =	swait.ge @!p0 [sflag:s25], $0x4000  }
0x68: {  	[sflag:s25] =	ssyncset.done @!p0 $0x0  }
0x69: {  	[sflag:s25] =	ssyncadd.s32 @!p0 $0xFFFFC000;
	s25 =	simm.s32 @!p0 $0x1  }
0x6a: {  	_ =	swait.ge @!p0 [sflag:s25], $0x100  }
0x6b: {  	[sflag:s25] =	ssyncset.done @!p0 $0x0  }
0x6c: {  	[sflag:s25] =	ssyncadd.s32 @!p0 $0xFFFFFF00  }
0x6d: {  	_ =	swait.ge @!p0 [sflag:s25], $0x100  }
0x6e: {  	[sflag:s25] =	ssyncset.done @!p0 $0x0  }
0x6f: {  	s22 =	sadd.s32 $0x40, s22;
	s31 =	rddreg [dreg:$0x5];
	[sflag:s25] =	ssyncadd.s32 @!p0 $0xFFFFFF00  }
0x70: {  	[tilespmem:s26], [sflag:$0x3] =	stream.indirect.gather @!p0 [hbm4b:s4+s23], $0x80, s24, s23, $0xb8;
	[tilespmem:$0x1C000] =	vst v63  }
0x71: {  	p0 =	sne.s32 s31, s22  }
.Ltmp0:
0x72: {  	_ = 	snop;
	(pc) =	sbr.rel @p0 .LBB2_2-.Ltmp0, $3  }
0x73: {  	_ =	sdelay $0x1  }
0x74: {  	s21 =	sadd.s32 $0x2, s21;
	s30 =	rddreg [dreg:$0x4]  }
0x75: {  	[spmem:s2] =	stream.indirect.scatter.add.f32 [tilespmem:s17], [sflag:$0x6], $0x80, s30, s14, $0xb8;
	[tilespmem:$0x1C000] =	vst v63  }
0x76: {  	_ =	swait.ge [sflag:s18], $0x4000  }
0x77: {  	s20 =	sadd.s32 $0x1, s20;
	[sflag:s18] =	ssyncset.done $0x0  }
0x78: {  	p0 =	sne.s32 s20, s10;
	[sflag:s18] =	ssyncadd.s32 $0xFFFFC000  }
.Ltmp1:
0x79: {  	[bflag:$0x0] =	sbarrier.arrive $0xFFFF;
	(pc) =	sbr.rel @p0 .LBB2_1-.Ltmp1, $4  }
0x7a: {  	[hbm:s19], [sflag:s9] =	dma.local [spmem:s12], $0x2780  }
0x7b: {  	_ =	swait.ge [sflag:s13], $0x2780  }
0x7c: {  	[sflag:s13] =	ssyncset.done $0x0  }
0x7d: {  	[sflag:s13] =	ssyncadd.s32 $0xFFFFD880  }
0x7e: {  	_ =	sfence.sel $0x180000  }
0x7f: {  	[bflag:$0x0] =	sbarrier.arrive $0xFFFF  }
0x80: {  	p0 =	sne.s32 s0, $0x0;
	_ =	strace $0x90000050  }
0x81: {  	s0 =	sadd.s32 @!p0 $0x100000, s1;
	[bflag:$0x2] =	sbarrier.arrive $0xFFFF  }
0x82: {  	[sflag:s0] =	ssyncadd.tile.s32 @!p0 $0x1;
	_ =	shalt  }
.Lfunc_end2:
_tile_overlayer_lowered:
.L_overlay_start_2:
0x83: {  	(tag) =	ssettag $0x2  }
0x84: {  	s0 =	rddreg [dreg:$0x0];
	s2 =	stileid.u32  }
0x85: {  	s1 =	rddreg [dreg:$0x1];
	p0 =	sne.s32 s2, $0x0  }
0x86: {  	s3 =	rddreg [dreg:$0x2];
	[bflag:$0x3] =	sbarrier.arrive $0xFFFF;
	s2 =	simm.s32 @!p0 $0x1C07  }
0x87: {  	[timem:s3], [sflag:s2] =	dma.local @!p0 [hbm:s0], s1  }
0x88: {  	s0 =	simm.s32 @!p0 $0x7  }
0x89: {  	_ =	swait.ge @!p0 [sflag:s0], s1  }
0x8a: {  	s1 =	ssub.s32 @!p0 $0x0, s1;
	[sflag:s0] =	ssyncset.done @!p0 $0x0  }
0x8b: {  	[sflag:s0] =	ssyncadd.s32 @!p0 s1  }
0x8c: {  	[bflag:$0x3] =	sbarrier.arrive $0xFFFF  }
0x8d: {  	_ =	shalt  }

</sc_bundles>
